<compile_context>
chip_gen: v7x
topology: tpu7x:2x2x1
jax: 0.10.2.dev20260603
libtpu: 0.0.44.dev20260713+nightly
codegen_flags: <defaults>
</compile_context>

<pallas_src>
import functools

import jax
import jax.numpy as jnp
from jax import lax
from jax.experimental import pallas as pl
from jax.experimental.pallas import tpu as pltpu
from jax.experimental.pallas import tpu_sc as plsc

E = 8
K = 2
D = 2048
H = 4096
T = 2 * 2048
A = T * K
BM = 512
G = A // BM + E
P = G * BM
HC = 8
Hc = H // HC

NC, NS = 2, 16
NW = NC * NS


def _router_body(x_ref, gw_ref, ids_ref, wts_ref):
    xb = x_ref[...]
    logits = lax.dot_general(xb, gw_ref[...], (((1,), (1,)), ((), ())),
                             preferred_element_type=jnp.float32)
    m = jnp.max(logits, axis=1, keepdims=True)
    ex = jnp.exp(logits - m)
    p = ex / jnp.sum(ex, axis=1, keepdims=True)
    cols = lax.broadcasted_iota(jnp.int32, p.shape, 1)
    m1 = jnp.max(p, axis=1)
    a1 = jnp.min(jnp.where(p >= m1[:, None], cols, E), axis=1)
    pm = jnp.where(cols == a1[:, None], jnp.float32(-1), p)
    m2 = jnp.max(pm, axis=1)
    a2 = jnp.min(jnp.where(pm >= m2[:, None], cols, E), axis=1)
    s = m1 + m2
    ids_ref[...] = jnp.concatenate([a1[:, None], a2[:, None]], axis=1)
    wts_ref[...] = jnp.concatenate([(m1 / s)[:, None], (m2 / s)[:, None]],
                                   axis=1)


def _router(x, gate_w):
    bt = 512
    return pl.pallas_call(
        _router_body,
        grid=(T // bt,),
        in_specs=[
            pl.BlockSpec((bt, D), lambda i: (i, 0)),
            pl.BlockSpec((E, D), lambda i: (0, 0)),
        ],
        out_specs=[
            pl.BlockSpec((bt, K), lambda i: (i, 0)),
            pl.BlockSpec((bt, K), lambda i: (i, 0)),
        ],
        out_shape=[
            jax.ShapeDtypeStruct((T, K), jnp.int32),
            jax.ShapeDtypeStruct((T, K), jnp.float32),
        ],
    )(x, gate_w)


def _make_row_gather(n_src, n_out, ch):
    rpw = n_out // NW
    iters = rpw // ch
    mesh = plsc.VectorSubcoreMesh(core_axis_name="c", subcore_axis_name="s",
                                  num_cores=NC, num_subcores=NS)

    @functools.partial(
        pl.kernel,
        mesh=mesh,
        out_type=jax.ShapeDtypeStruct((n_out, D), jnp.float32),
        scratch_types=[
            pltpu.VMEM((rpw,), jnp.int32),
            pltpu.VMEM((ch, D), jnp.float32),
            pltpu.VMEM((ch, D), jnp.float32),
            pltpu.SemaphoreType.DMA,
            pltpu.SemaphoreType.DMA,
            pltpu.SemaphoreType.DMA,
            pltpu.SemaphoreType.DMA,
        ],
    )
    def gather_k(src_hbm, idx_hbm, out_hbm, idx_all, buf0, buf1,
                 gs0, gs1, ws0, ws1):
        wid = lax.axis_index("s") * NC + lax.axis_index("c")
        base0 = wid * rpw
        pltpu.sync_copy(idx_hbm.at[pl.ds(base0, rpw)], idx_all)
        bufs = (buf0, buf1)
        gsems = (gs0, gs1)
        wsems = (ws0, ws1)

        def start_gather(i):
            return pltpu.async_copy(
                src_hbm.at[idx_all.at[pl.ds(i * ch, ch)]],
                bufs[i % 2], gsems[i % 2])

        def start_wb(i):
            return pltpu.async_copy(
                bufs[i % 2], out_hbm.at[pl.ds(base0 + i * ch, ch)],
                wsems[i % 2])

        g = [None] * iters
        w = [None] * iters
        g[0] = start_gather(0)
        for i in range(iters):
            if i + 1 < iters:
                if i >= 1:
                    w[i - 1].wait()
                g[i + 1] = start_gather(i + 1)
            g[i].wait()
            w[i] = start_wb(i)
        if iters >= 2:
            w[iters - 2].wait()
        w[iters - 1].wait()

    return gather_k


_gather_x = None
_gather_y = None


def _get_gathers():
    global _gather_x, _gather_y
    if _gather_x is None:
        _gather_x = _make_row_gather(T, P, 24)
        _gather_y = _make_row_gather(P, A, 16)
    return _gather_x, _gather_y


def _ffn_body(be_ref, nu_ref, x_ref, w1_ref, w3_ref, w2_ref, out_ref, acc_ref):
    del be_ref
    g = pl.program_id(0)
    hc = pl.program_id(1)

    @pl.when(g < nu_ref[0])
    def _():
        xb = x_ref[...]
        a1 = lax.dot_general(xb, w1_ref[0], (((1,), (1,)), ((), ())),
                             preferred_element_type=jnp.float32)
        a3 = lax.dot_general(xb, w3_ref[0], (((1,), (1,)), ((), ())),
                             preferred_element_type=jnp.float32)
        h = a1 * jax.nn.sigmoid(a1) * a3
        part = lax.dot_general(h, w2_ref[0], (((1,), (1,)), ((), ())),
                               preferred_element_type=jnp.float32)

        @pl.when(hc == 0)
        def _():
            acc_ref[...] = part

        @pl.when(hc > 0)
        def _():
            acc_ref[...] = acc_ref[...] + part

        @pl.when(hc == HC - 1)
        def _():
            out_ref[...] = acc_ref[...]


def _grouped_ffn(block_expert, nused, x_sorted, w1, w3, w2):
    def wmap(g, hc, be, nu):
        return (be[g], jnp.where(g < nu[0], hc, HC - 1), 0)

    def w2map(g, hc, be, nu):
        return (be[g], 0, jnp.where(g < nu[0], hc, HC - 1))

    grid_spec = pltpu.PrefetchScalarGridSpec(
        num_scalar_prefetch=2,
        grid=(G, HC),
        in_specs=[
            pl.BlockSpec((BM, D),
                         lambda g, hc, be, nu: (jnp.minimum(g, nu[0] - 1), 0)),
            pl.BlockSpec((1, Hc, D), wmap),
            pl.BlockSpec((1, Hc, D), wmap),
            pl.BlockSpec((1, D, Hc), w2map),
        ],
        out_specs=pl.BlockSpec((BM, D), lambda g, hc, be, nu: (g, 0)),
        scratch_shapes=[pltpu.VMEM((BM, D), jnp.float32)],
    )
    return pl.pallas_call(
        _ffn_body,
        grid_spec=grid_spec,
        out_shape=jax.ShapeDtypeStruct((P, D), jnp.float32),
        compiler_params=pltpu.CompilerParams(
            dimension_semantics=("arbitrary", "arbitrary"),
            vmem_limit_bytes=100 * 1024 * 1024,
        ),
    )(block_expert, nused, x_sorted, w1, w3, w2)


def _combine_body(y_ref, w_ref, o_ref):
    w0 = w_ref[:, 0:1]
    w1c = w_ref[:, 1:2]
    o_ref[...] = y_ref[:, :D] * w0 + y_ref[:, D:] * w1c


def _combine(y, wts):
    bt = 512
    return pl.pallas_call(
        _combine_body,
        grid=(T // bt,),
        in_specs=[
            pl.BlockSpec((bt, K * D), lambda i: (i, 0)),
            pl.BlockSpec((bt, K), lambda i: (i, 0)),
        ],
        out_specs=pl.BlockSpec((bt, D), lambda i: (i, 0)),
        out_shape=jax.ShapeDtypeStruct((T, D), jnp.float32),
    )(y, wts)


def kernel(hidden_states, gate_w, w1, w2, w3):
    orig_shape = hidden_states.shape
    x = hidden_states.reshape(T, D)

    ids, wts = _router(x, gate_w)

    flat_e = ids.reshape(-1)
    oh = (flat_e[:, None] == jnp.arange(E, dtype=jnp.int32)[None, :]
          ).astype(jnp.int32)
    csum = jnp.cumsum(oh, axis=0)
    counts = csum[-1]
    local = jnp.take_along_axis(csum, flat_e[:, None], axis=1)[:, 0] - 1
    padded = ((counts + BM - 1) // BM) * BM
    pcs = jnp.cumsum(padded)
    poff = pcs - padded
    pos = poff[flat_e] + local
    tok_src = (jnp.arange(P, dtype=jnp.int32) % T).at[pos].set(
        jnp.arange(A, dtype=jnp.int32) // K)
    inv_pos = pos
    nused = (pcs[-1] // BM).astype(jnp.int32)
    block_expert = jnp.clip(
        jnp.searchsorted(pcs, jnp.minimum(jnp.arange(G, dtype=jnp.int32),
                                          nused - 1) * BM,
                         side="right"),
        0, E - 1).astype(jnp.int32)
    nused_arr = nused[None]

    gather_x, gather_y = _get_gathers()
    x_sorted = gather_x(x, tok_src)
    contrib = _grouped_ffn(block_expert, nused_arr, x_sorted, w1, w3, w2)
    y = gather_y(contrib, inv_pos).reshape(T, K * D)
    out = _combine(y, wts)
    return out.reshape(orig_shape)

# --- scband reference (transcript-rebuilt; emitter-appended) ---
"""Pipeline reference for scband-ssdense-trans-mo-eblock-49443663512209 (READ-ONLY COPY).

The authoritative reference and input builder live on the scoring server;
editing this copy changes nothing except your own understanding.
"""

import jax, jax.numpy as jnp
import numpy as np

NUM_EXPERTS = 8
TOP_K = 2
FFN_DIM = 2048
HIDDEN_DIM = 4096
BATCH = 2
SEQ = 2048


def setup_inputs(seed: int = 0) -> dict:
    key = jax.random.key(seed)
    ks = jax.random.split(key, 5)
    hidden_states = jax.random.normal(ks[0], (BATCH, SEQ, FFN_DIM), dtype=jnp.float32)
    gate_w = jax.random.normal(ks[1], (NUM_EXPERTS, FFN_DIM), dtype=jnp.float32) * 0.02
    w1 = jax.random.normal(ks[2], (NUM_EXPERTS, HIDDEN_DIM, FFN_DIM), dtype=jnp.float32) * 0.02
    w2 = jax.random.normal(ks[3], (NUM_EXPERTS, FFN_DIM, HIDDEN_DIM), dtype=jnp.float32) * 0.02
    w3 = jax.random.normal(ks[4], (NUM_EXPERTS, HIDDEN_DIM, FFN_DIM), dtype=jnp.float32) * 0.02
    return {"hidden_states": hidden_states, "gate_w": gate_w, "w1": w1, "w2": w2, "w3": w3}


def reference(hidden_states, gate_w, w1, w2, w3):
    origin_shape = hidden_states.shape
    x = hidden_states.reshape(-1, FFN_DIM)
    # router
    router_logits = x @ gate_w.T
    rw_full = jax.nn.softmax(router_logits.astype(jnp.float32), axis=1)
    routing_weights, selected_experts = jax.lax.top_k(rw_full, TOP_K)
    routing_weights = routing_weights / routing_weights.sum(axis=-1, keepdims=True)
    routing_weights = routing_weights.astype(x.dtype)
    out = jnp.zeros_like(x)
    for e in range(NUM_EXPERTS):
        # torch: expert_mask = one_hot(sel).permute(2,1,0); idx, top_x = where(expert_mask[e])
        w_e = jnp.sum(
            jnp.where(selected_experts == e, routing_weights, jnp.zeros_like(routing_weights)),
            axis=1,
        )
        h = jax.nn.silu(x @ w1[e].T) * (x @ w3[e].T)
        cur = h @ w2[e].T
        cur = cur * w_e[:, None]
        out = out + cur  # index_add_
    return out.reshape(origin_shape)

if __name__ == "__main__":
    import jax
    _d = setup_inputs()
    print(jax.jit(kernel)(*tuple(_d.values())))

</pallas_src>

<mosaic_0001>
#map = affine_map<(d0, d1) -> (0, 0)>
#map1 = affine_map<(d0, d1) -> (0)>
module attributes {stable_mosaic.version = 14 : i64} {
  func.func @gather_k(%arg0: i32, %arg1: i32, %arg2: memref<4096x2048xf32, #tpu.memory_space<hbm>>, %arg3: memref<12288xi32, #tpu.memory_space<hbm>>, %arg4: memref<12288x2048xf32, #tpu.memory_space<hbm>>, %arg5: memref<384xi32, #tpu.memory_space<vmem>>, %arg6: memref<24x2048xf32, #tpu.memory_space<vmem>>, %arg7: memref<24x2048xf32, #tpu.memory_space<vmem>>, %arg8: memref<!tpu.dma_semaphore, #tpu.memory_space<semaphore_mem>>, %arg9: memref<!tpu.dma_semaphore, #tpu.memory_space<semaphore_mem>>, %arg10: memref<!tpu.dma_semaphore, #tpu.memory_space<semaphore_mem>>, %arg11: memref<!tpu.dma_semaphore, #tpu.memory_space<semaphore_mem>>) attributes {dimension_semantics = [#tpu.dimension_semantics<core_parallel>, #tpu.dimension_semantics<subcore_parallel>], iteration_bounds = array<i64: 2, 16>, scalar_prefetch = 0 : i64, scratch_operands = 7 : i64, tpu.core_type = #tpu.core_type<sc_vector_subcore>, window_params = [{transform_indices = #map}, {transform_indices = #map1}, {transform_indices = #map}]} {
    %mul3A = arith.constant 2 : i32
    %mul3A_0 = arith.muli %arg1, %mul3A : i32
    %add3A = arith.addi %mul3A_0, %arg0 : i32
    %mul3A_1 = arith.constant 384 : i32
    %mul3A_2 = arith.muli %add3A, %mul3A_1 : i32
    "tpu.region"() ({
      %run_scoped3A = tpu.sem_alloc : memref<!tpu.dma_semaphore, #tpu.memory_space<semaphore_mem>>
      %dma_start3A_321 = tpu.memref_slice %arg3[%mul3A_2] : memref<12288xi32, #tpu.memory_space<hbm>> -> memref<384xi32, #tpu.memory_space<hbm>>
      %dma_start3A_322 = tpu.memref_slice %arg3[%mul3A_2] : memref<12288xi32, #tpu.memory_space<hbm>> -> memref<384xi32, #tpu.memory_space<hbm>>
      tpu.enqueue_dma source(%dma_start3A_322 : memref<384xi32, #tpu.memory_space<hbm>>) target(%arg5 : memref<384xi32, #tpu.memory_space<vmem>>) target_semaphore(%run_scoped3A : memref<!tpu.dma_semaphore, #tpu.memory_space<semaphore_mem>>)
      %dma_wait3A_323 = tpu.memref_slice %arg3[%mul3A_2] : memref<12288xi32, #tpu.memory_space<hbm>> -> memref<384xi32, #tpu.memory_space<hbm>>
      %dma_wait3A_324 = tpu.memref_slice %arg3[%mul3A_2] : memref<12288xi32, #tpu.memory_space<hbm>> -> memref<384xi32, #tpu.memory_space<hbm>>
      tpu.wait_dma2 semaphore(%run_scoped3A : memref<!tpu.dma_semaphore, #tpu.memory_space<semaphore_mem>>) src(%dma_wait3A_324 : memref<384xi32, #tpu.memory_space<hbm>>) dst(%arg5 : memref<384xi32, #tpu.memory_space<vmem>>)
      tpu.yield
    }) : () -> ()
    %dma_start3A = arith.constant 0 : i32
    %dma_start3A_3 = tpu.memref_slice %arg5[%dma_start3A] : memref<384xi32, #tpu.memory_space<vmem>> -> memref<24xi32, #tpu.memory_space<vmem>>
    %dma_start3A_4 = arith.constant 0 : i32
    %dma_start3A_5 = arith.constant 0 : i32
    %dma_start3A_6 = tpu.memref_slice %arg2[%dma_start3A_4, %dma_start3A_5] : memref<4096x2048xf32, #tpu.memory_space<hbm>> -> memref<4096x2048xf32, #tpu.memory_space<hbm>>
    tpu.enqueue_indirect_dma source(%dma_start3A_6 : memref<4096x2048xf32, #tpu.memory_space<hbm>>) target(%arg6 : memref<24x2048xf32, #tpu.memory_space<vmem>>) offsets(%dma_start3A_3 : memref<24xi32, #tpu.memory_space<vmem>>) semaphore(%arg8 : memref<!tpu.dma_semaphore, #tpu.memory_space<semaphore_mem>>)
    %dma_start3A_7 = arith.constant 24 : i32
    %dma_start3A_8 = tpu.memref_slice %arg5[%dma_start3A_7] : memref<384xi32, #tpu.memory_space<vmem>> -> memref<24xi32, #tpu.memory_space<vmem>>
    %dma_start3A_9 = arith.constant 0 : i32
    %dma_start3A_10 = arith.constant 0 : i32
    %dma_start3A_11 = tpu.memref_slice %arg2[%dma_start3A_9, %dma_start3A_10] : memref<4096x2048xf32, #tpu.memory_space<hbm>> -> memref<4096x2048xf32, #tpu.memory_space<hbm>>
    tpu.enqueue_indirect_dma source(%dma_start3A_11 : memref<4096x2048xf32, #tpu.memory_space<hbm>>) target(%arg7 : memref<24x2048xf32, #tpu.memory_space<vmem>>) offsets(%dma_start3A_8 : memref<24xi32, #tpu.memory_space<vmem>>) semaphore(%arg9 : memref<!tpu.dma_semaphore, #tpu.memory_space<semaphore_mem>>)
    %dma_wait3A = arith.constant 0 : i32
    %dma_wait3A_12 = tpu.memref_slice %arg5[%dma_wait3A] : memref<384xi32, #tpu.memory_space<vmem>> -> memref<24xi32, #tpu.memory_space<vmem>>
    %dma_wait3A_13 = arith.constant 0 : i32
    %dma_wait3A_14 = arith.constant 0 : i32
    %dma_wait3A_15 = tpu.memref_slice %arg2[%dma_wait3A_13, %dma_wait3A_14] : memref<4096x2048xf32, #tpu.memory_space<hbm>> -> memref<4096x2048xf32, #tpu.memory_space<hbm>>
    tpu.wait_indirect_dma semaphore(%arg8 : memref<!tpu.dma_semaphore, #tpu.memory_space<semaphore_mem>>) src(%dma_wait3A_15 : memref<4096x2048xf32, #tpu.memory_space<hbm>>) dst(%arg6 : memref<24x2048xf32, #tpu.memory_space<vmem>>)
    %add3A_16 = arith.constant 0 : i32
    %add3A_17 = arith.addi %mul3A_2, %add3A_16 : i32
    %dma_start3A_18 = arith.constant 0 : i32
    %dma_start3A_19 = tpu.memref_slice %arg4[%add3A_17, %dma_start3A_18] : memref<12288x2048xf32, #tpu.memory_space<hbm>> -> memref<24x2048xf32, #tpu.memory_space<hbm>>
    %dma_start3A_20 = arith.constant 0 : i32
    %dma_start3A_21 = tpu.memref_slice %arg4[%add3A_17, %dma_start3A_20] : memref<12288x2048xf32, #tpu.memory_space<hbm>> -> memref<24x2048xf32, #tpu.memory_space<hbm>>
    tpu.enqueue_dma source(%arg6 : memref<24x2048xf32, #tpu.memory_space<vmem>>) target(%dma_start3A_21 : memref<24x2048xf32, #tpu.memory_space<hbm>>) target_semaphore(%arg10 : memref<!tpu.dma_semaphore, #tpu.memory_space<semaphore_mem>>)
    %dma_wait3A_22 = arith.constant 0 : i32
    %dma_wait3A_23 = tpu.memref_slice %arg4[%add3A_17, %dma_wait3A_22] : memref<12288x2048xf32, #tpu.memory_space<hbm>> -> memref<24x2048xf32, #tpu.memory_space<hbm>>
    %dma_wait3A_24 = arith.constant 0 : i32
    %dma_wait3A_25 = tpu.memref_slice %arg4[%add3A_17, %dma_wait3A_24] : memref<12288x2048xf32, #tpu.memory_space<hbm>> -> memref<24x2048xf32, #tpu.memory_space<hbm>>
    tpu.wait_dma2 semaphore(%arg10 : memref<!tpu.dma_semaphore, #tpu.memory_space<semaphore_mem>>) src(%arg6 : memref<24x2048xf32, #tpu.memory_space<vmem>>) dst(%dma_wait3A_25 : memref<24x2048xf32, #tpu.memory_space<hbm>>)
    %dma_start3A_26 = arith.constant 48 : i32
    %dma_start3A_27 = tpu.memref_slice %arg5[%dma_start3A_26] : memref<384xi32, #tpu.memory_space<vmem>> -> memref<24xi32, #tpu.memory_space<vmem>>
    %dma_start3A_28 = arith.constant 0 : i32
    %dma_start3A_29 = arith.constant 0 : i32
    %dma_start3A_30 = tpu.memref_slice %arg2[%dma_start3A_28, %dma_start3A_29] : memref<4096x2048xf32, #tpu.memory_space<hbm>> -> memref<4096x2048xf32, #tpu.memory_space<hbm>>
    tpu.enqueue_indirect_dma source(%dma_start3A_30 : memref<4096x2048xf32, #tpu.memory_space<hbm>>) target(%arg6 : memref<24x2048xf32, #tpu.memory_space<vmem>>) offsets(%dma_start3A_27 : memref<24xi32, #tpu.memory_space<vmem>>) semaphore(%arg8 : memref<!tpu.dma_semaphore, #tpu.memory_space<semaphore_mem>>)
    %dma_wait3A_31 = arith.constant 24 : i32
    %dma_wait3A_32 = tpu.memref_slice %arg5[%dma_wait3A_31] : memref<384xi32, #tpu.memory_space<vmem>> -> memref<24xi32, #tpu.memory_space<vmem>>
    %dma_wait3A_33 = arith.constant 0 : i32
    %dma_wait3A_34 = arith.constant 0 : i32
    %dma_wait3A_35 = tpu.memref_slice %arg2[%dma_wait3A_33, %dma_wait3A_34] : memref<4096x2048xf32, #tpu.memory_space<hbm>> -> memref<4096x2048xf32, #tpu.memory_space<hbm>>
    tpu.wait_indirect_dma semaphore(%arg9 : memref<!tpu.dma_semaphore, #tpu.memory_space<semaphore_mem>>) src(%dma_wait3A_35 : memref<4096x2048xf32, #tpu.memory_space<hbm>>) dst(%arg7 : memref<24x2048xf32, #tpu.memory_space<vmem>>)
    %add3A_36 = arith.constant 24 : i32
    %add3A_37 = arith.addi %mul3A_2, %add3A_36 : i32
    %dma_start3A_38 = arith.constant 0 : i32
    %dma_start3A_39 = tpu.memref_slice %arg4[%add3A_37, %dma_start3A_38] : memref<12288x2048xf32, #tpu.memory_space<hbm>> -> memref<24x2048xf32, #tpu.memory_space<hbm>>
    %dma_start3A_40 = arith.constant 0 : i32
    %dma_start3A_41 = tpu.memref_slice %arg4[%add3A_37, %dma_start3A_40] : memref<12288x2048xf32, #tpu.memory_space<hbm>> -> memref<24x2048xf32, #tpu.memory_space<hbm>>
    tpu.enqueue_dma source(%arg7 : memref<24x2048xf32, #tpu.memory_space<vmem>>) target(%dma_start3A_41 : memref<24x2048xf32, #tpu.memory_space<hbm>>) target_semaphore(%arg11 : memref<!tpu.dma_semaphore, #tpu.memory_space<semaphore_mem>>)
    %dma_wait3A_42 = arith.constant 0 : i32
    %dma_wait3A_43 = tpu.memref_slice %arg4[%add3A_37, %dma_wait3A_42] : memref<12288x2048xf32, #tpu.memory_space<hbm>> -> memref<24x2048xf32, #tpu.memory_space<hbm>>
    %dma_wait3A_44 = arith.constant 0 : i32
    %dma_wait3A_45 = tpu.memref_slice %arg4[%add3A_37, %dma_wait3A_44] : memref<12288x2048xf32, #tpu.memory_space<hbm>> -> memref<24x2048xf32, #tpu.memory_space<hbm>>
    tpu.wait_dma2 semaphore(%arg11 : memref<!tpu.dma_semaphore, #tpu.memory_space<semaphore_mem>>) src(%arg7 : memref<24x2048xf32, #tpu.memory_space<vmem>>) dst(%dma_wait3A_45 : memref<24x2048xf32, #tpu.memory_space<hbm>>)
    %dma_start3A_46 = arith.constant 72 : i32
    %dma_start3A_47 = tpu.memref_slice %arg5[%dma_start3A_46] : memref<384xi32, #tpu.memory_space<vmem>> -> memref<24xi32, #tpu.memory_space<vmem>>
    %dma_start3A_48 = arith.constant 0 : i32
    %dma_start3A_49 = arith.constant 0 : i32
    %dma_start3A_50 = tpu.memref_slice %arg2[%dma_start3A_48, %dma_start3A_49] : memref<4096x2048xf32, #tpu.memory_space<hbm>> -> memref<4096x2048xf32, #tpu.memory_space<hbm>>
    tpu.enqueue_indirect_dma source(%dma_start3A_50 : memref<4096x2048xf32, #tpu.memory_space<hbm>>) target(%arg7 : memref<24x2048xf32, #tpu.memory_space<vmem>>) offsets(%dma_start3A_47 : memref<24xi32, #tpu.memory_space<vmem>>) semaphore(%arg9 : memref<!tpu.dma_semaphore, #tpu.memory_space<semaphore_mem>>)
    %dma_wait3A_51 = arith.constant 48 : i32
    %dma_wait3A_52 = tpu.memref_slice %arg5[%dma_wait3A_51] : memref<384xi32, #tpu.memory_space<vmem>> -> memref<24xi32, #tpu.memory_space<vmem>>
    %dma_wait3A_53 = arith.constant 0 : i32
    %dma_wait3A_54 = arith.constant 0 : i32
    %dma_wait3A_55 = tpu.memref_slice %arg2[%dma_wait3A_53, %dma_wait3A_54] : memref<4096x2048xf32, #tpu.memory_space<hbm>> -> memref<4096x2048xf32, #tpu.memory_space<hbm>>
    tpu.wait_indirect_dma semaphore(%arg8 : memref<!tpu.dma_semaphore, #tpu.memory_space<semaphore_mem>>) src(%dma_wait3A_55 : memref<4096x2048xf32, #tpu.memory_space<hbm>>) dst(%arg6 : memref<24x2048xf32, #tpu.memory_space<vmem>>)
    %add3A_56 = arith.constant 48 : i32
    %add3A_57 = arith.addi %mul3A_2, %add3A_56 : i32
    %dma_start3A_58 = arith.constant 0 : i32
    %dma_start3A_59 = tpu.memref_slice %arg4[%add3A_57, %dma_start3A_58] : memref<12288x2048xf32, #tpu.memory_space<hbm>> -> memref<24x2048xf32, #tpu.memory_space<hbm>>
    %dma_start3A_60 = arith.constant 0 : i32
    %dma_start3A_61 = tpu.memref_slice %arg4[%add3A_57, %dma_start3A_60] : memref<12288x2048xf32, #tpu.memory_space<hbm>> -> memref<24x2048xf32, #tpu.memory_space<hbm>>
    tpu.enqueue_dma source(%arg6 : memref<24x2048xf32, #tpu.memory_space<vmem>>) target(%dma_start3A_61 : memref<24x2048xf32, #tpu.memory_space<hbm>>) target_semaphore(%arg10 : memref<!tpu.dma_semaphore, #tpu.memory_space<semaphore_mem>>)
    %dma_wait3A_62 = arith.constant 0 : i32
    %dma_wait3A_63 = tpu.memref_slice %arg4[%add3A_57, %dma_wait3A_62] : memref<12288x2048xf32, #tpu.memory_space<hbm>> -> memref<24x2048xf32, #tpu.memory_space<hbm>>
    %dma_wait3A_64 = arith.constant 0 : i32
    %dma_wait3A_65 = tpu.memref_slice %arg4[%add3A_57, %dma_wait3A_64] : memref<12288x2048xf32, #tpu.memory_space<hbm>> -> memref<24x2048xf32, #tpu.memory_space<hbm>>
    tpu.wait_dma2 semaphore(%arg10 : memref<!tpu.dma_semaphore, #tpu.memory_space<semaphore_mem>>) src(%arg6 : memref<24x2048xf32, #tpu.memory_space<vmem>>) dst(%dma_wait3A_65 : memref<24x2048xf32, #tpu.memory_space<hbm>>)
    %dma_start3A_66 = arith.constant 96 : i32
    %dma_start3A_67 = tpu.memref_slice %arg5[%dma_start3A_66] : memref<384xi32, #tpu.memory_space<vmem>> -> memref<24xi32, #tpu.memory_space<vmem>>
    %dma_start3A_68 = arith.constant 0 : i32
    %dma_start3A_69 = arith.constant 0 : i32
    %dma_start3A_70 = tpu.memref_slice %arg2[%dma_start3A_68, %dma_start3A_69] : memref<4096x2048xf32, #tpu.memory_space<hbm>> -> memref<4096x2048xf32, #tpu.memory_space<hbm>>
    tpu.enqueue_indirect_dma source(%dma_start3A_70 : memref<4096x2048xf32, #tpu.memory_space<hbm>>) target(%arg6 : memref<24x2048xf32, #tpu.memory_space<vmem>>) offsets(%dma_start3A_67 : memref<24xi32, #tpu.memory_space<vmem>>) semaphore(%arg8 : memref<!tpu.dma_semaphore, #tpu.memory_space<semaphore_mem>>)
    %dma_wait3A_71 = arith.constant 72 : i32
    %dma_wait3A_72 = tpu.memref_slice %arg5[%dma_wait3A_71] : memref<384xi32, #tpu.memory_space<vmem>> -> memref<24xi32, #tpu.memory_space<vmem>>
    %dma_wait3A_73 = arith.constant 0 : i32
    %dma_wait3A_74 = arith.constant 0 : i32
    %dma_wait3A_75 = tpu.memref_slice %arg2[%dma_wait3A_73, %dma_wait3A_74] : memref<4096x2048xf32, #tpu.memory_space<hbm>> -> memref<4096x2048xf32, #tpu.memory_space<hbm>>
    tpu.wait_indirect_dma semaphore(%arg9 : memref<!tpu.dma_semaphore, #tpu.memory_space<semaphore_mem>>) src(%dma_wait3A_75 : memref<4096x2048xf32, #tpu.memory_space<hbm>>) dst(%arg7 : memref<24x2048xf32, #tpu.memory_space<vmem>>)
    %add3A_76 = arith.constant 72 : i32
    %add3A_77 = arith.addi %mul3A_2, %add3A_76 : i32
    %dma_start3A_78 = arith.constant 0 : i32
    %dma_start3A_79 = tpu.memref_slice %arg4[%add3A_77, %dma_start3A_78] : memref<12288x2048xf32, #tpu.memory_space<hbm>> -> memref<24x2048xf32, #tpu.memory_space<hbm>>
    %dma_start3A_80 = arith.constant 0 : i32
    %dma_start3A_81 = tpu.memref_slice %arg4[%add3A_77, %dma_start3A_80] : memref<12288x2048xf32, #tpu.memory_space<hbm>> -> memref<24x2048xf32, #tpu.memory_space<hbm>>
    tpu.enqueue_dma source(%arg7 : memref<24x2048xf32, #tpu.memory_space<vmem>>) target(%dma_start3A_81 : memref<24x2048xf32, #tpu.memory_space<hbm>>) target_semaphore(%arg11 : memref<!tpu.dma_semaphore, #tpu.memory_space<semaphore_mem>>)
    %dma_wait3A_82 = arith.constant 0 : i32
    %dma_wait3A_83 = tpu.memref_slice %arg4[%add3A_77, %dma_wait3A_82] : memref<12288x2048xf32, #tpu.memory_space<hbm>> -> memref<24x2048xf32, #tpu.memory_space<hbm>>
    %dma_wait3A_84 = arith.constant 0 : i32
    %dma_wait3A_85 = tpu.memref_slice %arg4[%add3A_77, %dma_wait3A_84] : memref<12288x2048xf32, #tpu.memory_space<hbm>> -> memref<24x2048xf32, #tpu.memory_space<hbm>>
    tpu.wait_dma2 semaphore(%arg11 : memref<!tpu.dma_semaphore, #tpu.memory_space<semaphore_mem>>) src(%arg7 : memref<24x2048xf32, #tpu.memory_space<vmem>>) dst(%dma_wait3A_85 : memref<24x2048xf32, #tpu.memory_space<hbm>>)
    %dma_start3A_86 = arith.constant 120 : i32
    %dma_start3A_87 = tpu.memref_slice %arg5[%dma_start3A_86] : memref<384xi32, #tpu.memory_space<vmem>> -> memref<24xi32, #tpu.memory_space<vmem>>
    %dma_start3A_88 = arith.constant 0 : i32
    %dma_start3A_89 = arith.constant 0 : i32
    %dma_start3A_90 = tpu.memref_slice %arg2[%dma_start3A_88, %dma_start3A_89] : memref<4096x2048xf32, #tpu.memory_space<hbm>> -> memref<4096x2048xf32, #tpu.memory_space<hbm>>
    tpu.enqueue_indirect_dma source(%dma_start3A_90 : memref<4096x2048xf32, #tpu.memory_space<hbm>>) target(%arg7 : memref<24x2048xf32, #tpu.memory_space<vmem>>) offsets(%dma_start3A_87 : memref<24xi32, #tpu.memory_space<vmem>>) semaphore(%arg9 : memref<!tpu.dma_semaphore, #tpu.memory_space<semaphore_mem>>)
    %dma_wait3A_91 = arith.constant 96 : i32
    %dma_wait3A_92 = tpu.memref_slice %arg5[%dma_wait3A_91] : memref<384xi32, #tpu.memory_space<vmem>> -> memref<24xi32, #tpu.memory_space<vmem>>
    %dma_wait3A_93 = arith.constant 0 : i32
    %dma_wait3A_94 = arith.constant 0 : i32
    %dma_wait3A_95 = tpu.memref_slice %arg2[%dma_wait3A_93, %dma_wait3A_94] : memref<4096x2048xf32, #tpu.memory_space<hbm>> -> memref<4096x2048xf32, #tpu.memory_space<hbm>>
    tpu.wait_indirect_dma semaphore(%arg8 : memref<!tpu.dma_semaphore, #tpu.memory_space<semaphore_mem>>) src(%dma_wait3A_95 : memref<4096x2048xf32, #tpu.memory_space<hbm>>) dst(%arg6 : memref<24x2048xf32, #tpu.memory_space<vmem>>)
    %add3A_96 = arith.constant 96 : i32
    %add3A_97 = arith.addi %mul3A_2, %add3A_96 : i32
    %dma_start3A_98 = arith.constant 0 : i32
    %dma_start3A_99 = tpu.memref_slice %arg4[%add3A_97, %dma_start3A_98] : memref<12288x2048xf32, #tpu.memory_space<hbm>> -> memref<24x2048xf32, #tpu.memory_space<hbm>>
    %dma_start3A_100 = arith.constant 0 : i32
    %dma_start3A_101 = tpu.memref_slice %arg4[%add3A_97, %dma_start3A_100] : memref<12288x2048xf32, #tpu.memory_space<hbm>> -> memref<24x2048xf32, #tpu.memory_space<hbm>>
    tpu.enqueue_dma source(%arg6 : memref<24x2048xf32, #tpu.memory_space<vmem>>) target(%dma_start3A_101 : memref<24x2048xf32, #tpu.memory_space<hbm>>) target_semaphore(%arg10 : memref<!tpu.dma_semaphore, #tpu.memory_space<semaphore_mem>>)
    %dma_wait3A_102 = arith.constant 0 : i32
    %dma_wait3A_103 = tpu.memref_slice %arg4[%add3A_97, %dma_wait3A_102] : memref<12288x2048xf32, #tpu.memory_space<hbm>> -> memref<24x2048xf32, #tpu.memory_space<hbm>>
    %dma_wait3A_104 = arith.constant 0 : i32
    %dma_wait3A_105 = tpu.memref_slice %arg4[%add3A_97, %dma_wait3A_104] : memref<12288x2048xf32, #tpu.memory_space<hbm>> -> memref<24x2048xf32, #tpu.memory_space<hbm>>
    tpu.wait_dma2 semaphore(%arg10 : memref<!tpu.dma_semaphore, #tpu.memory_space<semaphore_mem>>) src(%arg6 : memref<24x2048xf32, #tpu.memory_space<vmem>>) dst(%dma_wait3A_105 : memref<24x2048xf32, #tpu.memory_space<hbm>>)
    %dma_start3A_106 = arith.constant 144 : i32
    %dma_start3A_107 = tpu.memref_slice %arg5[%dma_start3A_106] : memref<384xi32, #tpu.memory_space<vmem>> -> memref<24xi32, #tpu.memory_space<vmem>>
    %dma_start3A_108 = arith.constant 0 : i32
    %dma_start3A_109 = arith.constant 0 : i32
    %dma_start3A_110 = tpu.memref_slice %arg2[%dma_start3A_108, %dma_start3A_109] : memref<4096x2048xf32, #tpu.memory_space<hbm>> -> memref<4096x2048xf32, #tpu.memory_space<hbm>>
    tpu.enqueue_indirect_dma source(%dma_start3A_110 : memref<4096x2048xf32, #tpu.memory_space<hbm>>) target(%arg6 : memref<24x2048xf32, #tpu.memory_space<vmem>>) offsets(%dma_start3A_107 : memref<24xi32, #tpu.memory_space<vmem>>) semaphore(%arg8 : memref<!tpu.dma_semaphore, #tpu.memory_space<semaphore_mem>>)
    %dma_wait3A_111 = arith.constant 120 : i32
    %dma_wait3A_112 = tpu.memref_slice %arg5[%dma_wait3A_111] : memref<384xi32, #tpu.memory_space<vmem>> -> memref<24xi32, #tpu.memory_space<vmem>>
    %dma_wait3A_113 = arith.constant 0 : i32
    %dma_wait3A_114 = arith.constant 0 : i32
    %dma_wait3A_115 = tpu.memref_slice %arg2[%dma_wait3A_113, %dma_wait3A_114] : memref<4096x2048xf32, #tpu.memory_space<hbm>> -> memref<4096x2048xf32, #tpu.memory_space<hbm>>
    tpu.wait_indirect_dma semaphore(%arg9 : memref<!tpu.dma_semaphore, #tpu.memory_space<semaphore_mem>>) src(%dma_wait3A_115 : memref<4096x2048xf32, #tpu.memory_space<hbm>>) dst(%arg7 : memref<24x2048xf32, #tpu.memory_space<vmem>>)
    %add3A_116 = arith.constant 120 : i32
    %add3A_117 = arith.addi %mul3A_2, %add3A_116 : i32
    %dma_start3A_118 = arith.constant 0 : i32
    %dma_start3A_119 = tpu.memref_slice %arg4[%add3A_117, %dma_start3A_118] : memref<12288x2048xf32, #tpu.memory_space<hbm>> -> memref<24x2048xf32, #tpu.memory_space<hbm>>
    %dma_start3A_120 = arith.constant 0 : i32
    %dma_start3A_121 = tpu.memref_slice %arg4[%add3A_117, %dma_start3A_120] : memref<12288x2048xf32, #tpu.memory_space<hbm>> -> memref<24x2048xf32, #tpu.memory_space<hbm>>
    tpu.enqueue_dma source(%arg7 : memref<24x2048xf32, #tpu.memory_space<vmem>>) target(%dma_start3A_121 : memref<24x2048xf32, #tpu.memory_space<hbm>>) target_semaphore(%arg11 : memref<!tpu.dma_semaphore, #tpu.memory_space<semaphore_mem>>)
    %dma_wait3A_122 = arith.constant 0 : i32
    %dma_wait3A_123 = tpu.memref_slice %arg4[%add3A_117, %dma_wait3A_122] : memref<12288x2048xf32, #tpu.memory_space<hbm>> -> memref<24x2048xf32, #tpu.memory_space<hbm>>
    %dma_wait3A_124 = arith.constant 0 : i32
    %dma_wait3A_125 = tpu.memref_slice %arg4[%add3A_117, %dma_wait3A_124] : memref<12288x2048xf32, #tpu.memory_space<hbm>> -> memref<24x2048xf32, #tpu.memory_space<hbm>>
    tpu.wait_dma2 semaphore(%arg11 : memref<!tpu.dma_semaphore, #tpu.memory_space<semaphore_mem>>) src(%arg7 : memref<24x2048xf32, #tpu.memory_space<vmem>>) dst(%dma_wait3A_125 : memref<24x2048xf32, #tpu.memory_space<hbm>>)
    %dma_start3A_126 = arith.constant 168 : i32
    %dma_start3A_127 = tpu.memref_slice %arg5[%dma_start3A_126] : memref<384xi32, #tpu.memory_space<vmem>> -> memref<24xi32, #tpu.memory_space<vmem>>
    %dma_start3A_128 = arith.constant 0 : i32
    %dma_start3A_129 = arith.constant 0 : i32
    %dma_start3A_130 = tpu.memref_slice %arg2[%dma_start3A_128, %dma_start3A_129] : memref<4096x2048xf32, #tpu.memory_space<hbm>> -> memref<4096x2048xf32, #tpu.memory_space<hbm>>
    tpu.enqueue_indirect_dma source(%dma_start3A_130 : memref<4096x2048xf32, #tpu.memory_space<hbm>>) target(%arg7 : memref<24x2048xf32, #tpu.memory_space<vmem>>) offsets(%dma_start3A_127 : memref<24xi32, #tpu.memory_space<vmem>>) semaphore(%arg9 : memref<!tpu.dma_semaphore, #tpu.memory_space<semaphore_mem>>)
    %dma_wait3A_131 = arith.constant 144 : i32
    %dma_wait3A_132 = tpu.memref_slice %arg5[%dma_wait3A_131] : memref<384xi32, #tpu.memory_space<vmem>> -> memref<24xi32, #tpu.memory_space<vmem>>
    %dma_wait3A_133 = arith.constant 0 : i32
    %dma_wait3A_134 = arith.constant 0 : i32
    %dma_wait3A_135 = tpu.memref_slice %arg2[%dma_wait3A_133, %dma_wait3A_134] : memref<4096x2048xf32, #tpu.memory_space<hbm>> -> memref<4096x2048xf32, #tpu.memory_space<hbm>>
    tpu.wait_indirect_dma semaphore(%arg8 : memref<!tpu.dma_semaphore, #tpu.memory_space<semaphore_mem>>) src(%dma_wait3A_135 : memref<4096x2048xf32, #tpu.memory_space<hbm>>) dst(%arg6 : memref<24x2048xf32, #tpu.memory_space<vmem>>)
    %add3A_136 = arith.constant 144 : i32
    %add3A_137 = arith.addi %mul3A_2, %add3A_136 : i32
    %dma_start3A_138 = arith.constant 0 : i32
    %dma_start3A_139 = tpu.memref_slice %arg4[%add3A_137, %dma_start3A_138] : memref<12288x2048xf32, #tpu.memory_space<hbm>> -> memref<24x2048xf32, #tpu.memory_space<hbm>>
    %dma_start3A_140 = arith.constant 0 : i32
    %dma_start3A_141 = tpu.memref_slice %arg4[%add3A_137, %dma_start3A_140] : memref<12288x2048xf32, #tpu.memory_space<hbm>> -> memref<24x2048xf32, #tpu.memory_space<hbm>>
    tpu.enqueue_dma source(%arg6 : memref<24x2048xf32, #tpu.memory_space<vmem>>) target(%dma_start3A_141 : memref<24x2048xf32, #tpu.memory_space<hbm>>) target_semaphore(%arg10 : memref<!tpu.dma_semaphore, #tpu.memory_space<semaphore_mem>>)
    %dma_wait3A_142 = arith.constant 0 : i32
    %dma_wait3A_143 = tpu.memref_slice %arg4[%add3A_137, %dma_wait3A_142] : memref<12288x2048xf32, #tpu.memory_space<hbm>> -> memref<24x2048xf32, #tpu.memory_space<hbm>>
    %dma_wait3A_144 = arith.constant 0 : i32
    %dma_wait3A_145 = tpu.memref_slice %arg4[%add3A_137, %dma_wait3A_144] : memref<12288x2048xf32, #tpu.memory_space<hbm>> -> memref<24x2048xf32, #tpu.memory_space<hbm>>
    tpu.wait_dma2 semaphore(%arg10 : memref<!tpu.dma_semaphore, #tpu.memory_space<semaphore_mem>>) src(%arg6 : memref<24x2048xf32, #tpu.memory_space<vmem>>) dst(%dma_wait3A_145 : memref<24x2048xf32, #tpu.memory_space<hbm>>)
    %dma_start3A_146 = arith.constant 192 : i32
    %dma_start3A_147 = tpu.memref_slice %arg5[%dma_start3A_146] : memref<384xi32, #tpu.memory_space<vmem>> -> memref<24xi32, #tpu.memory_space<vmem>>
    %dma_start3A_148 = arith.constant 0 : i32
    %dma_start3A_149 = arith.constant 0 : i32
    %dma_start3A_150 = tpu.memref_slice %arg2[%dma_start3A_148, %dma_start3A_149] : memref<4096x2048xf32, #tpu.memory_space<hbm>> -> memref<4096x2048xf32, #tpu.memory_space<hbm>>
    tpu.enqueue_indirect_dma source(%dma_start3A_150 : memref<4096x2048xf32, #tpu.memory_space<hbm>>) target(%arg6 : memref<24x2048xf32, #tpu.memory_space<vmem>>) offsets(%dma_start3A_147 : memref<24xi32, #tpu.memory_space<vmem>>) semaphore(%arg8 : memref<!tpu.dma_semaphore, #tpu.memory_space<semaphore_mem>>)
    %dma_wait3A_151 = arith.constant 168 : i32
    %dma_wait3A_152 = tpu.memref_slice %arg5[%dma_wait3A_151] : memref<384xi32, #tpu.memory_space<vmem>> -> memref<24xi32, #tpu.memory_space<vmem>>
    %dma_wait3A_153 = arith.constant 0 : i32
    %dma_wait3A_154 = arith.constant 0 : i32
    %dma_wait3A_155 = tpu.memref_slice %arg2[%dma_wait3A_153, %dma_wait3A_154] : memref<4096x2048xf32, #tpu.memory_space<hbm>> -> memref<4096x2048xf32, #tpu.memory_space<hbm>>
    tpu.wait_indirect_dma semaphore(%arg9 : memref<!tpu.dma_semaphore, #tpu.memory_space<semaphore_mem>>) src(%dma_wait3A_155 : memref<4096x2048xf32, #tpu.memory_space<hbm>>) dst(%arg7 : memref<24x2048xf32, #tpu.memory_space<vmem>>)
    %add3A_156 = arith.constant 168 : i32
    %add3A_157 = arith.addi %mul3A_2, %add3A_156 : i32
    %dma_start3A_158 = arith.constant 0 : i32
    %dma_start3A_159 = tpu.memref_slice %arg4[%add3A_157, %dma_start3A_158] : memref<12288x2048xf32, #tpu.memory_space<hbm>> -> memref<24x2048xf32, #tpu.memory_space<hbm>>
    %dma_start3A_160 = arith.constant 0 : i32
    %dma_start3A_161 = tpu.memref_slice %arg4[%add3A_157, %dma_start3A_160] : memref<12288x2048xf32, #tpu.memory_space<hbm>> -> memref<24x2048xf32, #tpu.memory_space<hbm>>
    tpu.enqueue_dma source(%arg7 : memref<24x2048xf32, #tpu.memory_space<vmem>>) target(%dma_start3A_161 : memref<24x2048xf32, #tpu.memory_space<hbm>>) target_semaphore(%arg11 : memref<!tpu.dma_semaphore, #tpu.memory_space<semaphore_mem>>)
    %dma_wait3A_162 = arith.constant 0 : i32
    %dma_wait3A_163 = tpu.memref_slice %arg4[%add3A_157, %dma_wait3A_162] : memref<12288x2048xf32, #tpu.memory_space<hbm>> -> memref<24x2048xf32, #tpu.memory_space<hbm>>
    %dma_wait3A_164 = arith.constant 0 : i32
    %dma_wait3A_165 = tpu.memref_slice %arg4[%add3A_157, %dma_wait3A_164] : memref<12288x2048xf32, #tpu.memory_space<hbm>> -> memref<24x2048xf32, #tpu.memory_space<hbm>>
    tpu.wait_dma2 semaphore(%arg11 : memref<!tpu.dma_semaphore, #tpu.memory_space<semaphore_mem>>) src(%arg7 : memref<24x2048xf32, #tpu.memory_space<vmem>>) dst(%dma_wait3A_165 : memref<24x2048xf32, #tpu.memory_space<hbm>>)
    %dma_start3A_166 = arith.constant 216 : i32
    %dma_start3A_167 = tpu.memref_slice %arg5[%dma_start3A_166] : memref<384xi32, #tpu.memory_space<vmem>> -> memref<24xi32, #tpu.memory_space<vmem>>
    %dma_start3A_168 = arith.constant 0 : i32
    %dma_start3A_169 = arith.constant 0 : i32
    %dma_start3A_170 = tpu.memref_slice %arg2[%dma_start3A_168, %dma_start3A_169] : memref<4096x2048xf32, #tpu.memory_space<hbm>> -> memref<4096x2048xf32, #tpu.memory_space<hbm>>
    tpu.enqueue_indirect_dma source(%dma_start3A_170 : memref<4096x2048xf32, #tpu.memory_space<hbm>>) target(%arg7 : memref<24x2048xf32, #tpu.memory_space<vmem>>) offsets(%dma_start3A_167 : memref<24xi32, #tpu.memory_space<vmem>>) semaphore(%arg9 : memref<!tpu.dma_semaphore, #tpu.memory_space<semaphore_mem>>)
    %dma_wait3A_171 = arith.constant 192 : i32
    %dma_wait3A_172 = tpu.memref_slice %arg5[%dma_wait3A_171] : memref<384xi32, #tpu.memory_space<vmem>> -> memref<24xi32, #tpu.memory_space<vmem>>
    %dma_wait3A_173 = arith.constant 0 : i32
    %dma_wait3A_174 = arith.constant 0 : i32
    %dma_wait3A_175 = tpu.memref_slice %arg2[%dma_wait3A_173, %dma_wait3A_174] : memref<4096x2048xf32, #tpu.memory_space<hbm>> -> memref<4096x2048xf32, #tpu.memory_space<hbm>>
    tpu.wait_indirect_dma semaphore(%arg8 : memref<!tpu.dma_semaphore, #tpu.memory_space<semaphore_mem>>) src(%dma_wait3A_175 : memref<4096x2048xf32, #tpu.memory_space<hbm>>) dst(%arg6 : memref<24x2048xf32, #tpu.memory_space<vmem>>)
    %add3A_176 = arith.constant 192 : i32
    %add3A_177 = arith.addi %mul3A_2, %add3A_176 : i32
    %dma_start3A_178 = arith.constant 0 : i32
    %dma_start3A_179 = tpu.memref_slice %arg4[%add3A_177, %dma_start3A_178] : memref<12288x2048xf32, #tpu.memory_space<hbm>> -> memref<24x2048xf32, #tpu.memory_space<hbm>>
    %dma_start3A_180 = arith.constant 0 : i32
    %dma_start3A_181 = tpu.memref_slice %arg4[%add3A_177, %dma_start3A_180] : memref<12288x2048xf32, #tpu.memory_space<hbm>> -> memref<24x2048xf32, #tpu.memory_space<hbm>>
    tpu.enqueue_dma source(%arg6 : memref<24x2048xf32, #tpu.memory_space<vmem>>) target(%dma_start3A_181 : memref<24x2048xf32, #tpu.memory_space<hbm>>) target_semaphore(%arg10 : memref<!tpu.dma_semaphore, #tpu.memory_space<semaphore_mem>>)
    %dma_wait3A_182 = arith.constant 0 : i32
    %dma_wait3A_183 = tpu.memref_slice %arg4[%add3A_177, %dma_wait3A_182] : memref<12288x2048xf32, #tpu.memory_space<hbm>> -> memref<24x2048xf32, #tpu.memory_space<hbm>>
    %dma_wait3A_184 = arith.constant 0 : i32
    %dma_wait3A_185 = tpu.memref_slice %arg4[%add3A_177, %dma_wait3A_184] : memref<12288x2048xf32, #tpu.memory_space<hbm>> -> memref<24x2048xf32, #tpu.memory_space<hbm>>
    tpu.wait_dma2 semaphore(%arg10 : memref<!tpu.dma_semaphore, #tpu.memory_space<semaphore_mem>>) src(%arg6 : memref<24x2048xf32, #tpu.memory_space<vmem>>) dst(%dma_wait3A_185 : memref<24x2048xf32, #tpu.memory_space<hbm>>)
    %dma_start3A_186 = arith.constant 240 : i32
    %dma_start3A_187 = tpu.memref_slice %arg5[%dma_start3A_186] : memref<384xi32, #tpu.memory_space<vmem>> -> memref<24xi32, #tpu.memory_space<vmem>>
    %dma_start3A_188 = arith.constant 0 : i32
    %dma_start3A_189 = arith.constant 0 : i32
    %dma_start3A_190 = tpu.memref_slice %arg2[%dma_start3A_188, %dma_start3A_189] : memref<4096x2048xf32, #tpu.memory_space<hbm>> -> memref<4096x2048xf32, #tpu.memory_space<hbm>>
    tpu.enqueue_indirect_dma source(%dma_start3A_190 : memref<4096x2048xf32, #tpu.memory_space<hbm>>) target(%arg6 : memref<24x2048xf32, #tpu.memory_space<vmem>>) offsets(%dma_start3A_187 : memref<24xi32, #tpu.memory_space<vmem>>) semaphore(%arg8 : memref<!tpu.dma_semaphore, #tpu.memory_space<semaphore_mem>>)
    %dma_wait3A_191 = arith.constant 216 : i32
    %dma_wait3A_192 = tpu.memref_slice %arg5[%dma_wait3A_191] : memref<384xi32, #tpu.memory_space<vmem>> -> memref<24xi32, #tpu.memory_space<vmem>>
    %dma_wait3A_193 = arith.constant 0 : i32
    %dma_wait3A_194 = arith.constant 0 : i32
    %dma_wait3A_195 = tpu.memref_slice %arg2[%dma_wait3A_193, %dma_wait3A_194] : memref<4096x2048xf32, #tpu.memory_space<hbm>> -> memref<4096x2048xf32, #tpu.memory_space<hbm>>
    tpu.wait_indirect_dma semaphore(%arg9 : memref<!tpu.dma_semaphore, #tpu.memory_space<semaphore_mem>>) src(%dma_wait3A_195 : memref<4096x2048xf32, #tpu.memory_space<hbm>>) dst(%arg7 : memref<24x2048xf32, #tpu.memory_space<vmem>>)
    %add3A_196 = arith.constant 216 : i32
    %add3A_197 = arith.addi %mul3A_2, %add3A_196 : i32
    %dma_start3A_198 = arith.constant 0 : i32
    %dma_start3A_199 = tpu.memref_slice %arg4[%add3A_197, %dma_start3A_198] : memref<12288x2048xf32, #tpu.memory_space<hbm>> -> memref<24x2048xf32, #tpu.memory_space<hbm>>
    %dma_start3A_200 = arith.constant 0 : i32
    %dma_start3A_201 = tpu.memref_slice %arg4[%add3A_197, %dma_start3A_200] : memref<12288x2048xf32, #tpu.memory_space<hbm>> -> memref<24x2048xf32, #tpu.memory_space<hbm>>
    tpu.enqueue_dma source(%arg7 : memref<24x2048xf32, #tpu.memory_space<vmem>>) target(%dma_start3A_201 : memref<24x2048xf32, #tpu.memory_space<hbm>>) target_semaphore(%arg11 : memref<!tpu.dma_semaphore, #tpu.memory_space<semaphore_mem>>)
    %dma_wait3A_202 = arith.constant 0 : i32
    %dma_wait3A_203 = tpu.memref_slice %arg4[%add3A_197, %dma_wait3A_202] : memref<12288x2048xf32, #tpu.memory_space<hbm>> -> memref<24x2048xf32, #tpu.memory_space<hbm>>
    %dma_wait3A_204 = arith.constant 0 : i32
    %dma_wait3A_205 = tpu.memref_slice %arg4[%add3A_197, %dma_wait3A_204] : memref<12288x2048xf32, #tpu.memory_space<hbm>> -> memref<24x2048xf32, #tpu.memory_space<hbm>>
    tpu.wait_dma2 semaphore(%arg11 : memref<!tpu.dma_semaphore, #tpu.memory_space<semaphore_mem>>) src(%arg7 : memref<24x2048xf32, #tpu.memory_space<vmem>>) dst(%dma_wait3A_205 : memref<24x2048xf32, #tpu.memory_space<hbm>>)
    %dma_start3A_206 = arith.constant 264 : i32
    %dma_start3A_207 = tpu.memref_slice %arg5[%dma_start3A_206] : memref<384xi32, #tpu.memory_space<vmem>> -> memref<24xi32, #tpu.memory_space<vmem>>
    %dma_start3A_208 = arith.constant 0 : i32
    %dma_start3A_209 = arith.constant 0 : i32
    %dma_start3A_210 = tpu.memref_slice %arg2[%dma_start3A_208, %dma_start3A_209] : memref<4096x2048xf32, #tpu.memory_space<hbm>> -> memref<4096x2048xf32, #tpu.memory_space<hbm>>
    tpu.enqueue_indirect_dma source(%dma_start3A_210 : memref<4096x2048xf32, #tpu.memory_space<hbm>>) target(%arg7 : memref<24x2048xf32, #tpu.memory_space<vmem>>) offsets(%dma_start3A_207 : memref<24xi32, #tpu.memory_space<vmem>>) semaphore(%arg9 : memref<!tpu.dma_semaphore, #tpu.memory_space<semaphore_mem>>)
    %dma_wait3A_211 = arith.constant 240 : i32
    %dma_wait3A_212 = tpu.memref_slice %arg5[%dma_wait3A_211] : memref<384xi32, #tpu.memory_space<vmem>> -> memref<24xi32, #tpu.memory_space<vmem>>
    %dma_wait3A_213 = arith.constant 0 : i32
    %dma_wait3A_214 = arith.constant 0 : i32
    %dma_wait3A_215 = tpu.memref_slice %arg2[%dma_wait3A_213, %dma_wait3A_214] : memref<4096x2048xf32, #tpu.memory_space<hbm>> -> memref<4096x2048xf32, #tpu.memory_space<hbm>>
    tpu.wait_indirect_dma semaphore(%arg8 : memref<!tpu.dma_semaphore, #tpu.memory_space<semaphore_mem>>) src(%dma_wait3A_215 : memref<4096x2048xf32, #tpu.memory_space<hbm>>) dst(%arg6 : memref<24x2048xf32, #tpu.memory_space<vmem>>)
    %add3A_216 = arith.constant 240 : i32
    %add3A_217 = arith.addi %mul3A_2, %add3A_216 : i32
    %dma_start3A_218 = arith.constant 0 : i32
    %dma_start3A_219 = tpu.memref_slice %arg4[%add3A_217, %dma_start3A_218] : memref<12288x2048xf32, #tpu.memory_space<hbm>> -> memref<24x2048xf32, #tpu.memory_space<hbm>>
    %dma_start3A_220 = arith.constant 0 : i32
    %dma_start3A_221 = tpu.memref_slice %arg4[%add3A_217, %dma_start3A_220] : memref<12288x2048xf32, #tpu.memory_space<hbm>> -> memref<24x2048xf32, #tpu.memory_space<hbm>>
    tpu.enqueue_dma source(%arg6 : memref<24x2048xf32, #tpu.memory_space<vmem>>) target(%dma_start3A_221 : memref<24x2048xf32, #tpu.memory_space<hbm>>) target_semaphore(%arg10 : memref<!tpu.dma_semaphore, #tpu.memory_space<semaphore_mem>>)
    %dma_wait3A_222 = arith.constant 0 : i32
    %dma_wait3A_223 = tpu.memref_slice %arg4[%add3A_217, %dma_wait3A_222] : memref<12288x2048xf32, #tpu.memory_space<hbm>> -> memref<24x2048xf32, #tpu.memory_space<hbm>>
    %dma_wait3A_224 = arith.constant 0 : i32
    %dma_wait3A_225 = tpu.memref_slice %arg4[%add3A_217, %dma_wait3A_224] : memref<12288x2048xf32, #tpu.memory_space<hbm>> -> memref<24x2048xf32, #tpu.memory_space<hbm>>
    tpu.wait_dma2 semaphore(%arg10 : memref<!tpu.dma_semaphore, #tpu.memory_space<semaphore_mem>>) src(%arg6 : memref<24x2048xf32, #tpu.memory_space<vmem>>) dst(%dma_wait3A_225 : memref<24x2048xf32, #tpu.memory_space<hbm>>)
    %dma_start3A_226 = arith.constant 288 : i32
    %dma_start3A_227 = tpu.memref_slice %arg5[%dma_start3A_226] : memref<384xi32, #tpu.memory_space<vmem>> -> memref<24xi32, #tpu.memory_space<vmem>>
    %dma_start3A_228 = arith.constant 0 : i32
    %dma_start3A_229 = arith.constant 0 : i32
    %dma_start3A_230 = tpu.memref_slice %arg2[%dma_start3A_228, %dma_start3A_229] : memref<4096x2048xf32, #tpu.memory_space<hbm>> -> memref<4096x2048xf32, #tpu.memory_space<hbm>>
    tpu.enqueue_indirect_dma source(%dma_start3A_230 : memref<4096x2048xf32, #tpu.memory_space<hbm>>) target(%arg6 : memref<24x2048xf32, #tpu.memory_space<vmem>>) offsets(%dma_start3A_227 : memref<24xi32, #tpu.memory_space<vmem>>) semaphore(%arg8 : memref<!tpu.dma_semaphore, #tpu.memory_space<semaphore_mem>>)
    %dma_wait3A_231 = arith.constant 264 : i32
    %dma_wait3A_232 = tpu.memref_slice %arg5[%dma_wait3A_231] : memref<384xi32, #tpu.memory_space<vmem>> -> memref<24xi32, #tpu.memory_space<vmem>>
    %dma_wait3A_233 = arith.constant 0 : i32
    %dma_wait3A_234 = arith.constant 0 : i32
    %dma_wait3A_235 = tpu.memref_slice %arg2[%dma_wait3A_233, %dma_wait3A_234] : memref<4096x2048xf32, #tpu.memory_space<hbm>> -> memref<4096x2048xf32, #tpu.memory_space<hbm>>
    tpu.wait_indirect_dma semaphore(%arg9 : memref<!tpu.dma_semaphore, #tpu.memory_space<semaphore_mem>>) src(%dma_wait3A_235 : memref<4096x2048xf32, #tpu.memory_space<hbm>>) dst(%arg7 : memref<24x2048xf32, #tpu.memory_space<vmem>>)
    %add3A_236 = arith.constant 264 : i32
    %add3A_237 = arith.addi %mul3A_2, %add3A_236 : i32
    %dma_start3A_238 = arith.constant 0 : i32
    %dma_start3A_239 = tpu.memref_slice %arg4[%add3A_237, %dma_start3A_238] : memref<12288x2048xf32, #tpu.memory_space<hbm>> -> memref<24x2048xf32, #tpu.memory_space<hbm>>
    %dma_start3A_240 = arith.constant 0 : i32
    %dma_start3A_241 = tpu.memref_slice %arg4[%add3A_237, %dma_start3A_240] : memref<12288x2048xf32, #tpu.memory_space<hbm>> -> memref<24x2048xf32, #tpu.memory_space<hbm>>
    tpu.enqueue_dma source(%arg7 : memref<24x2048xf32, #tpu.memory_space<vmem>>) target(%dma_start3A_241 : memref<24x2048xf32, #tpu.memory_space<hbm>>) target_semaphore(%arg11 : memref<!tpu.dma_semaphore, #tpu.memory_space<semaphore_mem>>)
    %dma_wait3A_242 = arith.constant 0 : i32
    %dma_wait3A_243 = tpu.memref_slice %arg4[%add3A_237, %dma_wait3A_242] : memref<12288x2048xf32, #tpu.memory_space<hbm>> -> memref<24x2048xf32, #tpu.memory_space<hbm>>
    %dma_wait3A_244 = arith.constant 0 : i32
    %dma_wait3A_245 = tpu.memref_slice %arg4[%add3A_237, %dma_wait3A_244] : memref<12288x2048xf32, #tpu.memory_space<hbm>> -> memref<24x2048xf32, #tpu.memory_space<hbm>>
    tpu.wait_dma2 semaphore(%arg11 : memref<!tpu.dma_semaphore, #tpu.memory_space<semaphore_mem>>) src(%arg7 : memref<24x2048xf32, #tpu.memory_space<vmem>>) dst(%dma_wait3A_245 : memref<24x2048xf32, #tpu.memory_space<hbm>>)
    %dma_start3A_246 = arith.constant 312 : i32
    %dma_start3A_247 = tpu.memref_slice %arg5[%dma_start3A_246] : memref<384xi32, #tpu.memory_space<vmem>> -> memref<24xi32, #tpu.memory_space<vmem>>
    %dma_start3A_248 = arith.constant 0 : i32
    %dma_start3A_249 = arith.constant 0 : i32
    %dma_start3A_250 = tpu.memref_slice %arg2[%dma_start3A_248, %dma_start3A_249] : memref<4096x2048xf32, #tpu.memory_space<hbm>> -> memref<4096x2048xf32, #tpu.memory_space<hbm>>
    tpu.enqueue_indirect_dma source(%dma_start3A_250 : memref<4096x2048xf32, #tpu.memory_space<hbm>>) target(%arg7 : memref<24x2048xf32, #tpu.memory_space<vmem>>) offsets(%dma_start3A_247 : memref<24xi32, #tpu.memory_space<vmem>>) semaphore(%arg9 : memref<!tpu.dma_semaphore, #tpu.memory_space<semaphore_mem>>)
    %dma_wait3A_251 = arith.constant 288 : i32
    %dma_wait3A_252 = tpu.memref_slice %arg5[%dma_wait3A_251] : memref<384xi32, #tpu.memory_space<vmem>> -> memref<24xi32, #tpu.memory_space<vmem>>
    %dma_wait3A_253 = arith.constant 0 : i32
    %dma_wait3A_254 = arith.constant 0 : i32
    %dma_wait3A_255 = tpu.memref_slice %arg2[%dma_wait3A_253, %dma_wait3A_254] : memref<4096x2048xf32, #tpu.memory_space<hbm>> -> memref<4096x2048xf32, #tpu.memory_space<hbm>>
    tpu.wait_indirect_dma semaphore(%arg8 : memref<!tpu.dma_semaphore, #tpu.memory_space<semaphore_mem>>) src(%dma_wait3A_255 : memref<4096x2048xf32, #tpu.memory_space<hbm>>) dst(%arg6 : memref<24x2048xf32, #tpu.memory_space<vmem>>)
    %add3A_256 = arith.constant 288 : i32
    %add3A_257 = arith.addi %mul3A_2, %add3A_256 : i32
    %dma_start3A_258 = arith.constant 0 : i32
    %dma_start3A_259 = tpu.memref_slice %arg4[%add3A_257, %dma_start3A_258] : memref<12288x2048xf32, #tpu.memory_space<hbm>> -> memref<24x2048xf32, #tpu.memory_space<hbm>>
    %dma_start3A_260 = arith.constant 0 : i32
    %dma_start3A_261 = tpu.memref_slice %arg4[%add3A_257, %dma_start3A_260] : memref<12288x2048xf32, #tpu.memory_space<hbm>> -> memref<24x2048xf32, #tpu.memory_space<hbm>>
    tpu.enqueue_dma source(%arg6 : memref<24x2048xf32, #tpu.memory_space<vmem>>) target(%dma_start3A_261 : memref<24x2048xf32, #tpu.memory_space<hbm>>) target_semaphore(%arg10 : memref<!tpu.dma_semaphore, #tpu.memory_space<semaphore_mem>>)
    %dma_wait3A_262 = arith.constant 0 : i32
    %dma_wait3A_263 = tpu.memref_slice %arg4[%add3A_257, %dma_wait3A_262] : memref<12288x2048xf32, #tpu.memory_space<hbm>> -> memref<24x2048xf32, #tpu.memory_space<hbm>>
    %dma_wait3A_264 = arith.constant 0 : i32
    %dma_wait3A_265 = tpu.memref_slice %arg4[%add3A_257, %dma_wait3A_264] : memref<12288x2048xf32, #tpu.memory_space<hbm>> -> memref<24x2048xf32, #tpu.memory_space<hbm>>
    tpu.wait_dma2 semaphore(%arg10 : memref<!tpu.dma_semaphore, #tpu.memory_space<semaphore_mem>>) src(%arg6 : memref<24x2048xf32, #tpu.memory_space<vmem>>) dst(%dma_wait3A_265 : memref<24x2048xf32, #tpu.memory_space<hbm>>)
    %dma_start3A_266 = arith.constant 336 : i32
    %dma_start3A_267 = tpu.memref_slice %arg5[%dma_start3A_266] : memref<384xi32, #tpu.memory_space<vmem>> -> memref<24xi32, #tpu.memory_space<vmem>>
    %dma_start3A_268 = arith.constant 0 : i32
    %dma_start3A_269 = arith.constant 0 : i32
    %dma_start3A_270 = tpu.memref_slice %arg2[%dma_start3A_268, %dma_start3A_269] : memref<4096x2048xf32, #tpu.memory_space<hbm>> -> memref<4096x2048xf32, #tpu.memory_space<hbm>>
    tpu.enqueue_indirect_dma source(%dma_start3A_270 : memref<4096x2048xf32, #tpu.memory_space<hbm>>) target(%arg6 : memref<24x2048xf32, #tpu.memory_space<vmem>>) offsets(%dma_start3A_267 : memref<24xi32, #tpu.memory_space<vmem>>) semaphore(%arg8 : memref<!tpu.dma_semaphore, #tpu.memory_space<semaphore_mem>>)
    %dma_wait3A_271 = arith.constant 312 : i32
    %dma_wait3A_272 = tpu.memref_slice %arg5[%dma_wait3A_271] : memref<384xi32, #tpu.memory_space<vmem>> -> memref<24xi32, #tpu.memory_space<vmem>>
    %dma_wait3A_273 = arith.constant 0 : i32
    %dma_wait3A_274 = arith.constant 0 : i32
    %dma_wait3A_275 = tpu.memref_slice %arg2[%dma_wait3A_273, %dma_wait3A_274] : memref<4096x2048xf32, #tpu.memory_space<hbm>> -> memref<4096x2048xf32, #tpu.memory_space<hbm>>
    tpu.wait_indirect_dma semaphore(%arg9 : memref<!tpu.dma_semaphore, #tpu.memory_space<semaphore_mem>>) src(%dma_wait3A_275 : memref<4096x2048xf32, #tpu.memory_space<hbm>>) dst(%arg7 : memref<24x2048xf32, #tpu.memory_space<vmem>>)
    %add3A_276 = arith.constant 312 : i32
    %add3A_277 = arith.addi %mul3A_2, %add3A_276 : i32
    %dma_start3A_278 = arith.constant 0 : i32
    %dma_start3A_279 = tpu.memref_slice %arg4[%add3A_277, %dma_start3A_278] : memref<12288x2048xf32, #tpu.memory_space<hbm>> -> memref<24x2048xf32, #tpu.memory_space<hbm>>
    %dma_start3A_280 = arith.constant 0 : i32
    %dma_start3A_281 = tpu.memref_slice %arg4[%add3A_277, %dma_start3A_280] : memref<12288x2048xf32, #tpu.memory_space<hbm>> -> memref<24x2048xf32, #tpu.memory_space<hbm>>
    tpu.enqueue_dma source(%arg7 : memref<24x2048xf32, #tpu.memory_space<vmem>>) target(%dma_start3A_281 : memref<24x2048xf32, #tpu.memory_space<hbm>>) target_semaphore(%arg11 : memref<!tpu.dma_semaphore, #tpu.memory_space<semaphore_mem>>)
    %dma_wait3A_282 = arith.constant 0 : i32
    %dma_wait3A_283 = tpu.memref_slice %arg4[%add3A_277, %dma_wait3A_282] : memref<12288x2048xf32, #tpu.memory_space<hbm>> -> memref<24x2048xf32, #tpu.memory_space<hbm>>
    %dma_wait3A_284 = arith.constant 0 : i32
    %dma_wait3A_285 = tpu.memref_slice %arg4[%add3A_277, %dma_wait3A_284] : memref<12288x2048xf32, #tpu.memory_space<hbm>> -> memref<24x2048xf32, #tpu.memory_space<hbm>>
    tpu.wait_dma2 semaphore(%arg11 : memref<!tpu.dma_semaphore, #tpu.memory_space<semaphore_mem>>) src(%arg7 : memref<24x2048xf32, #tpu.memory_space<vmem>>) dst(%dma_wait3A_285 : memref<24x2048xf32, #tpu.memory_space<hbm>>)
    %dma_start3A_286 = arith.constant 360 : i32
    %dma_start3A_287 = tpu.memref_slice %arg5[%dma_start3A_286] : memref<384xi32, #tpu.memory_space<vmem>> -> memref<24xi32, #tpu.memory_space<vmem>>
    %dma_start3A_288 = arith.constant 0 : i32
    %dma_start3A_289 = arith.constant 0 : i32
    %dma_start3A_290 = tpu.memref_slice %arg2[%dma_start3A_288, %dma_start3A_289] : memref<4096x2048xf32, #tpu.memory_space<hbm>> -> memref<4096x2048xf32, #tpu.memory_space<hbm>>
    tpu.enqueue_indirect_dma source(%dma_start3A_290 : memref<4096x2048xf32, #tpu.memory_space<hbm>>) target(%arg7 : memref<24x2048xf32, #tpu.memory_space<vmem>>) offsets(%dma_start3A_287 : memref<24xi32, #tpu.memory_space<vmem>>) semaphore(%arg9 : memref<!tpu.dma_semaphore, #tpu.memory_space<semaphore_mem>>)
    %dma_wait3A_291 = arith.constant 336 : i32
    %dma_wait3A_292 = tpu.memref_slice %arg5[%dma_wait3A_291] : memref<384xi32, #tpu.memory_space<vmem>> -> memref<24xi32, #tpu.memory_space<vmem>>
    %dma_wait3A_293 = arith.constant 0 : i32
    %dma_wait3A_294 = arith.constant 0 : i32
    %dma_wait3A_295 = tpu.memref_slice %arg2[%dma_wait3A_293, %dma_wait3A_294] : memref<4096x2048xf32, #tpu.memory_space<hbm>> -> memref<4096x2048xf32, #tpu.memory_space<hbm>>
    tpu.wait_indirect_dma semaphore(%arg8 : memref<!tpu.dma_semaphore, #tpu.memory_space<semaphore_mem>>) src(%dma_wait3A_295 : memref<4096x2048xf32, #tpu.memory_space<hbm>>) dst(%arg6 : memref<24x2048xf32, #tpu.memory_space<vmem>>)
    %add3A_296 = arith.constant 336 : i32
    %add3A_297 = arith.addi %mul3A_2, %add3A_296 : i32
    %dma_start3A_298 = arith.constant 0 : i32
    %dma_start3A_299 = tpu.memref_slice %arg4[%add3A_297, %dma_start3A_298] : memref<12288x2048xf32, #tpu.memory_space<hbm>> -> memref<24x2048xf32, #tpu.memory_space<hbm>>
    %dma_start3A_300 = arith.constant 0 : i32
    %dma_start3A_301 = tpu.memref_slice %arg4[%add3A_297, %dma_start3A_300] : memref<12288x2048xf32, #tpu.memory_space<hbm>> -> memref<24x2048xf32, #tpu.memory_space<hbm>>
    tpu.enqueue_dma source(%arg6 : memref<24x2048xf32, #tpu.memory_space<vmem>>) target(%dma_start3A_301 : memref<24x2048xf32, #tpu.memory_space<hbm>>) target_semaphore(%arg10 : memref<!tpu.dma_semaphore, #tpu.memory_space<semaphore_mem>>)
    %dma_wait3A_302 = arith.constant 360 : i32
    %dma_wait3A_303 = tpu.memref_slice %arg5[%dma_wait3A_302] : memref<384xi32, #tpu.memory_space<vmem>> -> memref<24xi32, #tpu.memory_space<vmem>>
    %dma_wait3A_304 = arith.constant 0 : i32
    %dma_wait3A_305 = arith.constant 0 : i32
    %dma_wait3A_306 = tpu.memref_slice %arg2[%dma_wait3A_304, %dma_wait3A_305] : memref<4096x2048xf32, #tpu.memory_space<hbm>> -> memref<4096x2048xf32, #tpu.memory_space<hbm>>
    tpu.wait_indirect_dma semaphore(%arg9 : memref<!tpu.dma_semaphore, #tpu.memory_space<semaphore_mem>>) src(%dma_wait3A_306 : memref<4096x2048xf32, #tpu.memory_space<hbm>>) dst(%arg7 : memref<24x2048xf32, #tpu.memory_space<vmem>>)
    %add3A_307 = arith.constant 360 : i32
    %add3A_308 = arith.addi %mul3A_2, %add3A_307 : i32
    %dma_start3A_309 = arith.constant 0 : i32
    %dma_start3A_310 = tpu.memref_slice %arg4[%add3A_308, %dma_start3A_309] : memref<12288x2048xf32, #tpu.memory_space<hbm>> -> memref<24x2048xf32, #tpu.memory_space<hbm>>
    %dma_start3A_311 = arith.constant 0 : i32
    %dma_start3A_312 = tpu.memref_slice %arg4[%add3A_308, %dma_start3A_311] : memref<12288x2048xf32, #tpu.memory_space<hbm>> -> memref<24x2048xf32, #tpu.memory_space<hbm>>
    tpu.enqueue_dma source(%arg7 : memref<24x2048xf32, #tpu.memory_space<vmem>>) target(%dma_start3A_312 : memref<24x2048xf32, #tpu.memory_space<hbm>>) target_semaphore(%arg11 : memref<!tpu.dma_semaphore, #tpu.memory_space<semaphore_mem>>)
    %dma_wait3A_313 = arith.constant 0 : i32
    %dma_wait3A_314 = tpu.memref_slice %arg4[%add3A_297, %dma_wait3A_313] : memref<12288x2048xf32, #tpu.memory_space<hbm>> -> memref<24x2048xf32, #tpu.memory_space<hbm>>
    %dma_wait3A_315 = arith.constant 0 : i32
    %dma_wait3A_316 = tpu.memref_slice %arg4[%add3A_297, %dma_wait3A_315] : memref<12288x2048xf32, #tpu.memory_space<hbm>> -> memref<24x2048xf32, #tpu.memory_space<hbm>>
    tpu.wait_dma2 semaphore(%arg10 : memref<!tpu.dma_semaphore, #tpu.memory_space<semaphore_mem>>) src(%arg6 : memref<24x2048xf32, #tpu.memory_space<vmem>>) dst(%dma_wait3A_316 : memref<24x2048xf32, #tpu.memory_space<hbm>>)
    %dma_wait3A_317 = arith.constant 0 : i32
    %dma_wait3A_318 = tpu.memref_slice %arg4[%add3A_308, %dma_wait3A_317] : memref<12288x2048xf32, #tpu.memory_space<hbm>> -> memref<24x2048xf32, #tpu.memory_space<hbm>>
    %dma_wait3A_319 = arith.constant 0 : i32
    %dma_wait3A_320 = tpu.memref_slice %arg4[%add3A_308, %dma_wait3A_319] : memref<12288x2048xf32, #tpu.memory_space<hbm>> -> memref<24x2048xf32, #tpu.memory_space<hbm>>
    tpu.wait_dma2 semaphore(%arg11 : memref<!tpu.dma_semaphore, #tpu.memory_space<semaphore_mem>>) src(%arg7 : memref<24x2048xf32, #tpu.memory_space<vmem>>) dst(%dma_wait3A_320 : memref<24x2048xf32, #tpu.memory_space<hbm>>)
    return
  }
}

#map = affine_map<(d0, d1) -> (0, 0)>
#map1 = affine_map<(d0, d1) -> (0)>
module attributes {stable_mosaic.version = 14 : i64} {
  func.func @gather_k(%arg0: i32, %arg1: i32, %arg2: memref<12288x2048xf32, #tpu.memory_space<hbm>>, %arg3: memref<8192xi32, #tpu.memory_space<hbm>>, %arg4: memref<8192x2048xf32, #tpu.memory_space<hbm>>, %arg5: memref<256xi32, #tpu.memory_space<vmem>>, %arg6: memref<16x2048xf32, #tpu.memory_space<vmem>>, %arg7: memref<16x2048xf32, #tpu.memory_space<vmem>>, %arg8: memref<!tpu.dma_semaphore, #tpu.memory_space<semaphore_mem>>, %arg9: memref<!tpu.dma_semaphore, #tpu.memory_space<semaphore_mem>>, %arg10: memref<!tpu.dma_semaphore, #tpu.memory_space<semaphore_mem>>, %arg11: memref<!tpu.dma_semaphore, #tpu.memory_space<semaphore_mem>>) attributes {dimension_semantics = [#tpu.dimension_semantics<core_parallel>, #tpu.dimension_semantics<subcore_parallel>], iteration_bounds = array<i64: 2, 16>, scalar_prefetch = 0 : i64, scratch_operands = 7 : i64, tpu.core_type = #tpu.core_type<sc_vector_subcore>, window_params = [{transform_indices = #map}, {transform_indices = #map1}, {transform_indices = #map}]} {
    %mul3A = arith.constant 2 : i32
    %mul3A_0 = arith.muli %arg1, %mul3A : i32
    %add3A = arith.addi %mul3A_0, %arg0 : i32
    %mul3A_1 = arith.constant 256 : i32
    %mul3A_2 = arith.muli %add3A, %mul3A_1 : i32
    "tpu.region"() ({
      %run_scoped3A = tpu.sem_alloc : memref<!tpu.dma_semaphore, #tpu.memory_space<semaphore_mem>>
      %dma_start3A_321 = tpu.memref_slice %arg3[%mul3A_2] : memref<8192xi32, #tpu.memory_space<hbm>> -> memref<256xi32, #tpu.memory_space<hbm>>
      %dma_start3A_322 = tpu.memref_slice %arg3[%mul3A_2] : memref<8192xi32, #tpu.memory_space<hbm>> -> memref<256xi32, #tpu.memory_space<hbm>>
      tpu.enqueue_dma source(%dma_start3A_322 : memref<256xi32, #tpu.memory_space<hbm>>) target(%arg5 : memref<256xi32, #tpu.memory_space<vmem>>) target_semaphore(%run_scoped3A : memref<!tpu.dma_semaphore, #tpu.memory_space<semaphore_mem>>)
      %dma_wait3A_323 = tpu.memref_slice %arg3[%mul3A_2] : memref<8192xi32, #tpu.memory_space<hbm>> -> memref<256xi32, #tpu.memory_space<hbm>>
      %dma_wait3A_324 = tpu.memref_slice %arg3[%mul3A_2] : memref<8192xi32, #tpu.memory_space<hbm>> -> memref<256xi32, #tpu.memory_space<hbm>>
      tpu.wait_dma2 semaphore(%run_scoped3A : memref<!tpu.dma_semaphore, #tpu.memory_space<semaphore_mem>>) src(%dma_wait3A_324 : memref<256xi32, #tpu.memory_space<hbm>>) dst(%arg5 : memref<256xi32, #tpu.memory_space<vmem>>)
      tpu.yield
    }) : () -> ()
    %dma_start3A = arith.constant 0 : i32
    %dma_start3A_3 = tpu.memref_slice %arg5[%dma_start3A] : memref<256xi32, #tpu.memory_space<vmem>> -> memref<16xi32, #tpu.memory_space<vmem>>
    %dma_start3A_4 = arith.constant 0 : i32
    %dma_start3A_5 = arith.constant 0 : i32
    %dma_start3A_6 = tpu.memref_slice %arg2[%dma_start3A_4, %dma_start3A_5] : memref<12288x2048xf32, #tpu.memory_space<hbm>> -> memref<12288x2048xf32, #tpu.memory_space<hbm>>
    tpu.enqueue_indirect_dma source(%dma_start3A_6 : memref<12288x2048xf32, #tpu.memory_space<hbm>>) target(%arg6 : memref<16x2048xf32, #tpu.memory_space<vmem>>) offsets(%dma_start3A_3 : memref<16xi32, #tpu.memory_space<vmem>>) semaphore(%arg8 : memref<!tpu.dma_semaphore, #tpu.memory_space<semaphore_mem>>)
    %dma_start3A_7 = arith.constant 16 : i32
    %dma_start3A_8 = tpu.memref_slice %arg5[%dma_start3A_7] : memref<256xi32, #tpu.memory_space<vmem>> -> memref<16xi32, #tpu.memory_space<vmem>>
    %dma_start3A_9 = arith.constant 0 : i32
    %dma_start3A_10 = arith.constant 0 : i32
    %dma_start3A_11 = tpu.memref_slice %arg2[%dma_start3A_9, %dma_start3A_10] : memref<12288x2048xf32, #tpu.memory_space<hbm>> -> memref<12288x2048xf32, #tpu.memory_space<hbm>>
    tpu.enqueue_indirect_dma source(%dma_start3A_11 : memref<12288x2048xf32, #tpu.memory_space<hbm>>) target(%arg7 : memref<16x2048xf32, #tpu.memory_space<vmem>>) offsets(%dma_start3A_8 : memref<16xi32, #tpu.memory_space<vmem>>) semaphore(%arg9 : memref<!tpu.dma_semaphore, #tpu.memory_space<semaphore_mem>>)
    %dma_wait3A = arith.constant 0 : i32
    %dma_wait3A_12 = tpu.memref_slice %arg5[%dma_wait3A] : memref<256xi32, #tpu.memory_space<vmem>> -> memref<16xi32, #tpu.memory_space<vmem>>
    %dma_wait3A_13 = arith.constant 0 : i32
    %dma_wait3A_14 = arith.constant 0 : i32
    %dma_wait3A_15 = tpu.memref_slice %arg2[%dma_wait3A_13, %dma_wait3A_14] : memref<12288x2048xf32, #tpu.memory_space<hbm>> -> memref<12288x2048xf32, #tpu.memory_space<hbm>>
    tpu.wait_indirect_dma semaphore(%arg8 : memref<!tpu.dma_semaphore, #tpu.memory_space<semaphore_mem>>) src(%dma_wait3A_15 : memref<12288x2048xf32, #tpu.memory_space<hbm>>) dst(%arg6 : memref<16x2048xf32, #tpu.memory_space<vmem>>)
    %add3A_16 = arith.constant 0 : i32
    %add3A_17 = arith.addi %mul3A_2, %add3A_16 : i32
    %dma_start3A_18 = arith.constant 0 : i32
    %dma_start3A_19 = tpu.memref_slice %arg4[%add3A_17, %dma_start3A_18] : memref<8192x2048xf32, #tpu.memory_space<hbm>> -> memref<16x2048xf32, #tpu.memory_space<hbm>>
    %dma_start3A_20 = arith.constant 0 : i32
    %dma_start3A_21 = tpu.memref_slice %arg4[%add3A_17, %dma_start3A_20] : memref<8192x2048xf32, #tpu.memory_space<hbm>> -> memref<16x2048xf32, #tpu.memory_space<hbm>>
    tpu.enqueue_dma source(%arg6 : memref<16x2048xf32, #tpu.memory_space<vmem>>) target(%dma_start3A_21 : memref<16x2048xf32, #tpu.memory_space<hbm>>) target_semaphore(%arg10 : memref<!tpu.dma_semaphore, #tpu.memory_space<semaphore_mem>>)
    %dma_wait3A_22 = arith.constant 0 : i32
    %dma_wait3A_23 = tpu.memref_slice %arg4[%add3A_17, %dma_wait3A_22] : memref<8192x2048xf32, #tpu.memory_space<hbm>> -> memref<16x2048xf32, #tpu.memory_space<hbm>>
    %dma_wait3A_24 = arith.constant 0 : i32
    %dma_wait3A_25 = tpu.memref_slice %arg4[%add3A_17, %dma_wait3A_24] : memref<8192x2048xf32, #tpu.memory_space<hbm>> -> memref<16x2048xf32, #tpu.memory_space<hbm>>
    tpu.wait_dma2 semaphore(%arg10 : memref<!tpu.dma_semaphore, #tpu.memory_space<semaphore_mem>>) src(%arg6 : memref<16x2048xf32, #tpu.memory_space<vmem>>) dst(%dma_wait3A_25 : memref<16x2048xf32, #tpu.memory_space<hbm>>)
    %dma_start3A_26 = arith.constant 32 : i32
    %dma_start3A_27 = tpu.memref_slice %arg5[%dma_start3A_26] : memref<256xi32, #tpu.memory_space<vmem>> -> memref<16xi32, #tpu.memory_space<vmem>>
    %dma_start3A_28 = arith.constant 0 : i32
    %dma_start3A_29 = arith.constant 0 : i32
    %dma_start3A_30 = tpu.memref_slice %arg2[%dma_start3A_28, %dma_start3A_29] : memref<12288x2048xf32, #tpu.memory_space<hbm>> -> memref<12288x2048xf32, #tpu.memory_space<hbm>>
    tpu.enqueue_indirect_dma source(%dma_start3A_30 : memref<12288x2048xf32, #tpu.memory_space<hbm>>) target(%arg6 : memref<16x2048xf32, #tpu.memory_space<vmem>>) offsets(%dma_start3A_27 : memref<16xi32, #tpu.memory_space<vmem>>) semaphore(%arg8 : memref<!tpu.dma_semaphore, #tpu.memory_space<semaphore_mem>>)
    %dma_wait3A_31 = arith.constant 16 : i32
    %dma_wait3A_32 = tpu.memref_slice %arg5[%dma_wait3A_31] : memref<256xi32, #tpu.memory_space<vmem>> -> memref<16xi32, #tpu.memory_space<vmem>>
    %dma_wait3A_33 = arith.constant 0 : i32
    %dma_wait3A_34 = arith.constant 0 : i32
    %dma_wait3A_35 = tpu.memref_slice %arg2[%dma_wait3A_33, %dma_wait3A_34] : memref<12288x2048xf32, #tpu.memory_space<hbm>> -> memref<12288x2048xf32, #tpu.memory_space<hbm>>
    tpu.wait_indirect_dma semaphore(%arg9 : memref<!tpu.dma_semaphore, #tpu.memory_space<semaphore_mem>>) src(%dma_wait3A_35 : memref<12288x2048xf32, #tpu.memory_space<hbm>>) dst(%arg7 : memref<16x2048xf32, #tpu.memory_space<vmem>>)
    %add3A_36 = arith.constant 16 : i32
    %add3A_37 = arith.addi %mul3A_2, %add3A_36 : i32
    %dma_start3A_38 = arith.constant 0 : i32
    %dma_start3A_39 = tpu.memref_slice %arg4[%add3A_37, %dma_start3A_38] : memref<8192x2048xf32, #tpu.memory_space<hbm>> -> memref<16x2048xf32, #tpu.memory_space<hbm>>
    %dma_start3A_40 = arith.constant 0 : i32
    %dma_start3A_41 = tpu.memref_slice %arg4[%add3A_37, %dma_start3A_40] : memref<8192x2048xf32, #tpu.memory_space<hbm>> -> memref<16x2048xf32, #tpu.memory_space<hbm>>
    tpu.enqueue_dma source(%arg7 : memref<16x2048xf32, #tpu.memory_space<vmem>>) target(%dma_start3A_41 : memref<16x2048xf32, #tpu.memory_space<hbm>>) target_semaphore(%arg11 : memref<!tpu.dma_semaphore, #tpu.memory_space<semaphore_mem>>)
    %dma_wait3A_42 = arith.constant 0 : i32
    %dma_wait3A_43 = tpu.memref_slice %arg4[%add3A_37, %dma_wait3A_42] : memref<8192x2048xf32, #tpu.memory_space<hbm>> -> memref<16x2048xf32, #tpu.memory_space<hbm>>
    %dma_wait3A_44 = arith.constant 0 : i32
    %dma_wait3A_45 = tpu.memref_slice %arg4[%add3A_37, %dma_wait3A_44] : memref<8192x2048xf32, #tpu.memory_space<hbm>> -> memref<16x2048xf32, #tpu.memory_space<hbm>>
    tpu.wait_dma2 semaphore(%arg11 : memref<!tpu.dma_semaphore, #tpu.memory_space<semaphore_mem>>) src(%arg7 : memref<16x2048xf32, #tpu.memory_space<vmem>>) dst(%dma_wait3A_45 : memref<16x2048xf32, #tpu.memory_space<hbm>>)
    %dma_start3A_46 = arith.constant 48 : i32
    %dma_start3A_47 = tpu.memref_slice %arg5[%dma_start3A_46] : memref<256xi32, #tpu.memory_space<vmem>> -> memref<16xi32, #tpu.memory_space<vmem>>
    %dma_start3A_48 = arith.constant 0 : i32
    %dma_start3A_49 = arith.constant 0 : i32
    %dma_start3A_50 = tpu.memref_slice %arg2[%dma_start3A_48, %dma_start3A_49] : memref<12288x2048xf32, #tpu.memory_space<hbm>> -> memref<12288x2048xf32, #tpu.memory_space<hbm>>
    tpu.enqueue_indirect_dma source(%dma_start3A_50 : memref<12288x2048xf32, #tpu.memory_space<hbm>>) target(%arg7 : memref<16x2048xf32, #tpu.memory_space<vmem>>) offsets(%dma_start3A_47 : memref<16xi32, #tpu.memory_space<vmem>>) semaphore(%arg9 : memref<!tpu.dma_semaphore, #tpu.memory_space<semaphore_mem>>)
    %dma_wait3A_51 = arith.constant 32 : i32
    %dma_wait3A_52 = tpu.memref_slice %arg5[%dma_wait3A_51] : memref<256xi32, #tpu.memory_space<vmem>> -> memref<16xi32, #tpu.memory_space<vmem>>
    %dma_wait3A_53 = arith.constant 0 : i32
    %dma_wait3A_54 = arith.constant 0 : i32
    %dma_wait3A_55 = tpu.memref_slice %arg2[%dma_wait3A_53, %dma_wait3A_54] : memref<12288x2048xf32, #tpu.memory_space<hbm>> -> memref<12288x2048xf32, #tpu.memory_space<hbm>>
    tpu.wait_indirect_dma semaphore(%arg8 : memref<!tpu.dma_semaphore, #tpu.memory_space<semaphore_mem>>) src(%dma_wait3A_55 : memref<12288x2048xf32, #tpu.memory_space<hbm>>) dst(%arg6 : memref<16x2048xf32, #tpu.memory_space<vmem>>)
    %add3A_56 = arith.constant 32 : i32
    %add3A_57 = arith.addi %mul3A_2, %add3A_56 : i32
    %dma_start3A_58 = arith.constant 0 : i32
    %dma_start3A_59 = tpu.memref_slice %arg4[%add3A_57, %dma_start3A_58] : memref<8192x2048xf32, #tpu.memory_space<hbm>> -> memref<16x2048xf32, #tpu.memory_space<hbm>>
    %dma_start3A_60 = arith.constant 0 : i32
    %dma_start3A_61 = tpu.memref_slice %arg4[%add3A_57, %dma_start3A_60] : memref<8192x2048xf32, #tpu.memory_space<hbm>> -> memref<16x2048xf32, #tpu.memory_space<hbm>>
    tpu.enqueue_dma source(%arg6 : memref<16x2048xf32, #tpu.memory_space<vmem>>) target(%dma_start3A_61 : memref<16x2048xf32, #tpu.memory_space<hbm>>) target_semaphore(%arg10 : memref<!tpu.dma_semaphore, #tpu.memory_space<semaphore_mem>>)
    %dma_wait3A_62 = arith.constant 0 : i32
    %dma_wait3A_63 = tpu.memref_slice %arg4[%add3A_57, %dma_wait3A_62] : memref<8192x2048xf32, #tpu.memory_space<hbm>> -> memref<16x2048xf32, #tpu.memory_space<hbm>>
    %dma_wait3A_64 = arith.constant 0 : i32
    %dma_wait3A_65 = tpu.memref_slice %arg4[%add3A_57, %dma_wait3A_64] : memref<8192x2048xf32, #tpu.memory_space<hbm>> -> memref<16x2048xf32, #tpu.memory_space<hbm>>
    tpu.wait_dma2 semaphore(%arg10 : memref<!tpu.dma_semaphore, #tpu.memory_space<semaphore_mem>>) src(%arg6 : memref<16x2048xf32, #tpu.memory_space<vmem>>) dst(%dma_wait3A_65 : memref<16x2048xf32, #tpu.memory_space<hbm>>)
    %dma_start3A_66 = arith.constant 64 : i32
    %dma_start3A_67 = tpu.memref_slice %arg5[%dma_start3A_66] : memref<256xi32, #tpu.memory_space<vmem>> -> memref<16xi32, #tpu.memory_space<vmem>>
    %dma_start3A_68 = arith.constant 0 : i32
    %dma_start3A_69 = arith.constant 0 : i32
    %dma_start3A_70 = tpu.memref_slice %arg2[%dma_start3A_68, %dma_start3A_69] : memref<12288x2048xf32, #tpu.memory_space<hbm>> -> memref<12288x2048xf32, #tpu.memory_space<hbm>>
    tpu.enqueue_indirect_dma source(%dma_start3A_70 : memref<12288x2048xf32, #tpu.memory_space<hbm>>) target(%arg6 : memref<16x2048xf32, #tpu.memory_space<vmem>>) offsets(%dma_start3A_67 : memref<16xi32, #tpu.memory_space<vmem>>) semaphore(%arg8 : memref<!tpu.dma_semaphore, #tpu.memory_space<semaphore_mem>>)
    %dma_wait3A_71 = arith.constant 48 : i32
    %dma_wait3A_72 = tpu.memref_slice %arg5[%dma_wait3A_71] : memref<256xi32, #tpu.memory_space<vmem>> -> memref<16xi32, #tpu.memory_space<vmem>>
    %dma_wait3A_73 = arith.constant 0 : i32
    %dma_wait3A_74 = arith.constant 0 : i32
    %dma_wait3A_75 = tpu.memref_slice %arg2[%dma_wait3A_73, %dma_wait3A_74] : memref<12288x2048xf32, #tpu.memory_space<hbm>> -> memref<12288x2048xf32, #tpu.memory_space<hbm>>
    tpu.wait_indirect_dma semaphore(%arg9 : memref<!tpu.dma_semaphore, #tpu.memory_space<semaphore_mem>>) src(%dma_wait3A_75 : memref<12288x2048xf32, #tpu.memory_space<hbm>>) dst(%arg7 : memref<16x2048xf32, #tpu.memory_space<vmem>>)
    %add3A_76 = arith.constant 48 : i32
    %add3A_77 = arith.addi %mul3A_2, %add3A_76 : i32
    %dma_start3A_78 = arith.constant 0 : i32
    %dma_start3A_79 = tpu.memref_slice %arg4[%add3A_77, %dma_start3A_78] : memref<8192x2048xf32, #tpu.memory_space<hbm>> -> memref<16x2048xf32, #tpu.memory_space<hbm>>
    %dma_start3A_80 = arith.constant 0 : i32
    %dma_start3A_81 = tpu.memref_slice %arg4[%add3A_77, %dma_start3A_80] : memref<8192x2048xf32, #tpu.memory_space<hbm>> -> memref<16x2048xf32, #tpu.memory_space<hbm>>
    tpu.enqueue_dma source(%arg7 : memref<16x2048xf32, #tpu.memory_space<vmem>>) target(%dma_start3A_81 : memref<16x2048xf32, #tpu.memory_space<hbm>>) target_semaphore(%arg11 : memref<!tpu.dma_semaphore, #tpu.memory_space<semaphore_mem>>)
    %dma_wait3A_82 = arith.constant 0 : i32
    %dma_wait3A_83 = tpu.memref_slice %arg4[%add3A_77, %dma_wait3A_82] : memref<8192x2048xf32, #tpu.memory_space<hbm>> -> memref<16x2048xf32, #tpu.memory_space<hbm>>
    %dma_wait3A_84 = arith.constant 0 : i32
    %dma_wait3A_85 = tpu.memref_slice %arg4[%add3A_77, %dma_wait3A_84] : memref<8192x2048xf32, #tpu.memory_space<hbm>> -> memref<16x2048xf32, #tpu.memory_space<hbm>>
    tpu.wait_dma2 semaphore(%arg11 : memref<!tpu.dma_semaphore, #tpu.memory_space<semaphore_mem>>) src(%arg7 : memref<16x2048xf32, #tpu.memory_space<vmem>>) dst(%dma_wait3A_85 : memref<16x2048xf32, #tpu.memory_space<hbm>>)
    %dma_start3A_86 = arith.constant 80 : i32
    %dma_start3A_87 = tpu.memref_slice %arg5[%dma_start3A_86] : memref<256xi32, #tpu.memory_space<vmem>> -> memref<16xi32, #tpu.memory_space<vmem>>
    %dma_start3A_88 = arith.constant 0 : i32
    %dma_start3A_89 = arith.constant 0 : i32
    %dma_start3A_90 = tpu.memref_slice %arg2[%dma_start3A_88, %dma_start3A_89] : memref<12288x2048xf32, #tpu.memory_space<hbm>> -> memref<12288x2048xf32, #tpu.memory_space<hbm>>
    tpu.enqueue_indirect_dma source(%dma_start3A_90 : memref<12288x2048xf32, #tpu.memory_space<hbm>>) target(%arg7 : memref<16x2048xf32, #tpu.memory_space<vmem>>) offsets(%dma_start3A_87 : memref<16xi32, #tpu.memory_space<vmem>>) semaphore(%arg9 : memref<!tpu.dma_semaphore, #tpu.memory_space<semaphore_mem>>)
    %dma_wait3A_91 = arith.constant 64 : i32
    %dma_wait3A_92 = tpu.memref_slice %arg5[%dma_wait3A_91] : memref<256xi32, #tpu.memory_space<vmem>> -> memref<16xi32, #tpu.memory_space<vmem>>
    %dma_wait3A_93 = arith.constant 0 : i32
    %dma_wait3A_94 = arith.constant 0 : i32
    %dma_wait3A_95 = tpu.memref_slice %arg2[%dma_wait3A_93, %dma_wait3A_94] : memref<12288x2048xf32, #tpu.memory_space<hbm>> -> memref<12288x2048xf32, #tpu.memory_space<hbm>>
    tpu.wait_indirect_dma semaphore(%arg8 : memref<!tpu.dma_semaphore, #tpu.memory_space<semaphore_mem>>) src(%dma_wait3A_95 : memref<12288x2048xf32, #tpu.memory_space<hbm>>) dst(%arg6 : memref<16x2048xf32, #tpu.memory_space<vmem>>)
    %add3A_96 = arith.constant 64 : i32
    %add3A_97 = arith.addi %mul3A_2, %add3A_96 : i32
    %dma_start3A_98 = arith.constant 0 : i32
    %dma_start3A_99 = tpu.memref_slice %arg4[%add3A_97, %dma_start3A_98] : memref<8192x2048xf32, #tpu.memory_space<hbm>> -> memref<16x2048xf32, #tpu.memory_space<hbm>>
    %dma_start3A_100 = arith.constant 0 : i32
    %dma_start3A_101 = tpu.memref_slice %arg4[%add3A_97, %dma_start3A_100] : memref<8192x2048xf32, #tpu.memory_space<hbm>> -> memref<16x2048xf32, #tpu.memory_space<hbm>>
    tpu.enqueue_dma source(%arg6 : memref<16x2048xf32, #tpu.memory_space<vmem>>) target(%dma_start3A_101 : memref<16x2048xf32, #tpu.memory_space<hbm>>) target_semaphore(%arg10 : memref<!tpu.dma_semaphore, #tpu.memory_space<semaphore_mem>>)
    %dma_wait3A_102 = arith.constant 0 : i32
    %dma_wait3A_103 = tpu.memref_slice %arg4[%add3A_97, %dma_wait3A_102] : memref<8192x2048xf32, #tpu.memory_space<hbm>> -> memref<16x2048xf32, #tpu.memory_space<hbm>>
    %dma_wait3A_104 = arith.constant 0 : i32
    %dma_wait3A_105 = tpu.memref_slice %arg4[%add3A_97, %dma_wait3A_104] : memref<8192x2048xf32, #tpu.memory_space<hbm>> -> memref<16x2048xf32, #tpu.memory_space<hbm>>
    tpu.wait_dma2 semaphore(%arg10 : memref<!tpu.dma_semaphore, #tpu.memory_space<semaphore_mem>>) src(%arg6 : memref<16x2048xf32, #tpu.memory_space<vmem>>) dst(%dma_wait3A_105 : memref<16x2048xf32, #tpu.memory_space<hbm>>)
    %dma_start3A_106 = arith.constant 96 : i32
    %dma_start3A_107 = tpu.memref_slice %arg5[%dma_start3A_106] : memref<256xi32, #tpu.memory_space<vmem>> -> memref<16xi32, #tpu.memory_space<vmem>>
    %dma_start3A_108 = arith.constant 0 : i32
    %dma_start3A_109 = arith.constant 0 : i32
    %dma_start3A_110 = tpu.memref_slice %arg2[%dma_start3A_108, %dma_start3A_109] : memref<12288x2048xf32, #tpu.memory_space<hbm>> -> memref<12288x2048xf32, #tpu.memory_space<hbm>>
    tpu.enqueue_indirect_dma source(%dma_start3A_110 : memref<12288x2048xf32, #tpu.memory_space<hbm>>) target(%arg6 : memref<16x2048xf32, #tpu.memory_space<vmem>>) offsets(%dma_start3A_107 : memref<16xi32, #tpu.memory_space<vmem>>) semaphore(%arg8 : memref<!tpu.dma_semaphore, #tpu.memory_space<semaphore_mem>>)
    %dma_wait3A_111 = arith.constant 80 : i32
    %dma_wait3A_112 = tpu.memref_slice %arg5[%dma_wait3A_111] : memref<256xi32, #tpu.memory_space<vmem>> -> memref<16xi32, #tpu.memory_space<vmem>>
    %dma_wait3A_113 = arith.constant 0 : i32
    %dma_wait3A_114 = arith.constant 0 : i32
    %dma_wait3A_115 = tpu.memref_slice %arg2[%dma_wait3A_113, %dma_wait3A_114] : memref<12288x2048xf32, #tpu.memory_space<hbm>> -> memref<12288x2048xf32, #tpu.memory_space<hbm>>
    tpu.wait_indirect_dma semaphore(%arg9 : memref<!tpu.dma_semaphore, #tpu.memory_space<semaphore_mem>>) src(%dma_wait3A_115 : memref<12288x2048xf32, #tpu.memory_space<hbm>>) dst(%arg7 : memref<16x2048xf32, #tpu.memory_space<vmem>>)
    %add3A_116 = arith.constant 80 : i32
    %add3A_117 = arith.addi %mul3A_2, %add3A_116 : i32
    %dma_start3A_118 = arith.constant 0 : i32
    %dma_start3A_119 = tpu.memref_slice %arg4[%add3A_117, %dma_start3A_118] : memref<8192x2048xf32, #tpu.memory_space<hbm>> -> memref<16x2048xf32, #tpu.memory_space<hbm>>
    %dma_start3A_120 = arith.constant 0 : i32
    %dma_start3A_121 = tpu.memref_slice %arg4[%add3A_117, %dma_start3A_120] : memref<8192x2048xf32, #tpu.memory_space<hbm>> -> memref<16x2048xf32, #tpu.memory_space<hbm>>
    tpu.enqueue_dma source(%arg7 : memref<16x2048xf32, #tpu.memory_space<vmem>>) target(%dma_start3A_121 : memref<16x2048xf32, #tpu.memory_space<hbm>>) target_semaphore(%arg11 : memref<!tpu.dma_semaphore, #tpu.memory_space<semaphore_mem>>)
    %dma_wait3A_122 = arith.constant 0 : i32
    %dma_wait3A_123 = tpu.memref_slice %arg4[%add3A_117, %dma_wait3A_122] : memref<8192x2048xf32, #tpu.memory_space<hbm>> -> memref<16x2048xf32, #tpu.memory_space<hbm>>
    %dma_wait3A_124 = arith.constant 0 : i32
    %dma_wait3A_125 = tpu.memref_slice %arg4[%add3A_117, %dma_wait3A_124] : memref<8192x2048xf32, #tpu.memory_space<hbm>> -> memref<16x2048xf32, #tpu.memory_space<hbm>>
    tpu.wait_dma2 semaphore(%arg11 : memref<!tpu.dma_semaphore, #tpu.memory_space<semaphore_mem>>) src(%arg7 : memref<16x2048xf32, #tpu.memory_space<vmem>>) dst(%dma_wait3A_125 : memref<16x2048xf32, #tpu.memory_space<hbm>>)
    %dma_start3A_126 = arith.constant 112 : i32
    %dma_start3A_127 = tpu.memref_slice %arg5[%dma_start3A_126] : memref<256xi32, #tpu.memory_space<vmem>> -> memref<16xi32, #tpu.memory_space<vmem>>
    %dma_start3A_128 = arith.constant 0 : i32
    %dma_start3A_129 = arith.constant 0 : i32
    %dma_start3A_130 = tpu.memref_slice %arg2[%dma_start3A_128, %dma_start3A_129] : memref<12288x2048xf32, #tpu.memory_space<hbm>> -> memref<12288x2048xf32, #tpu.memory_space<hbm>>
    tpu.enqueue_indirect_dma source(%dma_start3A_130 : memref<12288x2048xf32, #tpu.memory_space<hbm>>) target(%arg7 : memref<16x2048xf32, #tpu.memory_space<vmem>>) offsets(%dma_start3A_127 : memref<16xi32, #tpu.memory_space<vmem>>) semaphore(%arg9 : memref<!tpu.dma_semaphore, #tpu.memory_space<semaphore_mem>>)
    %dma_wait3A_131 = arith.constant 96 : i32
    %dma_wait3A_132 = tpu.memref_slice %arg5[%dma_wait3A_131] : memref<256xi32, #tpu.memory_space<vmem>> -> memref<16xi32, #tpu.memory_space<vmem>>
    %dma_wait3A_133 = arith.constant 0 : i32
    %dma_wait3A_134 = arith.constant 0 : i32
    %dma_wait3A_135 = tpu.memref_slice %arg2[%dma_wait3A_133, %dma_wait3A_134] : memref<12288x2048xf32, #tpu.memory_space<hbm>> -> memref<12288x2048xf32, #tpu.memory_space<hbm>>
    tpu.wait_indirect_dma semaphore(%arg8 : memref<!tpu.dma_semaphore, #tpu.memory_space<semaphore_mem>>) src(%dma_wait3A_135 : memref<12288x2048xf32, #tpu.memory_space<hbm>>) dst(%arg6 : memref<16x2048xf32, #tpu.memory_space<vmem>>)
    %add3A_136 = arith.constant 96 : i32
    %add3A_137 = arith.addi %mul3A_2, %add3A_136 : i32
    %dma_start3A_138 = arith.constant 0 : i32
    %dma_start3A_139 = tpu.memref_slice %arg4[%add3A_137, %dma_start3A_138] : memref<8192x2048xf32, #tpu.memory_space<hbm>> -> memref<16x2048xf32, #tpu.memory_space<hbm>>
    %dma_start3A_140 = arith.constant 0 : i32
    %dma_start3A_141 = tpu.memref_slice %arg4[%add3A_137, %dma_start3A_140] : memref<8192x2048xf32, #tpu.memory_space<hbm>> -> memref<16x2048xf32, #tpu.memory_space<hbm>>
    tpu.enqueue_dma source(%arg6 : memref<16x2048xf32, #tpu.memory_space<vmem>>) target(%dma_start3A_141 : memref<16x2048xf32, #tpu.memory_space<hbm>>) target_semaphore(%arg10 : memref<!tpu.dma_semaphore, #tpu.memory_space<semaphore_mem>>)
    %dma_wait3A_142 = arith.constant 0 : i32
    %dma_wait3A_143 = tpu.memref_slice %arg4[%add3A_137, %dma_wait3A_142] : memref<8192x2048xf32, #tpu.memory_space<hbm>> -> memref<16x2048xf32, #tpu.memory_space<hbm>>
    %dma_wait3A_144 = arith.constant 0 : i32
    %dma_wait3A_145 = tpu.memref_slice %arg4[%add3A_137, %dma_wait3A_144] : memref<8192x2048xf32, #tpu.memory_space<hbm>> -> memref<16x2048xf32, #tpu.memory_space<hbm>>
    tpu.wait_dma2 semaphore(%arg10 : memref<!tpu.dma_semaphore, #tpu.memory_space<semaphore_mem>>) src(%arg6 : memref<16x2048xf32, #tpu.memory_space<vmem>>) dst(%dma_wait3A_145 : memref<16x2048xf32, #tpu.memory_space<hbm>>)
    %dma_start3A_146 = arith.constant 128 : i32
    %dma_start3A_147 = tpu.memref_slice %arg5[%dma_start3A_146] : memref<256xi32, #tpu.memory_space<vmem>> -> memref<16xi32, #tpu.memory_space<vmem>>
    %dma_start3A_148 = arith.constant 0 : i32
    %dma_start3A_149 = arith.constant 0 : i32
    %dma_start3A_150 = tpu.memref_slice %arg2[%dma_start3A_148, %dma_start3A_149] : memref<12288x2048xf32, #tpu.memory_space<hbm>> -> memref<12288x2048xf32, #tpu.memory_space<hbm>>
    tpu.enqueue_indirect_dma source(%dma_start3A_150 : memref<12288x2048xf32, #tpu.memory_space<hbm>>) target(%arg6 : memref<16x2048xf32, #tpu.memory_space<vmem>>) offsets(%dma_start3A_147 : memref<16xi32, #tpu.memory_space<vmem>>) semaphore(%arg8 : memref<!tpu.dma_semaphore, #tpu.memory_space<semaphore_mem>>)
    %dma_wait3A_151 = arith.constant 112 : i32
    %dma_wait3A_152 = tpu.memref_slice %arg5[%dma_wait3A_151] : memref<256xi32, #tpu.memory_space<vmem>> -> memref<16xi32, #tpu.memory_space<vmem>>
    %dma_wait3A_153 = arith.constant 0 : i32
    %dma_wait3A_154 = arith.constant 0 : i32
    %dma_wait3A_155 = tpu.memref_slice %arg2[%dma_wait3A_153, %dma_wait3A_154] : memref<12288x2048xf32, #tpu.memory_space<hbm>> -> memref<12288x2048xf32, #tpu.memory_space<hbm>>
    tpu.wait_indirect_dma semaphore(%arg9 : memref<!tpu.dma_semaphore, #tpu.memory_space<semaphore_mem>>) src(%dma_wait3A_155 : memref<12288x2048xf32, #tpu.memory_space<hbm>>) dst(%arg7 : memref<16x2048xf32, #tpu.memory_space<vmem>>)
    %add3A_156 = arith.constant 112 : i32
    %add3A_157 = arith.addi %mul3A_2, %add3A_156 : i32
    %dma_start3A_158 = arith.constant 0 : i32
    %dma_start3A_159 = tpu.memref_slice %arg4[%add3A_157, %dma_start3A_158] : memref<8192x2048xf32, #tpu.memory_space<hbm>> -> memref<16x2048xf32, #tpu.memory_space<hbm>>
    %dma_start3A_160 = arith.constant 0 : i32
    %dma_start3A_161 = tpu.memref_slice %arg4[%add3A_157, %dma_start3A_160] : memref<8192x2048xf32, #tpu.memory_space<hbm>> -> memref<16x2048xf32, #tpu.memory_space<hbm>>
    tpu.enqueue_dma source(%arg7 : memref<16x2048xf32, #tpu.memory_space<vmem>>) target(%dma_start3A_161 : memref<16x2048xf32, #tpu.memory_space<hbm>>) target_semaphore(%arg11 : memref<!tpu.dma_semaphore, #tpu.memory_space<semaphore_mem>>)
    %dma_wait3A_162 = arith.constant 0 : i32
    %dma_wait3A_163 = tpu.memref_slice %arg4[%add3A_157, %dma_wait3A_162] : memref<8192x2048xf32, #tpu.memory_space<hbm>> -> memref<16x2048xf32, #tpu.memory_space<hbm>>
    %dma_wait3A_164 = arith.constant 0 : i32
    %dma_wait3A_165 = tpu.memref_slice %arg4[%add3A_157, %dma_wait3A_164] : memref<8192x2048xf32, #tpu.memory_space<hbm>> -> memref<16x2048xf32, #tpu.memory_space<hbm>>
    tpu.wait_dma2 semaphore(%arg11 : memref<!tpu.dma_semaphore, #tpu.memory_space<semaphore_mem>>) src(%arg7 : memref<16x2048xf32, #tpu.memory_space<vmem>>) dst(%dma_wait3A_165 : memref<16x2048xf32, #tpu.memory_space<hbm>>)
    %dma_start3A_166 = arith.constant 144 : i32
    %dma_start3A_167 = tpu.memref_slice %arg5[%dma_start3A_166] : memref<256xi32, #tpu.memory_space<vmem>> -> memref<16xi32, #tpu.memory_space<vmem>>
    %dma_start3A_168 = arith.constant 0 : i32
    %dma_start3A_169 = arith.constant 0 : i32
    %dma_start3A_170 = tpu.memref_slice %arg2[%dma_start3A_168, %dma_start3A_169] : memref<12288x2048xf32, #tpu.memory_space<hbm>> -> memref<12288x2048xf32, #tpu.memory_space<hbm>>
    tpu.enqueue_indirect_dma source(%dma_start3A_170 : memref<12288x2048xf32, #tpu.memory_space<hbm>>) target(%arg7 : memref<16x2048xf32, #tpu.memory_space<vmem>>) offsets(%dma_start3A_167 : memref<16xi32, #tpu.memory_space<vmem>>) semaphore(%arg9 : memref<!tpu.dma_semaphore, #tpu.memory_space<semaphore_mem>>)
    %dma_wait3A_171 = arith.constant 128 : i32
    %dma_wait3A_172 = tpu.memref_slice %arg5[%dma_wait3A_171] : memref<256xi32, #tpu.memory_space<vmem>> -> memref<16xi32, #tpu.memory_space<vmem>>
    %dma_wait3A_173 = arith.constant 0 : i32
    %dma_wait3A_174 = arith.constant 0 : i32
    %dma_wait3A_175 = tpu.memref_slice %arg2[%dma_wait3A_173, %dma_wait3A_174] : memref<12288x2048xf32, #tpu.memory_space<hbm>> -> memref<12288x2048xf32, #tpu.memory_space<hbm>>
    tpu.wait_indirect_dma semaphore(%arg8 : memref<!tpu.dma_semaphore, #tpu.memory_space<semaphore_mem>>) src(%dma_wait3A_175 : memref<12288x2048xf32, #tpu.memory_space<hbm>>) dst(%arg6 : memref<16x2048xf32, #tpu.memory_space<vmem>>)
    %add3A_176 = arith.constant 128 : i32
    %add3A_177 = arith.addi %mul3A_2, %add3A_176 : i32
    %dma_start3A_178 = arith.constant 0 : i32
    %dma_start3A_179 = tpu.memref_slice %arg4[%add3A_177, %dma_start3A_178] : memref<8192x2048xf32, #tpu.memory_space<hbm>> -> memref<16x2048xf32, #tpu.memory_space<hbm>>
    %dma_start3A_180 = arith.constant 0 : i32
    %dma_start3A_181 = tpu.memref_slice %arg4[%add3A_177, %dma_start3A_180] : memref<8192x2048xf32, #tpu.memory_space<hbm>> -> memref<16x2048xf32, #tpu.memory_space<hbm>>
    tpu.enqueue_dma source(%arg6 : memref<16x2048xf32, #tpu.memory_space<vmem>>) target(%dma_start3A_181 : memref<16x2048xf32, #tpu.memory_space<hbm>>) target_semaphore(%arg10 : memref<!tpu.dma_semaphore, #tpu.memory_space<semaphore_mem>>)
    %dma_wait3A_182 = arith.constant 0 : i32
    %dma_wait3A_183 = tpu.memref_slice %arg4[%add3A_177, %dma_wait3A_182] : memref<8192x2048xf32, #tpu.memory_space<hbm>> -> memref<16x2048xf32, #tpu.memory_space<hbm>>
    %dma_wait3A_184 = arith.constant 0 : i32
    %dma_wait3A_185 = tpu.memref_slice %arg4[%add3A_177, %dma_wait3A_184] : memref<8192x2048xf32, #tpu.memory_space<hbm>> -> memref<16x2048xf32, #tpu.memory_space<hbm>>
    tpu.wait_dma2 semaphore(%arg10 : memref<!tpu.dma_semaphore, #tpu.memory_space<semaphore_mem>>) src(%arg6 : memref<16x2048xf32, #tpu.memory_space<vmem>>) dst(%dma_wait3A_185 : memref<16x2048xf32, #tpu.memory_space<hbm>>)
    %dma_start3A_186 = arith.constant 160 : i32
    %dma_start3A_187 = tpu.memref_slice %arg5[%dma_start3A_186] : memref<256xi32, #tpu.memory_space<vmem>> -> memref<16xi32, #tpu.memory_space<vmem>>
    %dma_start3A_188 = arith.constant 0 : i32
    %dma_start3A_189 = arith.constant 0 : i32
    %dma_start3A_190 = tpu.memref_slice %arg2[%dma_start3A_188, %dma_start3A_189] : memref<12288x2048xf32, #tpu.memory_space<hbm>> -> memref<12288x2048xf32, #tpu.memory_space<hbm>>
    tpu.enqueue_indirect_dma source(%dma_start3A_190 : memref<12288x2048xf32, #tpu.memory_space<hbm>>) target(%arg6 : memref<16x2048xf32, #tpu.memory_space<vmem>>) offsets(%dma_start3A_187 : memref<16xi32, #tpu.memory_space<vmem>>) semaphore(%arg8 : memref<!tpu.dma_semaphore, #tpu.memory_space<semaphore_mem>>)
    %dma_wait3A_191 = arith.constant 144 : i32
    %dma_wait3A_192 = tpu.memref_slice %arg5[%dma_wait3A_191] : memref<256xi32, #tpu.memory_space<vmem>> -> memref<16xi32, #tpu.memory_space<vmem>>
    %dma_wait3A_193 = arith.constant 0 : i32
    %dma_wait3A_194 = arith.constant 0 : i32
    %dma_wait3A_195 = tpu.memref_slice %arg2[%dma_wait3A_193, %dma_wait3A_194] : memref<12288x2048xf32, #tpu.memory_space<hbm>> -> memref<12288x2048xf32, #tpu.memory_space<hbm>>
    tpu.wait_indirect_dma semaphore(%arg9 : memref<!tpu.dma_semaphore, #tpu.memory_space<semaphore_mem>>) src(%dma_wait3A_195 : memref<12288x2048xf32, #tpu.memory_space<hbm>>) dst(%arg7 : memref<16x2048xf32, #tpu.memory_space<vmem>>)
    %add3A_196 = arith.constant 144 : i32
    %add3A_197 = arith.addi %mul3A_2, %add3A_196 : i32
    %dma_start3A_198 = arith.constant 0 : i32
    %dma_start3A_199 = tpu.memref_slice %arg4[%add3A_197, %dma_start3A_198] : memref<8192x2048xf32, #tpu.memory_space<hbm>> -> memref<16x2048xf32, #tpu.memory_space<hbm>>
    %dma_start3A_200 = arith.constant 0 : i32
    %dma_start3A_201 = tpu.memref_slice %arg4[%add3A_197, %dma_start3A_200] : memref<8192x2048xf32, #tpu.memory_space<hbm>> -> memref<16x2048xf32, #tpu.memory_space<hbm>>
    tpu.enqueue_dma source(%arg7 : memref<16x2048xf32, #tpu.memory_space<vmem>>) target(%dma_start3A_201 : memref<16x2048xf32, #tpu.memory_space<hbm>>) target_semaphore(%arg11 : memref<!tpu.dma_semaphore, #tpu.memory_space<semaphore_mem>>)
    %dma_wait3A_202 = arith.constant 0 : i32
    %dma_wait3A_203 = tpu.memref_slice %arg4[%add3A_197, %dma_wait3A_202] : memref<8192x2048xf32, #tpu.memory_space<hbm>> -> memref<16x2048xf32, #tpu.memory_space<hbm>>
    %dma_wait3A_204 = arith.constant 0 : i32
    %dma_wait3A_205 = tpu.memref_slice %arg4[%add3A_197, %dma_wait3A_204] : memref<8192x2048xf32, #tpu.memory_space<hbm>> -> memref<16x2048xf32, #tpu.memory_space<hbm>>
    tpu.wait_dma2 semaphore(%arg11 : memref<!tpu.dma_semaphore, #tpu.memory_space<semaphore_mem>>) src(%arg7 : memref<16x2048xf32, #tpu.memory_space<vmem>>) dst(%dma_wait3A_205 : memref<16x2048xf32, #tpu.memory_space<hbm>>)
    %dma_start3A_206 = arith.constant 176 : i32
    %dma_start3A_207 = tpu.memref_slice %arg5[%dma_start3A_206] : memref<256xi32, #tpu.memory_space<vmem>> -> memref<16xi32, #tpu.memory_space<vmem>>
    %dma_start3A_208 = arith.constant 0 : i32
    %dma_start3A_209 = arith.constant 0 : i32
    %dma_start3A_210 = tpu.memref_slice %arg2[%dma_start3A_208, %dma_start3A_209] : memref<12288x2048xf32, #tpu.memory_space<hbm>> -> memref<12288x2048xf32, #tpu.memory_space<hbm>>
    tpu.enqueue_indirect_dma source(%dma_start3A_210 : memref<12288x2048xf32, #tpu.memory_space<hbm>>) target(%arg7 : memref<16x2048xf32, #tpu.memory_space<vmem>>) offsets(%dma_start3A_207 : memref<16xi32, #tpu.memory_space<vmem>>) semaphore(%arg9 : memref<!tpu.dma_semaphore, #tpu.memory_space<semaphore_mem>>)
    %dma_wait3A_211 = arith.constant 160 : i32
    %dma_wait3A_212 = tpu.memref_slice %arg5[%dma_wait3A_211] : memref<256xi32, #tpu.memory_space<vmem>> -> memref<16xi32, #tpu.memory_space<vmem>>
    %dma_wait3A_213 = arith.constant 0 : i32
    %dma_wait3A_214 = arith.constant 0 : i32
    %dma_wait3A_215 = tpu.memref_slice %arg2[%dma_wait3A_213, %dma_wait3A_214] : memref<12288x2048xf32, #tpu.memory_space<hbm>> -> memref<12288x2048xf32, #tpu.memory_space<hbm>>
    tpu.wait_indirect_dma semaphore(%arg8 : memref<!tpu.dma_semaphore, #tpu.memory_space<semaphore_mem>>) src(%dma_wait3A_215 : memref<12288x2048xf32, #tpu.memory_space<hbm>>) dst(%arg6 : memref<16x2048xf32, #tpu.memory_space<vmem>>)
    %add3A_216 = arith.constant 160 : i32
    %add3A_217 = arith.addi %mul3A_2, %add3A_216 : i32
    %dma_start3A_218 = arith.constant 0 : i32
    %dma_start3A_219 = tpu.memref_slice %arg4[%add3A_217, %dma_start3A_218] : memref<8192x2048xf32, #tpu.memory_space<hbm>> -> memref<16x2048xf32, #tpu.memory_space<hbm>>
    %dma_start3A_220 = arith.constant 0 : i32
    %dma_start3A_221 = tpu.memref_slice %arg4[%add3A_217, %dma_start3A_220] : memref<8192x2048xf32, #tpu.memory_space<hbm>> -> memref<16x2048xf32, #tpu.memory_space<hbm>>
    tpu.enqueue_dma source(%arg6 : memref<16x2048xf32, #tpu.memory_space<vmem>>) target(%dma_start3A_221 : memref<16x2048xf32, #tpu.memory_space<hbm>>) target_semaphore(%arg10 : memref<!tpu.dma_semaphore, #tpu.memory_space<semaphore_mem>>)
    %dma_wait3A_222 = arith.constant 0 : i32
    %dma_wait3A_223 = tpu.memref_slice %arg4[%add3A_217, %dma_wait3A_222] : memref<8192x2048xf32, #tpu.memory_space<hbm>> -> memref<16x2048xf32, #tpu.memory_space<hbm>>
    %dma_wait3A_224 = arith.constant 0 : i32
    %dma_wait3A_225 = tpu.memref_slice %arg4[%add3A_217, %dma_wait3A_224] : memref<8192x2048xf32, #tpu.memory_space<hbm>> -> memref<16x2048xf32, #tpu.memory_space<hbm>>
    tpu.wait_dma2 semaphore(%arg10 : memref<!tpu.dma_semaphore, #tpu.memory_space<semaphore_mem>>) src(%arg6 : memref<16x2048xf32, #tpu.memory_space<vmem>>) dst(%dma_wait3A_225 : memref<16x2048xf32, #tpu.memory_space<hbm>>)
    %dma_start3A_226 = arith.constant 192 : i32
    %dma_start3A_227 = tpu.memref_slice %arg5[%dma_start3A_226] : memref<256xi32, #tpu.memory_space<vmem>> -> memref<16xi32, #tpu.memory_space<vmem>>
    %dma_start3A_228 = arith.constant 0 : i32
    %dma_start3A_229 = arith.constant 0 : i32
    %dma_start3A_230 = tpu.memref_slice %arg2[%dma_start3A_228, %dma_start3A_229] : memref<12288x2048xf32, #tpu.memory_space<hbm>> -> memref<12288x2048xf32, #tpu.memory_space<hbm>>
    tpu.enqueue_indirect_dma source(%dma_start3A_230 : memref<12288x2048xf32, #tpu.memory_space<hbm>>) target(%arg6 : memref<16x2048xf32, #tpu.memory_space<vmem>>) offsets(%dma_start3A_227 : memref<16xi32, #tpu.memory_space<vmem>>) semaphore(%arg8 : memref<!tpu.dma_semaphore, #tpu.memory_space<semaphore_mem>>)
    %dma_wait3A_231 = arith.constant 176 : i32
    %dma_wait3A_232 = tpu.memref_slice %arg5[%dma_wait3A_231] : memref<256xi32, #tpu.memory_space<vmem>> -> memref<16xi32, #tpu.memory_space<vmem>>
    %dma_wait3A_233 = arith.constant 0 : i32
    %dma_wait3A_234 = arith.constant 0 : i32
    %dma_wait3A_235 = tpu.memref_slice %arg2[%dma_wait3A_233, %dma_wait3A_234] : memref<12288x2048xf32, #tpu.memory_space<hbm>> -> memref<12288x2048xf32, #tpu.memory_space<hbm>>
    tpu.wait_indirect_dma semaphore(%arg9 : memref<!tpu.dma_semaphore, #tpu.memory_space<semaphore_mem>>) src(%dma_wait3A_235 : memref<12288x2048xf32, #tpu.memory_space<hbm>>) dst(%arg7 : memref<16x2048xf32, #tpu.memory_space<vmem>>)
    %add3A_236 = arith.constant 176 : i32
    %add3A_237 = arith.addi %mul3A_2, %add3A_236 : i32
    %dma_start3A_238 = arith.constant 0 : i32
    %dma_start3A_239 = tpu.memref_slice %arg4[%add3A_237, %dma_start3A_238] : memref<8192x2048xf32, #tpu.memory_space<hbm>> -> memref<16x2048xf32, #tpu.memory_space<hbm>>
    %dma_start3A_240 = arith.constant 0 : i32
    %dma_start3A_241 = tpu.memref_slice %arg4[%add3A_237, %dma_start3A_240] : memref<8192x2048xf32, #tpu.memory_space<hbm>> -> memref<16x2048xf32, #tpu.memory_space<hbm>>
    tpu.enqueue_dma source(%arg7 : memref<16x2048xf32, #tpu.memory_space<vmem>>) target(%dma_start3A_241 : memref<16x2048xf32, #tpu.memory_space<hbm>>) target_semaphore(%arg11 : memref<!tpu.dma_semaphore, #tpu.memory_space<semaphore_mem>>)
    %dma_wait3A_242 = arith.constant 0 : i32
    %dma_wait3A_243 = tpu.memref_slice %arg4[%add3A_237, %dma_wait3A_242] : memref<8192x2048xf32, #tpu.memory_space<hbm>> -> memref<16x2048xf32, #tpu.memory_space<hbm>>
    %dma_wait3A_244 = arith.constant 0 : i32
    %dma_wait3A_245 = tpu.memref_slice %arg4[%add3A_237, %dma_wait3A_244] : memref<8192x2048xf32, #tpu.memory_space<hbm>> -> memref<16x2048xf32, #tpu.memory_space<hbm>>
    tpu.wait_dma2 semaphore(%arg11 : memref<!tpu.dma_semaphore, #tpu.memory_space<semaphore_mem>>) src(%arg7 : memref<16x2048xf32, #tpu.memory_space<vmem>>) dst(%dma_wait3A_245 : memref<16x2048xf32, #tpu.memory_space<hbm>>)
    %dma_start3A_246 = arith.constant 208 : i32
    %dma_start3A_247 = tpu.memref_slice %arg5[%dma_start3A_246] : memref<256xi32, #tpu.memory_space<vmem>> -> memref<16xi32, #tpu.memory_space<vmem>>
    %dma_start3A_248 = arith.constant 0 : i32
    %dma_start3A_249 = arith.constant 0 : i32
    %dma_start3A_250 = tpu.memref_slice %arg2[%dma_start3A_248, %dma_start3A_249] : memref<12288x2048xf32, #tpu.memory_space<hbm>> -> memref<12288x2048xf32, #tpu.memory_space<hbm>>
    tpu.enqueue_indirect_dma source(%dma_start3A_250 : memref<12288x2048xf32, #tpu.memory_space<hbm>>) target(%arg7 : memref<16x2048xf32, #tpu.memory_space<vmem>>) offsets(%dma_start3A_247 : memref<16xi32, #tpu.memory_space<vmem>>) semaphore(%arg9 : memref<!tpu.dma_semaphore, #tpu.memory_space<semaphore_mem>>)
    %dma_wait3A_251 = arith.constant 192 : i32
    %dma_wait3A_252 = tpu.memref_slice %arg5[%dma_wait3A_251] : memref<256xi32, #tpu.memory_space<vmem>> -> memref<16xi32, #tpu.memory_space<vmem>>
    %dma_wait3A_253 = arith.constant 0 : i32
    %dma_wait3A_254 = arith.constant 0 : i32
    %dma_wait3A_255 = tpu.memref_slice %arg2[%dma_wait3A_253, %dma_wait3A_254] : memref<12288x2048xf32, #tpu.memory_space<hbm>> -> memref<12288x2048xf32, #tpu.memory_space<hbm>>
    tpu.wait_indirect_dma semaphore(%arg8 : memref<!tpu.dma_semaphore, #tpu.memory_space<semaphore_mem>>) src(%dma_wait3A_255 : memref<12288x2048xf32, #tpu.memory_space<hbm>>) dst(%arg6 : memref<16x2048xf32, #tpu.memory_space<vmem>>)
    %add3A_256 = arith.constant 192 : i32
    %add3A_257 = arith.addi %mul3A_2, %add3A_256 : i32
    %dma_start3A_258 = arith.constant 0 : i32
    %dma_start3A_259 = tpu.memref_slice %arg4[%add3A_257, %dma_start3A_258] : memref<8192x2048xf32, #tpu.memory_space<hbm>> -> memref<16x2048xf32, #tpu.memory_space<hbm>>
    %dma_start3A_260 = arith.constant 0 : i32
    %dma_start3A_261 = tpu.memref_slice %arg4[%add3A_257, %dma_start3A_260] : memref<8192x2048xf32, #tpu.memory_space<hbm>> -> memref<16x2048xf32, #tpu.memory_space<hbm>>
    tpu.enqueue_dma source(%arg6 : memref<16x2048xf32, #tpu.memory_space<vmem>>) target(%dma_start3A_261 : memref<16x2048xf32, #tpu.memory_space<hbm>>) target_semaphore(%arg10 : memref<!tpu.dma_semaphore, #tpu.memory_space<semaphore_mem>>)
    %dma_wait3A_262 = arith.constant 0 : i32
    %dma_wait3A_263 = tpu.memref_slice %arg4[%add3A_257, %dma_wait3A_262] : memref<8192x2048xf32, #tpu.memory_space<hbm>> -> memref<16x2048xf32, #tpu.memory_space<hbm>>
    %dma_wait3A_264 = arith.constant 0 : i32
    %dma_wait3A_265 = tpu.memref_slice %arg4[%add3A_257, %dma_wait3A_264] : memref<8192x2048xf32, #tpu.memory_space<hbm>> -> memref<16x2048xf32, #tpu.memory_space<hbm>>
    tpu.wait_dma2 semaphore(%arg10 : memref<!tpu.dma_semaphore, #tpu.memory_space<semaphore_mem>>) src(%arg6 : memref<16x2048xf32, #tpu.memory_space<vmem>>) dst(%dma_wait3A_265 : memref<16x2048xf32, #tpu.memory_space<hbm>>)
    %dma_start3A_266 = arith.constant 224 : i32
    %dma_start3A_267 = tpu.memref_slice %arg5[%dma_start3A_266] : memref<256xi32, #tpu.memory_space<vmem>> -> memref<16xi32, #tpu.memory_space<vmem>>
    %dma_start3A_268 = arith.constant 0 : i32
    %dma_start3A_269 = arith.constant 0 : i32
    %dma_start3A_270 = tpu.memref_slice %arg2[%dma_start3A_268, %dma_start3A_269] : memref<12288x2048xf32, #tpu.memory_space<hbm>> -> memref<12288x2048xf32, #tpu.memory_space<hbm>>
    tpu.enqueue_indirect_dma source(%dma_start3A_270 : memref<12288x2048xf32, #tpu.memory_space<hbm>>) target(%arg6 : memref<16x2048xf32, #tpu.memory_space<vmem>>) offsets(%dma_start3A_267 : memref<16xi32, #tpu.memory_space<vmem>>) semaphore(%arg8 : memref<!tpu.dma_semaphore, #tpu.memory_space<semaphore_mem>>)
    %dma_wait3A_271 = arith.constant 208 : i32
    %dma_wait3A_272 = tpu.memref_slice %arg5[%dma_wait3A_271] : memref<256xi32, #tpu.memory_space<vmem>> -> memref<16xi32, #tpu.memory_space<vmem>>
    %dma_wait3A_273 = arith.constant 0 : i32
    %dma_wait3A_274 = arith.constant 0 : i32
    %dma_wait3A_275 = tpu.memref_slice %arg2[%dma_wait3A_273, %dma_wait3A_274] : memref<12288x2048xf32, #tpu.memory_space<hbm>> -> memref<12288x2048xf32, #tpu.memory_space<hbm>>
    tpu.wait_indirect_dma semaphore(%arg9 : memref<!tpu.dma_semaphore, #tpu.memory_space<semaphore_mem>>) src(%dma_wait3A_275 : memref<12288x2048xf32, #tpu.memory_space<hbm>>) dst(%arg7 : memref<16x2048xf32, #tpu.memory_space<vmem>>)
    %add3A_276 = arith.constant 208 : i32
    %add3A_277 = arith.addi %mul3A_2, %add3A_276 : i32
    %dma_start3A_278 = arith.constant 0 : i32
    %dma_start3A_279 = tpu.memref_slice %arg4[%add3A_277, %dma_start3A_278] : memref<8192x2048xf32, #tpu.memory_space<hbm>> -> memref<16x2048xf32, #tpu.memory_space<hbm>>
    %dma_start3A_280 = arith.constant 0 : i32
    %dma_start3A_281 = tpu.memref_slice %arg4[%add3A_277, %dma_start3A_280] : memref<8192x2048xf32, #tpu.memory_space<hbm>> -> memref<16x2048xf32, #tpu.memory_space<hbm>>
    tpu.enqueue_dma source(%arg7 : memref<16x2048xf32, #tpu.memory_space<vmem>>) target(%dma_start3A_281 : memref<16x2048xf32, #tpu.memory_space<hbm>>) target_semaphore(%arg11 : memref<!tpu.dma_semaphore, #tpu.memory_space<semaphore_mem>>)
    %dma_wait3A_282 = arith.constant 0 : i32
    %dma_wait3A_283 = tpu.memref_slice %arg4[%add3A_277, %dma_wait3A_282] : memref<8192x2048xf32, #tpu.memory_space<hbm>> -> memref<16x2048xf32, #tpu.memory_space<hbm>>
    %dma_wait3A_284 = arith.constant 0 : i32
    %dma_wait3A_285 = tpu.memref_slice %arg4[%add3A_277, %dma_wait3A_284] : memref<8192x2048xf32, #tpu.memory_space<hbm>> -> memref<16x2048xf32, #tpu.memory_space<hbm>>
    tpu.wait_dma2 semaphore(%arg11 : memref<!tpu.dma_semaphore, #tpu.memory_space<semaphore_mem>>) src(%arg7 : memref<16x2048xf32, #tpu.memory_space<vmem>>) dst(%dma_wait3A_285 : memref<16x2048xf32, #tpu.memory_space<hbm>>)
    %dma_start3A_286 = arith.constant 240 : i32
    %dma_start3A_287 = tpu.memref_slice %arg5[%dma_start3A_286] : memref<256xi32, #tpu.memory_space<vmem>> -> memref<16xi32, #tpu.memory_space<vmem>>
    %dma_start3A_288 = arith.constant 0 : i32
    %dma_start3A_289 = arith.constant 0 : i32
    %dma_start3A_290 = tpu.memref_slice %arg2[%dma_start3A_288, %dma_start3A_289] : memref<12288x2048xf32, #tpu.memory_space<hbm>> -> memref<12288x2048xf32, #tpu.memory_space<hbm>>
    tpu.enqueue_indirect_dma source(%dma_start3A_290 : memref<12288x2048xf32, #tpu.memory_space<hbm>>) target(%arg7 : memref<16x2048xf32, #tpu.memory_space<vmem>>) offsets(%dma_start3A_287 : memref<16xi32, #tpu.memory_space<vmem>>) semaphore(%arg9 : memref<!tpu.dma_semaphore, #tpu.memory_space<semaphore_mem>>)
    %dma_wait3A_291 = arith.constant 224 : i32
    %dma_wait3A_292 = tpu.memref_slice %arg5[%dma_wait3A_291] : memref<256xi32, #tpu.memory_space<vmem>> -> memref<16xi32, #tpu.memory_space<vmem>>
    %dma_wait3A_293 = arith.constant 0 : i32
    %dma_wait3A_294 = arith.constant 0 : i32
    %dma_wait3A_295 = tpu.memref_slice %arg2[%dma_wait3A_293, %dma_wait3A_294] : memref<12288x2048xf32, #tpu.memory_space<hbm>> -> memref<12288x2048xf32, #tpu.memory_space<hbm>>
    tpu.wait_indirect_dma semaphore(%arg8 : memref<!tpu.dma_semaphore, #tpu.memory_space<semaphore_mem>>) src(%dma_wait3A_295 : memref<12288x2048xf32, #tpu.memory_space<hbm>>) dst(%arg6 : memref<16x2048xf32, #tpu.memory_space<vmem>>)
    %add3A_296 = arith.constant 224 : i32
    %add3A_297 = arith.addi %mul3A_2, %add3A_296 : i32
    %dma_start3A_298 = arith.constant 0 : i32
    %dma_start3A_299 = tpu.memref_slice %arg4[%add3A_297, %dma_start3A_298] : memref<8192x2048xf32, #tpu.memory_space<hbm>> -> memref<16x2048xf32, #tpu.memory_space<hbm>>
    %dma_start3A_300 = arith.constant 0 : i32
    %dma_start3A_301 = tpu.memref_slice %arg4[%add3A_297, %dma_start3A_300] : memref<8192x2048xf32, #tpu.memory_space<hbm>> -> memref<16x2048xf32, #tpu.memory_space<hbm>>
    tpu.enqueue_dma source(%arg6 : memref<16x2048xf32, #tpu.memory_space<vmem>>) target(%dma_start3A_301 : memref<16x2048xf32, #tpu.memory_space<hbm>>) target_semaphore(%arg10 : memref<!tpu.dma_semaphore, #tpu.memory_space<semaphore_mem>>)
    %dma_wait3A_302 = arith.constant 240 : i32
    %dma_wait3A_303 = tpu.memref_slice %arg5[%dma_wait3A_302] : memref<256xi32, #tpu.memory_space<vmem>> -> memref<16xi32, #tpu.memory_space<vmem>>
    %dma_wait3A_304 = arith.constant 0 : i32
    %dma_wait3A_305 = arith.constant 0 : i32
    %dma_wait3A_306 = tpu.memref_slice %arg2[%dma_wait3A_304, %dma_wait3A_305] : memref<12288x2048xf32, #tpu.memory_space<hbm>> -> memref<12288x2048xf32, #tpu.memory_space<hbm>>
    tpu.wait_indirect_dma semaphore(%arg9 : memref<!tpu.dma_semaphore, #tpu.memory_space<semaphore_mem>>) src(%dma_wait3A_306 : memref<12288x2048xf32, #tpu.memory_space<hbm>>) dst(%arg7 : memref<16x2048xf32, #tpu.memory_space<vmem>>)
    %add3A_307 = arith.constant 240 : i32
    %add3A_308 = arith.addi %mul3A_2, %add3A_307 : i32
    %dma_start3A_309 = arith.constant 0 : i32
    %dma_start3A_310 = tpu.memref_slice %arg4[%add3A_308, %dma_start3A_309] : memref<8192x2048xf32, #tpu.memory_space<hbm>> -> memref<16x2048xf32, #tpu.memory_space<hbm>>
    %dma_start3A_311 = arith.constant 0 : i32
    %dma_start3A_312 = tpu.memref_slice %arg4[%add3A_308, %dma_start3A_311] : memref<8192x2048xf32, #tpu.memory_space<hbm>> -> memref<16x2048xf32, #tpu.memory_space<hbm>>
    tpu.enqueue_dma source(%arg7 : memref<16x2048xf32, #tpu.memory_space<vmem>>) target(%dma_start3A_312 : memref<16x2048xf32, #tpu.memory_space<hbm>>) target_semaphore(%arg11 : memref<!tpu.dma_semaphore, #tpu.memory_space<semaphore_mem>>)
    %dma_wait3A_313 = arith.constant 0 : i32
    %dma_wait3A_314 = tpu.memref_slice %arg4[%add3A_297, %dma_wait3A_313] : memref<8192x2048xf32, #tpu.memory_space<hbm>> -> memref<16x2048xf32, #tpu.memory_space<hbm>>
    %dma_wait3A_315 = arith.constant 0 : i32
    %dma_wait3A_316 = tpu.memref_slice %arg4[%add3A_297, %dma_wait3A_315] : memref<8192x2048xf32, #tpu.memory_space<hbm>> -> memref<16x2048xf32, #tpu.memory_space<hbm>>
    tpu.wait_dma2 semaphore(%arg10 : memref<!tpu.dma_semaphore, #tpu.memory_space<semaphore_mem>>) src(%arg6 : memref<16x2048xf32, #tpu.memory_space<vmem>>) dst(%dma_wait3A_316 : memref<16x2048xf32, #tpu.memory_space<hbm>>)
    %dma_wait3A_317 = arith.constant 0 : i32
    %dma_wait3A_318 = tpu.memref_slice %arg4[%add3A_308, %dma_wait3A_317] : memref<8192x2048xf32, #tpu.memory_space<hbm>> -> memref<16x2048xf32, #tpu.memory_space<hbm>>
    %dma_wait3A_319 = arith.constant 0 : i32
    %dma_wait3A_320 = tpu.memref_slice %arg4[%add3A_308, %dma_wait3A_319] : memref<8192x2048xf32, #tpu.memory_space<hbm>> -> memref<16x2048xf32, #tpu.memory_space<hbm>>
    tpu.wait_dma2 semaphore(%arg11 : memref<!tpu.dma_semaphore, #tpu.memory_space<semaphore_mem>>) src(%arg7 : memref<16x2048xf32, #tpu.memory_space<vmem>>) dst(%dma_wait3A_320 : memref<16x2048xf32, #tpu.memory_space<hbm>>)
    return
  }
}

module attributes {stable_mosaic.version = 14 : i64} {
  func.func @_router_body(%arg0: i32, %arg1: memref<512x2048xf32, #tpu.memory_space<vmem>>, %arg2: memref<8x2048xf32, #tpu.memory_space<vmem>>, %arg3: memref<512x2xi32, #tpu.memory_space<vmem>>, %arg4: memref<512x2xf32, #tpu.memory_space<vmem>>) attributes {dimension_semantics = [#tpu.dimension_semantics<arbitrary>], iteration_bounds = array<i64: 8>, scalar_prefetch = 0 : i64, scratch_operands = 0 : i64, tpu.core_type = #tpu.core_type<tc>, window_params = [{transform_indices = @transform_0, window_bounds = array<i64: 512, 2048>}, {pipeline_mode = #tpu.pipeline_mode<synchronous>, transform_indices = @transform_1, window_bounds = array<i64: 8, 2048>}, {transform_indices = @transform_2, window_bounds = array<i64: 512, 2>}, {transform_indices = @transform_3, window_bounds = array<i64: 512, 2>}]} {
    %get3A = arith.constant 0 : index
    %get3A_0 = arith.constant 0 : index
    %get3A_1 = vector.load %arg1[%get3A, %get3A_0] : memref<512x2048xf32, #tpu.memory_space<vmem>>, vector<512x2048xf32>
    %get3A_2 = arith.constant 0 : index
    %get3A_3 = arith.constant 0 : index
    %get3A_4 = vector.load %arg2[%get3A_2, %get3A_3] : memref<8x2048xf32, #tpu.memory_space<vmem>>, vector<8x2048xf32>
    %dot_general3A = arith.constant dense<0.000000e+00> : vector<512x8xf32>
    %dot_general3A_5 = tpu.matmul %get3A_1, %get3A_4, %dot_general3A {dimension_numbers = #tpu.dot_dimension_numbers<[1], [1], [0], [0], [0, 0, 1, 0], [], []>, transpose_lhs_hint = false} : vector<512x2048xf32>, vector<8x2048xf32>, vector<512x8xf32> -> vector<512x8xf32>
    %reduce_max3A = arith.constant dense<0xFF800000> : vector<512xf32>
    %reduce_max3A_6 = vector.multi_reduction <maximumf>, %dot_general3A_5, %reduce_max3A [1] : vector<512x8xf32> to vector<512xf32>
    %broadcast_in_dim3A = vector.shape_cast %reduce_max3A_6 : vector<512xf32> to vector<512x1xf32>
    %sub3A = vector.broadcast %broadcast_in_dim3A : vector<512x1xf32> to vector<512x8xf32>
    %sub3A_7 = arith.subf %dot_general3A_5, %sub3A : vector<512x8xf32>
    %exp3A = math.exp %sub3A_7 : vector<512x8xf32>
    %reduce_sum3A = arith.constant dense<0.000000e+00> : vector<512xf32>
    %reduce_sum3A_8 = vector.multi_reduction <add>, %exp3A, %reduce_sum3A [1] : vector<512x8xf32> to vector<512xf32>
    %broadcast_in_dim3A_9 = vector.shape_cast %reduce_sum3A_8 : vector<512xf32> to vector<512x1xf32>
    %div3A = vector.broadcast %broadcast_in_dim3A_9 : vector<512x1xf32> to vector<512x8xf32>
    %div3A_10 = arith.divf %exp3A, %div3A : vector<512x8xf32>
    %iota3A = tpu.iota {dimensions = array<i32: 1>} : vector<512x8xi32>
    %reduce_max3A_11 = arith.constant dense<0xFF800000> : vector<512xf32>
    %reduce_max3A_12 = vector.multi_reduction <maximumf>, %div3A_10, %reduce_max3A_11 [1] : vector<512x8xf32> to vector<512xf32>
    %broadcast_in_dim3A_13 = vector.shape_cast %reduce_max3A_12 : vector<512xf32> to vector<512x1xf32>
    %ge3A = vector.broadcast %broadcast_in_dim3A_13 : vector<512x1xf32> to vector<512x8xf32>
    %ge3A_14 = arith.cmpf oge, %div3A_10, %ge3A : vector<512x8xf32>
    %jit3A = arith.constant 8 : i32
    %broadcast_in_dim3A_15 = vector.broadcast %jit3A : i32 to vector<512x8xi32>
    %select_n3A = arith.select %ge3A_14, %iota3A, %broadcast_in_dim3A_15 : vector<512x8xi1>, vector<512x8xi32>
    %reduce_min3A = arith.constant dense<2147483647> : vector<512xi32>
    %reduce_min3A_16 = vector.multi_reduction <minsi>, %select_n3A, %reduce_min3A [1] : vector<512x8xi32> to vector<512xi32>
    %broadcast_in_dim3A_17 = vector.shape_cast %reduce_min3A_16 : vector<512xi32> to vector<512x1xi32>
    %eq3A = vector.broadcast %broadcast_in_dim3A_17 : vector<512x1xi32> to vector<512x8xi32>
    %eq3A_18 = arith.cmpi eq, %iota3A, %eq3A : vector<512x8xi32>
    %jit3A_19 = arith.constant -1.000000e+00 : f32
    %broadcast_in_dim3A_20 = vector.broadcast %jit3A_19 : f32 to vector<512x8xf32>
    %select_n3A_21 = arith.select %eq3A_18, %broadcast_in_dim3A_20, %div3A_10 : vector<512x8xi1>, vector<512x8xf32>
    %reduce_max3A_22 = arith.constant dense<0xFF800000> : vector<512xf32>
    %reduce_max3A_23 = vector.multi_reduction <maximumf>, %select_n3A_21, %reduce_max3A_22 [1] : vector<512x8xf32> to vector<512xf32>
    %broadcast_in_dim3A_24 = vector.shape_cast %reduce_max3A_23 : vector<512xf32> to vector<512x1xf32>
    %ge3A_25 = vector.broadcast %broadcast_in_dim3A_24 : vector<512x1xf32> to vector<512x8xf32>
    %ge3A_26 = arith.cmpf oge, %select_n3A_21, %ge3A_25 : vector<512x8xf32>
    %jit3A_27 = arith.constant 8 : i32
    %broadcast_in_dim3A_28 = vector.broadcast %jit3A_27 : i32 to vector<512x8xi32>
    %select_n3A_29 = arith.select %ge3A_26, %iota3A, %broadcast_in_dim3A_28 : vector<512x8xi1>, vector<512x8xi32>
    %reduce_min3A_30 = arith.constant dense<2147483647> : vector<512xi32>
    %reduce_min3A_31 = vector.multi_reduction <minsi>, %select_n3A_29, %reduce_min3A_30 [1] : vector<512x8xi32> to vector<512xi32>
    %add3A = arith.addf %reduce_max3A_12, %reduce_max3A_23 : vector<512xf32>
    %broadcast_in_dim3A_32 = vector.shape_cast %reduce_min3A_16 : vector<512xi32> to vector<512x1xi32>
    %broadcast_in_dim3A_33 = vector.shape_cast %reduce_min3A_31 : vector<512xi32> to vector<512x1xi32>
    %concatenate3A = tpu.concatenate %broadcast_in_dim3A_32, %broadcast_in_dim3A_33 in 1 : vector<512x1xi32>, vector<512x1xi32> -> vector<512x2xi32>
    %swap3A = arith.constant 0 : index
    %swap3A_34 = arith.constant 0 : index
    %swap3A_35 = vector.load %arg3[%swap3A, %swap3A_34] : memref<512x2xi32, #tpu.memory_space<vmem>>, vector<512x2xi32>
    tpu.vector_store %arg3[%swap3A, %swap3A_34], %concatenate3A {strides = array<i32>} : memref<512x2xi32, #tpu.memory_space<vmem>>, vector<512x2xi32>,
    %div3A_36 = arith.divf %reduce_max3A_12, %add3A : vector<512xf32>
    %broadcast_in_dim3A_37 = vector.shape_cast %div3A_36 : vector<512xf32> to vector<512x1xf32>
    %div3A_38 = arith.divf %reduce_max3A_23, %add3A : vector<512xf32>
    %broadcast_in_dim3A_39 = vector.shape_cast %div3A_38 : vector<512xf32> to vector<512x1xf32>
    %concatenate3A_40 = tpu.concatenate %broadcast_in_dim3A_37, %broadcast_in_dim3A_39 in 1 : vector<512x1xf32>, vector<512x1xf32> -> vector<512x2xf32>
    %swap3A_41 = arith.constant 0 : index
    %swap3A_42 = arith.constant 0 : index
    %swap3A_43 = vector.load %arg4[%swap3A_41, %swap3A_42] : memref<512x2xf32, #tpu.memory_space<vmem>>, vector<512x2xf32>
    tpu.vector_store %arg4[%swap3A_41, %swap3A_42], %concatenate3A_40 {strides = array<i32>} : memref<512x2xf32, #tpu.memory_space<vmem>>, vector<512x2xf32>,
    return
  }
  func.func @transform_0(%arg0: i32) -> (i32, i32) {
    %c0_i32 = arith.constant 0 : i32
    %c0_i32_0 = arith.constant 0 : i32
    return %arg0, %c0_i32 : i32, i32
  }
  func.func @transform_1(%arg0: i32) -> (i32, i32) {
    %c0_i32 = arith.constant 0 : i32
    %c0_i32_0 = arith.constant 0 : i32
    %c0_i32_1 = arith.constant 0 : i32
    return %c0_i32, %c0_i32_0 : i32, i32
  }
  func.func @transform_2(%arg0: i32) -> (i32, i32) {
    %c0_i32 = arith.constant 0 : i32
    %c0_i32_0 = arith.constant 0 : i32
    return %arg0, %c0_i32 : i32, i32
  }
  func.func @transform_3(%arg0: i32) -> (i32, i32) {
    %c0_i32 = arith.constant 0 : i32
    %c0_i32_0 = arith.constant 0 : i32
    return %arg0, %c0_i32 : i32, i32
  }
}

module attributes {stable_mosaic.version = 14 : i64} {
  func.func @_ffn_body(%arg0: i32, %arg1: i32, %arg2: memref<24xi32, #tpu.memory_space<smem>>, %arg3: memref<1xi32, #tpu.memory_space<smem>>, %arg4: memref<512x2048xf32, #tpu.memory_space<vmem>>, %arg5: memref<1x512x2048xf32, #tpu.memory_space<vmem>>, %arg6: memref<1x512x2048xf32, #tpu.memory_space<vmem>>, %arg7: memref<1x2048x512xf32, #tpu.memory_space<vmem>>, %arg8: memref<512x2048xf32, #tpu.memory_space<vmem>>, %arg9: memref<512x2048xf32, #tpu.memory_space<vmem>>) attributes {dimension_semantics = [#tpu.dimension_semantics<arbitrary>, #tpu.dimension_semantics<arbitrary>], iteration_bounds = array<i64: 24, 8>, scalar_prefetch = 2 : i64, scratch_operands = 1 : i64, tpu.core_type = #tpu.core_type<tc>, window_params = [{transform_indices = @transform_0, window_bounds = array<i64: 512, 2048>}, {transform_indices = @transform_1, window_bounds = array<i64: 1, 512, 2048>}, {transform_indices = @transform_2, window_bounds = array<i64: 1, 512, 2048>}, {transform_indices = @transform_3, window_bounds = array<i64: 1, 2048, 512>}, {transform_indices = @transform_4, window_bounds = array<i64: 512, 2048>}]} {
    %get3A = arith.constant 0 : index
    %get3A_0 = memref.load %arg3[%get3A] : memref<1xi32, #tpu.memory_space<smem>>
    %lt3A = arith.cmpi slt, %arg0, %get3A_0 : i32
    %convert_element_type3A = arith.extui %lt3A : i1 to i32
    %cond3A = arith.constant 0 : i32
    %cond3A_1 = arith.cmpi ne, %convert_element_type3A, %cond3A : i32
    scf.if %cond3A_1 {
      %get3A_2 = arith.constant 0 : index
      %get3A_3 = arith.constant 0 : index
      %get3A_4 = vector.load %arg4[%get3A_2, %get3A_3] : memref<512x2048xf32, #tpu.memory_space<vmem>>, vector<512x2048xf32>
      %get3A_5 = arith.constant 0 : index
      %get3A_6 = arith.constant 0 : index
      %get3A_7 = arith.constant 0 : index
      %get3A_8 = vector.load %arg5[%get3A_5, %get3A_6, %get3A_7] : memref<1x512x2048xf32, #tpu.memory_space<vmem>>, vector<1x512x2048xf32>
      %get3A_9 = vector.shape_cast %get3A_8 : vector<1x512x2048xf32> to vector<512x2048xf32>
      %dot_general3A = arith.constant dense<0.000000e+00> : vector<512x512xf32>
      %dot_general3A_10 = tpu.matmul %get3A_4, %get3A_9, %dot_general3A {dimension_numbers = #tpu.dot_dimension_numbers<[1], [1], [0], [0], [0, 0, 1, 0], [], []>, transpose_lhs_hint = false} : vector<512x2048xf32>, vector<512x2048xf32>, vector<512x512xf32> -> vector<512x512xf32>
      %get3A_11 = arith.constant 0 : index
      %get3A_12 = arith.constant 0 : index
      %get3A_13 = arith.constant 0 : index
      %get3A_14 = vector.load %arg6[%get3A_11, %get3A_12, %get3A_13] : memref<1x512x2048xf32, #tpu.memory_space<vmem>>, vector<1x512x2048xf32>
      %get3A_15 = vector.shape_cast %get3A_14 : vector<1x512x2048xf32> to vector<512x2048xf32>
      %dot_general3A_16 = arith.constant dense<0.000000e+00> : vector<512x512xf32>
      %dot_general3A_17 = tpu.matmul %get3A_4, %get3A_15, %dot_general3A_16 {dimension_numbers = #tpu.dot_dimension_numbers<[1], [1], [0], [0], [0, 0, 1, 0], [], []>, transpose_lhs_hint = false} : vector<512x2048xf32>, vector<512x2048xf32>, vector<512x512xf32> -> vector<512x512xf32>
      %logistic3A = arith.negf %dot_general3A_10 : vector<512x512xf32>
      %logistic3A_18 = math.exp %logistic3A : vector<512x512xf32>
      %logistic3A_19 = arith.constant 1.000000e+00 : f32
      %logistic3A_20 = vector.broadcast %logistic3A_19 : f32 to vector<512x512xf32>
      %logistic3A_21 = arith.addf %logistic3A_20, %logistic3A_18 : vector<512x512xf32>
      %logistic3A_22 = arith.divf %logistic3A_20, %logistic3A_21 : vector<512x512xf32>
      %mul3A = arith.mulf %dot_general3A_10, %logistic3A_22 : vector<512x512xf32>
      %mul3A_23 = arith.mulf %mul3A, %dot_general3A_17 : vector<512x512xf32>
      %get3A_24 = arith.constant 0 : index
      %get3A_25 = arith.constant 0 : index
      %get3A_26 = arith.constant 0 : index
      %get3A_27 = vector.load %arg7[%get3A_24, %get3A_25, %get3A_26] : memref<1x2048x512xf32, #tpu.memory_space<vmem>>, vector<1x2048x512xf32>
      %get3A_28 = vector.shape_cast %get3A_27 : vector<1x2048x512xf32> to vector<2048x512xf32>
      %dot_general3A_29 = arith.constant dense<0.000000e+00> : vector<512x2048xf32>
      %dot_general3A_30 = tpu.matmul %mul3A_23, %get3A_28, %dot_general3A_29 {dimension_numbers = #tpu.dot_dimension_numbers<[1], [1], [0], [0], [0, 0, 1, 0], [], []>, transpose_lhs_hint = false} : vector<512x512xf32>, vector<2048x512xf32>, vector<512x2048xf32> -> vector<512x2048xf32>
      %eq3A = arith.constant 0 : i32
      %eq3A_31 = arith.cmpi eq, %arg1, %eq3A : i32
      %convert_element_type3A_32 = arith.extui %eq3A_31 : i1 to i32
      %cond3A_33 = arith.constant 0 : i32
      %cond3A_34 = arith.cmpi ne, %convert_element_type3A_32, %cond3A_33 : i32
      scf.if %cond3A_34 {
        %swap3A = arith.constant 0 : index
        %swap3A_44 = arith.constant 0 : index
        %swap3A_45 = vector.load %arg9[%swap3A, %swap3A_44] : memref<512x2048xf32, #tpu.memory_space<vmem>>, vector<512x2048xf32>
        tpu.vector_store %arg9[%swap3A, %swap3A_44], %dot_general3A_30 {strides = array<i32>} : memref<512x2048xf32, #tpu.memory_space<vmem>>, vector<512x2048xf32>,
      } else {
      }
      %gt3A = arith.constant 0 : i32
      %gt3A_35 = arith.cmpi sgt, %arg1, %gt3A : i32
      %convert_element_type3A_36 = arith.extui %gt3A_35 : i1 to i32
      %cond3A_37 = arith.constant 0 : i32
      %cond3A_38 = arith.cmpi ne, %convert_element_type3A_36, %cond3A_37 : i32
      scf.if %cond3A_38 {
        %get3A_44 = arith.constant 0 : index
        %get3A_45 = arith.constant 0 : index
        %get3A_46 = vector.load %arg9[%get3A_44, %get3A_45] : memref<512x2048xf32, #tpu.memory_space<vmem>>, vector<512x2048xf32>
        %add3A = arith.addf %get3A_46, %dot_general3A_30 : vector<512x2048xf32>
        %swap3A = arith.constant 0 : index
        %swap3A_47 = arith.constant 0 : index
        %swap3A_48 = vector.load %arg9[%swap3A, %swap3A_47] : memref<512x2048xf32, #tpu.memory_space<vmem>>, vector<512x2048xf32>
        tpu.vector_store %arg9[%swap3A, %swap3A_47], %add3A {strides = array<i32>} : memref<512x2048xf32, #tpu.memory_space<vmem>>, vector<512x2048xf32>,
      } else {
      }
      %eq3A_39 = arith.constant 7 : i32
      %eq3A_40 = arith.cmpi eq, %arg1, %eq3A_39 : i32
      %convert_element_type3A_41 = arith.extui %eq3A_40 : i1 to i32
      %cond3A_42 = arith.constant 0 : i32
      %cond3A_43 = arith.cmpi ne, %convert_element_type3A_41, %cond3A_42 : i32
      scf.if %cond3A_43 {
        %get3A_44 = arith.constant 0 : index
        %get3A_45 = arith.constant 0 : index
        %get3A_46 = vector.load %arg9[%get3A_44, %get3A_45] : memref<512x2048xf32, #tpu.memory_space<vmem>>, vector<512x2048xf32>
        %swap3A = arith.constant 0 : index
        %swap3A_47 = arith.constant 0 : index
        %swap3A_48 = vector.load %arg8[%swap3A, %swap3A_47] : memref<512x2048xf32, #tpu.memory_space<vmem>>, vector<512x2048xf32>
        tpu.vector_store %arg8[%swap3A, %swap3A_47], %get3A_46 {strides = array<i32>} : memref<512x2048xf32, #tpu.memory_space<vmem>>, vector<512x2048xf32>,
      } else {
      }
    } else {
    }
    return
  }
  func.func @transform_0(%arg0: i32, %arg1: i32, %arg2: memref<24xi32, #tpu.memory_space<smem>>, %arg3: memref<1xi32, #tpu.memory_space<smem>>) -> (i32, i32) {
    %get3A = arith.constant 0 : index
    %get3A_0 = memref.load %arg3[%get3A] : memref<1xi32, #tpu.memory_space<smem>>
    %sub3A = arith.constant 1 : i32
    %sub3A_1 = arith.subi %get3A_0, %sub3A : i32
    %min3A = arith.minsi %arg0, %sub3A_1 : i32
    %c0_i32 = arith.constant 0 : i32
    %c0_i32_2 = arith.constant 0 : i32
    return %min3A, %c0_i32 : i32, i32
  }
  func.func @transform_1(%arg0: i32, %arg1: i32, %arg2: memref<24xi32, #tpu.memory_space<smem>>, %arg3: memref<1xi32, #tpu.memory_space<smem>>) -> (i32, i32, i32) {
    %get3A = arith.index_cast %arg0 : i32 to index
    %get3A_0 = memref.load %arg2[%get3A] : memref<24xi32, #tpu.memory_space<smem>>
    %get3A_1 = arith.constant 0 : index
    %get3A_2 = memref.load %arg3[%get3A_1] : memref<1xi32, #tpu.memory_space<smem>>
    %lt3A = arith.cmpi slt, %arg0, %get3A_2 : i32
    %jit3A = arith.constant 7 : i32
    %select_n3A = arith.select %lt3A, %arg1, %jit3A : i32
    %c0_i32 = arith.constant 0 : i32
    %c0_i32_3 = arith.constant 0 : i32
    return %get3A_0, %select_n3A, %c0_i32 : i32, i32, i32
  }
  func.func @transform_2(%arg0: i32, %arg1: i32, %arg2: memref<24xi32, #tpu.memory_space<smem>>, %arg3: memref<1xi32, #tpu.memory_space<smem>>) -> (i32, i32, i32) {
    %get3A = arith.index_cast %arg0 : i32 to index
    %get3A_0 = memref.load %arg2[%get3A] : memref<24xi32, #tpu.memory_space<smem>>
    %get3A_1 = arith.constant 0 : index
    %get3A_2 = memref.load %arg3[%get3A_1] : memref<1xi32, #tpu.memory_space<smem>>
    %lt3A = arith.cmpi slt, %arg0, %get3A_2 : i32
    %jit3A = arith.constant 7 : i32
    %select_n3A = arith.select %lt3A, %arg1, %jit3A : i32
    %c0_i32 = arith.constant 0 : i32
    %c0_i32_3 = arith.constant 0 : i32
    return %get3A_0, %select_n3A, %c0_i32 : i32, i32, i32
  }
  func.func @transform_3(%arg0: i32, %arg1: i32, %arg2: memref<24xi32, #tpu.memory_space<smem>>, %arg3: memref<1xi32, #tpu.memory_space<smem>>) -> (i32, i32, i32) {
    %get3A = arith.index_cast %arg0 : i32 to index
    %get3A_0 = memref.load %arg2[%get3A] : memref<24xi32, #tpu.memory_space<smem>>
    %get3A_1 = arith.constant 0 : index
    %get3A_2 = memref.load %arg3[%get3A_1] : memref<1xi32, #tpu.memory_space<smem>>
    %lt3A = arith.cmpi slt, %arg0, %get3A_2 : i32
    %jit3A = arith.constant 7 : i32
    %select_n3A = arith.select %lt3A, %arg1, %jit3A : i32
    %c0_i32 = arith.constant 0 : i32
    %c0_i32_3 = arith.constant 0 : i32
    return %get3A_0, %c0_i32, %select_n3A : i32, i32, i32
  }
  func.func @transform_4(%arg0: i32, %arg1: i32, %arg2: memref<24xi32, #tpu.memory_space<smem>>, %arg3: memref<1xi32, #tpu.memory_space<smem>>) -> (i32, i32) {
    %c0_i32 = arith.constant 0 : i32
    %c0_i32_0 = arith.constant 0 : i32
    return %arg0, %c0_i32 : i32, i32
  }
}

module attributes {stable_mosaic.version = 14 : i64} {
  func.func @_combine_body(%arg0: i32, %arg1: memref<512x4096xf32, #tpu.memory_space<vmem>>, %arg2: memref<512x2xf32, #tpu.memory_space<vmem>>, %arg3: memref<512x2048xf32, #tpu.memory_space<vmem>>) attributes {dimension_semantics = [#tpu.dimension_semantics<arbitrary>], iteration_bounds = array<i64: 8>, scalar_prefetch = 0 : i64, scratch_operands = 0 : i64, tpu.core_type = #tpu.core_type<tc>, window_params = [{transform_indices = @transform_0, window_bounds = array<i64: 512, 4096>}, {transform_indices = @transform_1, window_bounds = array<i64: 512, 2>}, {transform_indices = @transform_2, window_bounds = array<i64: 512, 2048>}]} {
    %get3A = arith.constant 0 : index
    %get3A_0 = arith.constant 0 : index
    %get3A_1 = vector.load %arg2[%get3A, %get3A_0] : memref<512x2xf32, #tpu.memory_space<vmem>>, vector<512x1xf32>
    %get3A_2 = arith.constant 0 : index
    %get3A_3 = arith.constant 1 : index
    %get3A_4 = vector.load %arg2[%get3A_2, %get3A_3] : memref<512x2xf32, #tpu.memory_space<vmem>>, vector<512x1xf32>
    %get3A_5 = arith.constant 0 : index
    %get3A_6 = arith.constant 0 : index
    %get3A_7 = vector.load %arg1[%get3A_5, %get3A_6] : memref<512x4096xf32, #tpu.memory_space<vmem>>, vector<512x2048xf32>
    %mul3A = vector.broadcast %get3A_1 : vector<512x1xf32> to vector<512x2048xf32>
    %mul3A_8 = arith.mulf %get3A_7, %mul3A : vector<512x2048xf32>
    %get3A_9 = arith.constant 0 : index
    %get3A_10 = arith.constant 2048 : index
    %get3A_11 = vector.load %arg1[%get3A_9, %get3A_10] : memref<512x4096xf32, #tpu.memory_space<vmem>>, vector<512x2048xf32>
    %mul3A_12 = vector.broadcast %get3A_4 : vector<512x1xf32> to vector<512x2048xf32>
    %mul3A_13 = arith.mulf %get3A_11, %mul3A_12 : vector<512x2048xf32>
    %add3A = arith.addf %mul3A_8, %mul3A_13 : vector<512x2048xf32>
    %swap3A = arith.constant 0 : index
    %swap3A_14 = arith.constant 0 : index
    %swap3A_15 = vector.load %arg3[%swap3A, %swap3A_14] : memref<512x2048xf32, #tpu.memory_space<vmem>>, vector<512x2048xf32>
    tpu.vector_store %arg3[%swap3A, %swap3A_14], %add3A {strides = array<i32>} : memref<512x2048xf32, #tpu.memory_space<vmem>>, vector<512x2048xf32>,
    return
  }
  func.func @transform_0(%arg0: i32) -> (i32, i32) {
    %c0_i32 = arith.constant 0 : i32
    %c0_i32_0 = arith.constant 0 : i32
    return %arg0, %c0_i32 : i32, i32
  }
  func.func @transform_1(%arg0: i32) -> (i32, i32) {
    %c0_i32 = arith.constant 0 : i32
    %c0_i32_0 = arith.constant 0 : i32
    return %arg0, %c0_i32 : i32, i32
  }
  func.func @transform_2(%arg0: i32) -> (i32, i32) {
    %c0_i32 = arith.constant 0 : i32
    %c0_i32_0 = arith.constant 0 : i32
    return %arg0, %c0_i32 : i32, i32
  }
}

</mosaic_0001>

<sc_bundles>
// kernel: gather_offload_async_start
scs
__scs_entry_jumppad:
0x0: {  	(pc) =	sbr.rel $0x88, $3  }
0x1: {  	(tag) =	ssettag $0x0;
	lr =	simm.s32 $0x1  }
0x2: {  	[smem:$0x3F9C] =	sst lr;
	_ =	strace $0xD0000000  }
0x3: {  	_ = 	snop  }
0x4: {  	_ = 	snop  }
0x5: {  	_ = 	snop  }
0x6: {  	_ = 	snop  }
0x7: {  	_ = 	snop  }
__scs_overlays_trampoline_lowered:
0x8: {  	[smem:$0x3FAB] =	sst s0  }
0x9: {  	[smem:$0x3FAC] =	sst s1  }
0xa: {  	[smem:$0x3FAD] =	sst s2  }
0xb: {  	[smem:$0x3FAE] =	sst s3  }
0xc: {  	[smem:$0x3FAF] =	sst s4  }
0xd: {  	[smem:$0x3FB0] =	sst s5  }
0xe: {  	[smem:$0x3FB1] =	sst s6  }
0xf: {  	[smem:$0x3FB2] =	sst s7  }
0x10: {  	[smem:$0x3FB3] =	sst s8  }
0x11: {  	[smem:$0x3FB4] =	sst s9;
	s0 =	simm.s32 @!p0 $0x0  }
0x12: {  	s1 =	sld [smem:$0x3F9A];
	s0 =	simm.s32 @p0 $0x1  }
0x13: {  	[smem:$0x3FB5] =	sst s0;
	s0 =	simm.s32 @!p1 $0x0  }
0x14: {  	s2 =	sld [smem:$0x3F99];
	s0 =	simm.s32 @p1 $0x1  }
0x15: {  	[smem:$0x3FB6] =	sst s0;
	s0 =	simm.s32 @!p2 $0x0  }
0x16: {  	s3 =	sld [smem:$0x3FDB];
	s0 =	simm.s32 @p2 $0x1  }
0x17: {  	s4 =	simm.s32 $0x1BF5;
	[smem:$0x3FB8] =	sst s0  }
0x18: {  	s0 =	sld [smem:$0x3F9B];
	_ =	swait.ge [sflag:s4], $0x0  }
0x19: {  	s7 =	sld [smem:$0x3F9C]  }
0x1a: {  	s8 =	sadd.s32 $0xFFFFE003, lr  }
0x1b: {  	s9 =	sadd.s32 $0xFFFFFEF7, lr;
	s5 =	simm.s32 $0xFFFFFFFF;
	p2 =	slt.u32 s8, $0xFFFFF086  }
0x1c: {  	p1 =	slt.u32 s9, $0xF7A;
	s5 =	simm.s32 @!p2 $0x0  }
0x1d: {  	s5 =	simm.s32 @p1 $0x1;
	p0 =	seq.s32 s7, s2  }
0x1e: {  	s7 =	smul.u32 @!p0 $0xF7A, s2;
	p2 =	seq.s32 @!p0 s5, $0x0  }
0x1f: {  	s9 =	smul.u32 $0xF7A, s1;
	s8 =	simm.s32 @!p0 $0x1BF5;
	p2 =	por !p2, p0  }
0x20: {  	[sflag:s8] =	ssyncset.s32 @!p0 $0xFFFFF086;
	s6 =	sadd.s32 @!p0 s3, s7;
	s7 =	simm.s32 @!p0 $0x108  }
0x21: {  	s3 =	sadd.s32 s3, s9;
	s6 =	sadd.s32 @!p0 $0x88, s6;
	s7 =	simm.s32 @p2 $0x1082  }
0x22: {  	[simem:s7], [sflag:s8] =	dma.local @!p0 [hbm:s6], $0xF7A  }
0x23: {  	s9 =	sor.u32 $0xD0000000, s2;
	s6 =	simm.s32 $0x108;
	_ =	swait.ge @!p0 [sflag:s8], $0x0  }
0x24: {  	s3 =	sadd.s32 $0x88, s3;
	s6 =	simm.s32 @!p1 $0x1082;
	[sflag:s4] =	ssyncset.s32 $0xFFFFF086  }
0x25: {  	[simem:s6], [sflag:s4] =	dma.local [hbm:s3], $0xF7A  }
0x26: {  	[smem:$0x3F9C] =	sst s1;
	(tag) =	ssettag s2;
	_ =	strace s9  }
0x27: {  	s1 =	sld [smem:$0x3FAC]  }
0x28: {  	s2 =	sld [smem:$0x3FAD]  }
0x29: {  	s4 =	sld [smem:$0x3FAF]  }
0x2a: {  	p0 =	seq.s32 s5, $0x0;
	s5 =	sld [smem:$0x3FB0]  }
0x2b: {  	s6 =	sld [smem:$0x3FB1]  }
0x2c: {  	s7 =	sld [smem:$0x3FB2]  }
0x2d: {  	s3 =	simm.s32 $0x108;
	s8 =	sld [smem:$0x3FB3]  }
0x2e: {  	s3 =	simm.s32 @!p0 $0x1082;
	s9 =	sld [smem:$0x3FB4]  }
0x2f: {  	lr =	sadd.s32 s0, s3;
	s0 =	sld [smem:$0x3FAB]  }
0x30: {  	s3 =	sld [smem:$0x3FAE]  }
0x31: {  	[smem:$0x3FB7] =	sst s10  }
0x32: {  	s10 =	sld [smem:$0x3FB5];
	_ =	sdelay $0x3  }
0x33: {  	p0 =	seq.s32 s10, $0x1;
	s10 =	sld [smem:$0x3FB7];
	_ =	sdelay $0x3  }
0x34: {  	[smem:$0x3FB7] =	sst s10  }
0x35: {  	s10 =	sld [smem:$0x3FB6];
	_ =	sdelay $0x3  }
0x36: {  	p1 =	seq.s32 s10, $0x1;
	s10 =	sld [smem:$0x3FB7];
	_ =	sdelay $0x3  }
0x37: {  	[smem:$0x3FB7] =	sst s10  }
0x38: {  	s10 =	sld [smem:$0x3FB8]  }
0x39: {  	_ = 	snop;
	(pc) =	sbr.ind lr, $3  }
0x3a: {  	_ = 	snop  }
0x3b: {  	_ = 	snop  }
0x3c: {  	p2 =	seq.s32 s10, $0x1;
	s10 =	sld [smem:$0x3FB7]  }
0x3d: {  	_ =	shalt  }
0x3e: {  	_ =	shalt  }
0x3f: {  	_ =	shalt  }
0x40: {  	_ =	shalt  }
0x41: {  	_ =	shalt  }
0x42: {  	_ =	shalt  }
0x43: {  	_ =	shalt  }
0x44: {  	_ =	shalt  }
0x45: {  	_ =	shalt  }
0x46: {  	_ =	shalt  }
0x47: {  	_ =	shalt  }
0x48: {  	_ =	shalt  }
0x49: {  	_ =	shalt  }
0x4a: {  	_ =	shalt  }
0x4b: {  	_ =	shalt  }
0x4c: {  	_ =	shalt  }
0x4d: {  	_ =	shalt  }
0x4e: {  	_ =	shalt  }
0x4f: {  	_ =	shalt  }
0x50: {  	_ =	shalt  }
0x51: {  	_ =	shalt  }
0x52: {  	_ =	shalt  }
0x53: {  	_ =	shalt  }
0x54: {  	_ =	shalt  }
0x55: {  	_ =	shalt  }
0x56: {  	_ =	shalt  }
0x57: {  	_ =	shalt  }
0x58: {  	_ =	shalt  }
0x59: {  	_ =	shalt  }
0x5a: {  	_ =	shalt  }
0x5b: {  	_ =	shalt  }
0x5c: {  	_ =	shalt  }
0x5d: {  	_ =	shalt  }
0x5e: {  	_ =	shalt  }
0x5f: {  	_ =	shalt  }
0x60: {  	_ =	shalt  }
0x61: {  	_ =	shalt  }
0x62: {  	_ =	shalt  }
0x63: {  	_ =	shalt  }
0x64: {  	_ =	shalt  }
0x65: {  	_ =	shalt  }
0x66: {  	_ =	shalt  }
0x67: {  	_ =	shalt  }
0x68: {  	_ =	shalt  }
0x69: {  	_ =	shalt  }
0x6a: {  	_ =	shalt  }
0x6b: {  	_ =	shalt  }
0x6c: {  	_ =	shalt  }
0x6d: {  	_ =	shalt  }
0x6e: {  	_ =	shalt  }
0x6f: {  	_ =	shalt  }
0x70: {  	_ =	shalt  }
0x71: {  	_ =	shalt  }
0x72: {  	_ =	shalt  }
0x73: {  	_ =	shalt  }
0x74: {  	_ =	shalt  }
0x75: {  	_ =	shalt  }
0x76: {  	_ =	shalt  }
0x77: {  	_ =	shalt  }
0x78: {  	_ =	shalt  }
0x79: {  	_ =	shalt  }
0x7a: {  	_ =	shalt  }
0x7b: {  	_ =	shalt  }
0x7c: {  	_ =	shalt  }
0x7d: {  	_ =	shalt  }
0x7e: {  	_ =	shalt  }
0x7f: {  	_ =	shalt  }
0x80: {  	_ =	shalt  }
0x81: {  	_ =	shalt  }
0x82: {  	_ =	shalt  }
0x83: {  	_ =	shalt  }
0x84: {  	_ =	shalt  }
0x85: {  	_ =	shalt  }
0x86: {  	_ =	shalt  }
0x87: {  	_ =	shalt  }
.Lfunc_end0:
.L_simem_size_0:
called_computation_lowered:
.L_overlay_start_0:
0x88: {  	s2 =	sld [smem:$0x3FD9]  }
0x89: {  	s3 =	sld [smem:$0x3FFE];
	_ =	sdelay $0x1  }
0x8a: {  	s1 =	srdreg.scid  }
0x8b: {  	s0 =	sand.u32 $0x1, s1  }
0x8c: {  	s17 =	sshll.u32 s0, $0xA;
	s2 =	sadd.s32 s3, s2  }
0x8d: {  	s2 =	sadd.s32 s2, s17  }
0x8e: {  	[smem:$0x3FC3] =	sst s2  }
0x8f: {  	_ = 	snop  }
0x90: {  	s2 =	sld [smem:$0x3FD0];
	(tm) =	ssettm $0x1  }
0x91: {  	s18 =	sld [smem:$0x3FFB];
	_ =	sdelay $0x3  }
0x92: {  	_ =	strace s18  }
0x93: {  	s3 =	sld [smem:$0x3FFC];
	_ =	sdelay $0x3  }
0x94: {  	_ =	strace s3  }
0x95: {  	s3 =	sld [smem:$0x3FFD];
	_ =	sdelay $0x3  }
0x96: {  	_ =	strace s3  }
0x97: {  	_ =	strace $0x8FFFFFFF  }
0x98: {  	s19 =	sld [smem:$0x3FDB];
	_ =	sdelay $0x1  }
0x99: {  	s4 =	simm.s32 $_scs_section_size  }
0x9a: {  	s5 =	simm.s32 $_size__tile_overlayer_lowered;
	s6 =	simm.s32 $_tile_overlayer_lowered  }
0x9b: {  	s22 =	simm.s32 $0x1BFF;
	s21 =	sshll.u32 s6, $0x1;
	s3 =	sadd.s32 s4, s19  }
0x9c: {  	s7 =	simm.s32 $0x0;
	s20 =	sshll.u32 s5, $0x1;
	s5 =	sadd.s32 s21, s3  }
0x9d: {  	[timem:s7], [sflag:s22] =	dma.local [hbm:s5], s20  }
0x9e: {  	_ =	swait.ge [sflag:s22], s20  }
0x9f: {  	s4 =	ssub.s32 $0x0, s20;
	[sflag:s22] =	ssyncset.done $0x0  }
0xa0: {  	[sflag:s22] =	ssyncadd.s32 s4;
	_ =	sdelay $0x1  }
0xa1: {  	s23 =	simm.s32 $0x1B8B  }
0xa2: {  	_ =	swait.ge [sflag:s23], $0x1  }
0xa3: {  	[sflag:s23] =	ssyncset.done $0x0  }
0xa4: {  	s25 =	simm.s32 $0x1B8E;
	s24 =	sld [smem:$0x3FFE];
	[sflag:s23] =	ssyncadd.s32 $0xFFFFFFFF  }
0xa5: {  	s26 =	simm.s32 $execute0_lowered;
	[smem:$0x3FD2] =	sst s25  }
0xa6: {  	s5 =	sshll.u32 s26, $0x1;
	_ =	strace $0x80000046;
	[dreg:$0x1] =	wrdreg $0xFFFFFFFF  }
0xa7: {  	s28 =	simm.s32 $_size_execute0_lowered;
	s3 =	sadd.s32 s3, s5;
	[dreg:$0x0] =	wrdreg $0x0  }
0xa8: {  	s5 =	sshll.u32 s28, $0x1;
	[dreg:$0x2] =	wrdreg s3  }
0xa9: {  	[dreg:$0x3] =	wrdreg s5  }
0xaa: {  	[dreg:$0x4] =	wrdreg $0xC0  }
0xab: {  	_ =	task [dreg:s7], $0x5FFFF  }
0xac: {  	[dreg:$0x1] =	wrdreg $0xFFFFFFFF  }
0xad: {  	[dreg:$0x0] =	wrdreg $0x60  }
0xae: {  	[dreg:$0x2] =	wrdreg s2  }
0xaf: {  	[dreg:$0x3] =	wrdreg s24  }
0xb0: {  	[dreg:$0x4] =	wrdreg $0x9  }
0xb1: {  	_ =	task.clear_ibuf [dreg:s7], $0x5FFFF;
	_ =	strace $0x90000046  }
0xb2: {  	s29 =	simm.s32 $0x9;
	_ =	strace $0x80000048  }
0xb3: {  	_ =	swait.ge [sflag:s29], $0x1  }
0xb4: {  	[sflag:s29] =	ssyncadd.s32 $0xFFFFFFFF  }
0xb5: {  	_ =	strace $0x90000048  }
0xb6: {  	_ =	sfence  }
0xb7: {  	s30 =	sld [smem:$0x0];
	_ =	sdelay $0x2  }
0xb8: {  	s31 =	sshll.u32 s1, $0xD;
	s1 =	sshrl.u32 s1, $0x2  }
0xb9: {  	s3 =	sand.u32 $0x4000, s31;
	s1 =	sadd.s32 s1, s30  }
0xba: {  	s0 =	sor.u32 s3, s0;
	s1 =	sshll.u32 s1, $0x11  }
0xbb: {  	s0 =	sor.u32 s1, s0  }
0xbc: {  	s0 =	sadd.s32 $0x8F2B, s0  }
0xbd: {  	[sflag:s0] =	ssyncadd.remote.s32 $0x1  }
0xbe: {  	_ =	sfence.sel $0xFFFF  }
0xbf: {  	[dreg:$0x0] =	wrdreg $0xFFFFFFFF;
	(pc) =	sbr.abs _section_cstart, $3  }
0xc0: {  	[dreg:$0x1] =	wrdreg $0xFFFFFFFF  }
0xc1: {  	_ =	task.clear_ibuf [dreg:s7], $0x2FFFF;
	_ =	strace $0x9FFFFFFF  }
0xc2: {  	(tm) =	ssettm $0x7FFFFFFF  }
0xc3: {  	_ =	shalt  }
tec
execute0_lowered:
.L_overlay_start_1:
0x0: {  	(tag) =	ssettag $0x1  }
0x1: {  	s1 =	srdreg.scid;
	s2 =	rddreg [dreg:$0x0]  }
0x2: {  	s0 =	stileid.u32;
	s5 =	rddreg [dreg:$0x1];
	s6 =	simm.s32 $0x1  }
0x3: {  	s9 =	simm.s32 $0x1;
	s10 =	simm.s32 $0x3;
	s1 =	sshll.u32 s1, $0x7  }
0x4: {  	s13 =	simm.s32 $0x0;
	s3 =	sshll.u32 s0, $0x8;
	s4 =	sand.u32 $0x80, s1  }
0x5: {  	s12 =	simm.s32 $0x0;
	s1 =	rddreg [dreg:$0x2];
	s3 =	sor.u32 s3, s4  }
0x6: {  	_ =	strace $0x80000047;
	s4 =	sadd.s32 $0x10400, s5;
	s8 =	ssub.s32 $0x2000, s3  }
.Ltmp0:
0x7: {  	s5 =	sadd.s32 $0x11A00, s5;
	s7 =	sand.u32 $0xF80, s8;
	(pc) =	sbr.rel .LBB2_1-.Ltmp0, $4  }
0x8: {  	[sflag:s6] =	ssyncpa.u1 $0x0;
	s11 =	smov.u32 s3;
	p0 =	sne.s32 s7, $0x0  }
0x9: {  	s8 =	sshrl.u32 s8, $0xC;
	s7 =	simm.s32 $0x2;
	s9 =	simm.s32 @!p0 $0x0  }
0xa: {  	[sflag:s7] =	ssyncpa.u1 $0x0;
	p0 =	por $0x0, $0x0;
	s8 =	sadd.s32 s9, s8  }
0xb: {  	vm0 =	vmmov $0xffff;
	[sflag:s10] =	ssyncpa.u1 $0x0;
	s10 =	simm.s32 $0x0;
	s9 =	sadd.s32 $0x1, s8  }
.LBB2_4:
0xc: {  	v5 =	vshrl.u32 v1, $0xD;
	v6 =	vshll.u32 v1, $0x7  }
0xd: {  	vm1 =	veq.s32 v1, $0x80000000;
	v58 =	vand.u32 $0x7, v5;
	v59 =	vand.u32 $0xFFF80, v6  }
0xe: {  	v1 =	vsel vm1, $0xFFFFFFFF, v58;
	v5 =	vsel vm1, $0xFFFFFF80, v59  }
0xf: {  	v3 =	vor.u32 v4, v3;
	v60 =	vand.u32 $0xFFFFFC00, v5;
	v61 =	vand.u32 $0xFFFFFC00, v1  }
0x10: {  	v2 =	vor.u32 v2, v3;
	v63 =	vand.u32 $0x380, v5;
	v62 =	vadd.s32 v61, v60  }
0x11: {  	v1 =	vand.u32 $0x7F, v1;
	v3 =	vor.u32 v63, v62  }
0x12: {  	v1 =	vor.u32 v1, v3  }
0x13: {  	[tilespmem:s15], [sflag:$0x1] =	stream.indirect_vreg.gather [hbm4b:s2+s10], $0x1, v0, vm0, $0x4038;
	[tilespmem:$0x200] =	vst v63  }
0x14: {  	(ifvalue) =	ssetifvalue $0x7FFFFFFF  }
0x15: {  	[tilespmem:s16], [sflag:$0x1] =	stream.indirect_vreg.gather [hbm4b:s2+s10], $0x1, v2, vm0, $0x4038;
	[tilespmem:$0x200] =	vst v63  }
0x16: {  	s29 =	sadd.s32 $0x10, s16;
	(ifvalue) =	ssetifvalue $0x7FFFFFFF  }
0x17: {  	[tilespmem:s29], [sflag:$0x1] =	stream.indirect_vreg.gather [hbm4b:s2+s10], $0x1, v1, vm0, $0x4038;
	[tilespmem:$0x200] =	vst v63  }
0x18: {  	_ =	swait.ge [sflag:s6], $0x80  }
0x19: {  	s30 =	sshrl.u32 s13, $0x3;
	[sflag:s6] =	ssyncset.done $0x0  }
0x1a: {  	s31 =	sand.u32 $0x7, s13;
	s15 =	sadd.s32 s5, s30;
	[sflag:s6] =	ssyncadd.s32 $0xFFFFFF80  }
0x1b: {  	[hbm4b:s15+s31] =	stream.linear.scatter [tilespmem:s14], [sflag:$0x3], $0x80, $0x38;
	[tilespmem:$0x200] =	vst v63  }
.LBB2_5:
0x1c: {  	s15 =	sadd.s32 $0x1000, s11  }
0x1d: {  	p2 =	sgt.s32 s15, $0x1FFF  }
0x1e: {  	s15 =	smov.u32 @p2 s3;
	p2 =	sne.s32 s12, s9  }
.Ltmp1:
0x1f: {  	p1 =	slt.u32 s12, $0x2;
	(pc) =	sbr.rel @!p2 .LBB2_6-.Ltmp1, $4  }
0x20: {  	s14 =	simm.s32 @!p1 $0x3  }
0x21: {  	s16 =	sadd.s32 $0x1, s12;
	_ =	swait.ge @!p1 [sflag:s14], $0x80  }
0x22: {  	s13 =	smov.u32 s11;
	p0 =	por !p0, !p0;
	[sflag:s14] =	ssyncset.done @!p1 $0x0  }
0x23: {  	s12 =	smov.u32 s16;
	s11 =	smov.u32 s15;
	[sflag:s14] =	ssyncadd.s32 @!p1 $0xFFFFFF80  }
.LBB2_1:
0x24: {  	p1 =	sge.u32 s12, s8  }
0x25: {  	s14 =	sxor.u32 @!p1 $0xFFFFFFFF, s12  }
0x26: {  	s31 =	sadd.s32 $0xFFFFFFFF, s12;
	s15 =	sshrl.u32 @!p1 s11, $0x3;
	s14 =	sshll.u32 @!p1 s14, $0x7  }
0x27: {  	s16 =	sand.u32 @!p1 $0x7, s11;
	s15 =	sadd.s32 @!p1 s4, s15;
	s14 =	sand.u32 @!p1 $0x80, s14  }
0x28: {  	[tilespmem:s14], [sflag:$0x2] =	stream.linear.gather @!p1 [hbm4b:s15+s16], $0x80, $0x38;
	[tilespmem:$0x200] =	vst v63  }
0x29: {  	p1 =	sge.u32 s31, s8  }
.Ltmp2:
0x2a: {  	_ = 	snop;
	(pc) =	sbr.rel @p1 .LBB2_5-.Ltmp2, $1  }
0x2b: {  	_ =	sdelay $0x3  }
0x2c: {  	s14 =	simm.s32 $0x1  }
0x2d: {  	_ =	swait.ge [sflag:s7], $0x80;
	s14 =	simm.s32 @!p0 $0x0  }
0x2e: {  	[sflag:s7] =	ssyncset.done $0x0;
	s14 =	sshll.u32 s14, $0x7  }
0x2f: {  	[sflag:s7] =	ssyncadd.s32 $0xFFFFFF80;
	(ifvalue) =	ssetifvalue $0x7FFFFFFF;
	v0 =	vld.msk [tilespmem:s14+$0x0 ss:$0x1], $0xffff;
	_ =	sdelay $0x4  }
0x30: {  	s15 =	sadd.s32 $0x10, s14;
	v2 =	vshrl.u32 v0, $0xD;
	v3 =	vshll.u32 v0, $0x7  }
0x31: {  	v1 =	vld.msk [tilespmem:s15+$0x0 ss:$0x1], $0xffff;
	vm1 =	veq.s32 v0, $0x80000000;
	v0 =	vand.u32 $0x7, v2;
	v2 =	vand.u32 $0xFFF80, v3  }
0x32: {  	v0 =	vsel vm1, $0xFFFFFFFF, v0;
	v2 =	vsel vm1, $0xFFFFFF80, v2  }
0x33: {  	v3 =	vand.u32 $0xFFFFFC00, v2;
	v4 =	vand.u32 $0xFFFFFC00, v0  }
0x34: {  	v2 =	vand.u32 $0x380, v2;
	v3 =	vadd.s32 v4, v3  }
0x35: {  	v0 =	vand.u32 $0x7F, v0;
	v2 =	vor.u32 v2, v3  }
0x36: {  	v5 =	vshll.u32 v1, $0x7;
	v4 =	vshrl.u32 v1, $0xD;
	v0 =	vor.u32 v0, v2  }
0x37: {  	s16 =	sshll.u32 s12, $0x7;
	vm1 =	veq.s32 v1, $0x80000000;
	v1 =	vand.u32 $0x7, v4;
	v4 =	vand.u32 $0xFFF80, v5  }
0x38: {  	s16 =	sand.u32 $0x80, s16;
	s18 =	sadd.s32 $0x10, s15;
	v3 =	vsel vm1, $0xFFFFFFFF, v1;
	v4 =	vsel vm1, $0xFFFFFF80, v4  }
0x39: {  	s17 =	simm.s32 $0x20;
	s15 =	sor.u32 $0x100, s14;
	s14 =	sor.u32 $0x100, s16;
	v1 =	vld.msk [tilespmem:s18+$0x0 ss:$0x1], $0xffff;
	v5 =	vand.u32 $0xFFFFFC00, v4;
	v6 =	vand.u32 $0xFFFFFC00, v3  }
0x3a: {  	s16 =	sadd.s32 $0x10, s15;
	s18 =	sadd.s32 $0x10, s18;
	(ifvalue) =	ssetifvalue $0x7FFFFFFF;
	v2 =	vand.u32 $0x7F, v3;
	v4 =	vand.u32 $0x380, v4;
	v3 =	vadd.s32 v6, v5  }
.LBB2_3:
0x3b: {  	[tilespmem:s15], [sflag:$0x1] =	stream.indirect_vreg.gather [hbm4b:s2+s10], $0x1, v0, vm0, $0x4038;
	[tilespmem:$0x200] =	vst v63  }
0x3c: {  	s17 =	sadd.s32 $0x10, s17  }
0x3d: {  	v3 =	vor.u32 v4, v3;
	p1 =	slt.u32 s17, $0x70  }
.Ltmp3:
0x3e: {  	v4 =	vshrl.u32 v1, $0xD;
	v5 =	vshll.u32 v1, $0x7;
	s15 =	smov.u32 s16;
	v0 =	vor.u32 v2, v3;
	v2 =	vmovc v1;
	v1 =	vld.msk [tilespmem:s18+$0x0 ss:$0x1], $0xffff;
	(pc) =	sbr.rel @p1 .LBB2_3-.Ltmp3, $4  }
0x3f: {  	v3 =	vand.u32 $0xFFF80, v5;
	vm1 =	veq.s32 v2, $0x80000000;
	v2 =	vand.u32 $0x7, v4  }
0x40: {  	v4 =	vsel vm1, $0xFFFFFFFF, v2;
	v5 =	vsel vm1, $0xFFFFFF80, v3  }
0x41: {  	v2 =	vand.u32 $0x7F, v4;
	v3 =	vand.u32 $0xFFFFFC00, v5;
	v4 =	vand.u32 $0xFFFFFC00, v4  }
0x42: {  	s16 =	sadd.s32 $0x10, s16;
	s18 =	sadd.s32 $0x10, s18;
	v3 =	vadd.s32 v4, v3;
	v4 =	vand.u32 $0x380, v5;
	(ifvalue) =	ssetifvalue $0x7FFFFFFF  }
.Ltmp4:
0x43: {  	_ = 	snop;
	(pc) =	sbr.rel .LBB2_4-.Ltmp4, $1  }
0x44: {  	_ =	sdelay $0x3  }
.LBB2_6:
0x45: {  	_ =	sfence.sel $0x180000  }
0x46: {  	s2 =	simm.s32 $0x2;
	[bflag:$0x0] =	sbarrier.arrive $0xFFFF  }
0x47: {  	s30 =	simm.s32 $0x3;
	[sflag:s2] =	ssyncpa.u1 $0x1  }
0x48: {  	s31 =	simm.s32 $0x1;
	[sflag:s30] =	ssyncpa.u1 $0x1  }
0x49: {  	[sflag:s31] =	ssyncpa.u1 $0x1  }
0x4a: {  	p0 =	sne.s32 s0, $0x0;
	_ =	strace $0x90000047  }
0x4b: {  	s0 =	sadd.s32 @!p0 $0x100000, s1;
	[bflag:$0x2] =	sbarrier.arrive $0xFFFF  }
0x4c: {  	[sflag:s0] =	ssyncadd.tile.s32 @!p0 $0x1;
	_ =	shalt  }
.Lfunc_end2:
_tile_overlayer_lowered:
.L_overlay_start_2:
0x4d: {  	(tag) =	ssettag $0x2  }
0x4e: {  	s0 =	rddreg [dreg:$0x0];
	s2 =	stileid.u32  }
0x4f: {  	s1 =	rddreg [dreg:$0x1];
	p0 =	sne.s32 s2, $0x0  }
0x50: {  	s3 =	rddreg [dreg:$0x2];
	[bflag:$0x3] =	sbarrier.arrive $0xFFFF;
	s2 =	simm.s32 @!p0 $0x1C01  }
0x51: {  	[timem:s3], [sflag:s2] =	dma.local @!p0 [hbm:s0], s1  }
0x52: {  	s0 =	simm.s32 @!p0 $0x1  }
0x53: {  	_ =	swait.ge @!p0 [sflag:s0], s1  }
0x54: {  	s1 =	ssub.s32 @!p0 $0x0, s1;
	[sflag:s0] =	ssyncset.done @!p0 $0x0  }
0x55: {  	[sflag:s0] =	ssyncadd.s32 @!p0 s1  }
0x56: {  	[bflag:$0x3] =	sbarrier.arrive $0xFFFF  }
0x57: {  	_ =	shalt  }

// kernel: kernel.10.cloned.1.call-start
scs
__scs_entry_jumppad:
0x0: {  	(pc) =	sbr.rel $0x88, $3  }
0x1: {  	(tag) =	ssettag $0x0;
	lr =	simm.s32 $0x1  }
0x2: {  	[smem:$0x3F9C] =	sst lr;
	_ =	strace $0xD0000000  }
0x3: {  	_ = 	snop  }
0x4: {  	_ = 	snop  }
0x5: {  	_ = 	snop  }
0x6: {  	_ = 	snop  }
0x7: {  	_ = 	snop  }
__scs_overlays_trampoline_lowered:
0x8: {  	[smem:$0x3FAB] =	sst s0  }
0x9: {  	[smem:$0x3FAC] =	sst s1  }
0xa: {  	[smem:$0x3FAD] =	sst s2  }
0xb: {  	[smem:$0x3FAE] =	sst s3  }
0xc: {  	[smem:$0x3FAF] =	sst s4  }
0xd: {  	[smem:$0x3FB0] =	sst s5  }
0xe: {  	[smem:$0x3FB1] =	sst s6  }
0xf: {  	[smem:$0x3FB2] =	sst s7  }
0x10: {  	[smem:$0x3FB3] =	sst s8  }
0x11: {  	[smem:$0x3FB4] =	sst s9;
	s0 =	simm.s32 @!p0 $0x0  }
0x12: {  	s1 =	sld [smem:$0x3F9A];
	s0 =	simm.s32 @p0 $0x1  }
0x13: {  	[smem:$0x3FB5] =	sst s0;
	s0 =	simm.s32 @!p1 $0x0  }
0x14: {  	s2 =	sld [smem:$0x3F99];
	s0 =	simm.s32 @p1 $0x1  }
0x15: {  	[smem:$0x3FB6] =	sst s0;
	s0 =	simm.s32 @!p2 $0x0  }
0x16: {  	s3 =	sld [smem:$0x3FDB];
	s0 =	simm.s32 @p2 $0x1  }
0x17: {  	s4 =	simm.s32 $0x1BF5;
	[smem:$0x3FB8] =	sst s0  }
0x18: {  	s0 =	sld [smem:$0x3F9B];
	_ =	swait.ge [sflag:s4], $0x0  }
0x19: {  	s7 =	sld [smem:$0x3F9C]  }
0x1a: {  	s8 =	sadd.s32 $0xFFFFE003, lr  }
0x1b: {  	s9 =	sadd.s32 $0xFFFFFEF7, lr;
	s5 =	simm.s32 $0xFFFFFFFF;
	p2 =	slt.u32 s8, $0xFFFFF086  }
0x1c: {  	p1 =	slt.u32 s9, $0xF7A;
	s5 =	simm.s32 @!p2 $0x0  }
0x1d: {  	s5 =	simm.s32 @p1 $0x1;
	p0 =	seq.s32 s7, s2  }
0x1e: {  	s7 =	smul.u32 @!p0 $0xF7A, s2;
	p2 =	seq.s32 @!p0 s5, $0x0  }
0x1f: {  	s9 =	smul.u32 $0xF7A, s1;
	s8 =	simm.s32 @!p0 $0x1BF5;
	p2 =	por !p2, p0  }
0x20: {  	[sflag:s8] =	ssyncset.s32 @!p0 $0xFFFFF086;
	s6 =	sadd.s32 @!p0 s3, s7;
	s7 =	simm.s32 @!p0 $0x108  }
0x21: {  	s3 =	sadd.s32 s3, s9;
	s6 =	sadd.s32 @!p0 $0x88, s6;
	s7 =	simm.s32 @p2 $0x1082  }
0x22: {  	[simem:s7], [sflag:s8] =	dma.local @!p0 [hbm:s6], $0xF7A  }
0x23: {  	s9 =	sor.u32 $0xD0000000, s2;
	s6 =	simm.s32 $0x108;
	_ =	swait.ge @!p0 [sflag:s8], $0x0  }
0x24: {  	s3 =	sadd.s32 $0x88, s3;
	s6 =	simm.s32 @!p1 $0x1082;
	[sflag:s4] =	ssyncset.s32 $0xFFFFF086  }
0x25: {  	[simem:s6], [sflag:s4] =	dma.local [hbm:s3], $0xF7A  }
0x26: {  	[smem:$0x3F9C] =	sst s1;
	(tag) =	ssettag s2;
	_ =	strace s9  }
0x27: {  	s1 =	sld [smem:$0x3FAC]  }
0x28: {  	s2 =	sld [smem:$0x3FAD]  }
0x29: {  	s4 =	sld [smem:$0x3FAF]  }
0x2a: {  	p0 =	seq.s32 s5, $0x0;
	s5 =	sld [smem:$0x3FB0]  }
0x2b: {  	s6 =	sld [smem:$0x3FB1]  }
0x2c: {  	s7 =	sld [smem:$0x3FB2]  }
0x2d: {  	s3 =	simm.s32 $0x108;
	s8 =	sld [smem:$0x3FB3]  }
0x2e: {  	s3 =	simm.s32 @!p0 $0x1082;
	s9 =	sld [smem:$0x3FB4]  }
0x2f: {  	lr =	sadd.s32 s0, s3;
	s0 =	sld [smem:$0x3FAB]  }
0x30: {  	s3 =	sld [smem:$0x3FAE]  }
0x31: {  	[smem:$0x3FB7] =	sst s10  }
0x32: {  	s10 =	sld [smem:$0x3FB5];
	_ =	sdelay $0x3  }
0x33: {  	p0 =	seq.s32 s10, $0x1;
	s10 =	sld [smem:$0x3FB7];
	_ =	sdelay $0x3  }
0x34: {  	[smem:$0x3FB7] =	sst s10  }
0x35: {  	s10 =	sld [smem:$0x3FB6];
	_ =	sdelay $0x3  }
0x36: {  	p1 =	seq.s32 s10, $0x1;
	s10 =	sld [smem:$0x3FB7];
	_ =	sdelay $0x3  }
0x37: {  	[smem:$0x3FB7] =	sst s10  }
0x38: {  	s10 =	sld [smem:$0x3FB8]  }
0x39: {  	_ = 	snop;
	(pc) =	sbr.ind lr, $3  }
0x3a: {  	_ = 	snop  }
0x3b: {  	_ = 	snop  }
0x3c: {  	p2 =	seq.s32 s10, $0x1;
	s10 =	sld [smem:$0x3FB7]  }
0x3d: {  	_ =	shalt  }
0x3e: {  	_ =	shalt  }
0x3f: {  	_ =	shalt  }
0x40: {  	_ =	shalt  }
0x41: {  	_ =	shalt  }
0x42: {  	_ =	shalt  }
0x43: {  	_ =	shalt  }
0x44: {  	_ =	shalt  }
0x45: {  	_ =	shalt  }
0x46: {  	_ =	shalt  }
0x47: {  	_ =	shalt  }
0x48: {  	_ =	shalt  }
0x49: {  	_ =	shalt  }
0x4a: {  	_ =	shalt  }
0x4b: {  	_ =	shalt  }
0x4c: {  	_ =	shalt  }
0x4d: {  	_ =	shalt  }
0x4e: {  	_ =	shalt  }
0x4f: {  	_ =	shalt  }
0x50: {  	_ =	shalt  }
0x51: {  	_ =	shalt  }
0x52: {  	_ =	shalt  }
0x53: {  	_ =	shalt  }
0x54: {  	_ =	shalt  }
0x55: {  	_ =	shalt  }
0x56: {  	_ =	shalt  }
0x57: {  	_ =	shalt  }
0x58: {  	_ =	shalt  }
0x59: {  	_ =	shalt  }
0x5a: {  	_ =	shalt  }
0x5b: {  	_ =	shalt  }
0x5c: {  	_ =	shalt  }
0x5d: {  	_ =	shalt  }
0x5e: {  	_ =	shalt  }
0x5f: {  	_ =	shalt  }
0x60: {  	_ =	shalt  }
0x61: {  	_ =	shalt  }
0x62: {  	_ =	shalt  }
0x63: {  	_ =	shalt  }
0x64: {  	_ =	shalt  }
0x65: {  	_ =	shalt  }
0x66: {  	_ =	shalt  }
0x67: {  	_ =	shalt  }
0x68: {  	_ =	shalt  }
0x69: {  	_ =	shalt  }
0x6a: {  	_ =	shalt  }
0x6b: {  	_ =	shalt  }
0x6c: {  	_ =	shalt  }
0x6d: {  	_ =	shalt  }
0x6e: {  	_ =	shalt  }
0x6f: {  	_ =	shalt  }
0x70: {  	_ =	shalt  }
0x71: {  	_ =	shalt  }
0x72: {  	_ =	shalt  }
0x73: {  	_ =	shalt  }
0x74: {  	_ =	shalt  }
0x75: {  	_ =	shalt  }
0x76: {  	_ =	shalt  }
0x77: {  	_ =	shalt  }
0x78: {  	_ =	shalt  }
0x79: {  	_ =	shalt  }
0x7a: {  	_ =	shalt  }
0x7b: {  	_ =	shalt  }
0x7c: {  	_ =	shalt  }
0x7d: {  	_ =	shalt  }
0x7e: {  	_ =	shalt  }
0x7f: {  	_ =	shalt  }
0x80: {  	_ =	shalt  }
0x81: {  	_ =	shalt  }
0x82: {  	_ =	shalt  }
0x83: {  	_ =	shalt  }
0x84: {  	_ =	shalt  }
0x85: {  	_ =	shalt  }
0x86: {  	_ =	shalt  }
0x87: {  	_ =	shalt  }
.Lfunc_end0:
.L_simem_size_0:
called_computation.2_lowered:
.L_overlay_start_0:
0x88: {  	s2 =	sld [smem:$0x3FD9]  }
0x89: {  	s3 =	sld [smem:$0x3FFE];
	_ =	sdelay $0x1  }
0x8a: {  	s1 =	srdreg.scid  }
0x8b: {  	s0 =	sand.u32 $0x1, s1  }
0x8c: {  	s16 =	sshll.u32 s0, $0xA;
	s2 =	sadd.s32 s3, s2  }
0x8d: {  	s2 =	sadd.s32 s2, s16  }
0x8e: {  	[smem:$0x3FC3] =	sst s2  }
0x8f: {  	_ = 	snop  }
0x90: {  	(tm) =	ssettm $0x1  }
0x91: {  	s17 =	sld [smem:$0x3FFB];
	_ =	sdelay $0x3  }
0x92: {  	_ =	strace s17  }
0x93: {  	s2 =	sld [smem:$0x3FFC];
	_ =	sdelay $0x3  }
0x94: {  	_ =	strace s2  }
0x95: {  	s2 =	sld [smem:$0x3FFD];
	_ =	sdelay $0x3  }
0x96: {  	_ =	strace s2  }
0x97: {  	_ =	strace $0x8FFFFFFF  }
0x98: {  	s18 =	sld [smem:$0x3FDB];
	_ =	sdelay $0x1  }
0x99: {  	s19 =	simm.s32 $_scs_section_size  }
0x9a: {  	s4 =	simm.s32 $_size__tile_overlayer_lowered;
	s5 =	simm.s32 $_tile_overlayer_lowered  }
0x9b: {  	s22 =	simm.s32 $0x1BFF;
	s21 =	sshll.u32 s5, $0x1;
	s2 =	sadd.s32 s19, s18  }
0x9c: {  	s6 =	simm.s32 $0x0;
	s20 =	sshll.u32 s4, $0x1;
	s4 =	sadd.s32 s21, s2  }
0x9d: {  	[timem:s6], [sflag:s22] =	dma.local [hbm:s4], s20  }
0x9e: {  	_ =	swait.ge [sflag:s22], s20  }
0x9f: {  	s3 =	ssub.s32 $0x0, s20;
	[sflag:s22] =	ssyncset.done $0x0  }
0xa0: {  	[sflag:s22] =	ssyncadd.s32 s3;
	_ =	sdelay $0x1  }
0xa1: {  	s23 =	simm.s32 $0x1B8B  }
0xa2: {  	_ =	swait.ge [sflag:s23], $0x1  }
0xa3: {  	[sflag:s23] =	ssyncset.done $0x0  }
0xa4: {  	s25 =	simm.s32 $0x1B8E;
	s24 =	sld [smem:$0x3FFE];
	[sflag:s23] =	ssyncadd.s32 $0xFFFFFFFF  }
0xa5: {  	s26 =	simm.s32 $execute0_lowered;
	[smem:$0x3FD2] =	sst s25  }
0xa6: {  	s4 =	sshll.u32 s26, $0x1;
	_ =	strace $0x8000004C;
	[dreg:$0x1] =	wrdreg $0xFFFFFFFF  }
0xa7: {  	s28 =	simm.s32 $_size_execute0_lowered;
	s2 =	sadd.s32 s2, s4;
	[dreg:$0x0] =	wrdreg $0x0  }
0xa8: {  	s4 =	sshll.u32 s28, $0x1;
	[dreg:$0x2] =	wrdreg s2  }
0xa9: {  	[dreg:$0x3] =	wrdreg s4  }
0xaa: {  	[dreg:$0x4] =	wrdreg $0xC0  }
0xab: {  	_ =	task [dreg:s6], $0x5FFFF  }
0xac: {  	[dreg:$0x1] =	wrdreg $0xFFFFFFFF  }
0xad: {  	[dreg:$0x0] =	wrdreg $0x60  }
0xae: {  	[dreg:$0x2] =	wrdreg s24  }
0xaf: {  	[dreg:$0x3] =	wrdreg $0x9  }
0xb0: {  	_ =	task.clear_ibuf [dreg:s6], $0x4FFFF;
	_ =	strace $0x9000004C  }
0xb1: {  	s29 =	simm.s32 $0x9;
	_ =	strace $0x8000004E  }
0xb2: {  	_ =	swait.ge [sflag:s29], $0x1  }
0xb3: {  	[sflag:s29] =	ssyncadd.s32 $0xFFFFFFFF  }
0xb4: {  	_ =	strace $0x9000004E  }
0xb5: {  	_ =	sfence  }
0xb6: {  	s30 =	sld [smem:$0x0];
	_ =	sdelay $0x2  }
0xb7: {  	s31 =	sshll.u32 s1, $0xD;
	s1 =	sshrl.u32 s1, $0x2  }
0xb8: {  	s3 =	sand.u32 $0x4000, s31;
	s1 =	sadd.s32 s1, s30  }
0xb9: {  	s0 =	sor.u32 s3, s0;
	s1 =	sshll.u32 s1, $0x11  }
0xba: {  	s0 =	sor.u32 s1, s0  }
0xbb: {  	s0 =	sadd.s32 $0x8F2B, s0  }
0xbc: {  	[sflag:s0] =	ssyncadd.remote.s32 $0x1  }
0xbd: {  	_ =	sfence.sel $0xFFFF  }
0xbe: {  	[dreg:$0x0] =	wrdreg $0xFFFFFFFF;
	(pc) =	sbr.abs _section_cstart, $3  }
0xbf: {  	[dreg:$0x1] =	wrdreg $0xFFFFFFFF  }
0xc0: {  	_ =	task.clear_ibuf [dreg:s6], $0x2FFFF;
	_ =	strace $0x9FFFFFFF  }
0xc1: {  	(tm) =	ssettm $0x7FFFFFFF  }
tec
execute0_lowered:
.L_overlay_start_1:
0x0: {  	(tag) =	ssettag $0x1  }
0x1: {  	s0 =	srdreg.scid  }
0x2: {  	s1 =	stileid.u32;
	s0 =	sand.u32 $0x1, s0  }
0x3: {  	s1 =	sshll.u32 s1, $0x9;
	s2 =	sshll.u32 s0, $0x8  }
0x4: {  	s1 =	sor.u32 s2, s1  }
0x5: {  	s10 =	rddreg [dreg:$0x0];
	s13 =	simm.s32 $0x100;
	s3 =	sshrl.u32 s1, $0x3  }
0x6: {  	s2 =	simm.s32 $0x0;
	s1 =	sshll.u32 s1, $0x8;
	s3 =	sadd.s32 s3, s10  }
0x7: {  	[smem:$0x7FF] =	sst s2;
	s1 =	sadd.s32 s1, s10;
	s3 =	sadd.s32 $0x10400, s3  }
0x8: {  	_ =	strace $0x8000004D;
	s19 =	sadd.s32 $0x10800, s1;
	[dreg:$0x2] =	wrdreg s3  }
0x9: {  	s30 =	simm.s32 $0x8100;
	s20 =	sadd.s32 $0x11800, s1;
	[dreg:$0x3] =	wrdreg s19  }
0xa: {  	s28 =	simm.s32 $0x2;
	s21 =	sadd.s32 $0x12800, s1;
	[dreg:$0x4] =	wrdreg s20  }
0xb: {  	s29 =	simm.s32 $0x4;
	s22 =	sadd.s32 $0x13800, s1;
	[dreg:$0x5] =	wrdreg s21  }
0xc: {  	s0 =	ssub.s32 $0x2, s0;
	s4 =	sadd.s32 $0x14800, s1;
	[dreg:$0x6] =	wrdreg s22  }
0xd: {  	s5 =	sshrl.u32 s0, $0x1;
	s23 =	sadd.s32 $0x15800, s1;
	[dreg:$0x7] =	wrdreg s4  }
0xe: {  	s0 =	ssub.s32 s0, s5;
	s24 =	sadd.s32 $0x16800, s1;
	[dreg:$0x8] =	wrdreg s23  }
0xf: {  	s5 =	sadd.s32 $0x310E00, s10;
	s25 =	sadd.s32 $0x17800, s1;
	[dreg:$0x9] =	wrdreg s24  }
0x10: {  	s15 =	smax.u32 s0, $0x1;
	s26 =	sadd.s32 $0x18800, s1;
	[dreg:$0xa] =	wrdreg s25  }
0x11: {  	s6 =	sadd.s32 $0x19800, s1;
	s7 =	sadd.s32 $0x1A800, s1;
	[dreg:$0xb] =	wrdreg s26  }
0x12: {  	s8 =	sadd.s32 $0x1B800, s1;
	s9 =	sadd.s32 $0x1C800, s1;
	[dreg:$0xc] =	wrdreg s6  }
0x13: {  	s11 =	sadd.s32 $0x1D800, s1;
	s31 =	sadd.s32 $0x1E800, s1;
	[dreg:$0xd] =	wrdreg s7  }
0x14: {  	s1 =	sadd.s32 $0x1F800, s1;
	s3 =	sadd.s32 $0x310C00, s10;
	[dreg:$0xe] =	wrdreg s8  }
0x15: {  	s4 =	sadd.s32 $0x310D00, s10;
	s6 =	sadd.s32 $0x310F00, s10;
	[dreg:$0xf] =	wrdreg s9  }
0x16: {  	v2 =	vlaneseq.u32;
	s7 =	sadd.s32 $0x311000, s10;
	s8 =	sadd.s32 $0x311100, s10;
	[dreg:$0x10] =	wrdreg s11  }
0x17: {  	vm0 =	vmmov $0xffff;
	v1 =	vshrl.u32 v2, $0x3;
	s9 =	sadd.s32 $0x311200, s10;
	s10 =	sadd.s32 $0x311300, s10;
	[dreg:$0x11] =	wrdreg s31  }
0x18: {  	v0 =	vand.u32 $0x7, v2;
	v2 =	vor.u32 $0x8, v2;
	v1 =	vmul.u32 $0x8, v1;
	[dreg:$0x12] =	wrdreg s1;
	s25 =	simm.s32 $0x1;
	s26 =	simm.s32 $0x3  }
.LBB2_1:
0x19: {  	s31 =	rddreg [dreg:$0x2];
	s20 =	simm.s32 $0x5  }
0x1a: {  	[tilespmem:s2], [sflag:$0x5] =	stream.linear.gather [hbm4b:s31+s2], $0x100, $0x38;
	[tilespmem:$0x10100] =	vst v63  }
0x1b: {  	_ =	swait.ge [sflag:s20], $0x100  }
0x1c: {  	[sflag:s20] =	ssyncset.done $0x0  }
0x1d: {  	[sflag:s20] =	ssyncadd.s32 $0xFFFFFF00  }
0x1e: {  	v3 =	vld [tilespmem:$0x0];
	_ =	sdelay $0x4  }
0x1f: {  	v4 =	vshll.u32 v3, $0x4  }
0x20: {  	v3 =	vand.u32 $0x7, v3;
	v4 =	vand.u32 $0xFFFFFF80, v4  }
0x21: {  	v3 =	vor.u32 v3, v4  }
0x22: {  	v4 =	vperm.xlane v3, v0;
	_ =	sdelay $0x1  }
0x23: {  	v4 =	vadd.s32 v1, v4;
	_ =	sdelay $0x4  }
0x24: {  	[tilespmem:s13], [sflag:$0x1] =	stream.indirect_vreg.gather [hbm4b:s3+s2], $0x80, v4, vm0, $0xb8;
	[tilespmem:$0x10100] =	vst v63  }
0x25: {  	s0 =	simm.s32 $0x900  }
0x26: {  	[tilespmem:s0], [sflag:$0x1] =	stream.indirect_vreg.gather [hbm4b:s4+s2], $0x80, v4, vm0, $0xb8;
	[tilespmem:$0x10100] =	vst v63  }
0x27: {  	s21 =	simm.s32 $0x1100  }
0x28: {  	[tilespmem:s21], [sflag:$0x1] =	stream.indirect_vreg.gather [hbm4b:s5+s2], $0x80, v4, vm0, $0xb8;
	[tilespmem:$0x10100] =	vst v63  }
0x29: {  	s22 =	simm.s32 $0x1900  }
0x2a: {  	[tilespmem:s22], [sflag:$0x1] =	stream.indirect_vreg.gather [hbm4b:s6+s2], $0x80, v4, vm0, $0xb8;
	[tilespmem:$0x10100] =	vst v63  }
0x2b: {  	s23 =	simm.s32 $0x2100  }
0x2c: {  	[tilespmem:s23], [sflag:$0x1] =	stream.indirect_vreg.gather [hbm4b:s7+s2], $0x80, v4, vm0, $0xb8;
	[tilespmem:$0x10100] =	vst v63  }
0x2d: {  	s24 =	simm.s32 $0x2900;
	v3 =	vperm.xlane v3, v2  }
0x2e: {  	[tilespmem:s24], [sflag:$0x1] =	stream.indirect_vreg.gather [hbm4b:s8+s2], $0x80, v4, vm0, $0xb8;
	[tilespmem:$0x10100] =	vst v63  }
0x2f: {  	s31 =	simm.s32 $0x3100;
	v3 =	vadd.s32 v1, v3  }
0x30: {  	[tilespmem:s31], [sflag:$0x1] =	stream.indirect_vreg.gather [hbm4b:s9+s2], $0x80, v4, vm0, $0xb8;
	[tilespmem:$0x10100] =	vst v63  }
0x31: {  	s1 =	simm.s32 $0x3900  }
0x32: {  	[tilespmem:s1], [sflag:$0x1] =	stream.indirect_vreg.gather [hbm4b:s10+s2], $0x80, v4, vm0, $0xb8;
	[tilespmem:$0x10100] =	vst v63  }
0x33: {  	s11 =	simm.s32 $0x4100  }
0x34: {  	[tilespmem:s11], [sflag:$0x1] =	stream.indirect_vreg.gather [hbm4b:s3+s2], $0x80, v3, vm0, $0xb8;
	[tilespmem:$0x10100] =	vst v63  }
0x35: {  	s14 =	simm.s32 $0x4900  }
0x36: {  	[tilespmem:s14], [sflag:$0x1] =	stream.indirect_vreg.gather [hbm4b:s4+s2], $0x80, v3, vm0, $0xb8;
	[tilespmem:$0x10100] =	vst v63  }
0x37: {  	s17 =	simm.s32 $0x5100  }
0x38: {  	[tilespmem:s17], [sflag:$0x1] =	stream.indirect_vreg.gather [hbm4b:s5+s2], $0x80, v3, vm0, $0xb8;
	[tilespmem:$0x10100] =	vst v63  }
0x39: {  	s18 =	simm.s32 $0x5900  }
0x3a: {  	[tilespmem:s18], [sflag:$0x1] =	stream.indirect_vreg.gather [hbm4b:s6+s2], $0x80, v3, vm0, $0xb8;
	[tilespmem:$0x10100] =	vst v63  }
0x3b: {  	s19 =	simm.s32 $0x6100  }
0x3c: {  	[tilespmem:s19], [sflag:$0x1] =	stream.indirect_vreg.gather [hbm4b:s7+s2], $0x80, v3, vm0, $0xb8;
	[tilespmem:$0x10100] =	vst v63  }
0x3d: {  	s20 =	simm.s32 $0x6900  }
0x3e: {  	[tilespmem:s20], [sflag:$0x1] =	stream.indirect_vreg.gather [hbm4b:s8+s2], $0x80, v3, vm0, $0xb8;
	[tilespmem:$0x10100] =	vst v63  }
0x3f: {  	s21 =	simm.s32 $0x7100  }
0x40: {  	[tilespmem:s21], [sflag:$0x1] =	stream.indirect_vreg.gather [hbm4b:s9+s2], $0x80, v3, vm0, $0xb8;
	[tilespmem:$0x10100] =	vst v63  }
0x41: {  	s22 =	simm.s32 $0x7900  }
0x42: {  	[tilespmem:s22], [sflag:$0x1] =	stream.indirect_vreg.gather [hbm4b:s10+s2], $0x80, v3, vm0, $0xb8;
	[tilespmem:$0x10100] =	vst v63  }
0x43: {  	v3 =	vld [tilespmem:$0x10];
	_ =	sdelay $0x4  }
0x44: {  	v49 =	vshll.u32 v3, $0x4  }
0x45: {  	v3 =	vand.u32 $0x7, v3;
	v4 =	vand.u32 $0xFFFFFF80, v49  }
0x46: {  	v3 =	vor.u32 v3, v4  }
0x47: {  	v4 =	vperm.xlane v3, v0;
	_ =	sdelay $0x1  }
0x48: {  	v4 =	vadd.s32 v1, v4;
	_ =	sdelay $0x4  }
0x49: {  	[tilespmem:s30], [sflag:$0x2] =	stream.indirect_vreg.gather [hbm4b:s3+s2], $0x80, v4, vm0, $0xb8;
	[tilespmem:$0x10100] =	vst v63  }
0x4a: {  	s23 =	simm.s32 $0x8900  }
0x4b: {  	[tilespmem:s23], [sflag:$0x2] =	stream.indirect_vreg.gather [hbm4b:s4+s2], $0x80, v4, vm0, $0xb8;
	[tilespmem:$0x10100] =	vst v63  }
0x4c: {  	s24 =	simm.s32 $0x9100  }
0x4d: {  	[tilespmem:s24], [sflag:$0x2] =	stream.indirect_vreg.gather [hbm4b:s5+s2], $0x80, v4, vm0, $0xb8;
	[tilespmem:$0x10100] =	vst v63  }
0x4e: {  	s0 =	simm.s32 $0x9900  }
0x4f: {  	[tilespmem:s0], [sflag:$0x2] =	stream.indirect_vreg.gather [hbm4b:s6+s2], $0x80, v4, vm0, $0xb8;
	[tilespmem:$0x10100] =	vst v63  }
0x50: {  	s1 =	simm.s32 $0xA100  }
0x51: {  	[tilespmem:s1], [sflag:$0x2] =	stream.indirect_vreg.gather [hbm4b:s7+s2], $0x80, v4, vm0, $0xb8;
	[tilespmem:$0x10100] =	vst v63  }
0x52: {  	s11 =	simm.s32 $0xA900;
	v3 =	vperm.xlane v3, v2  }
0x53: {  	[tilespmem:s11], [sflag:$0x2] =	stream.indirect_vreg.gather [hbm4b:s8+s2], $0x80, v4, vm0, $0xb8;
	[tilespmem:$0x10100] =	vst v63  }
0x54: {  	s17 =	simm.s32 $0xB100;
	v3 =	vadd.s32 v1, v3  }
0x55: {  	[tilespmem:s17], [sflag:$0x2] =	stream.indirect_vreg.gather [hbm4b:s9+s2], $0x80, v4, vm0, $0xb8;
	[tilespmem:$0x10100] =	vst v63  }
0x56: {  	s18 =	simm.s32 $0xB900  }
0x57: {  	[tilespmem:s18], [sflag:$0x2] =	stream.indirect_vreg.gather [hbm4b:s10+s2], $0x80, v4, vm0, $0xb8;
	[tilespmem:$0x10100] =	vst v63  }
0x58: {  	s19 =	simm.s32 $0xC100  }
0x59: {  	[tilespmem:s19], [sflag:$0x2] =	stream.indirect_vreg.gather [hbm4b:s3+s2], $0x80, v3, vm0, $0xb8;
	[tilespmem:$0x10100] =	vst v63  }
0x5a: {  	s20 =	simm.s32 $0xC900  }
0x5b: {  	[tilespmem:s20], [sflag:$0x2] =	stream.indirect_vreg.gather [hbm4b:s4+s2], $0x80, v3, vm0, $0xb8;
	[tilespmem:$0x10100] =	vst v63  }
0x5c: {  	s21 =	simm.s32 $0xD100  }
0x5d: {  	[tilespmem:s21], [sflag:$0x2] =	stream.indirect_vreg.gather [hbm4b:s5+s2], $0x80, v3, vm0, $0xb8;
	[tilespmem:$0x10100] =	vst v63  }
0x5e: {  	s22 =	simm.s32 $0xD900  }
0x5f: {  	[tilespmem:s22], [sflag:$0x2] =	stream.indirect_vreg.gather [hbm4b:s6+s2], $0x80, v3, vm0, $0xb8;
	[tilespmem:$0x10100] =	vst v63  }
0x60: {  	s23 =	simm.s32 $0xE100  }
0x61: {  	[tilespmem:s23], [sflag:$0x2] =	stream.indirect_vreg.gather [hbm4b:s7+s2], $0x80, v3, vm0, $0xb8;
	[tilespmem:$0x10100] =	vst v63  }
0x62: {  	s24 =	simm.s32 $0xE900  }
0x63: {  	[tilespmem:s24], [sflag:$0x2] =	stream.indirect_vreg.gather [hbm4b:s8+s2], $0x80, v3, vm0, $0xb8;
	[tilespmem:$0x10100] =	vst v63  }
0x64: {  	s0 =	simm.s32 $0xF100  }
0x65: {  	[tilespmem:s0], [sflag:$0x2] =	stream.indirect_vreg.gather [hbm4b:s9+s2], $0x80, v3, vm0, $0xb8;
	[tilespmem:$0x10100] =	vst v63  }
0x66: {  	s1 =	simm.s32 $0xF900  }
0x67: {  	[tilespmem:s1], [sflag:$0x2] =	stream.indirect_vreg.gather [hbm4b:s10+s2], $0x80, v3, vm0, $0xb8;
	[tilespmem:$0x10100] =	vst v63  }
0x68: {  	_ =	swait.ge [sflag:s25], $0x8000  }
0x69: {  	[sflag:s25] =	ssyncset.done $0x0  }
0x6a: {  	s11 =	rddreg [dreg:$0x3];
	[sflag:s25] =	ssyncadd.s32 $0xFFFF8000  }
0x6b: {  	[hbm4b:s11+s2] =	stream.linear.scatter [tilespmem:s13], [sflag:$0x3], $0x8000, $0x38;
	[tilespmem:$0x10100] =	vst v63  }
0x6c: {  	_ =	swait.ge [sflag:s26], $0x8000  }
0x6d: {  	[sflag:s26] =	ssyncset.done $0x0  }
0x6e: {  	[sflag:s26] =	ssyncadd.s32 $0xFFFF8000  }
0x6f: {  	v3 =	vld [tilespmem:$0x20];
	_ =	sdelay $0x4  }
0x70: {  	v50 =	vshll.u32 v3, $0x4  }
0x71: {  	v3 =	vand.u32 $0x7, v3;
	v4 =	vand.u32 $0xFFFFFF80, v50  }
0x72: {  	v3 =	vor.u32 v3, v4  }
0x73: {  	v4 =	vperm.xlane v3, v0;
	_ =	sdelay $0x1  }
0x74: {  	v4 =	vadd.s32 v1, v4;
	_ =	sdelay $0x4  }
0x75: {  	[tilespmem:s13], [sflag:$0x1] =	stream.indirect_vreg.gather [hbm4b:s3+s2], $0x80, v4, vm0, $0xb8;
	[tilespmem:$0x10100] =	vst v63  }
0x76: {  	s0 =	simm.s32 $0x900  }
0x77: {  	[tilespmem:s0], [sflag:$0x1] =	stream.indirect_vreg.gather [hbm4b:s4+s2], $0x80, v4, vm0, $0xb8;
	[tilespmem:$0x10100] =	vst v63  }
0x78: {  	s1 =	simm.s32 $0x1100  }
0x79: {  	[tilespmem:s1], [sflag:$0x1] =	stream.indirect_vreg.gather [hbm4b:s5+s2], $0x80, v4, vm0, $0xb8;
	[tilespmem:$0x10100] =	vst v63  }
0x7a: {  	s11 =	simm.s32 $0x1900  }
0x7b: {  	[tilespmem:s11], [sflag:$0x1] =	stream.indirect_vreg.gather [hbm4b:s6+s2], $0x80, v4, vm0, $0xb8;
	[tilespmem:$0x10100] =	vst v63  }
0x7c: {  	s12 =	simm.s32 $0x2100  }
0x7d: {  	[tilespmem:s12], [sflag:$0x1] =	stream.indirect_vreg.gather [hbm4b:s7+s2], $0x80, v4, vm0, $0xb8;
	[tilespmem:$0x10100] =	vst v63  }
0x7e: {  	s16 =	simm.s32 $0x2900;
	v3 =	vperm.xlane v3, v2  }
0x7f: {  	[tilespmem:s16], [sflag:$0x1] =	stream.indirect_vreg.gather [hbm4b:s8+s2], $0x80, v4, vm0, $0xb8;
	[tilespmem:$0x10100] =	vst v63  }
0x80: {  	v3 =	vadd.s32 v1, v3;
	s12 =	simm.s32 $0x3100  }
0x81: {  	[tilespmem:s12], [sflag:$0x1] =	stream.indirect_vreg.gather [hbm4b:s9+s2], $0x80, v4, vm0, $0xb8;
	[tilespmem:$0x10100] =	vst v63  }
0x82: {  	s16 =	simm.s32 $0x3900  }
0x83: {  	[tilespmem:s16], [sflag:$0x1] =	stream.indirect_vreg.gather [hbm4b:s10+s2], $0x80, v4, vm0, $0xb8;
	[tilespmem:$0x10100] =	vst v63  }
0x84: {  	s18 =	simm.s32 $0x4100  }
0x85: {  	[tilespmem:s18], [sflag:$0x1] =	stream.indirect_vreg.gather [hbm4b:s3+s2], $0x80, v3, vm0, $0xb8;
	[tilespmem:$0x10100] =	vst v63  }
0x86: {  	s19 =	simm.s32 $0x4900  }
0x87: {  	[tilespmem:s19], [sflag:$0x1] =	stream.indirect_vreg.gather [hbm4b:s4+s2], $0x80, v3, vm0, $0xb8;
	[tilespmem:$0x10100] =	vst v63  }
0x88: {  	s20 =	simm.s32 $0x5100  }
0x89: {  	[tilespmem:s20], [sflag:$0x1] =	stream.indirect_vreg.gather [hbm4b:s5+s2], $0x80, v3, vm0, $0xb8;
	[tilespmem:$0x10100] =	vst v63  }
0x8a: {  	s21 =	simm.s32 $0x5900  }
0x8b: {  	[tilespmem:s21], [sflag:$0x1] =	stream.indirect_vreg.gather [hbm4b:s6+s2], $0x80, v3, vm0, $0xb8;
	[tilespmem:$0x10100] =	vst v63  }
0x8c: {  	s22 =	simm.s32 $0x6100  }
0x8d: {  	[tilespmem:s22], [sflag:$0x1] =	stream.indirect_vreg.gather [hbm4b:s7+s2], $0x80, v3, vm0, $0xb8;
	[tilespmem:$0x10100] =	vst v63  }
0x8e: {  	s23 =	simm.s32 $0x6900  }
0x8f: {  	[tilespmem:s23], [sflag:$0x1] =	stream.indirect_vreg.gather [hbm4b:s8+s2], $0x80, v3, vm0, $0xb8;
	[tilespmem:$0x10100] =	vst v63  }
0x90: {  	s24 =	simm.s32 $0x7100  }
0x91: {  	[tilespmem:s24], [sflag:$0x1] =	stream.indirect_vreg.gather [hbm4b:s9+s2], $0x80, v3, vm0, $0xb8;
	[tilespmem:$0x10100] =	vst v63  }
0x92: {  	s14 =	simm.s32 $0x7900  }
0x93: {  	[tilespmem:s14], [sflag:$0x1] =	stream.indirect_vreg.gather [hbm4b:s10+s2], $0x80, v3, vm0, $0xb8;
	[tilespmem:$0x10100] =	vst v63  }
0x94: {  	_ =	swait.ge [sflag:s28], $0x8000  }
0x95: {  	[sflag:s28] =	ssyncset.done $0x0  }
0x96: {  	s14 =	rddreg [dreg:$0x4];
	[sflag:s28] =	ssyncadd.s32 $0xFFFF8000  }
0x97: {  	[hbm4b:s14+s2] =	stream.linear.scatter [tilespmem:s30], [sflag:$0x4], $0x8000, $0x38;
	[tilespmem:$0x10100] =	vst v63  }
0x98: {  	_ =	swait.ge [sflag:s29], $0x8000  }
0x99: {  	[sflag:s29] =	ssyncset.done $0x0  }
0x9a: {  	[sflag:s29] =	ssyncadd.s32 $0xFFFF8000  }
0x9b: {  	v3 =	vld [tilespmem:$0x30];
	_ =	sdelay $0x4  }
0x9c: {  	v51 =	vshll.u32 v3, $0x4  }
0x9d: {  	v3 =	vand.u32 $0x7, v3;
	v4 =	vand.u32 $0xFFFFFF80, v51  }
0x9e: {  	v3 =	vor.u32 v3, v4  }
0x9f: {  	v4 =	vperm.xlane v3, v0;
	_ =	sdelay $0x1  }
0xa0: {  	v4 =	vadd.s32 v1, v4;
	_ =	sdelay $0x4  }
0xa1: {  	[tilespmem:s30], [sflag:$0x2] =	stream.indirect_vreg.gather [hbm4b:s3+s2], $0x80, v4, vm0, $0xb8;
	[tilespmem:$0x10100] =	vst v63  }
0xa2: {  	s31 =	simm.s32 $0x8900  }
0xa3: {  	[tilespmem:s31], [sflag:$0x2] =	stream.indirect_vreg.gather [hbm4b:s4+s2], $0x80, v4, vm0, $0xb8;
	[tilespmem:$0x10100] =	vst v63  }
0xa4: {  	s31 =	simm.s32 $0x9100  }
0xa5: {  	[tilespmem:s31], [sflag:$0x2] =	stream.indirect_vreg.gather [hbm4b:s5+s2], $0x80, v4, vm0, $0xb8;
	[tilespmem:$0x10100] =	vst v63  }
0xa6: {  	s31 =	simm.s32 $0x9900  }
0xa7: {  	[tilespmem:s31], [sflag:$0x2] =	stream.indirect_vreg.gather [hbm4b:s6+s2], $0x80, v4, vm0, $0xb8;
	[tilespmem:$0x10100] =	vst v63  }
0xa8: {  	s31 =	simm.s32 $0xA100  }
0xa9: {  	[tilespmem:s31], [sflag:$0x2] =	stream.indirect_vreg.gather [hbm4b:s7+s2], $0x80, v4, vm0, $0xb8;
	[tilespmem:$0x10100] =	vst v63  }
0xaa: {  	v3 =	vperm.xlane v3, v2;
	s31 =	simm.s32 $0xA900  }
0xab: {  	[tilespmem:s31], [sflag:$0x2] =	stream.indirect_vreg.gather [hbm4b:s8+s2], $0x80, v4, vm0, $0xb8;
	[tilespmem:$0x10100] =	vst v63  }
0xac: {  	v3 =	vadd.s32 v1, v3;
	s31 =	simm.s32 $0xB100  }
0xad: {  	[tilespmem:s31], [sflag:$0x2] =	stream.indirect_vreg.gather [hbm4b:s9+s2], $0x80, v4, vm0, $0xb8;
	[tilespmem:$0x10100] =	vst v63  }
0xae: {  	s31 =	simm.s32 $0xB900  }
0xaf: {  	[tilespmem:s31], [sflag:$0x2] =	stream.indirect_vreg.gather [hbm4b:s10+s2], $0x80, v4, vm0, $0xb8;
	[tilespmem:$0x10100] =	vst v63  }
0xb0: {  	s31 =	simm.s32 $0xC100  }
0xb1: {  	[tilespmem:s31], [sflag:$0x2] =	stream.indirect_vreg.gather [hbm4b:s3+s2], $0x80, v3, vm0, $0xb8;
	[tilespmem:$0x10100] =	vst v63  }
0xb2: {  	s31 =	simm.s32 $0xC900  }
0xb3: {  	[tilespmem:s31], [sflag:$0x2] =	stream.indirect_vreg.gather [hbm4b:s4+s2], $0x80, v3, vm0, $0xb8;
	[tilespmem:$0x10100] =	vst v63  }
0xb4: {  	s31 =	simm.s32 $0xD100  }
0xb5: {  	[tilespmem:s31], [sflag:$0x2] =	stream.indirect_vreg.gather [hbm4b:s5+s2], $0x80, v3, vm0, $0xb8;
	[tilespmem:$0x10100] =	vst v63  }
0xb6: {  	s31 =	simm.s32 $0xD900  }
0xb7: {  	[tilespmem:s31], [sflag:$0x2] =	stream.indirect_vreg.gather [hbm4b:s6+s2], $0x80, v3, vm0, $0xb8;
	[tilespmem:$0x10100] =	vst v63  }
0xb8: {  	s31 =	simm.s32 $0xE100  }
0xb9: {  	[tilespmem:s31], [sflag:$0x2] =	stream.indirect_vreg.gather [hbm4b:s7+s2], $0x80, v3, vm0, $0xb8;
	[tilespmem:$0x10100] =	vst v63  }
0xba: {  	s31 =	simm.s32 $0xE900  }
0xbb: {  	[tilespmem:s31], [sflag:$0x2] =	stream.indirect_vreg.gather [hbm4b:s8+s2], $0x80, v3, vm0, $0xb8;
	[tilespmem:$0x10100] =	vst v63  }
0xbc: {  	s31 =	simm.s32 $0xF100  }
0xbd: {  	[tilespmem:s31], [sflag:$0x2] =	stream.indirect_vreg.gather [hbm4b:s9+s2], $0x80, v3, vm0, $0xb8;
	[tilespmem:$0x10100] =	vst v63  }
0xbe: {  	s17 =	simm.s32 $0xF900  }
0xbf: {  	[tilespmem:s17], [sflag:$0x2] =	stream.indirect_vreg.gather [hbm4b:s10+s2], $0x80, v3, vm0, $0xb8;
	[tilespmem:$0x10100] =	vst v63  }
0xc0: {  	_ =	swait.ge [sflag:s25], $0x8000  }
0xc1: {  	[sflag:s25] =	ssyncset.done $0x0  }
0xc2: {  	s31 =	rddreg [dreg:$0x5];
	[sflag:s25] =	ssyncadd.s32 $0xFFFF8000  }
0xc3: {  	[hbm4b:s31+s2] =	stream.linear.scatter [tilespmem:s13], [sflag:$0x3], $0x8000, $0x38;
	[tilespmem:$0x10100] =	vst v63  }
0xc4: {  	_ =	swait.ge [sflag:s26], $0x8000  }
0xc5: {  	[sflag:s26] =	ssyncset.done $0x0  }
0xc6: {  	[sflag:s26] =	ssyncadd.s32 $0xFFFF8000  }
0xc7: {  	v3 =	vld [tilespmem:$0x40];
	_ =	sdelay $0x4  }
0xc8: {  	v52 =	vshll.u32 v3, $0x4  }
0xc9: {  	v3 =	vand.u32 $0x7, v3;
	v4 =	vand.u32 $0xFFFFFF80, v52  }
0xca: {  	v3 =	vor.u32 v3, v4  }
0xcb: {  	v4 =	vperm.xlane v3, v0;
	_ =	sdelay $0x1  }
0xcc: {  	v4 =	vadd.s32 v1, v4;
	_ =	sdelay $0x4  }
0xcd: {  	[tilespmem:s13], [sflag:$0x1] =	stream.indirect_vreg.gather [hbm4b:s3+s2], $0x80, v4, vm0, $0xb8;
	[tilespmem:$0x10100] =	vst v63  }
0xce: {  	_ = 	snop  }
0xcf: {  	[tilespmem:s0], [sflag:$0x1] =	stream.indirect_vreg.gather [hbm4b:s4+s2], $0x80, v4, vm0, $0xb8;
	[tilespmem:$0x10100] =	vst v63  }
0xd0: {  	_ = 	snop  }
0xd1: {  	[tilespmem:s1], [sflag:$0x1] =	stream.indirect_vreg.gather [hbm4b:s5+s2], $0x80, v4, vm0, $0xb8;
	[tilespmem:$0x10100] =	vst v63  }
0xd2: {  	_ = 	snop  }
0xd3: {  	[tilespmem:s11], [sflag:$0x1] =	stream.indirect_vreg.gather [hbm4b:s6+s2], $0x80, v4, vm0, $0xb8;
	[tilespmem:$0x10100] =	vst v63  }
0xd4: {  	s31 =	simm.s32 $0x2100  }
0xd5: {  	[tilespmem:s31], [sflag:$0x1] =	stream.indirect_vreg.gather [hbm4b:s7+s2], $0x80, v4, vm0, $0xb8;
	[tilespmem:$0x10100] =	vst v63  }
0xd6: {  	v3 =	vperm.xlane v3, v2;
	s31 =	simm.s32 $0x2900  }
0xd7: {  	[tilespmem:s31], [sflag:$0x1] =	stream.indirect_vreg.gather [hbm4b:s8+s2], $0x80, v4, vm0, $0xb8;
	[tilespmem:$0x10100] =	vst v63  }
0xd8: {  	v3 =	vadd.s32 v1, v3  }
0xd9: {  	[tilespmem:s12], [sflag:$0x1] =	stream.indirect_vreg.gather [hbm4b:s9+s2], $0x80, v4, vm0, $0xb8;
	[tilespmem:$0x10100] =	vst v63  }
0xda: {  	_ = 	snop  }
0xdb: {  	[tilespmem:s16], [sflag:$0x1] =	stream.indirect_vreg.gather [hbm4b:s10+s2], $0x80, v4, vm0, $0xb8;
	[tilespmem:$0x10100] =	vst v63  }
0xdc: {  	_ = 	snop  }
0xdd: {  	[tilespmem:s18], [sflag:$0x1] =	stream.indirect_vreg.gather [hbm4b:s3+s2], $0x80, v3, vm0, $0xb8;
	[tilespmem:$0x10100] =	vst v63  }
0xde: {  	_ = 	snop  }
0xdf: {  	[tilespmem:s19], [sflag:$0x1] =	stream.indirect_vreg.gather [hbm4b:s4+s2], $0x80, v3, vm0, $0xb8;
	[tilespmem:$0x10100] =	vst v63  }
0xe0: {  	_ = 	snop  }
0xe1: {  	[tilespmem:s20], [sflag:$0x1] =	stream.indirect_vreg.gather [hbm4b:s5+s2], $0x80, v3, vm0, $0xb8;
	[tilespmem:$0x10100] =	vst v63  }
0xe2: {  	_ = 	snop  }
0xe3: {  	[tilespmem:s21], [sflag:$0x1] =	stream.indirect_vreg.gather [hbm4b:s6+s2], $0x80, v3, vm0, $0xb8;
	[tilespmem:$0x10100] =	vst v63  }
0xe4: {  	_ = 	snop  }
0xe5: {  	[tilespmem:s22], [sflag:$0x1] =	stream.indirect_vreg.gather [hbm4b:s7+s2], $0x80, v3, vm0, $0xb8;
	[tilespmem:$0x10100] =	vst v63  }
0xe6: {  	_ = 	snop  }
0xe7: {  	[tilespmem:s23], [sflag:$0x1] =	stream.indirect_vreg.gather [hbm4b:s8+s2], $0x80, v3, vm0, $0xb8;
	[tilespmem:$0x10100] =	vst v63  }
0xe8: {  	_ = 	snop  }
0xe9: {  	[tilespmem:s24], [sflag:$0x1] =	stream.indirect_vreg.gather [hbm4b:s9+s2], $0x80, v3, vm0, $0xb8;
	[tilespmem:$0x10100] =	vst v63  }
0xea: {  	s31 =	simm.s32 $0x7900  }
0xeb: {  	[tilespmem:s31], [sflag:$0x1] =	stream.indirect_vreg.gather [hbm4b:s10+s2], $0x80, v3, vm0, $0xb8;
	[tilespmem:$0x10100] =	vst v63  }
0xec: {  	_ =	swait.ge [sflag:s28], $0x8000  }
0xed: {  	[sflag:s28] =	ssyncset.done $0x0  }
0xee: {  	s31 =	rddreg [dreg:$0x6];
	[sflag:s28] =	ssyncadd.s32 $0xFFFF8000  }
0xef: {  	[hbm4b:s31+s2] =	stream.linear.scatter [tilespmem:s30], [sflag:$0x4], $0x8000, $0x38;
	[tilespmem:$0x10100] =	vst v63  }
0xf0: {  	_ =	swait.ge [sflag:s29], $0x8000  }
0xf1: {  	[sflag:s29] =	ssyncset.done $0x0  }
0xf2: {  	[sflag:s29] =	ssyncadd.s32 $0xFFFF8000  }
0xf3: {  	v3 =	vld [tilespmem:$0x50];
	_ =	sdelay $0x4  }
0xf4: {  	v53 =	vshll.u32 v3, $0x4  }
0xf5: {  	v3 =	vand.u32 $0x7, v3;
	v4 =	vand.u32 $0xFFFFFF80, v53  }
0xf6: {  	v3 =	vor.u32 v3, v4  }
0xf7: {  	v4 =	vperm.xlane v3, v0;
	_ =	sdelay $0x1  }
0xf8: {  	v4 =	vadd.s32 v1, v4;
	_ =	sdelay $0x4  }
0xf9: {  	[tilespmem:s30], [sflag:$0x2] =	stream.indirect_vreg.gather [hbm4b:s3+s2], $0x80, v4, vm0, $0xb8;
	[tilespmem:$0x10100] =	vst v63  }
0xfa: {  	s14 =	simm.s32 $0x8900  }
0xfb: {  	[tilespmem:s14], [sflag:$0x2] =	stream.indirect_vreg.gather [hbm4b:s4+s2], $0x80, v4, vm0, $0xb8;
	[tilespmem:$0x10100] =	vst v63  }
0xfc: {  	s31 =	simm.s32 $0x9100  }
0xfd: {  	[tilespmem:s31], [sflag:$0x2] =	stream.indirect_vreg.gather [hbm4b:s5+s2], $0x80, v4, vm0, $0xb8;
	[tilespmem:$0x10100] =	vst v63  }
0xfe: {  	s31 =	simm.s32 $0x9900  }
0xff: {  	[tilespmem:s31], [sflag:$0x2] =	stream.indirect_vreg.gather [hbm4b:s6+s2], $0x80, v4, vm0, $0xb8;
	[tilespmem:$0x10100] =	vst v63  }
0x100: {  	s31 =	simm.s32 $0xA100  }
0x101: {  	[tilespmem:s31], [sflag:$0x2] =	stream.indirect_vreg.gather [hbm4b:s7+s2], $0x80, v4, vm0, $0xb8;
	[tilespmem:$0x10100] =	vst v63  }
0x102: {  	v3 =	vperm.xlane v3, v2;
	s31 =	simm.s32 $0xA900  }
0x103: {  	[tilespmem:s31], [sflag:$0x2] =	stream.indirect_vreg.gather [hbm4b:s8+s2], $0x80, v4, vm0, $0xb8;
	[tilespmem:$0x10100] =	vst v63  }
0x104: {  	v3 =	vadd.s32 v1, v3;
	s31 =	simm.s32 $0xB100  }
0x105: {  	[tilespmem:s31], [sflag:$0x2] =	stream.indirect_vreg.gather [hbm4b:s9+s2], $0x80, v4, vm0, $0xb8;
	[tilespmem:$0x10100] =	vst v63  }
0x106: {  	s31 =	simm.s32 $0xB900  }
0x107: {  	[tilespmem:s31], [sflag:$0x2] =	stream.indirect_vreg.gather [hbm4b:s10+s2], $0x80, v4, vm0, $0xb8;
	[tilespmem:$0x10100] =	vst v63  }
0x108: {  	s31 =	simm.s32 $0xC100  }
0x109: {  	[tilespmem:s31], [sflag:$0x2] =	stream.indirect_vreg.gather [hbm4b:s3+s2], $0x80, v3, vm0, $0xb8;
	[tilespmem:$0x10100] =	vst v63  }
0x10a: {  	s31 =	simm.s32 $0xC900  }
0x10b: {  	[tilespmem:s31], [sflag:$0x2] =	stream.indirect_vreg.gather [hbm4b:s4+s2], $0x80, v3, vm0, $0xb8;
	[tilespmem:$0x10100] =	vst v63  }
0x10c: {  	s31 =	simm.s32 $0xD100  }
0x10d: {  	[tilespmem:s31], [sflag:$0x2] =	stream.indirect_vreg.gather [hbm4b:s5+s2], $0x80, v3, vm0, $0xb8;
	[tilespmem:$0x10100] =	vst v63  }
0x10e: {  	s31 =	simm.s32 $0xD900  }
0x10f: {  	[tilespmem:s31], [sflag:$0x2] =	stream.indirect_vreg.gather [hbm4b:s6+s2], $0x80, v3, vm0, $0xb8;
	[tilespmem:$0x10100] =	vst v63  }
0x110: {  	s31 =	simm.s32 $0xE100  }
0x111: {  	[tilespmem:s31], [sflag:$0x2] =	stream.indirect_vreg.gather [hbm4b:s7+s2], $0x80, v3, vm0, $0xb8;
	[tilespmem:$0x10100] =	vst v63  }
0x112: {  	s31 =	simm.s32 $0xE900  }
0x113: {  	[tilespmem:s31], [sflag:$0x2] =	stream.indirect_vreg.gather [hbm4b:s8+s2], $0x80, v3, vm0, $0xb8;
	[tilespmem:$0x10100] =	vst v63  }
0x114: {  	s31 =	simm.s32 $0xF100  }
0x115: {  	[tilespmem:s31], [sflag:$0x2] =	stream.indirect_vreg.gather [hbm4b:s9+s2], $0x80, v3, vm0, $0xb8;
	[tilespmem:$0x10100] =	vst v63  }
0x116: {  	s17 =	simm.s32 $0xF900  }
0x117: {  	[tilespmem:s17], [sflag:$0x2] =	stream.indirect_vreg.gather [hbm4b:s10+s2], $0x80, v3, vm0, $0xb8;
	[tilespmem:$0x10100] =	vst v63  }
0x118: {  	_ =	swait.ge [sflag:s25], $0x8000  }
0x119: {  	[sflag:s25] =	ssyncset.done $0x0  }
0x11a: {  	s31 =	rddreg [dreg:$0x7];
	[sflag:s25] =	ssyncadd.s32 $0xFFFF8000  }
0x11b: {  	[hbm4b:s31+s2] =	stream.linear.scatter [tilespmem:s13], [sflag:$0x3], $0x8000, $0x38;
	[tilespmem:$0x10100] =	vst v63  }
0x11c: {  	_ =	swait.ge [sflag:s26], $0x8000  }
0x11d: {  	[sflag:s26] =	ssyncset.done $0x0  }
0x11e: {  	[sflag:s26] =	ssyncadd.s32 $0xFFFF8000  }
0x11f: {  	v3 =	vld [tilespmem:$0x60];
	_ =	sdelay $0x4  }
0x120: {  	v54 =	vshll.u32 v3, $0x4  }
0x121: {  	v3 =	vand.u32 $0x7, v3;
	v4 =	vand.u32 $0xFFFFFF80, v54  }
0x122: {  	v3 =	vor.u32 v3, v4  }
0x123: {  	v4 =	vperm.xlane v3, v0;
	_ =	sdelay $0x1  }
0x124: {  	v4 =	vadd.s32 v1, v4;
	_ =	sdelay $0x4  }
0x125: {  	[tilespmem:s13], [sflag:$0x1] =	stream.indirect_vreg.gather [hbm4b:s3+s2], $0x80, v4, vm0, $0xb8;
	[tilespmem:$0x10100] =	vst v63  }
0x126: {  	s0 =	simm.s32 $0x900  }
0x127: {  	[tilespmem:s0], [sflag:$0x1] =	stream.indirect_vreg.gather [hbm4b:s4+s2], $0x80, v4, vm0, $0xb8;
	[tilespmem:$0x10100] =	vst v63  }
0x128: {  	s1 =	simm.s32 $0x1100  }
0x129: {  	[tilespmem:s1], [sflag:$0x1] =	stream.indirect_vreg.gather [hbm4b:s5+s2], $0x80, v4, vm0, $0xb8;
	[tilespmem:$0x10100] =	vst v63  }
0x12a: {  	s11 =	simm.s32 $0x1900  }
0x12b: {  	[tilespmem:s11], [sflag:$0x1] =	stream.indirect_vreg.gather [hbm4b:s6+s2], $0x80, v4, vm0, $0xb8;
	[tilespmem:$0x10100] =	vst v63  }
0x12c: {  	s31 =	simm.s32 $0x2100  }
0x12d: {  	[tilespmem:s31], [sflag:$0x1] =	stream.indirect_vreg.gather [hbm4b:s7+s2], $0x80, v4, vm0, $0xb8;
	[tilespmem:$0x10100] =	vst v63  }
0x12e: {  	v3 =	vperm.xlane v3, v2;
	s31 =	simm.s32 $0x2900  }
0x12f: {  	[tilespmem:s31], [sflag:$0x1] =	stream.indirect_vreg.gather [hbm4b:s8+s2], $0x80, v4, vm0, $0xb8;
	[tilespmem:$0x10100] =	vst v63  }
0x130: {  	s12 =	simm.s32 $0x3100;
	v3 =	vadd.s32 v1, v3  }
0x131: {  	[tilespmem:s12], [sflag:$0x1] =	stream.indirect_vreg.gather [hbm4b:s9+s2], $0x80, v4, vm0, $0xb8;
	[tilespmem:$0x10100] =	vst v63  }
0x132: {  	s16 =	simm.s32 $0x3900  }
0x133: {  	[tilespmem:s16], [sflag:$0x1] =	stream.indirect_vreg.gather [hbm4b:s10+s2], $0x80, v4, vm0, $0xb8;
	[tilespmem:$0x10100] =	vst v63  }
0x134: {  	s18 =	simm.s32 $0x4100  }
0x135: {  	[tilespmem:s18], [sflag:$0x1] =	stream.indirect_vreg.gather [hbm4b:s3+s2], $0x80, v3, vm0, $0xb8;
	[tilespmem:$0x10100] =	vst v63  }
0x136: {  	s19 =	simm.s32 $0x4900  }
0x137: {  	[tilespmem:s19], [sflag:$0x1] =	stream.indirect_vreg.gather [hbm4b:s4+s2], $0x80, v3, vm0, $0xb8;
	[tilespmem:$0x10100] =	vst v63  }
0x138: {  	s20 =	simm.s32 $0x5100  }
0x139: {  	[tilespmem:s20], [sflag:$0x1] =	stream.indirect_vreg.gather [hbm4b:s5+s2], $0x80, v3, vm0, $0xb8;
	[tilespmem:$0x10100] =	vst v63  }
0x13a: {  	s21 =	simm.s32 $0x5900  }
0x13b: {  	[tilespmem:s21], [sflag:$0x1] =	stream.indirect_vreg.gather [hbm4b:s6+s2], $0x80, v3, vm0, $0xb8;
	[tilespmem:$0x10100] =	vst v63  }
0x13c: {  	s22 =	simm.s32 $0x6100  }
0x13d: {  	[tilespmem:s22], [sflag:$0x1] =	stream.indirect_vreg.gather [hbm4b:s7+s2], $0x80, v3, vm0, $0xb8;
	[tilespmem:$0x10100] =	vst v63  }
0x13e: {  	s23 =	simm.s32 $0x6900  }
0x13f: {  	[tilespmem:s23], [sflag:$0x1] =	stream.indirect_vreg.gather [hbm4b:s8+s2], $0x80, v3, vm0, $0xb8;
	[tilespmem:$0x10100] =	vst v63  }
0x140: {  	s24 =	simm.s32 $0x7100  }
0x141: {  	[tilespmem:s24], [sflag:$0x1] =	stream.indirect_vreg.gather [hbm4b:s9+s2], $0x80, v3, vm0, $0xb8;
	[tilespmem:$0x10100] =	vst v63  }
0x142: {  	s31 =	simm.s32 $0x7900  }
0x143: {  	[tilespmem:s31], [sflag:$0x1] =	stream.indirect_vreg.gather [hbm4b:s10+s2], $0x80, v3, vm0, $0xb8;
	[tilespmem:$0x10100] =	vst v63  }
0x144: {  	_ =	swait.ge [sflag:s28], $0x8000  }
0x145: {  	[sflag:s28] =	ssyncset.done $0x0  }
0x146: {  	s31 =	rddreg [dreg:$0x8];
	[sflag:s28] =	ssyncadd.s32 $0xFFFF8000  }
0x147: {  	[hbm4b:s31+s2] =	stream.linear.scatter [tilespmem:s30], [sflag:$0x4], $0x8000, $0x38;
	[tilespmem:$0x10100] =	vst v63  }
0x148: {  	_ =	swait.ge [sflag:s29], $0x8000  }
0x149: {  	[sflag:s29] =	ssyncset.done $0x0  }
0x14a: {  	[sflag:s29] =	ssyncadd.s32 $0xFFFF8000  }
0x14b: {  	v3 =	vld [tilespmem:$0x70];
	_ =	sdelay $0x4  }
0x14c: {  	v55 =	vshll.u32 v3, $0x4  }
0x14d: {  	v3 =	vand.u32 $0x7, v3;
	v4 =	vand.u32 $0xFFFFFF80, v55  }
0x14e: {  	v3 =	vor.u32 v3, v4  }
0x14f: {  	v4 =	vperm.xlane v3, v0;
	_ =	sdelay $0x1  }
0x150: {  	v4 =	vadd.s32 v1, v4;
	_ =	sdelay $0x4  }
0x151: {  	[tilespmem:s30], [sflag:$0x2] =	stream.indirect_vreg.gather [hbm4b:s3+s2], $0x80, v4, vm0, $0xb8;
	[tilespmem:$0x10100] =	vst v63  }
0x152: {  	s14 =	simm.s32 $0x8900  }
0x153: {  	[tilespmem:s14], [sflag:$0x2] =	stream.indirect_vreg.gather [hbm4b:s4+s2], $0x80, v4, vm0, $0xb8;
	[tilespmem:$0x10100] =	vst v63  }
0x154: {  	s31 =	simm.s32 $0x9100  }
0x155: {  	[tilespmem:s31], [sflag:$0x2] =	stream.indirect_vreg.gather [hbm4b:s5+s2], $0x80, v4, vm0, $0xb8;
	[tilespmem:$0x10100] =	vst v63  }
0x156: {  	s31 =	simm.s32 $0x9900  }
0x157: {  	[tilespmem:s31], [sflag:$0x2] =	stream.indirect_vreg.gather [hbm4b:s6+s2], $0x80, v4, vm0, $0xb8;
	[tilespmem:$0x10100] =	vst v63  }
0x158: {  	s31 =	simm.s32 $0xA100  }
0x159: {  	[tilespmem:s31], [sflag:$0x2] =	stream.indirect_vreg.gather [hbm4b:s7+s2], $0x80, v4, vm0, $0xb8;
	[tilespmem:$0x10100] =	vst v63  }
0x15a: {  	v3 =	vperm.xlane v3, v2;
	s31 =	simm.s32 $0xA900  }
0x15b: {  	[tilespmem:s31], [sflag:$0x2] =	stream.indirect_vreg.gather [hbm4b:s8+s2], $0x80, v4, vm0, $0xb8;
	[tilespmem:$0x10100] =	vst v63  }
0x15c: {  	v3 =	vadd.s32 v1, v3;
	s31 =	simm.s32 $0xB100  }
0x15d: {  	[tilespmem:s31], [sflag:$0x2] =	stream.indirect_vreg.gather [hbm4b:s9+s2], $0x80, v4, vm0, $0xb8;
	[tilespmem:$0x10100] =	vst v63  }
0x15e: {  	s31 =	simm.s32 $0xB900  }
0x15f: {  	[tilespmem:s31], [sflag:$0x2] =	stream.indirect_vreg.gather [hbm4b:s10+s2], $0x80, v4, vm0, $0xb8;
	[tilespmem:$0x10100] =	vst v63  }
0x160: {  	s31 =	simm.s32 $0xC100  }
0x161: {  	[tilespmem:s31], [sflag:$0x2] =	stream.indirect_vreg.gather [hbm4b:s3+s2], $0x80, v3, vm0, $0xb8;
	[tilespmem:$0x10100] =	vst v63  }
0x162: {  	s31 =	simm.s32 $0xC900  }
0x163: {  	[tilespmem:s31], [sflag:$0x2] =	stream.indirect_vreg.gather [hbm4b:s4+s2], $0x80, v3, vm0, $0xb8;
	[tilespmem:$0x10100] =	vst v63  }
0x164: {  	s31 =	simm.s32 $0xD100  }
0x165: {  	[tilespmem:s31], [sflag:$0x2] =	stream.indirect_vreg.gather [hbm4b:s5+s2], $0x80, v3, vm0, $0xb8;
	[tilespmem:$0x10100] =	vst v63  }
0x166: {  	s31 =	simm.s32 $0xD900  }
0x167: {  	[tilespmem:s31], [sflag:$0x2] =	stream.indirect_vreg.gather [hbm4b:s6+s2], $0x80, v3, vm0, $0xb8;
	[tilespmem:$0x10100] =	vst v63  }
0x168: {  	s31 =	simm.s32 $0xE100  }
0x169: {  	[tilespmem:s31], [sflag:$0x2] =	stream.indirect_vreg.gather [hbm4b:s7+s2], $0x80, v3, vm0, $0xb8;
	[tilespmem:$0x10100] =	vst v63  }
0x16a: {  	s31 =	simm.s32 $0xE900  }
0x16b: {  	[tilespmem:s31], [sflag:$0x2] =	stream.indirect_vreg.gather [hbm4b:s8+s2], $0x80, v3, vm0, $0xb8;
	[tilespmem:$0x10100] =	vst v63  }
0x16c: {  	s31 =	simm.s32 $0xF100  }
0x16d: {  	[tilespmem:s31], [sflag:$0x2] =	stream.indirect_vreg.gather [hbm4b:s9+s2], $0x80, v3, vm0, $0xb8;
	[tilespmem:$0x10100] =	vst v63  }
0x16e: {  	s17 =	simm.s32 $0xF900  }
0x16f: {  	[tilespmem:s17], [sflag:$0x2] =	stream.indirect_vreg.gather [hbm4b:s10+s2], $0x80, v3, vm0, $0xb8;
	[tilespmem:$0x10100] =	vst v63  }
0x170: {  	_ =	swait.ge [sflag:s25], $0x8000  }
0x171: {  	[sflag:s25] =	ssyncset.done $0x0  }
0x172: {  	s31 =	rddreg [dreg:$0x9];
	[sflag:s25] =	ssyncadd.s32 $0xFFFF8000  }
0x173: {  	[hbm4b:s31+s2] =	stream.linear.scatter [tilespmem:s13], [sflag:$0x3], $0x8000, $0x38;
	[tilespmem:$0x10100] =	vst v63  }
0x174: {  	_ =	swait.ge [sflag:s26], $0x8000  }
0x175: {  	[sflag:s26] =	ssyncset.done $0x0  }
0x176: {  	[sflag:s26] =	ssyncadd.s32 $0xFFFF8000  }
0x177: {  	v3 =	vld [tilespmem:$0x80];
	_ =	sdelay $0x4  }
0x178: {  	v56 =	vshll.u32 v3, $0x4  }
0x179: {  	v3 =	vand.u32 $0x7, v3;
	v4 =	vand.u32 $0xFFFFFF80, v56  }
0x17a: {  	v3 =	vor.u32 v3, v4  }
0x17b: {  	v4 =	vperm.xlane v3, v0;
	_ =	sdelay $0x1  }
0x17c: {  	v4 =	vadd.s32 v1, v4;
	_ =	sdelay $0x4  }
0x17d: {  	[tilespmem:s13], [sflag:$0x1] =	stream.indirect_vreg.gather [hbm4b:s3+s2], $0x80, v4, vm0, $0xb8;
	[tilespmem:$0x10100] =	vst v63  }
0x17e: {  	s0 =	simm.s32 $0x900  }
0x17f: {  	[tilespmem:s0], [sflag:$0x1] =	stream.indirect_vreg.gather [hbm4b:s4+s2], $0x80, v4, vm0, $0xb8;
	[tilespmem:$0x10100] =	vst v63  }
0x180: {  	s1 =	simm.s32 $0x1100  }
0x181: {  	[tilespmem:s1], [sflag:$0x1] =	stream.indirect_vreg.gather [hbm4b:s5+s2], $0x80, v4, vm0, $0xb8;
	[tilespmem:$0x10100] =	vst v63  }
0x182: {  	s11 =	simm.s32 $0x1900  }
0x183: {  	[tilespmem:s11], [sflag:$0x1] =	stream.indirect_vreg.gather [hbm4b:s6+s2], $0x80, v4, vm0, $0xb8;
	[tilespmem:$0x10100] =	vst v63  }
0x184: {  	s31 =	simm.s32 $0x2100  }
0x185: {  	[tilespmem:s31], [sflag:$0x1] =	stream.indirect_vreg.gather [hbm4b:s7+s2], $0x80, v4, vm0, $0xb8;
	[tilespmem:$0x10100] =	vst v63  }
0x186: {  	v3 =	vperm.xlane v3, v2;
	s31 =	simm.s32 $0x2900  }
0x187: {  	[tilespmem:s31], [sflag:$0x1] =	stream.indirect_vreg.gather [hbm4b:s8+s2], $0x80, v4, vm0, $0xb8;
	[tilespmem:$0x10100] =	vst v63  }
0x188: {  	s12 =	simm.s32 $0x3100;
	v3 =	vadd.s32 v1, v3  }
0x189: {  	[tilespmem:s12], [sflag:$0x1] =	stream.indirect_vreg.gather [hbm4b:s9+s2], $0x80, v4, vm0, $0xb8;
	[tilespmem:$0x10100] =	vst v63  }
0x18a: {  	s16 =	simm.s32 $0x3900  }
0x18b: {  	[tilespmem:s16], [sflag:$0x1] =	stream.indirect_vreg.gather [hbm4b:s10+s2], $0x80, v4, vm0, $0xb8;
	[tilespmem:$0x10100] =	vst v63  }
0x18c: {  	s18 =	simm.s32 $0x4100  }
0x18d: {  	[tilespmem:s18], [sflag:$0x1] =	stream.indirect_vreg.gather [hbm4b:s3+s2], $0x80, v3, vm0, $0xb8;
	[tilespmem:$0x10100] =	vst v63  }
0x18e: {  	s19 =	simm.s32 $0x4900  }
0x18f: {  	[tilespmem:s19], [sflag:$0x1] =	stream.indirect_vreg.gather [hbm4b:s4+s2], $0x80, v3, vm0, $0xb8;
	[tilespmem:$0x10100] =	vst v63  }
0x190: {  	s20 =	simm.s32 $0x5100  }
0x191: {  	[tilespmem:s20], [sflag:$0x1] =	stream.indirect_vreg.gather [hbm4b:s5+s2], $0x80, v3, vm0, $0xb8;
	[tilespmem:$0x10100] =	vst v63  }
0x192: {  	s21 =	simm.s32 $0x5900  }
0x193: {  	[tilespmem:s21], [sflag:$0x1] =	stream.indirect_vreg.gather [hbm4b:s6+s2], $0x80, v3, vm0, $0xb8;
	[tilespmem:$0x10100] =	vst v63  }
0x194: {  	s22 =	simm.s32 $0x6100  }
0x195: {  	[tilespmem:s22], [sflag:$0x1] =	stream.indirect_vreg.gather [hbm4b:s7+s2], $0x80, v3, vm0, $0xb8;
	[tilespmem:$0x10100] =	vst v63  }
0x196: {  	s23 =	simm.s32 $0x6900  }
0x197: {  	[tilespmem:s23], [sflag:$0x1] =	stream.indirect_vreg.gather [hbm4b:s8+s2], $0x80, v3, vm0, $0xb8;
	[tilespmem:$0x10100] =	vst v63  }
0x198: {  	s24 =	simm.s32 $0x7100  }
0x199: {  	[tilespmem:s24], [sflag:$0x1] =	stream.indirect_vreg.gather [hbm4b:s9+s2], $0x80, v3, vm0, $0xb8;
	[tilespmem:$0x10100] =	vst v63  }
0x19a: {  	s31 =	simm.s32 $0x7900  }
0x19b: {  	[tilespmem:s31], [sflag:$0x1] =	stream.indirect_vreg.gather [hbm4b:s10+s2], $0x80, v3, vm0, $0xb8;
	[tilespmem:$0x10100] =	vst v63  }
0x19c: {  	_ =	swait.ge [sflag:s28], $0x8000  }
0x19d: {  	[sflag:s28] =	ssyncset.done $0x0  }
0x19e: {  	s31 =	rddreg [dreg:$0xa];
	[sflag:s28] =	ssyncadd.s32 $0xFFFF8000  }
0x19f: {  	[hbm4b:s31+s2] =	stream.linear.scatter [tilespmem:s30], [sflag:$0x4], $0x8000, $0x38;
	[tilespmem:$0x10100] =	vst v63  }
0x1a0: {  	_ =	swait.ge [sflag:s29], $0x8000  }
0x1a1: {  	[sflag:s29] =	ssyncset.done $0x0  }
0x1a2: {  	[sflag:s29] =	ssyncadd.s32 $0xFFFF8000  }
0x1a3: {  	v3 =	vld [tilespmem:$0x90];
	_ =	sdelay $0x4  }
0x1a4: {  	v57 =	vshll.u32 v3, $0x4  }
0x1a5: {  	v3 =	vand.u32 $0x7, v3;
	v4 =	vand.u32 $0xFFFFFF80, v57  }
0x1a6: {  	v3 =	vor.u32 v3, v4  }
0x1a7: {  	v4 =	vperm.xlane v3, v0;
	_ =	sdelay $0x1  }
0x1a8: {  	v4 =	vadd.s32 v1, v4;
	_ =	sdelay $0x4  }
0x1a9: {  	[tilespmem:s30], [sflag:$0x2] =	stream.indirect_vreg.gather [hbm4b:s3+s2], $0x80, v4, vm0, $0xb8;
	[tilespmem:$0x10100] =	vst v63  }
0x1aa: {  	s14 =	simm.s32 $0x8900  }
0x1ab: {  	[tilespmem:s14], [sflag:$0x2] =	stream.indirect_vreg.gather [hbm4b:s4+s2], $0x80, v4, vm0, $0xb8;
	[tilespmem:$0x10100] =	vst v63  }
0x1ac: {  	s31 =	simm.s32 $0x9100  }
0x1ad: {  	[tilespmem:s31], [sflag:$0x2] =	stream.indirect_vreg.gather [hbm4b:s5+s2], $0x80, v4, vm0, $0xb8;
	[tilespmem:$0x10100] =	vst v63  }
0x1ae: {  	s31 =	simm.s32 $0x9900  }
0x1af: {  	[tilespmem:s31], [sflag:$0x2] =	stream.indirect_vreg.gather [hbm4b:s6+s2], $0x80, v4, vm0, $0xb8;
	[tilespmem:$0x10100] =	vst v63  }
0x1b0: {  	s31 =	simm.s32 $0xA100  }
0x1b1: {  	[tilespmem:s31], [sflag:$0x2] =	stream.indirect_vreg.gather [hbm4b:s7+s2], $0x80, v4, vm0, $0xb8;
	[tilespmem:$0x10100] =	vst v63  }
0x1b2: {  	v3 =	vperm.xlane v3, v2;
	s31 =	simm.s32 $0xA900  }
0x1b3: {  	[tilespmem:s31], [sflag:$0x2] =	stream.indirect_vreg.gather [hbm4b:s8+s2], $0x80, v4, vm0, $0xb8;
	[tilespmem:$0x10100] =	vst v63  }
0x1b4: {  	v3 =	vadd.s32 v1, v3;
	s31 =	simm.s32 $0xB100  }
0x1b5: {  	[tilespmem:s31], [sflag:$0x2] =	stream.indirect_vreg.gather [hbm4b:s9+s2], $0x80, v4, vm0, $0xb8;
	[tilespmem:$0x10100] =	vst v63  }
0x1b6: {  	s31 =	simm.s32 $0xB900  }
0x1b7: {  	[tilespmem:s31], [sflag:$0x2] =	stream.indirect_vreg.gather [hbm4b:s10+s2], $0x80, v4, vm0, $0xb8;
	[tilespmem:$0x10100] =	vst v63  }
0x1b8: {  	s31 =	simm.s32 $0xC100  }
0x1b9: {  	[tilespmem:s31], [sflag:$0x2] =	stream.indirect_vreg.gather [hbm4b:s3+s2], $0x80, v3, vm0, $0xb8;
	[tilespmem:$0x10100] =	vst v63  }
0x1ba: {  	s31 =	simm.s32 $0xC900  }
0x1bb: {  	[tilespmem:s31], [sflag:$0x2] =	stream.indirect_vreg.gather [hbm4b:s4+s2], $0x80, v3, vm0, $0xb8;
	[tilespmem:$0x10100] =	vst v63  }
0x1bc: {  	s31 =	simm.s32 $0xD100  }
0x1bd: {  	[tilespmem:s31], [sflag:$0x2] =	stream.indirect_vreg.gather [hbm4b:s5+s2], $0x80, v3, vm0, $0xb8;
	[tilespmem:$0x10100] =	vst v63  }
0x1be: {  	s31 =	simm.s32 $0xD900  }
0x1bf: {  	[tilespmem:s31], [sflag:$0x2] =	stream.indirect_vreg.gather [hbm4b:s6+s2], $0x80, v3, vm0, $0xb8;
	[tilespmem:$0x10100] =	vst v63  }
0x1c0: {  	s31 =	simm.s32 $0xE100  }
0x1c1: {  	[tilespmem:s31], [sflag:$0x2] =	stream.indirect_vreg.gather [hbm4b:s7+s2], $0x80, v3, vm0, $0xb8;
	[tilespmem:$0x10100] =	vst v63  }
0x1c2: {  	s31 =	simm.s32 $0xE900  }
0x1c3: {  	[tilespmem:s31], [sflag:$0x2] =	stream.indirect_vreg.gather [hbm4b:s8+s2], $0x80, v3, vm0, $0xb8;
	[tilespmem:$0x10100] =	vst v63  }
0x1c4: {  	s31 =	simm.s32 $0xF100  }
0x1c5: {  	[tilespmem:s31], [sflag:$0x2] =	stream.indirect_vreg.gather [hbm4b:s9+s2], $0x80, v3, vm0, $0xb8;
	[tilespmem:$0x10100] =	vst v63  }
0x1c6: {  	s17 =	simm.s32 $0xF900  }
0x1c7: {  	[tilespmem:s17], [sflag:$0x2] =	stream.indirect_vreg.gather [hbm4b:s10+s2], $0x80, v3, vm0, $0xb8;
	[tilespmem:$0x10100] =	vst v63  }
0x1c8: {  	_ =	swait.ge [sflag:s25], $0x8000  }
0x1c9: {  	[sflag:s25] =	ssyncset.done $0x0  }
0x1ca: {  	s31 =	rddreg [dreg:$0xb];
	[sflag:s25] =	ssyncadd.s32 $0xFFFF8000  }
0x1cb: {  	[hbm4b:s31+s2] =	stream.linear.scatter [tilespmem:s13], [sflag:$0x3], $0x8000, $0x38;
	[tilespmem:$0x10100] =	vst v63  }
0x1cc: {  	_ =	swait.ge [sflag:s26], $0x8000  }
0x1cd: {  	[sflag:s26] =	ssyncset.done $0x0  }
0x1ce: {  	[sflag:s26] =	ssyncadd.s32 $0xFFFF8000  }
0x1cf: {  	v3 =	vld [tilespmem:$0xA0];
	_ =	sdelay $0x4  }
0x1d0: {  	v58 =	vshll.u32 v3, $0x4  }
0x1d1: {  	v3 =	vand.u32 $0x7, v3;
	v4 =	vand.u32 $0xFFFFFF80, v58  }
0x1d2: {  	v3 =	vor.u32 v3, v4  }
0x1d3: {  	v4 =	vperm.xlane v3, v0;
	_ =	sdelay $0x1  }
0x1d4: {  	v4 =	vadd.s32 v1, v4;
	_ =	sdelay $0x4  }
0x1d5: {  	[tilespmem:s13], [sflag:$0x1] =	stream.indirect_vreg.gather [hbm4b:s3+s2], $0x80, v4, vm0, $0xb8;
	[tilespmem:$0x10100] =	vst v63  }
0x1d6: {  	s0 =	simm.s32 $0x900  }
0x1d7: {  	[tilespmem:s0], [sflag:$0x1] =	stream.indirect_vreg.gather [hbm4b:s4+s2], $0x80, v4, vm0, $0xb8;
	[tilespmem:$0x10100] =	vst v63  }
0x1d8: {  	s1 =	simm.s32 $0x1100  }
0x1d9: {  	[tilespmem:s1], [sflag:$0x1] =	stream.indirect_vreg.gather [hbm4b:s5+s2], $0x80, v4, vm0, $0xb8;
	[tilespmem:$0x10100] =	vst v63  }
0x1da: {  	s11 =	simm.s32 $0x1900  }
0x1db: {  	[tilespmem:s11], [sflag:$0x1] =	stream.indirect_vreg.gather [hbm4b:s6+s2], $0x80, v4, vm0, $0xb8;
	[tilespmem:$0x10100] =	vst v63  }
0x1dc: {  	s31 =	simm.s32 $0x2100  }
0x1dd: {  	[tilespmem:s31], [sflag:$0x1] =	stream.indirect_vreg.gather [hbm4b:s7+s2], $0x80, v4, vm0, $0xb8;
	[tilespmem:$0x10100] =	vst v63  }
0x1de: {  	v3 =	vperm.xlane v3, v2;
	s31 =	simm.s32 $0x2900  }
0x1df: {  	[tilespmem:s31], [sflag:$0x1] =	stream.indirect_vreg.gather [hbm4b:s8+s2], $0x80, v4, vm0, $0xb8;
	[tilespmem:$0x10100] =	vst v63  }
0x1e0: {  	s12 =	simm.s32 $0x3100;
	v3 =	vadd.s32 v1, v3  }
0x1e1: {  	[tilespmem:s12], [sflag:$0x1] =	stream.indirect_vreg.gather [hbm4b:s9+s2], $0x80, v4, vm0, $0xb8;
	[tilespmem:$0x10100] =	vst v63  }
0x1e2: {  	s16 =	simm.s32 $0x3900  }
0x1e3: {  	[tilespmem:s16], [sflag:$0x1] =	stream.indirect_vreg.gather [hbm4b:s10+s2], $0x80, v4, vm0, $0xb8;
	[tilespmem:$0x10100] =	vst v63  }
0x1e4: {  	s18 =	simm.s32 $0x4100  }
0x1e5: {  	[tilespmem:s18], [sflag:$0x1] =	stream.indirect_vreg.gather [hbm4b:s3+s2], $0x80, v3, vm0, $0xb8;
	[tilespmem:$0x10100] =	vst v63  }
0x1e6: {  	s19 =	simm.s32 $0x4900  }
0x1e7: {  	[tilespmem:s19], [sflag:$0x1] =	stream.indirect_vreg.gather [hbm4b:s4+s2], $0x80, v3, vm0, $0xb8;
	[tilespmem:$0x10100] =	vst v63  }
0x1e8: {  	s20 =	simm.s32 $0x5100  }
0x1e9: {  	[tilespmem:s20], [sflag:$0x1] =	stream.indirect_vreg.gather [hbm4b:s5+s2], $0x80, v3, vm0, $0xb8;
	[tilespmem:$0x10100] =	vst v63  }
0x1ea: {  	s21 =	simm.s32 $0x5900  }
0x1eb: {  	[tilespmem:s21], [sflag:$0x1] =	stream.indirect_vreg.gather [hbm4b:s6+s2], $0x80, v3, vm0, $0xb8;
	[tilespmem:$0x10100] =	vst v63  }
0x1ec: {  	s22 =	simm.s32 $0x6100  }
0x1ed: {  	[tilespmem:s22], [sflag:$0x1] =	stream.indirect_vreg.gather [hbm4b:s7+s2], $0x80, v3, vm0, $0xb8;
	[tilespmem:$0x10100] =	vst v63  }
0x1ee: {  	s23 =	simm.s32 $0x6900  }
0x1ef: {  	[tilespmem:s23], [sflag:$0x1] =	stream.indirect_vreg.gather [hbm4b:s8+s2], $0x80, v3, vm0, $0xb8;
	[tilespmem:$0x10100] =	vst v63  }
0x1f0: {  	s24 =	simm.s32 $0x7100  }
0x1f1: {  	[tilespmem:s24], [sflag:$0x1] =	stream.indirect_vreg.gather [hbm4b:s9+s2], $0x80, v3, vm0, $0xb8;
	[tilespmem:$0x10100] =	vst v63  }
0x1f2: {  	s31 =	simm.s32 $0x7900  }
0x1f3: {  	[tilespmem:s31], [sflag:$0x1] =	stream.indirect_vreg.gather [hbm4b:s10+s2], $0x80, v3, vm0, $0xb8;
	[tilespmem:$0x10100] =	vst v63  }
0x1f4: {  	_ =	swait.ge [sflag:s28], $0x8000  }
0x1f5: {  	[sflag:s28] =	ssyncset.done $0x0  }
0x1f6: {  	s31 =	rddreg [dreg:$0xc];
	[sflag:s28] =	ssyncadd.s32 $0xFFFF8000  }
0x1f7: {  	[hbm4b:s31+s2] =	stream.linear.scatter [tilespmem:s30], [sflag:$0x4], $0x8000, $0x38;
	[tilespmem:$0x10100] =	vst v63  }
0x1f8: {  	_ =	swait.ge [sflag:s29], $0x8000  }
0x1f9: {  	[sflag:s29] =	ssyncset.done $0x0  }
0x1fa: {  	[sflag:s29] =	ssyncadd.s32 $0xFFFF8000  }
0x1fb: {  	v3 =	vld [tilespmem:$0xB0];
	_ =	sdelay $0x4  }
0x1fc: {  	v59 =	vshll.u32 v3, $0x4  }
0x1fd: {  	v3 =	vand.u32 $0x7, v3;
	v4 =	vand.u32 $0xFFFFFF80, v59  }
0x1fe: {  	v3 =	vor.u32 v3, v4  }
0x1ff: {  	v4 =	vperm.xlane v3, v0;
	_ =	sdelay $0x1  }
0x200: {  	v4 =	vadd.s32 v1, v4;
	_ =	sdelay $0x4  }
0x201: {  	[tilespmem:s30], [sflag:$0x2] =	stream.indirect_vreg.gather [hbm4b:s3+s2], $0x80, v4, vm0, $0xb8;
	[tilespmem:$0x10100] =	vst v63  }
0x202: {  	s14 =	simm.s32 $0x8900  }
0x203: {  	[tilespmem:s14], [sflag:$0x2] =	stream.indirect_vreg.gather [hbm4b:s4+s2], $0x80, v4, vm0, $0xb8;
	[tilespmem:$0x10100] =	vst v63  }
0x204: {  	s31 =	simm.s32 $0x9100  }
0x205: {  	[tilespmem:s31], [sflag:$0x2] =	stream.indirect_vreg.gather [hbm4b:s5+s2], $0x80, v4, vm0, $0xb8;
	[tilespmem:$0x10100] =	vst v63  }
0x206: {  	s31 =	simm.s32 $0x9900  }
0x207: {  	[tilespmem:s31], [sflag:$0x2] =	stream.indirect_vreg.gather [hbm4b:s6+s2], $0x80, v4, vm0, $0xb8;
	[tilespmem:$0x10100] =	vst v63  }
0x208: {  	s31 =	simm.s32 $0xA100  }
0x209: {  	[tilespmem:s31], [sflag:$0x2] =	stream.indirect_vreg.gather [hbm4b:s7+s2], $0x80, v4, vm0, $0xb8;
	[tilespmem:$0x10100] =	vst v63  }
0x20a: {  	v3 =	vperm.xlane v3, v2;
	s31 =	simm.s32 $0xA900  }
0x20b: {  	[tilespmem:s31], [sflag:$0x2] =	stream.indirect_vreg.gather [hbm4b:s8+s2], $0x80, v4, vm0, $0xb8;
	[tilespmem:$0x10100] =	vst v63  }
0x20c: {  	v3 =	vadd.s32 v1, v3;
	s31 =	simm.s32 $0xB100  }
0x20d: {  	[tilespmem:s31], [sflag:$0x2] =	stream.indirect_vreg.gather [hbm4b:s9+s2], $0x80, v4, vm0, $0xb8;
	[tilespmem:$0x10100] =	vst v63  }
0x20e: {  	s31 =	simm.s32 $0xB900  }
0x20f: {  	[tilespmem:s31], [sflag:$0x2] =	stream.indirect_vreg.gather [hbm4b:s10+s2], $0x80, v4, vm0, $0xb8;
	[tilespmem:$0x10100] =	vst v63  }
0x210: {  	s31 =	simm.s32 $0xC100  }
0x211: {  	[tilespmem:s31], [sflag:$0x2] =	stream.indirect_vreg.gather [hbm4b:s3+s2], $0x80, v3, vm0, $0xb8;
	[tilespmem:$0x10100] =	vst v63  }
0x212: {  	s31 =	simm.s32 $0xC900  }
0x213: {  	[tilespmem:s31], [sflag:$0x2] =	stream.indirect_vreg.gather [hbm4b:s4+s2], $0x80, v3, vm0, $0xb8;
	[tilespmem:$0x10100] =	vst v63  }
0x214: {  	s31 =	simm.s32 $0xD100  }
0x215: {  	[tilespmem:s31], [sflag:$0x2] =	stream.indirect_vreg.gather [hbm4b:s5+s2], $0x80, v3, vm0, $0xb8;
	[tilespmem:$0x10100] =	vst v63  }
0x216: {  	s31 =	simm.s32 $0xD900  }
0x217: {  	[tilespmem:s31], [sflag:$0x2] =	stream.indirect_vreg.gather [hbm4b:s6+s2], $0x80, v3, vm0, $0xb8;
	[tilespmem:$0x10100] =	vst v63  }
0x218: {  	s31 =	simm.s32 $0xE100  }
0x219: {  	[tilespmem:s31], [sflag:$0x2] =	stream.indirect_vreg.gather [hbm4b:s7+s2], $0x80, v3, vm0, $0xb8;
	[tilespmem:$0x10100] =	vst v63  }
0x21a: {  	s31 =	simm.s32 $0xE900  }
0x21b: {  	[tilespmem:s31], [sflag:$0x2] =	stream.indirect_vreg.gather [hbm4b:s8+s2], $0x80, v3, vm0, $0xb8;
	[tilespmem:$0x10100] =	vst v63  }
0x21c: {  	s31 =	simm.s32 $0xF100  }
0x21d: {  	[tilespmem:s31], [sflag:$0x2] =	stream.indirect_vreg.gather [hbm4b:s9+s2], $0x80, v3, vm0, $0xb8;
	[tilespmem:$0x10100] =	vst v63  }
0x21e: {  	s17 =	simm.s32 $0xF900  }
0x21f: {  	[tilespmem:s17], [sflag:$0x2] =	stream.indirect_vreg.gather [hbm4b:s10+s2], $0x80, v3, vm0, $0xb8;
	[tilespmem:$0x10100] =	vst v63  }
0x220: {  	_ =	swait.ge [sflag:s25], $0x8000  }
0x221: {  	[sflag:s25] =	ssyncset.done $0x0  }
0x222: {  	s17 =	rddreg [dreg:$0xd];
	[sflag:s25] =	ssyncadd.s32 $0xFFFF8000  }
0x223: {  	[hbm4b:s17+s2] =	stream.linear.scatter [tilespmem:s13], [sflag:$0x3], $0x8000, $0x38;
	[tilespmem:$0x10100] =	vst v63  }
0x224: {  	_ =	swait.ge [sflag:s26], $0x8000  }
0x225: {  	[sflag:s26] =	ssyncset.done $0x0  }
0x226: {  	[sflag:s26] =	ssyncadd.s32 $0xFFFF8000  }
0x227: {  	v3 =	vld [tilespmem:$0xC0];
	_ =	sdelay $0x4  }
0x228: {  	v60 =	vshll.u32 v3, $0x4  }
0x229: {  	v3 =	vand.u32 $0x7, v3;
	v4 =	vand.u32 $0xFFFFFF80, v60  }
0x22a: {  	v3 =	vor.u32 v3, v4  }
0x22b: {  	v4 =	vperm.xlane v3, v0;
	_ =	sdelay $0x1  }
0x22c: {  	v4 =	vadd.s32 v1, v4;
	_ =	sdelay $0x4  }
0x22d: {  	[tilespmem:s13], [sflag:$0x1] =	stream.indirect_vreg.gather [hbm4b:s3+s2], $0x80, v4, vm0, $0xb8;
	[tilespmem:$0x10100] =	vst v63  }
0x22e: {  	s0 =	simm.s32 $0x900  }
0x22f: {  	[tilespmem:s0], [sflag:$0x1] =	stream.indirect_vreg.gather [hbm4b:s4+s2], $0x80, v4, vm0, $0xb8;
	[tilespmem:$0x10100] =	vst v63  }
0x230: {  	s1 =	simm.s32 $0x1100  }
0x231: {  	[tilespmem:s1], [sflag:$0x1] =	stream.indirect_vreg.gather [hbm4b:s5+s2], $0x80, v4, vm0, $0xb8;
	[tilespmem:$0x10100] =	vst v63  }
0x232: {  	s11 =	simm.s32 $0x1900  }
0x233: {  	[tilespmem:s11], [sflag:$0x1] =	stream.indirect_vreg.gather [hbm4b:s6+s2], $0x80, v4, vm0, $0xb8;
	[tilespmem:$0x10100] =	vst v63  }
0x234: {  	s31 =	simm.s32 $0x2100  }
0x235: {  	[tilespmem:s31], [sflag:$0x1] =	stream.indirect_vreg.gather [hbm4b:s7+s2], $0x80, v4, vm0, $0xb8;
	[tilespmem:$0x10100] =	vst v63  }
0x236: {  	v3 =	vperm.xlane v3, v2;
	s31 =	simm.s32 $0x2900  }
0x237: {  	[tilespmem:s31], [sflag:$0x1] =	stream.indirect_vreg.gather [hbm4b:s8+s2], $0x80, v4, vm0, $0xb8;
	[tilespmem:$0x10100] =	vst v63  }
0x238: {  	s12 =	simm.s32 $0x3100;
	v3 =	vadd.s32 v1, v3  }
0x239: {  	[tilespmem:s12], [sflag:$0x1] =	stream.indirect_vreg.gather [hbm4b:s9+s2], $0x80, v4, vm0, $0xb8;
	[tilespmem:$0x10100] =	vst v63  }
0x23a: {  	s16 =	simm.s32 $0x3900  }
0x23b: {  	[tilespmem:s16], [sflag:$0x1] =	stream.indirect_vreg.gather [hbm4b:s10+s2], $0x80, v4, vm0, $0xb8;
	[tilespmem:$0x10100] =	vst v63  }
0x23c: {  	s18 =	simm.s32 $0x4100  }
0x23d: {  	[tilespmem:s18], [sflag:$0x1] =	stream.indirect_vreg.gather [hbm4b:s3+s2], $0x80, v3, vm0, $0xb8;
	[tilespmem:$0x10100] =	vst v63  }
0x23e: {  	s19 =	simm.s32 $0x4900  }
0x23f: {  	[tilespmem:s19], [sflag:$0x1] =	stream.indirect_vreg.gather [hbm4b:s4+s2], $0x80, v3, vm0, $0xb8;
	[tilespmem:$0x10100] =	vst v63  }
0x240: {  	s20 =	simm.s32 $0x5100  }
0x241: {  	[tilespmem:s20], [sflag:$0x1] =	stream.indirect_vreg.gather [hbm4b:s5+s2], $0x80, v3, vm0, $0xb8;
	[tilespmem:$0x10100] =	vst v63  }
0x242: {  	s21 =	simm.s32 $0x5900  }
0x243: {  	[tilespmem:s21], [sflag:$0x1] =	stream.indirect_vreg.gather [hbm4b:s6+s2], $0x80, v3, vm0, $0xb8;
	[tilespmem:$0x10100] =	vst v63  }
0x244: {  	s22 =	simm.s32 $0x6100  }
0x245: {  	[tilespmem:s22], [sflag:$0x1] =	stream.indirect_vreg.gather [hbm4b:s7+s2], $0x80, v3, vm0, $0xb8;
	[tilespmem:$0x10100] =	vst v63  }
0x246: {  	s23 =	simm.s32 $0x6900  }
0x247: {  	[tilespmem:s23], [sflag:$0x1] =	stream.indirect_vreg.gather [hbm4b:s8+s2], $0x80, v3, vm0, $0xb8;
	[tilespmem:$0x10100] =	vst v63  }
0x248: {  	s24 =	simm.s32 $0x7100  }
0x249: {  	[tilespmem:s24], [sflag:$0x1] =	stream.indirect_vreg.gather [hbm4b:s9+s2], $0x80, v3, vm0, $0xb8;
	[tilespmem:$0x10100] =	vst v63  }
0x24a: {  	s31 =	simm.s32 $0x7900  }
0x24b: {  	[tilespmem:s31], [sflag:$0x1] =	stream.indirect_vreg.gather [hbm4b:s10+s2], $0x80, v3, vm0, $0xb8;
	[tilespmem:$0x10100] =	vst v63  }
0x24c: {  	_ =	swait.ge [sflag:s28], $0x8000  }
0x24d: {  	[sflag:s28] =	ssyncset.done $0x0  }
0x24e: {  	s24 =	rddreg [dreg:$0xe];
	[sflag:s28] =	ssyncadd.s32 $0xFFFF8000  }
0x24f: {  	[hbm4b:s24+s2] =	stream.linear.scatter [tilespmem:s30], [sflag:$0x4], $0x8000, $0x38;
	[tilespmem:$0x10100] =	vst v63  }
0x250: {  	_ =	swait.ge [sflag:s29], $0x8000  }
0x251: {  	[sflag:s29] =	ssyncset.done $0x0  }
0x252: {  	[sflag:s29] =	ssyncadd.s32 $0xFFFF8000  }
0x253: {  	v3 =	vld [tilespmem:$0xD0];
	_ =	sdelay $0x4  }
0x254: {  	v61 =	vshll.u32 v3, $0x4  }
0x255: {  	v3 =	vand.u32 $0x7, v3;
	v4 =	vand.u32 $0xFFFFFF80, v61  }
0x256: {  	v3 =	vor.u32 v3, v4  }
0x257: {  	v4 =	vperm.xlane v3, v0;
	_ =	sdelay $0x1  }
0x258: {  	v4 =	vadd.s32 v1, v4;
	_ =	sdelay $0x4  }
0x259: {  	[tilespmem:s30], [sflag:$0x2] =	stream.indirect_vreg.gather [hbm4b:s3+s2], $0x80, v4, vm0, $0xb8;
	[tilespmem:$0x10100] =	vst v63  }
0x25a: {  	s14 =	simm.s32 $0x8900  }
0x25b: {  	[tilespmem:s14], [sflag:$0x2] =	stream.indirect_vreg.gather [hbm4b:s4+s2], $0x80, v4, vm0, $0xb8;
	[tilespmem:$0x10100] =	vst v63  }
0x25c: {  	s31 =	simm.s32 $0x9100  }
0x25d: {  	[tilespmem:s31], [sflag:$0x2] =	stream.indirect_vreg.gather [hbm4b:s5+s2], $0x80, v4, vm0, $0xb8;
	[tilespmem:$0x10100] =	vst v63  }
0x25e: {  	s31 =	simm.s32 $0x9900  }
0x25f: {  	[tilespmem:s31], [sflag:$0x2] =	stream.indirect_vreg.gather [hbm4b:s6+s2], $0x80, v4, vm0, $0xb8;
	[tilespmem:$0x10100] =	vst v63  }
0x260: {  	s31 =	simm.s32 $0xA100  }
0x261: {  	[tilespmem:s31], [sflag:$0x2] =	stream.indirect_vreg.gather [hbm4b:s7+s2], $0x80, v4, vm0, $0xb8;
	[tilespmem:$0x10100] =	vst v63  }
0x262: {  	v3 =	vperm.xlane v3, v2;
	s31 =	simm.s32 $0xA900  }
0x263: {  	[tilespmem:s31], [sflag:$0x2] =	stream.indirect_vreg.gather [hbm4b:s8+s2], $0x80, v4, vm0, $0xb8;
	[tilespmem:$0x10100] =	vst v63  }
0x264: {  	v3 =	vadd.s32 v1, v3;
	s31 =	simm.s32 $0xB100  }
0x265: {  	[tilespmem:s31], [sflag:$0x2] =	stream.indirect_vreg.gather [hbm4b:s9+s2], $0x80, v4, vm0, $0xb8;
	[tilespmem:$0x10100] =	vst v63  }
0x266: {  	s31 =	simm.s32 $0xB900  }
0x267: {  	[tilespmem:s31], [sflag:$0x2] =	stream.indirect_vreg.gather [hbm4b:s10+s2], $0x80, v4, vm0, $0xb8;
	[tilespmem:$0x10100] =	vst v63  }
0x268: {  	s31 =	simm.s32 $0xC100  }
0x269: {  	[tilespmem:s31], [sflag:$0x2] =	stream.indirect_vreg.gather [hbm4b:s3+s2], $0x80, v3, vm0, $0xb8;
	[tilespmem:$0x10100] =	vst v63  }
0x26a: {  	s31 =	simm.s32 $0xC900  }
0x26b: {  	[tilespmem:s31], [sflag:$0x2] =	stream.indirect_vreg.gather [hbm4b:s4+s2], $0x80, v3, vm0, $0xb8;
	[tilespmem:$0x10100] =	vst v63  }
0x26c: {  	s31 =	simm.s32 $0xD100  }
0x26d: {  	[tilespmem:s31], [sflag:$0x2] =	stream.indirect_vreg.gather [hbm4b:s5+s2], $0x80, v3, vm0, $0xb8;
	[tilespmem:$0x10100] =	vst v63  }
0x26e: {  	s31 =	simm.s32 $0xD900  }
0x26f: {  	[tilespmem:s31], [sflag:$0x2] =	stream.indirect_vreg.gather [hbm4b:s6+s2], $0x80, v3, vm0, $0xb8;
	[tilespmem:$0x10100] =	vst v63  }
0x270: {  	s31 =	simm.s32 $0xE100  }
0x271: {  	[tilespmem:s31], [sflag:$0x2] =	stream.indirect_vreg.gather [hbm4b:s7+s2], $0x80, v3, vm0, $0xb8;
	[tilespmem:$0x10100] =	vst v63  }
0x272: {  	s31 =	simm.s32 $0xE900  }
0x273: {  	[tilespmem:s31], [sflag:$0x2] =	stream.indirect_vreg.gather [hbm4b:s8+s2], $0x80, v3, vm0, $0xb8;
	[tilespmem:$0x10100] =	vst v63  }
0x274: {  	s31 =	simm.s32 $0xF100  }
0x275: {  	[tilespmem:s31], [sflag:$0x2] =	stream.indirect_vreg.gather [hbm4b:s9+s2], $0x80, v3, vm0, $0xb8;
	[tilespmem:$0x10100] =	vst v63  }
0x276: {  	s31 =	simm.s32 $0xF900  }
0x277: {  	[tilespmem:s31], [sflag:$0x2] =	stream.indirect_vreg.gather [hbm4b:s10+s2], $0x80, v3, vm0, $0xb8;
	[tilespmem:$0x10100] =	vst v63  }
0x278: {  	_ =	swait.ge [sflag:s25], $0x8000  }
0x279: {  	[sflag:s25] =	ssyncset.done $0x0  }
0x27a: {  	s31 =	rddreg [dreg:$0xf];
	[sflag:s25] =	ssyncadd.s32 $0xFFFF8000  }
0x27b: {  	[hbm4b:s31+s2] =	stream.linear.scatter [tilespmem:s13], [sflag:$0x3], $0x8000, $0x38;
	[tilespmem:$0x10100] =	vst v63  }
0x27c: {  	_ =	swait.ge [sflag:s26], $0x8000  }
0x27d: {  	[sflag:s26] =	ssyncset.done $0x0  }
0x27e: {  	[sflag:s26] =	ssyncadd.s32 $0xFFFF8000  }
0x27f: {  	v3 =	vld [tilespmem:$0xE0];
	_ =	sdelay $0x4  }
0x280: {  	v62 =	vshll.u32 v3, $0x4  }
0x281: {  	v3 =	vand.u32 $0x7, v3;
	v4 =	vand.u32 $0xFFFFFF80, v62  }
0x282: {  	v3 =	vor.u32 v3, v4  }
0x283: {  	v4 =	vperm.xlane v3, v0;
	_ =	sdelay $0x1  }
0x284: {  	v4 =	vadd.s32 v1, v4;
	_ =	sdelay $0x4  }
0x285: {  	[tilespmem:s13], [sflag:$0x1] =	stream.indirect_vreg.gather [hbm4b:s3+s2], $0x80, v4, vm0, $0xb8;
	[tilespmem:$0x10100] =	vst v63  }
0x286: {  	s17 =	simm.s32 $0x900  }
0x287: {  	[tilespmem:s17], [sflag:$0x1] =	stream.indirect_vreg.gather [hbm4b:s4+s2], $0x80, v4, vm0, $0xb8;
	[tilespmem:$0x10100] =	vst v63  }
0x288: {  	s0 =	simm.s32 $0x1100  }
0x289: {  	[tilespmem:s0], [sflag:$0x1] =	stream.indirect_vreg.gather [hbm4b:s5+s2], $0x80, v4, vm0, $0xb8;
	[tilespmem:$0x10100] =	vst v63  }
0x28a: {  	s1 =	simm.s32 $0x1900  }
0x28b: {  	[tilespmem:s1], [sflag:$0x1] =	stream.indirect_vreg.gather [hbm4b:s6+s2], $0x80, v4, vm0, $0xb8;
	[tilespmem:$0x10100] =	vst v63  }
0x28c: {  	s1 =	simm.s32 $0x2100  }
0x28d: {  	[tilespmem:s1], [sflag:$0x1] =	stream.indirect_vreg.gather [hbm4b:s7+s2], $0x80, v4, vm0, $0xb8;
	[tilespmem:$0x10100] =	vst v63  }
0x28e: {  	v3 =	vperm.xlane v3, v2;
	s17 =	simm.s32 $0x2900  }
0x28f: {  	[tilespmem:s17], [sflag:$0x1] =	stream.indirect_vreg.gather [hbm4b:s8+s2], $0x80, v4, vm0, $0xb8;
	[tilespmem:$0x10100] =	vst v63  }
0x290: {  	s11 =	simm.s32 $0x3100;
	v3 =	vadd.s32 v1, v3  }
0x291: {  	[tilespmem:s11], [sflag:$0x1] =	stream.indirect_vreg.gather [hbm4b:s9+s2], $0x80, v4, vm0, $0xb8;
	[tilespmem:$0x10100] =	vst v63  }
0x292: {  	s12 =	simm.s32 $0x3900  }
0x293: {  	[tilespmem:s12], [sflag:$0x1] =	stream.indirect_vreg.gather [hbm4b:s10+s2], $0x80, v4, vm0, $0xb8;
	[tilespmem:$0x10100] =	vst v63  }
0x294: {  	s16 =	simm.s32 $0x4100  }
0x295: {  	[tilespmem:s16], [sflag:$0x1] =	stream.indirect_vreg.gather [hbm4b:s3+s2], $0x80, v3, vm0, $0xb8;
	[tilespmem:$0x10100] =	vst v63  }
0x296: {  	s18 =	simm.s32 $0x4900  }
0x297: {  	[tilespmem:s18], [sflag:$0x1] =	stream.indirect_vreg.gather [hbm4b:s4+s2], $0x80, v3, vm0, $0xb8;
	[tilespmem:$0x10100] =	vst v63  }
0x298: {  	s19 =	simm.s32 $0x5100  }
0x299: {  	[tilespmem:s19], [sflag:$0x1] =	stream.indirect_vreg.gather [hbm4b:s5+s2], $0x80, v3, vm0, $0xb8;
	[tilespmem:$0x10100] =	vst v63  }
0x29a: {  	s20 =	simm.s32 $0x5900  }
0x29b: {  	[tilespmem:s20], [sflag:$0x1] =	stream.indirect_vreg.gather [hbm4b:s6+s2], $0x80, v3, vm0, $0xb8;
	[tilespmem:$0x10100] =	vst v63  }
0x29c: {  	s21 =	simm.s32 $0x6100  }
0x29d: {  	[tilespmem:s21], [sflag:$0x1] =	stream.indirect_vreg.gather [hbm4b:s7+s2], $0x80, v3, vm0, $0xb8;
	[tilespmem:$0x10100] =	vst v63  }
0x29e: {  	s22 =	simm.s32 $0x6900  }
0x29f: {  	[tilespmem:s22], [sflag:$0x1] =	stream.indirect_vreg.gather [hbm4b:s8+s2], $0x80, v3, vm0, $0xb8;
	[tilespmem:$0x10100] =	vst v63  }
0x2a0: {  	s23 =	simm.s32 $0x7100  }
0x2a1: {  	[tilespmem:s23], [sflag:$0x1] =	stream.indirect_vreg.gather [hbm4b:s9+s2], $0x80, v3, vm0, $0xb8;
	[tilespmem:$0x10100] =	vst v63  }
0x2a2: {  	s22 =	simm.s32 $0x7900  }
0x2a3: {  	[tilespmem:s22], [sflag:$0x1] =	stream.indirect_vreg.gather [hbm4b:s10+s2], $0x80, v3, vm0, $0xb8;
	[tilespmem:$0x10100] =	vst v63  }
0x2a4: {  	_ =	swait.ge [sflag:s28], $0x8000  }
0x2a5: {  	[sflag:s28] =	ssyncset.done $0x0  }
0x2a6: {  	s23 =	rddreg [dreg:$0x10];
	[sflag:s28] =	ssyncadd.s32 $0xFFFF8000  }
0x2a7: {  	[hbm4b:s23+s2] =	stream.linear.scatter [tilespmem:s30], [sflag:$0x4], $0x8000, $0x38;
	[tilespmem:$0x10100] =	vst v63  }
0x2a8: {  	_ =	swait.ge [sflag:s29], $0x8000  }
0x2a9: {  	[sflag:s29] =	ssyncset.done $0x0  }
0x2aa: {  	[sflag:s29] =	ssyncadd.s32 $0xFFFF8000  }
0x2ab: {  	v3 =	vld [tilespmem:$0xF0];
	_ =	sdelay $0x4  }
0x2ac: {  	v63 =	vshll.u32 v3, $0x4  }
0x2ad: {  	v3 =	vand.u32 $0x7, v3;
	v4 =	vand.u32 $0xFFFFFF80, v63  }
0x2ae: {  	v3 =	vor.u32 v3, v4  }
0x2af: {  	v4 =	vperm.xlane v3, v0;
	_ =	sdelay $0x1  }
0x2b0: {  	v4 =	vadd.s32 v1, v4;
	_ =	sdelay $0x4  }
0x2b1: {  	[tilespmem:s30], [sflag:$0x2] =	stream.indirect_vreg.gather [hbm4b:s3+s2], $0x80, v4, vm0, $0xb8;
	[tilespmem:$0x10100] =	vst v63  }
0x2b2: {  	s24 =	simm.s32 $0x8900  }
0x2b3: {  	[tilespmem:s24], [sflag:$0x2] =	stream.indirect_vreg.gather [hbm4b:s4+s2], $0x80, v4, vm0, $0xb8;
	[tilespmem:$0x10100] =	vst v63  }
0x2b4: {  	s14 =	simm.s32 $0x9100  }
0x2b5: {  	[tilespmem:s14], [sflag:$0x2] =	stream.indirect_vreg.gather [hbm4b:s5+s2], $0x80, v4, vm0, $0xb8;
	[tilespmem:$0x10100] =	vst v63  }
0x2b6: {  	s24 =	simm.s32 $0x9900  }
0x2b7: {  	[tilespmem:s24], [sflag:$0x2] =	stream.indirect_vreg.gather [hbm4b:s6+s2], $0x80, v4, vm0, $0xb8;
	[tilespmem:$0x10100] =	vst v63  }
0x2b8: {  	s31 =	simm.s32 $0xA100  }
0x2b9: {  	[tilespmem:s31], [sflag:$0x2] =	stream.indirect_vreg.gather [hbm4b:s7+s2], $0x80, v4, vm0, $0xb8;
	[tilespmem:$0x10100] =	vst v63  }
0x2ba: {  	s1 =	simm.s32 $0xA900;
	v3 =	vperm.xlane v3, v2  }
0x2bb: {  	[tilespmem:s1], [sflag:$0x2] =	stream.indirect_vreg.gather [hbm4b:s8+s2], $0x80, v4, vm0, $0xb8;
	[tilespmem:$0x10100] =	vst v63  }
0x2bc: {  	s11 =	simm.s32 $0xB100;
	v3 =	vadd.s32 v1, v3  }
0x2bd: {  	[tilespmem:s11], [sflag:$0x2] =	stream.indirect_vreg.gather [hbm4b:s9+s2], $0x80, v4, vm0, $0xb8;
	[tilespmem:$0x10100] =	vst v63  }
0x2be: {  	s12 =	simm.s32 $0xB900  }
0x2bf: {  	[tilespmem:s12], [sflag:$0x2] =	stream.indirect_vreg.gather [hbm4b:s10+s2], $0x80, v4, vm0, $0xb8;
	[tilespmem:$0x10100] =	vst v63  }
0x2c0: {  	s14 =	simm.s32 $0xC100  }
0x2c1: {  	[tilespmem:s14], [sflag:$0x2] =	stream.indirect_vreg.gather [hbm4b:s3+s2], $0x80, v3, vm0, $0xb8;
	[tilespmem:$0x10100] =	vst v63  }
0x2c2: {  	s16 =	simm.s32 $0xC900  }
0x2c3: {  	[tilespmem:s16], [sflag:$0x2] =	stream.indirect_vreg.gather [hbm4b:s4+s2], $0x80, v3, vm0, $0xb8;
	[tilespmem:$0x10100] =	vst v63  }
0x2c4: {  	s17 =	simm.s32 $0xD100  }
0x2c5: {  	[tilespmem:s17], [sflag:$0x2] =	stream.indirect_vreg.gather [hbm4b:s5+s2], $0x80, v3, vm0, $0xb8;
	[tilespmem:$0x10100] =	vst v63  }
0x2c6: {  	s18 =	simm.s32 $0xD900  }
0x2c7: {  	[tilespmem:s18], [sflag:$0x2] =	stream.indirect_vreg.gather [hbm4b:s6+s2], $0x80, v3, vm0, $0xb8;
	[tilespmem:$0x10100] =	vst v63  }
0x2c8: {  	s19 =	simm.s32 $0xE100  }
0x2c9: {  	[tilespmem:s19], [sflag:$0x2] =	stream.indirect_vreg.gather [hbm4b:s7+s2], $0x80, v3, vm0, $0xb8;
	[tilespmem:$0x10100] =	vst v63  }
0x2ca: {  	s20 =	simm.s32 $0xE900  }
0x2cb: {  	[tilespmem:s20], [sflag:$0x2] =	stream.indirect_vreg.gather [hbm4b:s8+s2], $0x80, v3, vm0, $0xb8;
	[tilespmem:$0x10100] =	vst v63  }
0x2cc: {  	s21 =	simm.s32 $0xF100  }
0x2cd: {  	[tilespmem:s21], [sflag:$0x2] =	stream.indirect_vreg.gather [hbm4b:s9+s2], $0x80, v3, vm0, $0xb8;
	[tilespmem:$0x10100] =	vst v63  }
0x2ce: {  	s22 =	simm.s32 $0xF900  }
0x2cf: {  	[tilespmem:s22], [sflag:$0x2] =	stream.indirect_vreg.gather [hbm4b:s10+s2], $0x80, v3, vm0, $0xb8;
	[tilespmem:$0x10100] =	vst v63  }
0x2d0: {  	_ =	swait.ge [sflag:s25], $0x8000  }
0x2d1: {  	[sflag:s25] =	ssyncset.done $0x0  }
0x2d2: {  	s23 =	rddreg [dreg:$0x11];
	[sflag:s25] =	ssyncadd.s32 $0xFFFF8000  }
0x2d3: {  	[hbm4b:s23+s2] =	stream.linear.scatter [tilespmem:s13], [sflag:$0x3], $0x8000, $0x38;
	[tilespmem:$0x10100] =	vst v63  }
0x2d4: {  	_ =	swait.ge [sflag:s28], $0x8000  }
0x2d5: {  	[sflag:s28] =	ssyncset.done $0x0  }
0x2d6: {  	s24 =	rddreg [dreg:$0x12];
	[sflag:s28] =	ssyncadd.s32 $0xFFFF8000  }
0x2d7: {  	[hbm4b:s24+s2] =	stream.linear.scatter [tilespmem:s30], [sflag:$0x4], $0x8000, $0x38;
	[tilespmem:$0x10100] =	vst v63  }
0x2d8: {  	p0 =	sne.s32 s15, $0x1;
	_ =	swait.ge [sflag:s26], $0x8000  }
.Ltmp0:
0x2d9: {  	[sflag:s26] =	ssyncset.done $0x0;
	(pc) =	sbr.rel @p0 .LBB2_1-.Ltmp0, $4  }
0x2da: {  	[sflag:s26] =	ssyncadd.s32 $0xFFFF8000  }
0x2db: {  	_ =	swait.ge [sflag:s29], $0x8000  }
0x2dc: {  	[sflag:s29] =	ssyncset.done $0x0  }
0x2dd: {  	s15 =	sadd.s32 $0xFFFFFFFF, s15;
	[sflag:s29] =	ssyncadd.s32 $0xFFFF8000  }
0x2de: {  	_ =	sfence.sel $0x180000  }
0x2df: {  	[bflag:$0x0] =	sbarrier.arrive $0xFFFF  }
0x2e0: {  	_ =	strace $0x9000004D  }
0x2e1: {  	s0 =	stileid.u32;
	[bflag:$0x2] =	sbarrier.arrive $0xFFFF  }
0x2e2: {  	p0 =	sne.s32 s0, $0x0;
	s0 =	rddreg [dreg:$0x1]  }
0x2e3: {  	s0 =	sadd.s32 @!p0 $0x100000, s0  }
0x2e4: {  	[sflag:s0] =	ssyncadd.tile.s32 @!p0 $0x1;
	_ =	shalt  }
.Lfunc_end2:
_tile_overlayer_lowered:
.L_overlay_start_2:
0x2e5: {  	(tag) =	ssettag $0x2  }
0x2e6: {  	s0 =	rddreg [dreg:$0x0];
	s2 =	stileid.u32  }
0x2e7: {  	s1 =	rddreg [dreg:$0x1];
	p0 =	sne.s32 s2, $0x0  }
0x2e8: {  	s3 =	rddreg [dreg:$0x2];
	[bflag:$0x3] =	sbarrier.arrive $0xFFFF;
	s2 =	simm.s32 @!p0 $0x1C05  }
0x2e9: {  	[timem:s3], [sflag:s2] =	dma.local @!p0 [hbm:s0], s1  }
0x2ea: {  	s0 =	simm.s32 @!p0 $0x5  }
0x2eb: {  	_ =	swait.ge @!p0 [sflag:s0], s1  }
0x2ec: {  	s1 =	ssub.s32 @!p0 $0x0, s1;
	[sflag:s0] =	ssyncset.done @!p0 $0x0  }
0x2ed: {  	[sflag:s0] =	ssyncadd.s32 @!p0 s1  }
0x2ee: {  	[bflag:$0x3] =	sbarrier.arrive $0xFFFF  }
0x2ef: {  	_ =	shalt  }

// kernel: kernel.7.cloned.1.call-start
scs
__scs_entry_jumppad:
0x0: {  	(pc) =	sbr.rel $0x88, $3  }
0x1: {  	(tag) =	ssettag $0x0;
	lr =	simm.s32 $0x1  }
0x2: {  	[smem:$0x3F9C] =	sst lr;
	_ =	strace $0xD0000000  }
0x3: {  	_ = 	snop  }
0x4: {  	_ = 	snop  }
0x5: {  	_ = 	snop  }
0x6: {  	_ = 	snop  }
0x7: {  	_ = 	snop  }
__scs_overlays_trampoline_lowered:
0x8: {  	[smem:$0x3FAB] =	sst s0  }
0x9: {  	[smem:$0x3FAC] =	sst s1  }
0xa: {  	[smem:$0x3FAD] =	sst s2  }
0xb: {  	[smem:$0x3FAE] =	sst s3  }
0xc: {  	[smem:$0x3FAF] =	sst s4  }
0xd: {  	[smem:$0x3FB0] =	sst s5  }
0xe: {  	[smem:$0x3FB1] =	sst s6  }
0xf: {  	[smem:$0x3FB2] =	sst s7  }
0x10: {  	[smem:$0x3FB3] =	sst s8  }
0x11: {  	[smem:$0x3FB4] =	sst s9;
	s0 =	simm.s32 @!p0 $0x0  }
0x12: {  	s1 =	sld [smem:$0x3F9A];
	s0 =	simm.s32 @p0 $0x1  }
0x13: {  	[smem:$0x3FB5] =	sst s0;
	s0 =	simm.s32 @!p1 $0x0  }
0x14: {  	s2 =	sld [smem:$0x3F99];
	s0 =	simm.s32 @p1 $0x1  }
0x15: {  	[smem:$0x3FB6] =	sst s0;
	s0 =	simm.s32 @!p2 $0x0  }
0x16: {  	s3 =	sld [smem:$0x3FDB];
	s0 =	simm.s32 @p2 $0x1  }
0x17: {  	s4 =	simm.s32 $0x1BF5;
	[smem:$0x3FB8] =	sst s0  }
0x18: {  	s0 =	sld [smem:$0x3F9B];
	_ =	swait.ge [sflag:s4], $0x0  }
0x19: {  	s7 =	sld [smem:$0x3F9C]  }
0x1a: {  	s8 =	sadd.s32 $0xFFFFE003, lr  }
0x1b: {  	s9 =	sadd.s32 $0xFFFFFEF7, lr;
	s5 =	simm.s32 $0xFFFFFFFF;
	p2 =	slt.u32 s8, $0xFFFFF086  }
0x1c: {  	p1 =	slt.u32 s9, $0xF7A;
	s5 =	simm.s32 @!p2 $0x0  }
0x1d: {  	s5 =	simm.s32 @p1 $0x1;
	p0 =	seq.s32 s7, s2  }
0x1e: {  	s7 =	smul.u32 @!p0 $0xF7A, s2;
	p2 =	seq.s32 @!p0 s5, $0x0  }
0x1f: {  	s9 =	smul.u32 $0xF7A, s1;
	s8 =	simm.s32 @!p0 $0x1BF5;
	p2 =	por !p2, p0  }
0x20: {  	[sflag:s8] =	ssyncset.s32 @!p0 $0xFFFFF086;
	s6 =	sadd.s32 @!p0 s3, s7;
	s7 =	simm.s32 @!p0 $0x108  }
0x21: {  	s3 =	sadd.s32 s3, s9;
	s6 =	sadd.s32 @!p0 $0x88, s6;
	s7 =	simm.s32 @p2 $0x1082  }
0x22: {  	[simem:s7], [sflag:s8] =	dma.local @!p0 [hbm:s6], $0xF7A  }
0x23: {  	s9 =	sor.u32 $0xD0000000, s2;
	s6 =	simm.s32 $0x108;
	_ =	swait.ge @!p0 [sflag:s8], $0x0  }
0x24: {  	s3 =	sadd.s32 $0x88, s3;
	s6 =	simm.s32 @!p1 $0x1082;
	[sflag:s4] =	ssyncset.s32 $0xFFFFF086  }
0x25: {  	[simem:s6], [sflag:s4] =	dma.local [hbm:s3], $0xF7A  }
0x26: {  	[smem:$0x3F9C] =	sst s1;
	(tag) =	ssettag s2;
	_ =	strace s9  }
0x27: {  	s1 =	sld [smem:$0x3FAC]  }
0x28: {  	s2 =	sld [smem:$0x3FAD]  }
0x29: {  	s4 =	sld [smem:$0x3FAF]  }
0x2a: {  	p0 =	seq.s32 s5, $0x0;
	s5 =	sld [smem:$0x3FB0]  }
0x2b: {  	s6 =	sld [smem:$0x3FB1]  }
0x2c: {  	s7 =	sld [smem:$0x3FB2]  }
0x2d: {  	s3 =	simm.s32 $0x108;
	s8 =	sld [smem:$0x3FB3]  }
0x2e: {  	s3 =	simm.s32 @!p0 $0x1082;
	s9 =	sld [smem:$0x3FB4]  }
0x2f: {  	lr =	sadd.s32 s0, s3;
	s0 =	sld [smem:$0x3FAB]  }
0x30: {  	s3 =	sld [smem:$0x3FAE]  }
0x31: {  	[smem:$0x3FB7] =	sst s10  }
0x32: {  	s10 =	sld [smem:$0x3FB5];
	_ =	sdelay $0x3  }
0x33: {  	p0 =	seq.s32 s10, $0x1;
	s10 =	sld [smem:$0x3FB7];
	_ =	sdelay $0x3  }
0x34: {  	[smem:$0x3FB7] =	sst s10  }
0x35: {  	s10 =	sld [smem:$0x3FB6];
	_ =	sdelay $0x3  }
0x36: {  	p1 =	seq.s32 s10, $0x1;
	s10 =	sld [smem:$0x3FB7];
	_ =	sdelay $0x3  }
0x37: {  	[smem:$0x3FB7] =	sst s10  }
0x38: {  	s10 =	sld [smem:$0x3FB8]  }
0x39: {  	_ = 	snop;
	(pc) =	sbr.ind lr, $3  }
0x3a: {  	_ = 	snop  }
0x3b: {  	_ = 	snop  }
0x3c: {  	p2 =	seq.s32 s10, $0x1;
	s10 =	sld [smem:$0x3FB7]  }
0x3d: {  	_ =	shalt  }
0x3e: {  	_ =	shalt  }
0x3f: {  	_ =	shalt  }
0x40: {  	_ =	shalt  }
0x41: {  	_ =	shalt  }
0x42: {  	_ =	shalt  }
0x43: {  	_ =	shalt  }
0x44: {  	_ =	shalt  }
0x45: {  	_ =	shalt  }
0x46: {  	_ =	shalt  }
0x47: {  	_ =	shalt  }
0x48: {  	_ =	shalt  }
0x49: {  	_ =	shalt  }
0x4a: {  	_ =	shalt  }
0x4b: {  	_ =	shalt  }
0x4c: {  	_ =	shalt  }
0x4d: {  	_ =	shalt  }
0x4e: {  	_ =	shalt  }
0x4f: {  	_ =	shalt  }
0x50: {  	_ =	shalt  }
0x51: {  	_ =	shalt  }
0x52: {  	_ =	shalt  }
0x53: {  	_ =	shalt  }
0x54: {  	_ =	shalt  }
0x55: {  	_ =	shalt  }
0x56: {  	_ =	shalt  }
0x57: {  	_ =	shalt  }
0x58: {  	_ =	shalt  }
0x59: {  	_ =	shalt  }
0x5a: {  	_ =	shalt  }
0x5b: {  	_ =	shalt  }
0x5c: {  	_ =	shalt  }
0x5d: {  	_ =	shalt  }
0x5e: {  	_ =	shalt  }
0x5f: {  	_ =	shalt  }
0x60: {  	_ =	shalt  }
0x61: {  	_ =	shalt  }
0x62: {  	_ =	shalt  }
0x63: {  	_ =	shalt  }
0x64: {  	_ =	shalt  }
0x65: {  	_ =	shalt  }
0x66: {  	_ =	shalt  }
0x67: {  	_ =	shalt  }
0x68: {  	_ =	shalt  }
0x69: {  	_ =	shalt  }
0x6a: {  	_ =	shalt  }
0x6b: {  	_ =	shalt  }
0x6c: {  	_ =	shalt  }
0x6d: {  	_ =	shalt  }
0x6e: {  	_ =	shalt  }
0x6f: {  	_ =	shalt  }
0x70: {  	_ =	shalt  }
0x71: {  	_ =	shalt  }
0x72: {  	_ =	shalt  }
0x73: {  	_ =	shalt  }
0x74: {  	_ =	shalt  }
0x75: {  	_ =	shalt  }
0x76: {  	_ =	shalt  }
0x77: {  	_ =	shalt  }
0x78: {  	_ =	shalt  }
0x79: {  	_ =	shalt  }
0x7a: {  	_ =	shalt  }
0x7b: {  	_ =	shalt  }
0x7c: {  	_ =	shalt  }
0x7d: {  	_ =	shalt  }
0x7e: {  	_ =	shalt  }
0x7f: {  	_ =	shalt  }
0x80: {  	_ =	shalt  }
0x81: {  	_ =	shalt  }
0x82: {  	_ =	shalt  }
0x83: {  	_ =	shalt  }
0x84: {  	_ =	shalt  }
0x85: {  	_ =	shalt  }
0x86: {  	_ =	shalt  }
0x87: {  	_ =	shalt  }
.Lfunc_end0:
.L_simem_size_0:
called_computation.1_lowered:
.L_overlay_start_0:
0x88: {  	s2 =	sld [smem:$0x3FD9]  }
0x89: {  	s3 =	sld [smem:$0x3FFE];
	_ =	sdelay $0x1  }
0x8a: {  	s1 =	srdreg.scid  }
0x8b: {  	s0 =	sand.u32 $0x1, s1  }
0x8c: {  	s17 =	sshll.u32 s0, $0xA;
	s2 =	sadd.s32 s3, s2  }
0x8d: {  	s2 =	sadd.s32 s2, s17  }
0x8e: {  	[smem:$0x3FC3] =	sst s2  }
0x8f: {  	_ = 	snop  }
0x90: {  	s2 =	sld [smem:$0x3FC9]  }
0x91: {  	s18 =	sld [smem:$0x3FD0];
	(tm) =	ssettm $0x1  }
0x92: {  	s4 =	sld [smem:$0x3FFB];
	_ =	sdelay $0x3  }
0x93: {  	_ =	strace s4  }
0x94: {  	s4 =	sld [smem:$0x3FFC];
	_ =	sdelay $0x3  }
0x95: {  	_ =	strace s4  }
0x96: {  	s4 =	sld [smem:$0x3FFD];
	_ =	sdelay $0x3  }
0x97: {  	_ =	strace s4  }
0x98: {  	_ =	strace $0x8FFFFFFF  }
0x99: {  	s19 =	sld [smem:$0x3FDB];
	_ =	sdelay $0x1  }
0x9a: {  	s5 =	simm.s32 $_scs_section_size  }
0x9b: {  	s6 =	simm.s32 $_size__tile_overlayer_lowered;
	s7 =	simm.s32 $_tile_overlayer_lowered  }
0x9c: {  	s22 =	simm.s32 $0x1BFF;
	s21 =	sshll.u32 s7, $0x1;
	s4 =	sadd.s32 s5, s19  }
0x9d: {  	s8 =	simm.s32 $0x0;
	s20 =	sshll.u32 s6, $0x1;
	s6 =	sadd.s32 s21, s4  }
0x9e: {  	[timem:s8], [sflag:s22] =	dma.local [hbm:s6], s20  }
0x9f: {  	_ =	swait.ge [sflag:s22], s20  }
0xa0: {  	s5 =	ssub.s32 $0x0, s20;
	[sflag:s22] =	ssyncset.done $0x0  }
0xa1: {  	[sflag:s22] =	ssyncadd.s32 s5;
	_ =	sdelay $0x1  }
0xa2: {  	s23 =	simm.s32 $0x1B8B  }
0xa3: {  	_ =	swait.ge [sflag:s23], $0x1  }
0xa4: {  	[sflag:s23] =	ssyncset.done $0x0  }
0xa5: {  	s25 =	simm.s32 $0x1B8E;
	s24 =	sld [smem:$0x3FFE];
	[sflag:s23] =	ssyncadd.s32 $0xFFFFFFFF  }
0xa6: {  	s26 =	simm.s32 $execute0_lowered;
	[smem:$0x3FD2] =	sst s25  }
0xa7: {  	s6 =	sshll.u32 s26, $0x1;
	_ =	strace $0x80000049;
	[dreg:$0x1] =	wrdreg $0xFFFFFFFF  }
0xa8: {  	s28 =	simm.s32 $_size_execute0_lowered;
	s4 =	sadd.s32 s4, s6;
	[dreg:$0x0] =	wrdreg $0x0  }
0xa9: {  	s6 =	sshll.u32 s28, $0x1;
	[dreg:$0x2] =	wrdreg s4  }
0xaa: {  	[dreg:$0x3] =	wrdreg s6  }
0xab: {  	[dreg:$0x4] =	wrdreg $0xC0  }
0xac: {  	_ =	task [dreg:s8], $0x5FFFF  }
0xad: {  	[dreg:$0x1] =	wrdreg $0xFFFFFFFF  }
0xae: {  	[dreg:$0x0] =	wrdreg $0x60  }
0xaf: {  	[dreg:$0x2] =	wrdreg s2  }
0xb0: {  	[dreg:$0x3] =	wrdreg s18  }
0xb1: {  	[dreg:$0x4] =	wrdreg s24  }
0xb2: {  	[dreg:$0x5] =	wrdreg $0x9  }
0xb3: {  	_ =	task.clear_ibuf [dreg:s8], $0x6FFFF;
	_ =	strace $0x90000049  }
0xb4: {  	s29 =	simm.s32 $0x9;
	_ =	strace $0x8000004B  }
0xb5: {  	_ =	swait.ge [sflag:s29], $0x1  }
0xb6: {  	[sflag:s29] =	ssyncadd.s32 $0xFFFFFFFF  }
0xb7: {  	_ =	strace $0x9000004B  }
0xb8: {  	_ =	sfence  }
0xb9: {  	s30 =	sld [smem:$0x0];
	_ =	sdelay $0x2  }
0xba: {  	s31 =	sshll.u32 s1, $0xD;
	s1 =	sshrl.u32 s1, $0x2  }
0xbb: {  	s3 =	sand.u32 $0x4000, s31;
	s1 =	sadd.s32 s1, s30  }
0xbc: {  	s0 =	sor.u32 s3, s0;
	s1 =	sshll.u32 s1, $0x11  }
0xbd: {  	s0 =	sor.u32 s1, s0  }
0xbe: {  	s0 =	sadd.s32 $0x8F2B, s0  }
0xbf: {  	[sflag:s0] =	ssyncadd.remote.s32 $0x1  }
0xc0: {  	_ =	sfence.sel $0xFFFF  }
0xc1: {  	[dreg:$0x0] =	wrdreg $0xFFFFFFFF;
	(pc) =	sbr.abs _section_cstart, $3  }
0xc2: {  	[dreg:$0x1] =	wrdreg $0xFFFFFFFF  }
0xc3: {  	_ =	task.clear_ibuf [dreg:s8], $0x2FFFF;
	_ =	strace $0x9FFFFFFF  }
0xc4: {  	(tm) =	ssettm $0x7FFFFFFF  }
0xc5: {  	_ =	shalt  }
tec
execute0_lowered:
.L_overlay_start_1:
0x0: {  	(tag) =	ssettag $0x1  }
0x1: {  	s0 =	srdreg.scid;
	s2 =	stileid.u32  }
0x2: {  	s0 =	sand.u32 $0x1, s0;
	s2 =	sshll.u32 s2, $0x1  }
0x3: {  	s1 =	rddreg [dreg:$0x0];
	s2 =	sor.u32 s0, s2  }
0x4: {  	s4 =	rddreg [dreg:$0x1];
	s6 =	smul.u32 $0x30, s2  }
0x5: {  	s5 =	rddreg [dreg:$0x2];
	s3 =	simm.s32 $0x0;
	s7 =	smul.u32 $0x18000, s2  }
0x6: {  	[smem:$0x7FF] =	sst s3;
	s5 =	sadd.s32 $0x10A00, s5;
	s4 =	sadd.s32 s4, s6  }
0x7: {  	_ =	strace $0x8000004A;
	s15 =	sadd.s32 s5, s7;
	[dreg:$0x4] =	wrdreg s4  }
0x8: {  	s16 =	sadd.s32 $0x1800, s15;
	[dreg:$0x14] =	wrdreg s15  }
0x9: {  	s2 =	smul.u32 $0xC0000, s2;
	s17 =	sadd.s32 $0x3000, s15;
	[dreg:$0x5] =	wrdreg s16  }
0xa: {  	s18 =	sadd.s32 $0x4800, s15;
	[dreg:$0x6] =	wrdreg s17  }
0xb: {  	s2 =	sshrl.u32 s2, $0x3;
	s19 =	sadd.s32 $0x6000, s15;
	[dreg:$0x7] =	wrdreg s18  }
0xc: {  	s20 =	sadd.s32 $0x7800, s15;
	s2 =	sadd.s32 s5, s2;
	[dreg:$0x8] =	wrdreg s19  }
0xd: {  	s8 =	sadd.s32 $0x400, s1;
	[dreg:$0x9] =	wrdreg s20;
	s21 =	sadd.s32 $0x9000, s2  }
0xe: {  	s9 =	sadd.s32 $0x500, s1;
	s22 =	sadd.s32 $0xA800, s2;
	[dreg:$0xa] =	wrdreg s21  }
0xf: {  	s10 =	sadd.s32 $0x600, s1;
	s23 =	sadd.s32 $0xC000, s2;
	[dreg:$0xb] =	wrdreg s22  }
0x10: {  	s11 =	sadd.s32 $0x700, s1;
	s25 =	sadd.s32 $0xD800, s2;
	[dreg:$0xc] =	wrdreg s23  }
0x11: {  	s0 =	ssub.s32 $0x2, s0;
	s26 =	sadd.s32 $0xF000, s2;
	[dreg:$0xd] =	wrdreg s25  }
0x12: {  	s24 =	sshrl.u32 s0, $0x1;
	s28 =	sadd.s32 $0x10800, s2;
	[dreg:$0xe] =	wrdreg s26  }
0x13: {  	s0 =	ssub.s32 s0, s24;
	s29 =	sadd.s32 $0x12000, s2;
	[dreg:$0xf] =	wrdreg s28  }
0x14: {  	s24 =	simm.s32 $0x3;
	s30 =	sadd.s32 $0x13800, s2;
	[dreg:$0x10] =	wrdreg s29  }
0x15: {  	s6 =	sadd.s32 $0x200, s1;
	s31 =	sadd.s32 $0x15000, s2;
	[dreg:$0x11] =	wrdreg s30  }
0x16: {  	v2 =	vlaneseq.u32;
	s7 =	sadd.s32 $0x300, s1;
	s2 =	sadd.s32 $0x16800, s2;
	[dreg:$0x12] =	wrdreg s31  }
0x17: {  	vm0 =	vmmov $0xffff;
	v1 =	vshrl.u32 v2, $0x3;
	s0 =	smax.u32 s0, $0x1;
	s5 =	sadd.s32 $0x100, s1;
	[dreg:$0x13] =	wrdreg s2  }
0x18: {  	v0 =	vand.u32 $0x7, v2;
	v2 =	vor.u32 $0x8, v2;
	v1 =	vmul.u32 $0x8, v1;
	s23 =	simm.s32 $0x1;
	s25 =	simm.s32 $0x2;
	s26 =	simm.s32 $0x4  }
.LBB2_1:
0x19: {  	[dreg:$0x15] =	wrdreg s0  }
0x1a: {  	s28 =	rddreg [dreg:$0x4];
	s14 =	simm.s32 $0x5  }
0x1b: {  	[tilespmem:s3], [sflag:$0x5] =	stream.linear.gather [hbm4b:s28+s3], $0x180, $0x38;
	[tilespmem:$0x18180] =	vst v63  }
0x1c: {  	_ =	swait.ge [sflag:s14], $0x180  }
0x1d: {  	[sflag:s14] =	ssyncset.done $0x0  }
0x1e: {  	[sflag:s14] =	ssyncadd.s32 $0xFFFFFE80  }
0x1f: {  	v3 =	vld [tilespmem:$0x0];
	_ =	sdelay $0x4  }
0x20: {  	v4 =	vshll.u32 v3, $0x4  }
0x21: {  	v3 =	vand.u32 $0x7, v3;
	v4 =	vand.u32 $0xFFFFFF80, v4  }
0x22: {  	v3 =	vor.u32 v3, v4  }
0x23: {  	v4 =	vperm.xlane v3, v0;
	_ =	sdelay $0x1  }
0x24: {  	v4 =	vadd.s32 v1, v4;
	_ =	sdelay $0x3  }
0x25: {  	s15 =	simm.s32 $0x180  }
0x26: {  	[tilespmem:s15], [sflag:$0x1] =	stream.indirect_vreg.gather [hbm4b:s1+s3], $0x80, v4, vm0, $0xb8;
	[tilespmem:$0x18180] =	vst v63  }
0x27: {  	s16 =	simm.s32 $0x980  }
0x28: {  	[tilespmem:s16], [sflag:$0x1] =	stream.indirect_vreg.gather [hbm4b:s5+s3], $0x80, v4, vm0, $0xb8;
	[tilespmem:$0x18180] =	vst v63  }
0x29: {  	s17 =	simm.s32 $0x1180  }
0x2a: {  	[tilespmem:s17], [sflag:$0x1] =	stream.indirect_vreg.gather [hbm4b:s6+s3], $0x80, v4, vm0, $0xb8;
	[tilespmem:$0x18180] =	vst v63  }
0x2b: {  	s18 =	simm.s32 $0x1980  }
0x2c: {  	[tilespmem:s18], [sflag:$0x1] =	stream.indirect_vreg.gather [hbm4b:s7+s3], $0x80, v4, vm0, $0xb8;
	[tilespmem:$0x18180] =	vst v63  }
0x2d: {  	s19 =	simm.s32 $0x2180  }
0x2e: {  	[tilespmem:s19], [sflag:$0x1] =	stream.indirect_vreg.gather [hbm4b:s8+s3], $0x80, v4, vm0, $0xb8;
	[tilespmem:$0x18180] =	vst v63  }
0x2f: {  	s20 =	simm.s32 $0x2980;
	v3 =	vperm.xlane v3, v2  }
0x30: {  	[tilespmem:s20], [sflag:$0x1] =	stream.indirect_vreg.gather [hbm4b:s9+s3], $0x80, v4, vm0, $0xb8;
	[tilespmem:$0x18180] =	vst v63  }
0x31: {  	s21 =	simm.s32 $0x3180;
	v3 =	vadd.s32 v1, v3  }
0x32: {  	[tilespmem:s21], [sflag:$0x1] =	stream.indirect_vreg.gather [hbm4b:s10+s3], $0x80, v4, vm0, $0xb8;
	[tilespmem:$0x18180] =	vst v63  }
0x33: {  	s22 =	simm.s32 $0x3980  }
0x34: {  	[tilespmem:s22], [sflag:$0x1] =	stream.indirect_vreg.gather [hbm4b:s11+s3], $0x80, v4, vm0, $0xb8;
	[tilespmem:$0x18180] =	vst v63  }
0x35: {  	s28 =	simm.s32 $0x4180  }
0x36: {  	[tilespmem:s28], [sflag:$0x1] =	stream.indirect_vreg.gather [hbm4b:s1+s3], $0x80, v3, vm0, $0xb8;
	[tilespmem:$0x18180] =	vst v63  }
0x37: {  	s29 =	simm.s32 $0x4980  }
0x38: {  	[tilespmem:s29], [sflag:$0x1] =	stream.indirect_vreg.gather [hbm4b:s5+s3], $0x80, v3, vm0, $0xb8;
	[tilespmem:$0x18180] =	vst v63  }
0x39: {  	s30 =	simm.s32 $0x5180  }
0x3a: {  	[tilespmem:s30], [sflag:$0x1] =	stream.indirect_vreg.gather [hbm4b:s6+s3], $0x80, v3, vm0, $0xb8;
	[tilespmem:$0x18180] =	vst v63  }
0x3b: {  	s31 =	simm.s32 $0x5980  }
0x3c: {  	[tilespmem:s31], [sflag:$0x1] =	stream.indirect_vreg.gather [hbm4b:s7+s3], $0x80, v3, vm0, $0xb8;
	[tilespmem:$0x18180] =	vst v63  }
0x3d: {  	s2 =	simm.s32 $0x6180  }
0x3e: {  	[tilespmem:s2], [sflag:$0x1] =	stream.indirect_vreg.gather [hbm4b:s8+s3], $0x80, v3, vm0, $0xb8;
	[tilespmem:$0x18180] =	vst v63  }
0x3f: {  	s4 =	simm.s32 $0x6980  }
0x40: {  	[tilespmem:s4], [sflag:$0x1] =	stream.indirect_vreg.gather [hbm4b:s9+s3], $0x80, v3, vm0, $0xb8;
	[tilespmem:$0x18180] =	vst v63  }
0x41: {  	s14 =	simm.s32 $0x7180  }
0x42: {  	[tilespmem:s14], [sflag:$0x1] =	stream.indirect_vreg.gather [hbm4b:s10+s3], $0x80, v3, vm0, $0xb8;
	[tilespmem:$0x18180] =	vst v63  }
0x43: {  	s15 =	simm.s32 $0x7980  }
0x44: {  	[tilespmem:s15], [sflag:$0x1] =	stream.indirect_vreg.gather [hbm4b:s11+s3], $0x80, v3, vm0, $0xb8;
	[tilespmem:$0x18180] =	vst v63  }
0x45: {  	v3 =	vld.msk [tilespmem:$0x10], $0xff;
	_ =	sdelay $0x4  }
0x46: {  	v33 =	vshll.u32 v3, $0x4  }
0x47: {  	v3 =	vand.u32 $0x7, v3;
	v4 =	vand.u32 $0xFFFFFF80, v33  }
0x48: {  	v3 =	vor.u32 v3, v4  }
0x49: {  	v3 =	vperm.xlane v3, v0;
	_ =	sdelay $0x1  }
0x4a: {  	v3 =	vadd.s32 v1, v3;
	_ =	sdelay $0x3  }
0x4b: {  	s16 =	simm.s32 $0x8180  }
0x4c: {  	[tilespmem:s16], [sflag:$0x1] =	stream.indirect_vreg.gather [hbm4b:s1+s3], $0x80, v3, vm0, $0xb8;
	[tilespmem:$0x18180] =	vst v63  }
0x4d: {  	s17 =	simm.s32 $0x8980  }
0x4e: {  	[tilespmem:s17], [sflag:$0x1] =	stream.indirect_vreg.gather [hbm4b:s5+s3], $0x80, v3, vm0, $0xb8;
	[tilespmem:$0x18180] =	vst v63  }
0x4f: {  	s19 =	simm.s32 $0x9180  }
0x50: {  	[tilespmem:s19], [sflag:$0x1] =	stream.indirect_vreg.gather [hbm4b:s6+s3], $0x80, v3, vm0, $0xb8;
	[tilespmem:$0x18180] =	vst v63  }
0x51: {  	s20 =	simm.s32 $0x9980  }
0x52: {  	[tilespmem:s20], [sflag:$0x1] =	stream.indirect_vreg.gather [hbm4b:s7+s3], $0x80, v3, vm0, $0xb8;
	[tilespmem:$0x18180] =	vst v63  }
0x53: {  	s21 =	simm.s32 $0xA180  }
0x54: {  	[tilespmem:s21], [sflag:$0x1] =	stream.indirect_vreg.gather [hbm4b:s8+s3], $0x80, v3, vm0, $0xb8;
	[tilespmem:$0x18180] =	vst v63  }
0x55: {  	s22 =	simm.s32 $0xA980  }
0x56: {  	[tilespmem:s22], [sflag:$0x1] =	stream.indirect_vreg.gather [hbm4b:s9+s3], $0x80, v3, vm0, $0xb8;
	[tilespmem:$0x18180] =	vst v63  }
0x57: {  	s28 =	simm.s32 $0xB180  }
0x58: {  	[tilespmem:s28], [sflag:$0x1] =	stream.indirect_vreg.gather [hbm4b:s10+s3], $0x80, v3, vm0, $0xb8;
	[tilespmem:$0x18180] =	vst v63  }
0x59: {  	s29 =	simm.s32 $0xB980  }
0x5a: {  	[tilespmem:s29], [sflag:$0x1] =	stream.indirect_vreg.gather [hbm4b:s11+s3], $0x80, v3, vm0, $0xb8;
	[tilespmem:$0x18180] =	vst v63  }
0x5b: {  	v3 =	vld [tilespmem:$0x18];
	_ =	sdelay $0x4  }
0x5c: {  	v34 =	vshll.u32 v3, $0x4  }
0x5d: {  	v3 =	vand.u32 $0x7, v3;
	v4 =	vand.u32 $0xFFFFFF80, v34  }
0x5e: {  	v3 =	vor.u32 v3, v4  }
0x5f: {  	v4 =	vperm.xlane v3, v0;
	_ =	sdelay $0x1  }
0x60: {  	v4 =	vadd.s32 v1, v4;
	_ =	sdelay $0x3  }
0x61: {  	s30 =	simm.s32 $0xC180  }
0x62: {  	[tilespmem:s30], [sflag:$0x2] =	stream.indirect_vreg.gather [hbm4b:s1+s3], $0x80, v4, vm0, $0xb8;
	[tilespmem:$0x18180] =	vst v63  }
0x63: {  	s31 =	simm.s32 $0xC980  }
0x64: {  	[tilespmem:s31], [sflag:$0x2] =	stream.indirect_vreg.gather [hbm4b:s5+s3], $0x80, v4, vm0, $0xb8;
	[tilespmem:$0x18180] =	vst v63  }
0x65: {  	s0 =	simm.s32 $0xD180  }
0x66: {  	[tilespmem:s0], [sflag:$0x2] =	stream.indirect_vreg.gather [hbm4b:s6+s3], $0x80, v4, vm0, $0xb8;
	[tilespmem:$0x18180] =	vst v63  }
0x67: {  	s2 =	simm.s32 $0xD980  }
0x68: {  	[tilespmem:s2], [sflag:$0x2] =	stream.indirect_vreg.gather [hbm4b:s7+s3], $0x80, v4, vm0, $0xb8;
	[tilespmem:$0x18180] =	vst v63  }
0x69: {  	s4 =	simm.s32 $0xE180  }
0x6a: {  	[tilespmem:s4], [sflag:$0x2] =	stream.indirect_vreg.gather [hbm4b:s8+s3], $0x80, v4, vm0, $0xb8;
	[tilespmem:$0x18180] =	vst v63  }
0x6b: {  	s14 =	simm.s32 $0xE980;
	v3 =	vperm.xlane v3, v2  }
0x6c: {  	[tilespmem:s14], [sflag:$0x2] =	stream.indirect_vreg.gather [hbm4b:s9+s3], $0x80, v4, vm0, $0xb8;
	[tilespmem:$0x18180] =	vst v63  }
0x6d: {  	s15 =	simm.s32 $0xF180;
	v3 =	vadd.s32 v1, v3  }
0x6e: {  	[tilespmem:s15], [sflag:$0x2] =	stream.indirect_vreg.gather [hbm4b:s10+s3], $0x80, v4, vm0, $0xb8;
	[tilespmem:$0x18180] =	vst v63  }
0x6f: {  	s16 =	simm.s32 $0xF980  }
0x70: {  	[tilespmem:s16], [sflag:$0x2] =	stream.indirect_vreg.gather [hbm4b:s11+s3], $0x80, v4, vm0, $0xb8;
	[tilespmem:$0x18180] =	vst v63  }
0x71: {  	s17 =	simm.s32 $0x10180  }
0x72: {  	[tilespmem:s17], [sflag:$0x2] =	stream.indirect_vreg.gather [hbm4b:s1+s3], $0x80, v3, vm0, $0xb8;
	[tilespmem:$0x18180] =	vst v63  }
0x73: {  	s19 =	simm.s32 $0x10980  }
0x74: {  	[tilespmem:s19], [sflag:$0x2] =	stream.indirect_vreg.gather [hbm4b:s5+s3], $0x80, v3, vm0, $0xb8;
	[tilespmem:$0x18180] =	vst v63  }
0x75: {  	s20 =	simm.s32 $0x11180  }
0x76: {  	[tilespmem:s20], [sflag:$0x2] =	stream.indirect_vreg.gather [hbm4b:s6+s3], $0x80, v3, vm0, $0xb8;
	[tilespmem:$0x18180] =	vst v63  }
0x77: {  	s21 =	simm.s32 $0x11980  }
0x78: {  	[tilespmem:s21], [sflag:$0x2] =	stream.indirect_vreg.gather [hbm4b:s7+s3], $0x80, v3, vm0, $0xb8;
	[tilespmem:$0x18180] =	vst v63  }
0x79: {  	s22 =	simm.s32 $0x12180  }
0x7a: {  	[tilespmem:s22], [sflag:$0x2] =	stream.indirect_vreg.gather [hbm4b:s8+s3], $0x80, v3, vm0, $0xb8;
	[tilespmem:$0x18180] =	vst v63  }
0x7b: {  	s29 =	simm.s32 $0x12980  }
0x7c: {  	[tilespmem:s29], [sflag:$0x2] =	stream.indirect_vreg.gather [hbm4b:s9+s3], $0x80, v3, vm0, $0xb8;
	[tilespmem:$0x18180] =	vst v63  }
0x7d: {  	s30 =	simm.s32 $0x13180  }
0x7e: {  	[tilespmem:s30], [sflag:$0x2] =	stream.indirect_vreg.gather [hbm4b:s10+s3], $0x80, v3, vm0, $0xb8;
	[tilespmem:$0x18180] =	vst v63  }
0x7f: {  	s31 =	simm.s32 $0x13980  }
0x80: {  	[tilespmem:s31], [sflag:$0x2] =	stream.indirect_vreg.gather [hbm4b:s11+s3], $0x80, v3, vm0, $0xb8;
	[tilespmem:$0x18180] =	vst v63  }
0x81: {  	v3 =	vld.msk [tilespmem:$0x28], $0xff;
	_ =	sdelay $0x4  }
0x82: {  	v35 =	vshll.u32 v3, $0x4  }
0x83: {  	v3 =	vand.u32 $0x7, v3;
	v4 =	vand.u32 $0xFFFFFF80, v35  }
0x84: {  	v3 =	vor.u32 v3, v4  }
0x85: {  	v3 =	vperm.xlane v3, v0;
	_ =	sdelay $0x1  }
0x86: {  	v3 =	vadd.s32 v1, v3;
	_ =	sdelay $0x3  }
0x87: {  	s0 =	simm.s32 $0x14180  }
0x88: {  	[tilespmem:s0], [sflag:$0x2] =	stream.indirect_vreg.gather [hbm4b:s1+s3], $0x80, v3, vm0, $0xb8;
	[tilespmem:$0x18180] =	vst v63  }
0x89: {  	s2 =	simm.s32 $0x14980  }
0x8a: {  	[tilespmem:s2], [sflag:$0x2] =	stream.indirect_vreg.gather [hbm4b:s5+s3], $0x80, v3, vm0, $0xb8;
	[tilespmem:$0x18180] =	vst v63  }
0x8b: {  	s4 =	simm.s32 $0x15180  }
0x8c: {  	[tilespmem:s4], [sflag:$0x2] =	stream.indirect_vreg.gather [hbm4b:s6+s3], $0x80, v3, vm0, $0xb8;
	[tilespmem:$0x18180] =	vst v63  }
0x8d: {  	s14 =	simm.s32 $0x15980  }
0x8e: {  	[tilespmem:s14], [sflag:$0x2] =	stream.indirect_vreg.gather [hbm4b:s7+s3], $0x80, v3, vm0, $0xb8;
	[tilespmem:$0x18180] =	vst v63  }
0x8f: {  	s15 =	simm.s32 $0x16180  }
0x90: {  	[tilespmem:s15], [sflag:$0x2] =	stream.indirect_vreg.gather [hbm4b:s8+s3], $0x80, v3, vm0, $0xb8;
	[tilespmem:$0x18180] =	vst v63  }
0x91: {  	s16 =	simm.s32 $0x16980  }
0x92: {  	[tilespmem:s16], [sflag:$0x2] =	stream.indirect_vreg.gather [hbm4b:s9+s3], $0x80, v3, vm0, $0xb8;
	[tilespmem:$0x18180] =	vst v63  }
0x93: {  	s17 =	simm.s32 $0x17180  }
0x94: {  	[tilespmem:s17], [sflag:$0x2] =	stream.indirect_vreg.gather [hbm4b:s10+s3], $0x80, v3, vm0, $0xb8;
	[tilespmem:$0x18180] =	vst v63  }
0x95: {  	s19 =	simm.s32 $0x17980  }
0x96: {  	[tilespmem:s19], [sflag:$0x2] =	stream.indirect_vreg.gather [hbm4b:s11+s3], $0x80, v3, vm0, $0xb8;
	[tilespmem:$0x18180] =	vst v63  }
0x97: {  	_ =	swait.ge [sflag:s23], $0xC000  }
0x98: {  	[sflag:s23] =	ssyncset.done $0x0  }
0x99: {  	s21 =	simm.s32 $0x180;
	s20 =	rddreg [dreg:$0x14];
	[sflag:s23] =	ssyncadd.s32 $0xFFFF4000  }
0x9a: {  	[hbm4b:s20+s3] =	stream.linear.scatter [tilespmem:s21], [sflag:$0x3], $0xC000, $0x38;
	[tilespmem:$0x18180] =	vst v63  }
0x9b: {  	_ =	swait.ge [sflag:s24], $0xC000  }
0x9c: {  	[sflag:s24] =	ssyncset.done $0x0  }
0x9d: {  	[sflag:s24] =	ssyncadd.s32 $0xFFFF4000  }
0x9e: {  	v3 =	vld [tilespmem:$0x30];
	_ =	sdelay $0x4  }
0x9f: {  	v36 =	vshll.u32 v3, $0x4  }
0xa0: {  	v3 =	vand.u32 $0x7, v3;
	v4 =	vand.u32 $0xFFFFFF80, v36  }
0xa1: {  	v3 =	vor.u32 v3, v4  }
0xa2: {  	v4 =	vperm.xlane v3, v0;
	_ =	sdelay $0x1  }
0xa3: {  	v4 =	vadd.s32 v1, v4;
	_ =	sdelay $0x4  }
0xa4: {  	[tilespmem:s21], [sflag:$0x1] =	stream.indirect_vreg.gather [hbm4b:s1+s3], $0x80, v4, vm0, $0xb8;
	[tilespmem:$0x18180] =	vst v63  }
0xa5: {  	s2 =	simm.s32 $0x980  }
0xa6: {  	[tilespmem:s2], [sflag:$0x1] =	stream.indirect_vreg.gather [hbm4b:s5+s3], $0x80, v4, vm0, $0xb8;
	[tilespmem:$0x18180] =	vst v63  }
0xa7: {  	s22 =	simm.s32 $0x1180  }
0xa8: {  	[tilespmem:s22], [sflag:$0x1] =	stream.indirect_vreg.gather [hbm4b:s6+s3], $0x80, v4, vm0, $0xb8;
	[tilespmem:$0x18180] =	vst v63  }
0xa9: {  	s4 =	simm.s32 $0x1980  }
0xaa: {  	[tilespmem:s4], [sflag:$0x1] =	stream.indirect_vreg.gather [hbm4b:s7+s3], $0x80, v4, vm0, $0xb8;
	[tilespmem:$0x18180] =	vst v63  }
0xab: {  	s12 =	simm.s32 $0x2180  }
0xac: {  	[tilespmem:s12], [sflag:$0x1] =	stream.indirect_vreg.gather [hbm4b:s8+s3], $0x80, v4, vm0, $0xb8;
	[tilespmem:$0x18180] =	vst v63  }
0xad: {  	s13 =	simm.s32 $0x2980;
	v3 =	vperm.xlane v3, v2  }
0xae: {  	[tilespmem:s13], [sflag:$0x1] =	stream.indirect_vreg.gather [hbm4b:s9+s3], $0x80, v4, vm0, $0xb8;
	[tilespmem:$0x18180] =	vst v63  }
0xaf: {  	v3 =	vadd.s32 v1, v3;
	s12 =	simm.s32 $0x3180  }
0xb0: {  	[tilespmem:s12], [sflag:$0x1] =	stream.indirect_vreg.gather [hbm4b:s10+s3], $0x80, v4, vm0, $0xb8;
	[tilespmem:$0x18180] =	vst v63  }
0xb1: {  	s13 =	simm.s32 $0x3980  }
0xb2: {  	[tilespmem:s13], [sflag:$0x1] =	stream.indirect_vreg.gather [hbm4b:s11+s3], $0x80, v4, vm0, $0xb8;
	[tilespmem:$0x18180] =	vst v63  }
0xb3: {  	s14 =	simm.s32 $0x4180  }
0xb4: {  	[tilespmem:s14], [sflag:$0x1] =	stream.indirect_vreg.gather [hbm4b:s1+s3], $0x80, v3, vm0, $0xb8;
	[tilespmem:$0x18180] =	vst v63  }
0xb5: {  	s15 =	simm.s32 $0x4980  }
0xb6: {  	[tilespmem:s15], [sflag:$0x1] =	stream.indirect_vreg.gather [hbm4b:s5+s3], $0x80, v3, vm0, $0xb8;
	[tilespmem:$0x18180] =	vst v63  }
0xb7: {  	s16 =	simm.s32 $0x5180  }
0xb8: {  	[tilespmem:s16], [sflag:$0x1] =	stream.indirect_vreg.gather [hbm4b:s6+s3], $0x80, v3, vm0, $0xb8;
	[tilespmem:$0x18180] =	vst v63  }
0xb9: {  	s17 =	simm.s32 $0x5980  }
0xba: {  	[tilespmem:s17], [sflag:$0x1] =	stream.indirect_vreg.gather [hbm4b:s7+s3], $0x80, v3, vm0, $0xb8;
	[tilespmem:$0x18180] =	vst v63  }
0xbb: {  	s30 =	simm.s32 $0x6180  }
0xbc: {  	[tilespmem:s30], [sflag:$0x1] =	stream.indirect_vreg.gather [hbm4b:s8+s3], $0x80, v3, vm0, $0xb8;
	[tilespmem:$0x18180] =	vst v63  }
0xbd: {  	s31 =	simm.s32 $0x6980  }
0xbe: {  	[tilespmem:s31], [sflag:$0x1] =	stream.indirect_vreg.gather [hbm4b:s9+s3], $0x80, v3, vm0, $0xb8;
	[tilespmem:$0x18180] =	vst v63  }
0xbf: {  	s29 =	simm.s32 $0x7180  }
0xc0: {  	[tilespmem:s29], [sflag:$0x1] =	stream.indirect_vreg.gather [hbm4b:s10+s3], $0x80, v3, vm0, $0xb8;
	[tilespmem:$0x18180] =	vst v63  }
0xc1: {  	s18 =	simm.s32 $0x7980  }
0xc2: {  	[tilespmem:s18], [sflag:$0x1] =	stream.indirect_vreg.gather [hbm4b:s11+s3], $0x80, v3, vm0, $0xb8;
	[tilespmem:$0x18180] =	vst v63  }
0xc3: {  	v3 =	vld.msk [tilespmem:$0x40], $0xff;
	_ =	sdelay $0x4  }
0xc4: {  	v37 =	vshll.u32 v3, $0x4  }
0xc5: {  	v3 =	vand.u32 $0x7, v3;
	v4 =	vand.u32 $0xFFFFFF80, v37  }
0xc6: {  	v3 =	vor.u32 v3, v4  }
0xc7: {  	v3 =	vperm.xlane v3, v0;
	_ =	sdelay $0x1  }
0xc8: {  	v3 =	vadd.s32 v1, v3;
	_ =	sdelay $0x3  }
0xc9: {  	s22 =	simm.s32 $0x8180  }
0xca: {  	[tilespmem:s22], [sflag:$0x1] =	stream.indirect_vreg.gather [hbm4b:s1+s3], $0x80, v3, vm0, $0xb8;
	[tilespmem:$0x18180] =	vst v63  }
0xcb: {  	s20 =	simm.s32 $0x8980  }
0xcc: {  	[tilespmem:s20], [sflag:$0x1] =	stream.indirect_vreg.gather [hbm4b:s5+s3], $0x80, v3, vm0, $0xb8;
	[tilespmem:$0x18180] =	vst v63  }
0xcd: {  	s21 =	simm.s32 $0x9180  }
0xce: {  	[tilespmem:s21], [sflag:$0x1] =	stream.indirect_vreg.gather [hbm4b:s6+s3], $0x80, v3, vm0, $0xb8;
	[tilespmem:$0x18180] =	vst v63  }
0xcf: {  	s19 =	simm.s32 $0x9980  }
0xd0: {  	[tilespmem:s19], [sflag:$0x1] =	stream.indirect_vreg.gather [hbm4b:s7+s3], $0x80, v3, vm0, $0xb8;
	[tilespmem:$0x18180] =	vst v63  }
0xd1: {  	s18 =	simm.s32 $0xA180  }
0xd2: {  	[tilespmem:s18], [sflag:$0x1] =	stream.indirect_vreg.gather [hbm4b:s8+s3], $0x80, v3, vm0, $0xb8;
	[tilespmem:$0x18180] =	vst v63  }
0xd3: {  	s28 =	simm.s32 $0xA980  }
0xd4: {  	[tilespmem:s28], [sflag:$0x1] =	stream.indirect_vreg.gather [hbm4b:s9+s3], $0x80, v3, vm0, $0xb8;
	[tilespmem:$0x18180] =	vst v63  }
0xd5: {  	s28 =	simm.s32 $0xB180  }
0xd6: {  	[tilespmem:s28], [sflag:$0x1] =	stream.indirect_vreg.gather [hbm4b:s10+s3], $0x80, v3, vm0, $0xb8;
	[tilespmem:$0x18180] =	vst v63  }
0xd7: {  	s28 =	simm.s32 $0xB980  }
0xd8: {  	[tilespmem:s28], [sflag:$0x1] =	stream.indirect_vreg.gather [hbm4b:s11+s3], $0x80, v3, vm0, $0xb8;
	[tilespmem:$0x18180] =	vst v63  }
0xd9: {  	_ =	swait.ge [sflag:s25], $0xC000  }
0xda: {  	[sflag:s25] =	ssyncset.done $0x0  }
0xdb: {  	s0 =	simm.s32 $0xC180;
	s28 =	rddreg [dreg:$0x5];
	[sflag:s25] =	ssyncadd.s32 $0xFFFF4000  }
0xdc: {  	[hbm4b:s28+s3] =	stream.linear.scatter [tilespmem:s0], [sflag:$0x4], $0xC000, $0x38;
	[tilespmem:$0x18180] =	vst v63  }
0xdd: {  	_ =	swait.ge [sflag:s26], $0xC000  }
0xde: {  	[sflag:s26] =	ssyncset.done $0x0  }
0xdf: {  	[sflag:s26] =	ssyncadd.s32 $0xFFFF4000  }
0xe0: {  	v3 =	vld [tilespmem:$0x48];
	_ =	sdelay $0x4  }
0xe1: {  	v38 =	vshll.u32 v3, $0x4  }
0xe2: {  	v3 =	vand.u32 $0x7, v3;
	v4 =	vand.u32 $0xFFFFFF80, v38  }
0xe3: {  	v3 =	vor.u32 v3, v4  }
0xe4: {  	v4 =	vperm.xlane v3, v0;
	_ =	sdelay $0x1  }
0xe5: {  	v4 =	vadd.s32 v1, v4;
	_ =	sdelay $0x4  }
0xe6: {  	[tilespmem:s0], [sflag:$0x2] =	stream.indirect_vreg.gather [hbm4b:s1+s3], $0x80, v4, vm0, $0xb8;
	[tilespmem:$0x18180] =	vst v63  }
0xe7: {  	s28 =	simm.s32 $0xC980  }
0xe8: {  	[tilespmem:s28], [sflag:$0x2] =	stream.indirect_vreg.gather [hbm4b:s5+s3], $0x80, v4, vm0, $0xb8;
	[tilespmem:$0x18180] =	vst v63  }
0xe9: {  	s28 =	simm.s32 $0xD180  }
0xea: {  	[tilespmem:s28], [sflag:$0x2] =	stream.indirect_vreg.gather [hbm4b:s6+s3], $0x80, v4, vm0, $0xb8;
	[tilespmem:$0x18180] =	vst v63  }
0xeb: {  	s28 =	simm.s32 $0xD980  }
0xec: {  	[tilespmem:s28], [sflag:$0x2] =	stream.indirect_vreg.gather [hbm4b:s7+s3], $0x80, v4, vm0, $0xb8;
	[tilespmem:$0x18180] =	vst v63  }
0xed: {  	s28 =	simm.s32 $0xE180  }
0xee: {  	[tilespmem:s28], [sflag:$0x2] =	stream.indirect_vreg.gather [hbm4b:s8+s3], $0x80, v4, vm0, $0xb8;
	[tilespmem:$0x18180] =	vst v63  }
0xef: {  	v3 =	vperm.xlane v3, v2;
	s28 =	simm.s32 $0xE980  }
0xf0: {  	[tilespmem:s28], [sflag:$0x2] =	stream.indirect_vreg.gather [hbm4b:s9+s3], $0x80, v4, vm0, $0xb8;
	[tilespmem:$0x18180] =	vst v63  }
0xf1: {  	v3 =	vadd.s32 v1, v3;
	s28 =	simm.s32 $0xF180  }
0xf2: {  	[tilespmem:s28], [sflag:$0x2] =	stream.indirect_vreg.gather [hbm4b:s10+s3], $0x80, v4, vm0, $0xb8;
	[tilespmem:$0x18180] =	vst v63  }
0xf3: {  	s28 =	simm.s32 $0xF980  }
0xf4: {  	[tilespmem:s28], [sflag:$0x2] =	stream.indirect_vreg.gather [hbm4b:s11+s3], $0x80, v4, vm0, $0xb8;
	[tilespmem:$0x18180] =	vst v63  }
0xf5: {  	s28 =	simm.s32 $0x10180  }
0xf6: {  	[tilespmem:s28], [sflag:$0x2] =	stream.indirect_vreg.gather [hbm4b:s1+s3], $0x80, v3, vm0, $0xb8;
	[tilespmem:$0x18180] =	vst v63  }
0xf7: {  	s28 =	simm.s32 $0x10980  }
0xf8: {  	[tilespmem:s28], [sflag:$0x2] =	stream.indirect_vreg.gather [hbm4b:s5+s3], $0x80, v3, vm0, $0xb8;
	[tilespmem:$0x18180] =	vst v63  }
0xf9: {  	s28 =	simm.s32 $0x11180  }
0xfa: {  	[tilespmem:s28], [sflag:$0x2] =	stream.indirect_vreg.gather [hbm4b:s6+s3], $0x80, v3, vm0, $0xb8;
	[tilespmem:$0x18180] =	vst v63  }
0xfb: {  	s28 =	simm.s32 $0x11980  }
0xfc: {  	[tilespmem:s28], [sflag:$0x2] =	stream.indirect_vreg.gather [hbm4b:s7+s3], $0x80, v3, vm0, $0xb8;
	[tilespmem:$0x18180] =	vst v63  }
0xfd: {  	s28 =	simm.s32 $0x12180  }
0xfe: {  	[tilespmem:s28], [sflag:$0x2] =	stream.indirect_vreg.gather [hbm4b:s8+s3], $0x80, v3, vm0, $0xb8;
	[tilespmem:$0x18180] =	vst v63  }
0xff: {  	s28 =	simm.s32 $0x12980  }
0x100: {  	[tilespmem:s28], [sflag:$0x2] =	stream.indirect_vreg.gather [hbm4b:s9+s3], $0x80, v3, vm0, $0xb8;
	[tilespmem:$0x18180] =	vst v63  }
0x101: {  	s28 =	simm.s32 $0x13180  }
0x102: {  	[tilespmem:s28], [sflag:$0x2] =	stream.indirect_vreg.gather [hbm4b:s10+s3], $0x80, v3, vm0, $0xb8;
	[tilespmem:$0x18180] =	vst v63  }
0x103: {  	s28 =	simm.s32 $0x13980  }
0x104: {  	[tilespmem:s28], [sflag:$0x2] =	stream.indirect_vreg.gather [hbm4b:s11+s3], $0x80, v3, vm0, $0xb8;
	[tilespmem:$0x18180] =	vst v63  }
0x105: {  	v3 =	vld.msk [tilespmem:$0x58], $0xff;
	_ =	sdelay $0x4  }
0x106: {  	v39 =	vshll.u32 v3, $0x4  }
0x107: {  	v3 =	vand.u32 $0x7, v3;
	v4 =	vand.u32 $0xFFFFFF80, v39  }
0x108: {  	v3 =	vor.u32 v3, v4  }
0x109: {  	v3 =	vperm.xlane v3, v0;
	_ =	sdelay $0x1  }
0x10a: {  	v3 =	vadd.s32 v1, v3;
	_ =	sdelay $0x3  }
0x10b: {  	s28 =	simm.s32 $0x14180  }
0x10c: {  	[tilespmem:s28], [sflag:$0x2] =	stream.indirect_vreg.gather [hbm4b:s1+s3], $0x80, v3, vm0, $0xb8;
	[tilespmem:$0x18180] =	vst v63  }
0x10d: {  	s28 =	simm.s32 $0x14980  }
0x10e: {  	[tilespmem:s28], [sflag:$0x2] =	stream.indirect_vreg.gather [hbm4b:s5+s3], $0x80, v3, vm0, $0xb8;
	[tilespmem:$0x18180] =	vst v63  }
0x10f: {  	s28 =	simm.s32 $0x15180  }
0x110: {  	[tilespmem:s28], [sflag:$0x2] =	stream.indirect_vreg.gather [hbm4b:s6+s3], $0x80, v3, vm0, $0xb8;
	[tilespmem:$0x18180] =	vst v63  }
0x111: {  	s28 =	simm.s32 $0x15980  }
0x112: {  	[tilespmem:s28], [sflag:$0x2] =	stream.indirect_vreg.gather [hbm4b:s7+s3], $0x80, v3, vm0, $0xb8;
	[tilespmem:$0x18180] =	vst v63  }
0x113: {  	s28 =	simm.s32 $0x16180  }
0x114: {  	[tilespmem:s28], [sflag:$0x2] =	stream.indirect_vreg.gather [hbm4b:s8+s3], $0x80, v3, vm0, $0xb8;
	[tilespmem:$0x18180] =	vst v63  }
0x115: {  	s28 =	simm.s32 $0x16980  }
0x116: {  	[tilespmem:s28], [sflag:$0x2] =	stream.indirect_vreg.gather [hbm4b:s9+s3], $0x80, v3, vm0, $0xb8;
	[tilespmem:$0x18180] =	vst v63  }
0x117: {  	s28 =	simm.s32 $0x17180  }
0x118: {  	[tilespmem:s28], [sflag:$0x2] =	stream.indirect_vreg.gather [hbm4b:s10+s3], $0x80, v3, vm0, $0xb8;
	[tilespmem:$0x18180] =	vst v63  }
0x119: {  	s28 =	simm.s32 $0x17980  }
0x11a: {  	[tilespmem:s28], [sflag:$0x2] =	stream.indirect_vreg.gather [hbm4b:s11+s3], $0x80, v3, vm0, $0xb8;
	[tilespmem:$0x18180] =	vst v63  }
0x11b: {  	_ =	swait.ge [sflag:s23], $0xC000  }
0x11c: {  	[sflag:s23] =	ssyncset.done $0x0  }
0x11d: {  	s0 =	simm.s32 $0x180;
	s28 =	rddreg [dreg:$0x6];
	[sflag:s23] =	ssyncadd.s32 $0xFFFF4000  }
0x11e: {  	[hbm4b:s28+s3] =	stream.linear.scatter [tilespmem:s0], [sflag:$0x3], $0xC000, $0x38;
	[tilespmem:$0x18180] =	vst v63  }
0x11f: {  	_ =	swait.ge [sflag:s24], $0xC000  }
0x120: {  	[sflag:s24] =	ssyncset.done $0x0  }
0x121: {  	[sflag:s24] =	ssyncadd.s32 $0xFFFF4000  }
0x122: {  	v3 =	vld [tilespmem:$0x60];
	_ =	sdelay $0x4  }
0x123: {  	v40 =	vshll.u32 v3, $0x4  }
0x124: {  	v3 =	vand.u32 $0x7, v3;
	v4 =	vand.u32 $0xFFFFFF80, v40  }
0x125: {  	v3 =	vor.u32 v3, v4  }
0x126: {  	v4 =	vperm.xlane v3, v0;
	_ =	sdelay $0x1  }
0x127: {  	v4 =	vadd.s32 v1, v4;
	_ =	sdelay $0x4  }
0x128: {  	[tilespmem:s0], [sflag:$0x1] =	stream.indirect_vreg.gather [hbm4b:s1+s3], $0x80, v4, vm0, $0xb8;
	[tilespmem:$0x18180] =	vst v63  }
0x129: {  	_ = 	snop  }
0x12a: {  	[tilespmem:s2], [sflag:$0x1] =	stream.indirect_vreg.gather [hbm4b:s5+s3], $0x80, v4, vm0, $0xb8;
	[tilespmem:$0x18180] =	vst v63  }
0x12b: {  	s28 =	simm.s32 $0x1180  }
0x12c: {  	[tilespmem:s28], [sflag:$0x1] =	stream.indirect_vreg.gather [hbm4b:s6+s3], $0x80, v4, vm0, $0xb8;
	[tilespmem:$0x18180] =	vst v63  }
0x12d: {  	_ = 	snop  }
0x12e: {  	[tilespmem:s4], [sflag:$0x1] =	stream.indirect_vreg.gather [hbm4b:s7+s3], $0x80, v4, vm0, $0xb8;
	[tilespmem:$0x18180] =	vst v63  }
0x12f: {  	s2 =	simm.s32 $0x2180  }
0x130: {  	[tilespmem:s2], [sflag:$0x1] =	stream.indirect_vreg.gather [hbm4b:s8+s3], $0x80, v4, vm0, $0xb8;
	[tilespmem:$0x18180] =	vst v63  }
0x131: {  	v3 =	vperm.xlane v3, v2;
	s4 =	simm.s32 $0x2980  }
0x132: {  	[tilespmem:s4], [sflag:$0x1] =	stream.indirect_vreg.gather [hbm4b:s9+s3], $0x80, v4, vm0, $0xb8;
	[tilespmem:$0x18180] =	vst v63  }
0x133: {  	v3 =	vadd.s32 v1, v3  }
0x134: {  	[tilespmem:s12], [sflag:$0x1] =	stream.indirect_vreg.gather [hbm4b:s10+s3], $0x80, v4, vm0, $0xb8;
	[tilespmem:$0x18180] =	vst v63  }
0x135: {  	_ = 	snop  }
0x136: {  	[tilespmem:s13], [sflag:$0x1] =	stream.indirect_vreg.gather [hbm4b:s11+s3], $0x80, v4, vm0, $0xb8;
	[tilespmem:$0x18180] =	vst v63  }
0x137: {  	_ = 	snop  }
0x138: {  	[tilespmem:s14], [sflag:$0x1] =	stream.indirect_vreg.gather [hbm4b:s1+s3], $0x80, v3, vm0, $0xb8;
	[tilespmem:$0x18180] =	vst v63  }
0x139: {  	_ = 	snop  }
0x13a: {  	[tilespmem:s15], [sflag:$0x1] =	stream.indirect_vreg.gather [hbm4b:s5+s3], $0x80, v3, vm0, $0xb8;
	[tilespmem:$0x18180] =	vst v63  }
0x13b: {  	_ = 	snop  }
0x13c: {  	[tilespmem:s16], [sflag:$0x1] =	stream.indirect_vreg.gather [hbm4b:s6+s3], $0x80, v3, vm0, $0xb8;
	[tilespmem:$0x18180] =	vst v63  }
0x13d: {  	_ = 	snop  }
0x13e: {  	[tilespmem:s17], [sflag:$0x1] =	stream.indirect_vreg.gather [hbm4b:s7+s3], $0x80, v3, vm0, $0xb8;
	[tilespmem:$0x18180] =	vst v63  }
0x13f: {  	_ = 	snop  }
0x140: {  	[tilespmem:s30], [sflag:$0x1] =	stream.indirect_vreg.gather [hbm4b:s8+s3], $0x80, v3, vm0, $0xb8;
	[tilespmem:$0x18180] =	vst v63  }
0x141: {  	_ = 	snop  }
0x142: {  	[tilespmem:s31], [sflag:$0x1] =	stream.indirect_vreg.gather [hbm4b:s9+s3], $0x80, v3, vm0, $0xb8;
	[tilespmem:$0x18180] =	vst v63  }
0x143: {  	_ = 	snop  }
0x144: {  	[tilespmem:s29], [sflag:$0x1] =	stream.indirect_vreg.gather [hbm4b:s10+s3], $0x80, v3, vm0, $0xb8;
	[tilespmem:$0x18180] =	vst v63  }
0x145: {  	s17 =	simm.s32 $0x7980  }
0x146: {  	[tilespmem:s17], [sflag:$0x1] =	stream.indirect_vreg.gather [hbm4b:s11+s3], $0x80, v3, vm0, $0xb8;
	[tilespmem:$0x18180] =	vst v63  }
0x147: {  	v3 =	vld.msk [tilespmem:$0x70], $0xff;
	_ =	sdelay $0x4  }
0x148: {  	v41 =	vshll.u32 v3, $0x4  }
0x149: {  	v3 =	vand.u32 $0x7, v3;
	v4 =	vand.u32 $0xFFFFFF80, v41  }
0x14a: {  	v3 =	vor.u32 v3, v4  }
0x14b: {  	v3 =	vperm.xlane v3, v0;
	_ =	sdelay $0x1  }
0x14c: {  	v3 =	vadd.s32 v1, v3;
	_ =	sdelay $0x4  }
0x14d: {  	[tilespmem:s22], [sflag:$0x1] =	stream.indirect_vreg.gather [hbm4b:s1+s3], $0x80, v3, vm0, $0xb8;
	[tilespmem:$0x18180] =	vst v63  }
0x14e: {  	_ = 	snop  }
0x14f: {  	[tilespmem:s20], [sflag:$0x1] =	stream.indirect_vreg.gather [hbm4b:s5+s3], $0x80, v3, vm0, $0xb8;
	[tilespmem:$0x18180] =	vst v63  }
0x150: {  	_ = 	snop  }
0x151: {  	[tilespmem:s21], [sflag:$0x1] =	stream.indirect_vreg.gather [hbm4b:s6+s3], $0x80, v3, vm0, $0xb8;
	[tilespmem:$0x18180] =	vst v63  }
0x152: {  	_ = 	snop  }
0x153: {  	[tilespmem:s19], [sflag:$0x1] =	stream.indirect_vreg.gather [hbm4b:s7+s3], $0x80, v3, vm0, $0xb8;
	[tilespmem:$0x18180] =	vst v63  }
0x154: {  	_ = 	snop  }
0x155: {  	[tilespmem:s18], [sflag:$0x1] =	stream.indirect_vreg.gather [hbm4b:s8+s3], $0x80, v3, vm0, $0xb8;
	[tilespmem:$0x18180] =	vst v63  }
0x156: {  	s18 =	simm.s32 $0xA980  }
0x157: {  	[tilespmem:s18], [sflag:$0x1] =	stream.indirect_vreg.gather [hbm4b:s9+s3], $0x80, v3, vm0, $0xb8;
	[tilespmem:$0x18180] =	vst v63  }
0x158: {  	s21 =	simm.s32 $0xB180  }
0x159: {  	[tilespmem:s21], [sflag:$0x1] =	stream.indirect_vreg.gather [hbm4b:s10+s3], $0x80, v3, vm0, $0xb8;
	[tilespmem:$0x18180] =	vst v63  }
0x15a: {  	s2 =	simm.s32 $0xB980  }
0x15b: {  	[tilespmem:s2], [sflag:$0x1] =	stream.indirect_vreg.gather [hbm4b:s11+s3], $0x80, v3, vm0, $0xb8;
	[tilespmem:$0x18180] =	vst v63  }
0x15c: {  	_ =	swait.ge [sflag:s25], $0xC000  }
0x15d: {  	[sflag:s25] =	ssyncset.done $0x0  }
0x15e: {  	s29 =	simm.s32 $0xC180;
	s22 =	rddreg [dreg:$0x7];
	[sflag:s25] =	ssyncadd.s32 $0xFFFF4000  }
0x15f: {  	[hbm4b:s22+s3] =	stream.linear.scatter [tilespmem:s29], [sflag:$0x4], $0xC000, $0x38;
	[tilespmem:$0x18180] =	vst v63  }
0x160: {  	_ =	swait.ge [sflag:s26], $0xC000  }
0x161: {  	[sflag:s26] =	ssyncset.done $0x0  }
0x162: {  	[sflag:s26] =	ssyncadd.s32 $0xFFFF4000  }
0x163: {  	v3 =	vld [tilespmem:$0x78];
	_ =	sdelay $0x4  }
0x164: {  	v42 =	vshll.u32 v3, $0x4  }
0x165: {  	v3 =	vand.u32 $0x7, v3;
	v4 =	vand.u32 $0xFFFFFF80, v42  }
0x166: {  	v3 =	vor.u32 v3, v4  }
0x167: {  	v4 =	vperm.xlane v3, v0;
	_ =	sdelay $0x1  }
0x168: {  	v4 =	vadd.s32 v1, v4;
	_ =	sdelay $0x4  }
0x169: {  	[tilespmem:s29], [sflag:$0x2] =	stream.indirect_vreg.gather [hbm4b:s1+s3], $0x80, v4, vm0, $0xb8;
	[tilespmem:$0x18180] =	vst v63  }
0x16a: {  	s12 =	simm.s32 $0xC980  }
0x16b: {  	[tilespmem:s12], [sflag:$0x2] =	stream.indirect_vreg.gather [hbm4b:s5+s3], $0x80, v4, vm0, $0xb8;
	[tilespmem:$0x18180] =	vst v63  }
0x16c: {  	s13 =	simm.s32 $0xD180  }
0x16d: {  	[tilespmem:s13], [sflag:$0x2] =	stream.indirect_vreg.gather [hbm4b:s6+s3], $0x80, v4, vm0, $0xb8;
	[tilespmem:$0x18180] =	vst v63  }
0x16e: {  	s14 =	simm.s32 $0xD980  }
0x16f: {  	[tilespmem:s14], [sflag:$0x2] =	stream.indirect_vreg.gather [hbm4b:s7+s3], $0x80, v4, vm0, $0xb8;
	[tilespmem:$0x18180] =	vst v63  }
0x170: {  	s30 =	simm.s32 $0xE180  }
0x171: {  	[tilespmem:s30], [sflag:$0x2] =	stream.indirect_vreg.gather [hbm4b:s8+s3], $0x80, v4, vm0, $0xb8;
	[tilespmem:$0x18180] =	vst v63  }
0x172: {  	s31 =	simm.s32 $0xE980;
	v3 =	vperm.xlane v3, v2  }
0x173: {  	[tilespmem:s31], [sflag:$0x2] =	stream.indirect_vreg.gather [hbm4b:s9+s3], $0x80, v4, vm0, $0xb8;
	[tilespmem:$0x18180] =	vst v63  }
0x174: {  	s15 =	simm.s32 $0xF180;
	v3 =	vadd.s32 v1, v3  }
0x175: {  	[tilespmem:s15], [sflag:$0x2] =	stream.indirect_vreg.gather [hbm4b:s10+s3], $0x80, v4, vm0, $0xb8;
	[tilespmem:$0x18180] =	vst v63  }
0x176: {  	s16 =	simm.s32 $0xF980  }
0x177: {  	[tilespmem:s16], [sflag:$0x2] =	stream.indirect_vreg.gather [hbm4b:s11+s3], $0x80, v4, vm0, $0xb8;
	[tilespmem:$0x18180] =	vst v63  }
0x178: {  	s17 =	simm.s32 $0x10180  }
0x179: {  	[tilespmem:s17], [sflag:$0x2] =	stream.indirect_vreg.gather [hbm4b:s1+s3], $0x80, v3, vm0, $0xb8;
	[tilespmem:$0x18180] =	vst v63  }
0x17a: {  	s19 =	simm.s32 $0x10980  }
0x17b: {  	[tilespmem:s19], [sflag:$0x2] =	stream.indirect_vreg.gather [hbm4b:s5+s3], $0x80, v3, vm0, $0xb8;
	[tilespmem:$0x18180] =	vst v63  }
0x17c: {  	s20 =	simm.s32 $0x11180  }
0x17d: {  	[tilespmem:s20], [sflag:$0x2] =	stream.indirect_vreg.gather [hbm4b:s6+s3], $0x80, v3, vm0, $0xb8;
	[tilespmem:$0x18180] =	vst v63  }
0x17e: {  	s21 =	simm.s32 $0x11980  }
0x17f: {  	[tilespmem:s21], [sflag:$0x2] =	stream.indirect_vreg.gather [hbm4b:s7+s3], $0x80, v3, vm0, $0xb8;
	[tilespmem:$0x18180] =	vst v63  }
0x180: {  	s22 =	simm.s32 $0x12180  }
0x181: {  	[tilespmem:s22], [sflag:$0x2] =	stream.indirect_vreg.gather [hbm4b:s8+s3], $0x80, v3, vm0, $0xb8;
	[tilespmem:$0x18180] =	vst v63  }
0x182: {  	s29 =	simm.s32 $0x12980  }
0x183: {  	[tilespmem:s29], [sflag:$0x2] =	stream.indirect_vreg.gather [hbm4b:s9+s3], $0x80, v3, vm0, $0xb8;
	[tilespmem:$0x18180] =	vst v63  }
0x184: {  	s30 =	simm.s32 $0x13180  }
0x185: {  	[tilespmem:s30], [sflag:$0x2] =	stream.indirect_vreg.gather [hbm4b:s10+s3], $0x80, v3, vm0, $0xb8;
	[tilespmem:$0x18180] =	vst v63  }
0x186: {  	s4 =	simm.s32 $0x13980  }
0x187: {  	[tilespmem:s4], [sflag:$0x2] =	stream.indirect_vreg.gather [hbm4b:s11+s3], $0x80, v3, vm0, $0xb8;
	[tilespmem:$0x18180] =	vst v63  }
0x188: {  	v3 =	vld.msk [tilespmem:$0x88], $0xff;
	_ =	sdelay $0x4  }
0x189: {  	v43 =	vshll.u32 v3, $0x4  }
0x18a: {  	v3 =	vand.u32 $0x7, v3;
	v4 =	vand.u32 $0xFFFFFF80, v43  }
0x18b: {  	v3 =	vor.u32 v3, v4  }
0x18c: {  	v3 =	vperm.xlane v3, v0;
	_ =	sdelay $0x1  }
0x18d: {  	v3 =	vadd.s32 v1, v3;
	_ =	sdelay $0x3  }
0x18e: {  	s31 =	simm.s32 $0x14180  }
0x18f: {  	[tilespmem:s31], [sflag:$0x2] =	stream.indirect_vreg.gather [hbm4b:s1+s3], $0x80, v3, vm0, $0xb8;
	[tilespmem:$0x18180] =	vst v63  }
0x190: {  	s4 =	simm.s32 $0x14980  }
0x191: {  	[tilespmem:s4], [sflag:$0x2] =	stream.indirect_vreg.gather [hbm4b:s5+s3], $0x80, v3, vm0, $0xb8;
	[tilespmem:$0x18180] =	vst v63  }
0x192: {  	s28 =	simm.s32 $0x15180  }
0x193: {  	[tilespmem:s28], [sflag:$0x2] =	stream.indirect_vreg.gather [hbm4b:s6+s3], $0x80, v3, vm0, $0xb8;
	[tilespmem:$0x18180] =	vst v63  }
0x194: {  	s28 =	simm.s32 $0x15980  }
0x195: {  	[tilespmem:s28], [sflag:$0x2] =	stream.indirect_vreg.gather [hbm4b:s7+s3], $0x80, v3, vm0, $0xb8;
	[tilespmem:$0x18180] =	vst v63  }
0x196: {  	s28 =	simm.s32 $0x16180  }
0x197: {  	[tilespmem:s28], [sflag:$0x2] =	stream.indirect_vreg.gather [hbm4b:s8+s3], $0x80, v3, vm0, $0xb8;
	[tilespmem:$0x18180] =	vst v63  }
0x198: {  	s28 =	simm.s32 $0x16980  }
0x199: {  	[tilespmem:s28], [sflag:$0x2] =	stream.indirect_vreg.gather [hbm4b:s9+s3], $0x80, v3, vm0, $0xb8;
	[tilespmem:$0x18180] =	vst v63  }
0x19a: {  	s28 =	simm.s32 $0x17180  }
0x19b: {  	[tilespmem:s28], [sflag:$0x2] =	stream.indirect_vreg.gather [hbm4b:s10+s3], $0x80, v3, vm0, $0xb8;
	[tilespmem:$0x18180] =	vst v63  }
0x19c: {  	s28 =	simm.s32 $0x17980  }
0x19d: {  	[tilespmem:s28], [sflag:$0x2] =	stream.indirect_vreg.gather [hbm4b:s11+s3], $0x80, v3, vm0, $0xb8;
	[tilespmem:$0x18180] =	vst v63  }
0x19e: {  	_ =	swait.ge [sflag:s23], $0xC000  }
0x19f: {  	[sflag:s23] =	ssyncset.done $0x0  }
0x1a0: {  	s0 =	simm.s32 $0x180;
	s28 =	rddreg [dreg:$0x8];
	[sflag:s23] =	ssyncadd.s32 $0xFFFF4000  }
0x1a1: {  	[hbm4b:s28+s3] =	stream.linear.scatter [tilespmem:s0], [sflag:$0x3], $0xC000, $0x38;
	[tilespmem:$0x18180] =	vst v63  }
0x1a2: {  	_ =	swait.ge [sflag:s24], $0xC000  }
0x1a3: {  	[sflag:s24] =	ssyncset.done $0x0  }
0x1a4: {  	[sflag:s24] =	ssyncadd.s32 $0xFFFF4000  }
0x1a5: {  	v3 =	vld [tilespmem:$0x90];
	_ =	sdelay $0x4  }
0x1a6: {  	v44 =	vshll.u32 v3, $0x4  }
0x1a7: {  	v3 =	vand.u32 $0x7, v3;
	v4 =	vand.u32 $0xFFFFFF80, v44  }
0x1a8: {  	v3 =	vor.u32 v3, v4  }
0x1a9: {  	v4 =	vperm.xlane v3, v0;
	_ =	sdelay $0x1  }
0x1aa: {  	v4 =	vadd.s32 v1, v4;
	_ =	sdelay $0x4  }
0x1ab: {  	[tilespmem:s0], [sflag:$0x1] =	stream.indirect_vreg.gather [hbm4b:s1+s3], $0x80, v4, vm0, $0xb8;
	[tilespmem:$0x18180] =	vst v63  }
0x1ac: {  	s28 =	simm.s32 $0x980  }
0x1ad: {  	[tilespmem:s28], [sflag:$0x1] =	stream.indirect_vreg.gather [hbm4b:s5+s3], $0x80, v4, vm0, $0xb8;
	[tilespmem:$0x18180] =	vst v63  }
0x1ae: {  	s28 =	simm.s32 $0x1180  }
0x1af: {  	[tilespmem:s28], [sflag:$0x1] =	stream.indirect_vreg.gather [hbm4b:s6+s3], $0x80, v4, vm0, $0xb8;
	[tilespmem:$0x18180] =	vst v63  }
0x1b0: {  	s28 =	simm.s32 $0x1980  }
0x1b1: {  	[tilespmem:s28], [sflag:$0x1] =	stream.indirect_vreg.gather [hbm4b:s7+s3], $0x80, v4, vm0, $0xb8;
	[tilespmem:$0x18180] =	vst v63  }
0x1b2: {  	s28 =	simm.s32 $0x2180  }
0x1b3: {  	[tilespmem:s28], [sflag:$0x1] =	stream.indirect_vreg.gather [hbm4b:s8+s3], $0x80, v4, vm0, $0xb8;
	[tilespmem:$0x18180] =	vst v63  }
0x1b4: {  	v3 =	vperm.xlane v3, v2;
	s28 =	simm.s32 $0x2980  }
0x1b5: {  	[tilespmem:s28], [sflag:$0x1] =	stream.indirect_vreg.gather [hbm4b:s9+s3], $0x80, v4, vm0, $0xb8;
	[tilespmem:$0x18180] =	vst v63  }
0x1b6: {  	v3 =	vadd.s32 v1, v3;
	s28 =	simm.s32 $0x3180  }
0x1b7: {  	[tilespmem:s28], [sflag:$0x1] =	stream.indirect_vreg.gather [hbm4b:s10+s3], $0x80, v4, vm0, $0xb8;
	[tilespmem:$0x18180] =	vst v63  }
0x1b8: {  	s28 =	simm.s32 $0x3980  }
0x1b9: {  	[tilespmem:s28], [sflag:$0x1] =	stream.indirect_vreg.gather [hbm4b:s11+s3], $0x80, v4, vm0, $0xb8;
	[tilespmem:$0x18180] =	vst v63  }
0x1ba: {  	s28 =	simm.s32 $0x4180  }
0x1bb: {  	[tilespmem:s28], [sflag:$0x1] =	stream.indirect_vreg.gather [hbm4b:s1+s3], $0x80, v3, vm0, $0xb8;
	[tilespmem:$0x18180] =	vst v63  }
0x1bc: {  	s28 =	simm.s32 $0x4980  }
0x1bd: {  	[tilespmem:s28], [sflag:$0x1] =	stream.indirect_vreg.gather [hbm4b:s5+s3], $0x80, v3, vm0, $0xb8;
	[tilespmem:$0x18180] =	vst v63  }
0x1be: {  	s28 =	simm.s32 $0x5180  }
0x1bf: {  	[tilespmem:s28], [sflag:$0x1] =	stream.indirect_vreg.gather [hbm4b:s6+s3], $0x80, v3, vm0, $0xb8;
	[tilespmem:$0x18180] =	vst v63  }
0x1c0: {  	s28 =	simm.s32 $0x5980  }
0x1c1: {  	[tilespmem:s28], [sflag:$0x1] =	stream.indirect_vreg.gather [hbm4b:s7+s3], $0x80, v3, vm0, $0xb8;
	[tilespmem:$0x18180] =	vst v63  }
0x1c2: {  	s28 =	simm.s32 $0x6180  }
0x1c3: {  	[tilespmem:s28], [sflag:$0x1] =	stream.indirect_vreg.gather [hbm4b:s8+s3], $0x80, v3, vm0, $0xb8;
	[tilespmem:$0x18180] =	vst v63  }
0x1c4: {  	s28 =	simm.s32 $0x6980  }
0x1c5: {  	[tilespmem:s28], [sflag:$0x1] =	stream.indirect_vreg.gather [hbm4b:s9+s3], $0x80, v3, vm0, $0xb8;
	[tilespmem:$0x18180] =	vst v63  }
0x1c6: {  	s28 =	simm.s32 $0x7180  }
0x1c7: {  	[tilespmem:s28], [sflag:$0x1] =	stream.indirect_vreg.gather [hbm4b:s10+s3], $0x80, v3, vm0, $0xb8;
	[tilespmem:$0x18180] =	vst v63  }
0x1c8: {  	s28 =	simm.s32 $0x7980  }
0x1c9: {  	[tilespmem:s28], [sflag:$0x1] =	stream.indirect_vreg.gather [hbm4b:s11+s3], $0x80, v3, vm0, $0xb8;
	[tilespmem:$0x18180] =	vst v63  }
0x1ca: {  	v3 =	vld.msk [tilespmem:$0xA0], $0xff;
	_ =	sdelay $0x4  }
0x1cb: {  	v45 =	vshll.u32 v3, $0x4  }
0x1cc: {  	v3 =	vand.u32 $0x7, v3;
	v4 =	vand.u32 $0xFFFFFF80, v45  }
0x1cd: {  	v3 =	vor.u32 v3, v4  }
0x1ce: {  	v3 =	vperm.xlane v3, v0;
	_ =	sdelay $0x1  }
0x1cf: {  	v3 =	vadd.s32 v1, v3;
	_ =	sdelay $0x3  }
0x1d0: {  	s28 =	simm.s32 $0x8180  }
0x1d1: {  	[tilespmem:s28], [sflag:$0x1] =	stream.indirect_vreg.gather [hbm4b:s1+s3], $0x80, v3, vm0, $0xb8;
	[tilespmem:$0x18180] =	vst v63  }
0x1d2: {  	s28 =	simm.s32 $0x8980  }
0x1d3: {  	[tilespmem:s28], [sflag:$0x1] =	stream.indirect_vreg.gather [hbm4b:s5+s3], $0x80, v3, vm0, $0xb8;
	[tilespmem:$0x18180] =	vst v63  }
0x1d4: {  	s28 =	simm.s32 $0x9180  }
0x1d5: {  	[tilespmem:s28], [sflag:$0x1] =	stream.indirect_vreg.gather [hbm4b:s6+s3], $0x80, v3, vm0, $0xb8;
	[tilespmem:$0x18180] =	vst v63  }
0x1d6: {  	s28 =	simm.s32 $0x9980  }
0x1d7: {  	[tilespmem:s28], [sflag:$0x1] =	stream.indirect_vreg.gather [hbm4b:s7+s3], $0x80, v3, vm0, $0xb8;
	[tilespmem:$0x18180] =	vst v63  }
0x1d8: {  	s28 =	simm.s32 $0xA180  }
0x1d9: {  	[tilespmem:s28], [sflag:$0x1] =	stream.indirect_vreg.gather [hbm4b:s8+s3], $0x80, v3, vm0, $0xb8;
	[tilespmem:$0x18180] =	vst v63  }
0x1da: {  	_ = 	snop  }
0x1db: {  	[tilespmem:s18], [sflag:$0x1] =	stream.indirect_vreg.gather [hbm4b:s9+s3], $0x80, v3, vm0, $0xb8;
	[tilespmem:$0x18180] =	vst v63  }
0x1dc: {  	s28 =	simm.s32 $0xB180  }
0x1dd: {  	[tilespmem:s28], [sflag:$0x1] =	stream.indirect_vreg.gather [hbm4b:s10+s3], $0x80, v3, vm0, $0xb8;
	[tilespmem:$0x18180] =	vst v63  }
0x1de: {  	_ = 	snop  }
0x1df: {  	[tilespmem:s2], [sflag:$0x1] =	stream.indirect_vreg.gather [hbm4b:s11+s3], $0x80, v3, vm0, $0xb8;
	[tilespmem:$0x18180] =	vst v63  }
0x1e0: {  	_ =	swait.ge [sflag:s25], $0xC000  }
0x1e1: {  	[sflag:s25] =	ssyncset.done $0x0  }
0x1e2: {  	s2 =	simm.s32 $0xC180;
	s0 =	rddreg [dreg:$0x9];
	[sflag:s25] =	ssyncadd.s32 $0xFFFF4000  }
0x1e3: {  	[hbm4b:s0+s3] =	stream.linear.scatter [tilespmem:s2], [sflag:$0x4], $0xC000, $0x38;
	[tilespmem:$0x18180] =	vst v63  }
0x1e4: {  	_ =	swait.ge [sflag:s26], $0xC000  }
0x1e5: {  	[sflag:s26] =	ssyncset.done $0x0  }
0x1e6: {  	[sflag:s26] =	ssyncadd.s32 $0xFFFF4000  }
0x1e7: {  	v3 =	vld [tilespmem:$0xA8];
	_ =	sdelay $0x4  }
0x1e8: {  	v46 =	vshll.u32 v3, $0x4  }
0x1e9: {  	v3 =	vand.u32 $0x7, v3;
	v4 =	vand.u32 $0xFFFFFF80, v46  }
0x1ea: {  	v3 =	vor.u32 v3, v4  }
0x1eb: {  	v4 =	vperm.xlane v3, v0;
	_ =	sdelay $0x1  }
0x1ec: {  	v4 =	vadd.s32 v1, v4;
	_ =	sdelay $0x4  }
0x1ed: {  	[tilespmem:s2], [sflag:$0x2] =	stream.indirect_vreg.gather [hbm4b:s1+s3], $0x80, v4, vm0, $0xb8;
	[tilespmem:$0x18180] =	vst v63  }
0x1ee: {  	_ = 	snop  }
0x1ef: {  	[tilespmem:s12], [sflag:$0x2] =	stream.indirect_vreg.gather [hbm4b:s5+s3], $0x80, v4, vm0, $0xb8;
	[tilespmem:$0x18180] =	vst v63  }
0x1f0: {  	_ = 	snop  }
0x1f1: {  	[tilespmem:s13], [sflag:$0x2] =	stream.indirect_vreg.gather [hbm4b:s6+s3], $0x80, v4, vm0, $0xb8;
	[tilespmem:$0x18180] =	vst v63  }
0x1f2: {  	_ = 	snop  }
0x1f3: {  	[tilespmem:s14], [sflag:$0x2] =	stream.indirect_vreg.gather [hbm4b:s7+s3], $0x80, v4, vm0, $0xb8;
	[tilespmem:$0x18180] =	vst v63  }
0x1f4: {  	s18 =	simm.s32 $0xE180  }
0x1f5: {  	[tilespmem:s18], [sflag:$0x2] =	stream.indirect_vreg.gather [hbm4b:s8+s3], $0x80, v4, vm0, $0xb8;
	[tilespmem:$0x18180] =	vst v63  }
0x1f6: {  	s28 =	simm.s32 $0xE980;
	v3 =	vperm.xlane v3, v2  }
0x1f7: {  	[tilespmem:s28], [sflag:$0x2] =	stream.indirect_vreg.gather [hbm4b:s9+s3], $0x80, v4, vm0, $0xb8;
	[tilespmem:$0x18180] =	vst v63  }
0x1f8: {  	v3 =	vadd.s32 v1, v3  }
0x1f9: {  	[tilespmem:s15], [sflag:$0x2] =	stream.indirect_vreg.gather [hbm4b:s10+s3], $0x80, v4, vm0, $0xb8;
	[tilespmem:$0x18180] =	vst v63  }
0x1fa: {  	_ = 	snop  }
0x1fb: {  	[tilespmem:s16], [sflag:$0x2] =	stream.indirect_vreg.gather [hbm4b:s11+s3], $0x80, v4, vm0, $0xb8;
	[tilespmem:$0x18180] =	vst v63  }
0x1fc: {  	_ = 	snop  }
0x1fd: {  	[tilespmem:s17], [sflag:$0x2] =	stream.indirect_vreg.gather [hbm4b:s1+s3], $0x80, v3, vm0, $0xb8;
	[tilespmem:$0x18180] =	vst v63  }
0x1fe: {  	_ = 	snop  }
0x1ff: {  	[tilespmem:s19], [sflag:$0x2] =	stream.indirect_vreg.gather [hbm4b:s5+s3], $0x80, v3, vm0, $0xb8;
	[tilespmem:$0x18180] =	vst v63  }
0x200: {  	_ = 	snop  }
0x201: {  	[tilespmem:s20], [sflag:$0x2] =	stream.indirect_vreg.gather [hbm4b:s6+s3], $0x80, v3, vm0, $0xb8;
	[tilespmem:$0x18180] =	vst v63  }
0x202: {  	_ = 	snop  }
0x203: {  	[tilespmem:s21], [sflag:$0x2] =	stream.indirect_vreg.gather [hbm4b:s7+s3], $0x80, v3, vm0, $0xb8;
	[tilespmem:$0x18180] =	vst v63  }
0x204: {  	_ = 	snop  }
0x205: {  	[tilespmem:s22], [sflag:$0x2] =	stream.indirect_vreg.gather [hbm4b:s8+s3], $0x80, v3, vm0, $0xb8;
	[tilespmem:$0x18180] =	vst v63  }
0x206: {  	_ = 	snop  }
0x207: {  	[tilespmem:s29], [sflag:$0x2] =	stream.indirect_vreg.gather [hbm4b:s9+s3], $0x80, v3, vm0, $0xb8;
	[tilespmem:$0x18180] =	vst v63  }
0x208: {  	_ = 	snop  }
0x209: {  	[tilespmem:s30], [sflag:$0x2] =	stream.indirect_vreg.gather [hbm4b:s10+s3], $0x80, v3, vm0, $0xb8;
	[tilespmem:$0x18180] =	vst v63  }
0x20a: {  	s2 =	simm.s32 $0x13980  }
0x20b: {  	[tilespmem:s2], [sflag:$0x2] =	stream.indirect_vreg.gather [hbm4b:s11+s3], $0x80, v3, vm0, $0xb8;
	[tilespmem:$0x18180] =	vst v63  }
0x20c: {  	v3 =	vld.msk [tilespmem:$0xB8], $0xff;
	_ =	sdelay $0x4  }
0x20d: {  	v47 =	vshll.u32 v3, $0x4  }
0x20e: {  	v3 =	vand.u32 $0x7, v3;
	v4 =	vand.u32 $0xFFFFFF80, v47  }
0x20f: {  	v3 =	vor.u32 v3, v4  }
0x210: {  	v3 =	vperm.xlane v3, v0;
	_ =	sdelay $0x1  }
0x211: {  	v3 =	vadd.s32 v1, v3;
	_ =	sdelay $0x4  }
0x212: {  	[tilespmem:s31], [sflag:$0x2] =	stream.indirect_vreg.gather [hbm4b:s1+s3], $0x80, v3, vm0, $0xb8;
	[tilespmem:$0x18180] =	vst v63  }
0x213: {  	_ = 	snop  }
0x214: {  	[tilespmem:s4], [sflag:$0x2] =	stream.indirect_vreg.gather [hbm4b:s5+s3], $0x80, v3, vm0, $0xb8;
	[tilespmem:$0x18180] =	vst v63  }
0x215: {  	s4 =	simm.s32 $0x15180  }
0x216: {  	[tilespmem:s4], [sflag:$0x2] =	stream.indirect_vreg.gather [hbm4b:s6+s3], $0x80, v3, vm0, $0xb8;
	[tilespmem:$0x18180] =	vst v63  }
0x217: {  	s12 =	simm.s32 $0x15980  }
0x218: {  	[tilespmem:s12], [sflag:$0x2] =	stream.indirect_vreg.gather [hbm4b:s7+s3], $0x80, v3, vm0, $0xb8;
	[tilespmem:$0x18180] =	vst v63  }
0x219: {  	s13 =	simm.s32 $0x16180  }
0x21a: {  	[tilespmem:s13], [sflag:$0x2] =	stream.indirect_vreg.gather [hbm4b:s8+s3], $0x80, v3, vm0, $0xb8;
	[tilespmem:$0x18180] =	vst v63  }
0x21b: {  	s14 =	simm.s32 $0x16980  }
0x21c: {  	[tilespmem:s14], [sflag:$0x2] =	stream.indirect_vreg.gather [hbm4b:s9+s3], $0x80, v3, vm0, $0xb8;
	[tilespmem:$0x18180] =	vst v63  }
0x21d: {  	s15 =	simm.s32 $0x17180  }
0x21e: {  	[tilespmem:s15], [sflag:$0x2] =	stream.indirect_vreg.gather [hbm4b:s10+s3], $0x80, v3, vm0, $0xb8;
	[tilespmem:$0x18180] =	vst v63  }
0x21f: {  	s16 =	simm.s32 $0x17980  }
0x220: {  	[tilespmem:s16], [sflag:$0x2] =	stream.indirect_vreg.gather [hbm4b:s11+s3], $0x80, v3, vm0, $0xb8;
	[tilespmem:$0x18180] =	vst v63  }
0x221: {  	_ =	swait.ge [sflag:s23], $0xC000  }
0x222: {  	[sflag:s23] =	ssyncset.done $0x0  }
0x223: {  	s19 =	simm.s32 $0x180;
	s17 =	rddreg [dreg:$0xa];
	[sflag:s23] =	ssyncadd.s32 $0xFFFF4000  }
0x224: {  	[hbm4b:s17+s3] =	stream.linear.scatter [tilespmem:s19], [sflag:$0x3], $0xC000, $0x38;
	[tilespmem:$0x18180] =	vst v63  }
0x225: {  	_ =	swait.ge [sflag:s24], $0xC000  }
0x226: {  	[sflag:s24] =	ssyncset.done $0x0  }
0x227: {  	[sflag:s24] =	ssyncadd.s32 $0xFFFF4000  }
0x228: {  	v3 =	vld [tilespmem:$0xC0];
	_ =	sdelay $0x4  }
0x229: {  	v48 =	vshll.u32 v3, $0x4  }
0x22a: {  	v3 =	vand.u32 $0x7, v3;
	v4 =	vand.u32 $0xFFFFFF80, v48  }
0x22b: {  	v3 =	vor.u32 v3, v4  }
0x22c: {  	v4 =	vperm.xlane v3, v0;
	_ =	sdelay $0x1  }
0x22d: {  	v4 =	vadd.s32 v1, v4;
	_ =	sdelay $0x4  }
0x22e: {  	[tilespmem:s19], [sflag:$0x1] =	stream.indirect_vreg.gather [hbm4b:s1+s3], $0x80, v4, vm0, $0xb8;
	[tilespmem:$0x18180] =	vst v63  }
0x22f: {  	s4 =	simm.s32 $0x980  }
0x230: {  	[tilespmem:s4], [sflag:$0x1] =	stream.indirect_vreg.gather [hbm4b:s5+s3], $0x80, v4, vm0, $0xb8;
	[tilespmem:$0x18180] =	vst v63  }
0x231: {  	s20 =	simm.s32 $0x1180  }
0x232: {  	[tilespmem:s20], [sflag:$0x1] =	stream.indirect_vreg.gather [hbm4b:s6+s3], $0x80, v4, vm0, $0xb8;
	[tilespmem:$0x18180] =	vst v63  }
0x233: {  	s21 =	simm.s32 $0x1980  }
0x234: {  	[tilespmem:s21], [sflag:$0x1] =	stream.indirect_vreg.gather [hbm4b:s7+s3], $0x80, v4, vm0, $0xb8;
	[tilespmem:$0x18180] =	vst v63  }
0x235: {  	s22 =	simm.s32 $0x2180  }
0x236: {  	[tilespmem:s22], [sflag:$0x1] =	stream.indirect_vreg.gather [hbm4b:s8+s3], $0x80, v4, vm0, $0xb8;
	[tilespmem:$0x18180] =	vst v63  }
0x237: {  	s28 =	simm.s32 $0x2980;
	v3 =	vperm.xlane v3, v2  }
0x238: {  	[tilespmem:s28], [sflag:$0x1] =	stream.indirect_vreg.gather [hbm4b:s9+s3], $0x80, v4, vm0, $0xb8;
	[tilespmem:$0x18180] =	vst v63  }
0x239: {  	s29 =	simm.s32 $0x3180;
	v3 =	vadd.s32 v1, v3  }
0x23a: {  	[tilespmem:s29], [sflag:$0x1] =	stream.indirect_vreg.gather [hbm4b:s10+s3], $0x80, v4, vm0, $0xb8;
	[tilespmem:$0x18180] =	vst v63  }
0x23b: {  	s30 =	simm.s32 $0x3980  }
0x23c: {  	[tilespmem:s30], [sflag:$0x1] =	stream.indirect_vreg.gather [hbm4b:s11+s3], $0x80, v4, vm0, $0xb8;
	[tilespmem:$0x18180] =	vst v63  }
0x23d: {  	s31 =	simm.s32 $0x4180  }
0x23e: {  	[tilespmem:s31], [sflag:$0x1] =	stream.indirect_vreg.gather [hbm4b:s1+s3], $0x80, v3, vm0, $0xb8;
	[tilespmem:$0x18180] =	vst v63  }
0x23f: {  	s2 =	simm.s32 $0x4980  }
0x240: {  	[tilespmem:s2], [sflag:$0x1] =	stream.indirect_vreg.gather [hbm4b:s5+s3], $0x80, v3, vm0, $0xb8;
	[tilespmem:$0x18180] =	vst v63  }
0x241: {  	s12 =	simm.s32 $0x5180  }
0x242: {  	[tilespmem:s12], [sflag:$0x1] =	stream.indirect_vreg.gather [hbm4b:s6+s3], $0x80, v3, vm0, $0xb8;
	[tilespmem:$0x18180] =	vst v63  }
0x243: {  	s13 =	simm.s32 $0x5980  }
0x244: {  	[tilespmem:s13], [sflag:$0x1] =	stream.indirect_vreg.gather [hbm4b:s7+s3], $0x80, v3, vm0, $0xb8;
	[tilespmem:$0x18180] =	vst v63  }
0x245: {  	s14 =	simm.s32 $0x6180  }
0x246: {  	[tilespmem:s14], [sflag:$0x1] =	stream.indirect_vreg.gather [hbm4b:s8+s3], $0x80, v3, vm0, $0xb8;
	[tilespmem:$0x18180] =	vst v63  }
0x247: {  	s15 =	simm.s32 $0x6980  }
0x248: {  	[tilespmem:s15], [sflag:$0x1] =	stream.indirect_vreg.gather [hbm4b:s9+s3], $0x80, v3, vm0, $0xb8;
	[tilespmem:$0x18180] =	vst v63  }
0x249: {  	s16 =	simm.s32 $0x7180  }
0x24a: {  	[tilespmem:s16], [sflag:$0x1] =	stream.indirect_vreg.gather [hbm4b:s10+s3], $0x80, v3, vm0, $0xb8;
	[tilespmem:$0x18180] =	vst v63  }
0x24b: {  	s17 =	simm.s32 $0x7980  }
0x24c: {  	[tilespmem:s17], [sflag:$0x1] =	stream.indirect_vreg.gather [hbm4b:s11+s3], $0x80, v3, vm0, $0xb8;
	[tilespmem:$0x18180] =	vst v63  }
0x24d: {  	v3 =	vld.msk [tilespmem:$0xD0], $0xff;
	_ =	sdelay $0x4  }
0x24e: {  	v49 =	vshll.u32 v3, $0x4  }
0x24f: {  	v3 =	vand.u32 $0x7, v3;
	v4 =	vand.u32 $0xFFFFFF80, v49  }
0x250: {  	v3 =	vor.u32 v3, v4  }
0x251: {  	v3 =	vperm.xlane v3, v0;
	_ =	sdelay $0x1  }
0x252: {  	v3 =	vadd.s32 v1, v3;
	_ =	sdelay $0x3  }
0x253: {  	s19 =	simm.s32 $0x8180  }
0x254: {  	[tilespmem:s19], [sflag:$0x1] =	stream.indirect_vreg.gather [hbm4b:s1+s3], $0x80, v3, vm0, $0xb8;
	[tilespmem:$0x18180] =	vst v63  }
0x255: {  	s20 =	simm.s32 $0x8980  }
0x256: {  	[tilespmem:s20], [sflag:$0x1] =	stream.indirect_vreg.gather [hbm4b:s5+s3], $0x80, v3, vm0, $0xb8;
	[tilespmem:$0x18180] =	vst v63  }
0x257: {  	s21 =	simm.s32 $0x9180  }
0x258: {  	[tilespmem:s21], [sflag:$0x1] =	stream.indirect_vreg.gather [hbm4b:s6+s3], $0x80, v3, vm0, $0xb8;
	[tilespmem:$0x18180] =	vst v63  }
0x259: {  	s22 =	simm.s32 $0x9980  }
0x25a: {  	[tilespmem:s22], [sflag:$0x1] =	stream.indirect_vreg.gather [hbm4b:s7+s3], $0x80, v3, vm0, $0xb8;
	[tilespmem:$0x18180] =	vst v63  }
0x25b: {  	s28 =	simm.s32 $0xA180  }
0x25c: {  	[tilespmem:s28], [sflag:$0x1] =	stream.indirect_vreg.gather [hbm4b:s8+s3], $0x80, v3, vm0, $0xb8;
	[tilespmem:$0x18180] =	vst v63  }
0x25d: {  	s12 =	simm.s32 $0xA980  }
0x25e: {  	[tilespmem:s12], [sflag:$0x1] =	stream.indirect_vreg.gather [hbm4b:s9+s3], $0x80, v3, vm0, $0xb8;
	[tilespmem:$0x18180] =	vst v63  }
0x25f: {  	s13 =	simm.s32 $0xB180  }
0x260: {  	[tilespmem:s13], [sflag:$0x1] =	stream.indirect_vreg.gather [hbm4b:s10+s3], $0x80, v3, vm0, $0xb8;
	[tilespmem:$0x18180] =	vst v63  }
0x261: {  	s14 =	simm.s32 $0xB980  }
0x262: {  	[tilespmem:s14], [sflag:$0x1] =	stream.indirect_vreg.gather [hbm4b:s11+s3], $0x80, v3, vm0, $0xb8;
	[tilespmem:$0x18180] =	vst v63  }
0x263: {  	_ =	swait.ge [sflag:s25], $0xC000  }
0x264: {  	[sflag:s25] =	ssyncset.done $0x0  }
0x265: {  	s30 =	simm.s32 $0xC180;
	s29 =	rddreg [dreg:$0xb];
	[sflag:s25] =	ssyncadd.s32 $0xFFFF4000  }
0x266: {  	[hbm4b:s29+s3] =	stream.linear.scatter [tilespmem:s30], [sflag:$0x4], $0xC000, $0x38;
	[tilespmem:$0x18180] =	vst v63  }
0x267: {  	_ =	swait.ge [sflag:s26], $0xC000  }
0x268: {  	[sflag:s26] =	ssyncset.done $0x0  }
0x269: {  	[sflag:s26] =	ssyncadd.s32 $0xFFFF4000  }
0x26a: {  	v3 =	vld [tilespmem:$0xD8];
	_ =	sdelay $0x4  }
0x26b: {  	v50 =	vshll.u32 v3, $0x4  }
0x26c: {  	v3 =	vand.u32 $0x7, v3;
	v4 =	vand.u32 $0xFFFFFF80, v50  }
0x26d: {  	v3 =	vor.u32 v3, v4  }
0x26e: {  	v4 =	vperm.xlane v3, v0;
	_ =	sdelay $0x1  }
0x26f: {  	v4 =	vadd.s32 v1, v4;
	_ =	sdelay $0x4  }
0x270: {  	[tilespmem:s30], [sflag:$0x2] =	stream.indirect_vreg.gather [hbm4b:s1+s3], $0x80, v4, vm0, $0xb8;
	[tilespmem:$0x18180] =	vst v63  }
0x271: {  	s15 =	simm.s32 $0xC980  }
0x272: {  	[tilespmem:s15], [sflag:$0x2] =	stream.indirect_vreg.gather [hbm4b:s5+s3], $0x80, v4, vm0, $0xb8;
	[tilespmem:$0x18180] =	vst v63  }
0x273: {  	s16 =	simm.s32 $0xD180  }
0x274: {  	[tilespmem:s16], [sflag:$0x2] =	stream.indirect_vreg.gather [hbm4b:s6+s3], $0x80, v4, vm0, $0xb8;
	[tilespmem:$0x18180] =	vst v63  }
0x275: {  	s17 =	simm.s32 $0xD980  }
0x276: {  	[tilespmem:s17], [sflag:$0x2] =	stream.indirect_vreg.gather [hbm4b:s7+s3], $0x80, v4, vm0, $0xb8;
	[tilespmem:$0x18180] =	vst v63  }
0x277: {  	s18 =	simm.s32 $0xE180  }
0x278: {  	[tilespmem:s18], [sflag:$0x2] =	stream.indirect_vreg.gather [hbm4b:s8+s3], $0x80, v4, vm0, $0xb8;
	[tilespmem:$0x18180] =	vst v63  }
0x279: {  	s31 =	simm.s32 $0xE980;
	v3 =	vperm.xlane v3, v2  }
0x27a: {  	[tilespmem:s31], [sflag:$0x2] =	stream.indirect_vreg.gather [hbm4b:s9+s3], $0x80, v4, vm0, $0xb8;
	[tilespmem:$0x18180] =	vst v63  }
0x27b: {  	v3 =	vadd.s32 v1, v3;
	s18 =	simm.s32 $0xF180  }
0x27c: {  	[tilespmem:s18], [sflag:$0x2] =	stream.indirect_vreg.gather [hbm4b:s10+s3], $0x80, v4, vm0, $0xb8;
	[tilespmem:$0x18180] =	vst v63  }
0x27d: {  	s19 =	simm.s32 $0xF980  }
0x27e: {  	[tilespmem:s19], [sflag:$0x2] =	stream.indirect_vreg.gather [hbm4b:s11+s3], $0x80, v4, vm0, $0xb8;
	[tilespmem:$0x18180] =	vst v63  }
0x27f: {  	s20 =	simm.s32 $0x10180  }
0x280: {  	[tilespmem:s20], [sflag:$0x2] =	stream.indirect_vreg.gather [hbm4b:s1+s3], $0x80, v3, vm0, $0xb8;
	[tilespmem:$0x18180] =	vst v63  }
0x281: {  	s21 =	simm.s32 $0x10980  }
0x282: {  	[tilespmem:s21], [sflag:$0x2] =	stream.indirect_vreg.gather [hbm4b:s5+s3], $0x80, v3, vm0, $0xb8;
	[tilespmem:$0x18180] =	vst v63  }
0x283: {  	s22 =	simm.s32 $0x11180  }
0x284: {  	[tilespmem:s22], [sflag:$0x2] =	stream.indirect_vreg.gather [hbm4b:s6+s3], $0x80, v3, vm0, $0xb8;
	[tilespmem:$0x18180] =	vst v63  }
0x285: {  	s29 =	simm.s32 $0x11980  }
0x286: {  	[tilespmem:s29], [sflag:$0x2] =	stream.indirect_vreg.gather [hbm4b:s7+s3], $0x80, v3, vm0, $0xb8;
	[tilespmem:$0x18180] =	vst v63  }
0x287: {  	s30 =	simm.s32 $0x12180  }
0x288: {  	[tilespmem:s30], [sflag:$0x2] =	stream.indirect_vreg.gather [hbm4b:s8+s3], $0x80, v3, vm0, $0xb8;
	[tilespmem:$0x18180] =	vst v63  }
0x289: {  	s31 =	simm.s32 $0x12980  }
0x28a: {  	[tilespmem:s31], [sflag:$0x2] =	stream.indirect_vreg.gather [hbm4b:s9+s3], $0x80, v3, vm0, $0xb8;
	[tilespmem:$0x18180] =	vst v63  }
0x28b: {  	s2 =	simm.s32 $0x13180  }
0x28c: {  	[tilespmem:s2], [sflag:$0x2] =	stream.indirect_vreg.gather [hbm4b:s10+s3], $0x80, v3, vm0, $0xb8;
	[tilespmem:$0x18180] =	vst v63  }
0x28d: {  	s28 =	simm.s32 $0x13980  }
0x28e: {  	[tilespmem:s28], [sflag:$0x2] =	stream.indirect_vreg.gather [hbm4b:s11+s3], $0x80, v3, vm0, $0xb8;
	[tilespmem:$0x18180] =	vst v63  }
0x28f: {  	v3 =	vld.msk [tilespmem:$0xE8], $0xff;
	_ =	sdelay $0x4  }
0x290: {  	v51 =	vshll.u32 v3, $0x4  }
0x291: {  	v3 =	vand.u32 $0x7, v3;
	v4 =	vand.u32 $0xFFFFFF80, v51  }
0x292: {  	v3 =	vor.u32 v3, v4  }
0x293: {  	v3 =	vperm.xlane v3, v0;
	_ =	sdelay $0x1  }
0x294: {  	v3 =	vadd.s32 v1, v3;
	_ =	sdelay $0x3  }
0x295: {  	s2 =	simm.s32 $0x14180  }
0x296: {  	[tilespmem:s2], [sflag:$0x2] =	stream.indirect_vreg.gather [hbm4b:s1+s3], $0x80, v3, vm0, $0xb8;
	[tilespmem:$0x18180] =	vst v63  }
0x297: {  	s28 =	simm.s32 $0x14980  }
0x298: {  	[tilespmem:s28], [sflag:$0x2] =	stream.indirect_vreg.gather [hbm4b:s5+s3], $0x80, v3, vm0, $0xb8;
	[tilespmem:$0x18180] =	vst v63  }
0x299: {  	s2 =	simm.s32 $0x15180  }
0x29a: {  	[tilespmem:s2], [sflag:$0x2] =	stream.indirect_vreg.gather [hbm4b:s6+s3], $0x80, v3, vm0, $0xb8;
	[tilespmem:$0x18180] =	vst v63  }
0x29b: {  	s28 =	simm.s32 $0x15980  }
0x29c: {  	[tilespmem:s28], [sflag:$0x2] =	stream.indirect_vreg.gather [hbm4b:s7+s3], $0x80, v3, vm0, $0xb8;
	[tilespmem:$0x18180] =	vst v63  }
0x29d: {  	s2 =	simm.s32 $0x16180  }
0x29e: {  	[tilespmem:s2], [sflag:$0x2] =	stream.indirect_vreg.gather [hbm4b:s8+s3], $0x80, v3, vm0, $0xb8;
	[tilespmem:$0x18180] =	vst v63  }
0x29f: {  	s28 =	simm.s32 $0x16980  }
0x2a0: {  	[tilespmem:s28], [sflag:$0x2] =	stream.indirect_vreg.gather [hbm4b:s9+s3], $0x80, v3, vm0, $0xb8;
	[tilespmem:$0x18180] =	vst v63  }
0x2a1: {  	s2 =	simm.s32 $0x17180  }
0x2a2: {  	[tilespmem:s2], [sflag:$0x2] =	stream.indirect_vreg.gather [hbm4b:s10+s3], $0x80, v3, vm0, $0xb8;
	[tilespmem:$0x18180] =	vst v63  }
0x2a3: {  	s28 =	simm.s32 $0x17980  }
0x2a4: {  	[tilespmem:s28], [sflag:$0x2] =	stream.indirect_vreg.gather [hbm4b:s11+s3], $0x80, v3, vm0, $0xb8;
	[tilespmem:$0x18180] =	vst v63  }
0x2a5: {  	_ =	swait.ge [sflag:s23], $0xC000  }
0x2a6: {  	[sflag:s23] =	ssyncset.done $0x0  }
0x2a7: {  	s2 =	simm.s32 $0x180;
	s0 =	rddreg [dreg:$0xc];
	[sflag:s23] =	ssyncadd.s32 $0xFFFF4000  }
0x2a8: {  	[hbm4b:s0+s3] =	stream.linear.scatter [tilespmem:s2], [sflag:$0x3], $0xC000, $0x38;
	[tilespmem:$0x18180] =	vst v63  }
0x2a9: {  	_ =	swait.ge [sflag:s24], $0xC000  }
0x2aa: {  	[sflag:s24] =	ssyncset.done $0x0  }
0x2ab: {  	[sflag:s24] =	ssyncadd.s32 $0xFFFF4000  }
0x2ac: {  	v3 =	vld [tilespmem:$0xF0];
	_ =	sdelay $0x4  }
0x2ad: {  	v52 =	vshll.u32 v3, $0x4  }
0x2ae: {  	v3 =	vand.u32 $0x7, v3;
	v4 =	vand.u32 $0xFFFFFF80, v52  }
0x2af: {  	v3 =	vor.u32 v3, v4  }
0x2b0: {  	v4 =	vperm.xlane v3, v0;
	_ =	sdelay $0x1  }
0x2b1: {  	v4 =	vadd.s32 v1, v4;
	_ =	sdelay $0x4  }
0x2b2: {  	[tilespmem:s2], [sflag:$0x1] =	stream.indirect_vreg.gather [hbm4b:s1+s3], $0x80, v4, vm0, $0xb8;
	[tilespmem:$0x18180] =	vst v63  }
0x2b3: {  	_ = 	snop  }
0x2b4: {  	[tilespmem:s4], [sflag:$0x1] =	stream.indirect_vreg.gather [hbm4b:s5+s3], $0x80, v4, vm0, $0xb8;
	[tilespmem:$0x18180] =	vst v63  }
0x2b5: {  	s4 =	simm.s32 $0x1180  }
0x2b6: {  	[tilespmem:s4], [sflag:$0x1] =	stream.indirect_vreg.gather [hbm4b:s6+s3], $0x80, v4, vm0, $0xb8;
	[tilespmem:$0x18180] =	vst v63  }
0x2b7: {  	s28 =	simm.s32 $0x1980  }
0x2b8: {  	[tilespmem:s28], [sflag:$0x1] =	stream.indirect_vreg.gather [hbm4b:s7+s3], $0x80, v4, vm0, $0xb8;
	[tilespmem:$0x18180] =	vst v63  }
0x2b9: {  	s28 =	simm.s32 $0x2180  }
0x2ba: {  	[tilespmem:s28], [sflag:$0x1] =	stream.indirect_vreg.gather [hbm4b:s8+s3], $0x80, v4, vm0, $0xb8;
	[tilespmem:$0x18180] =	vst v63  }
0x2bb: {  	v3 =	vperm.xlane v3, v2;
	s28 =	simm.s32 $0x2980  }
0x2bc: {  	[tilespmem:s28], [sflag:$0x1] =	stream.indirect_vreg.gather [hbm4b:s9+s3], $0x80, v4, vm0, $0xb8;
	[tilespmem:$0x18180] =	vst v63  }
0x2bd: {  	s0 =	simm.s32 $0x3180;
	v3 =	vadd.s32 v1, v3  }
0x2be: {  	[tilespmem:s0], [sflag:$0x1] =	stream.indirect_vreg.gather [hbm4b:s10+s3], $0x80, v4, vm0, $0xb8;
	[tilespmem:$0x18180] =	vst v63  }
0x2bf: {  	s0 =	simm.s32 $0x3980  }
0x2c0: {  	[tilespmem:s0], [sflag:$0x1] =	stream.indirect_vreg.gather [hbm4b:s11+s3], $0x80, v4, vm0, $0xb8;
	[tilespmem:$0x18180] =	vst v63  }
0x2c1: {  	s0 =	simm.s32 $0x4180  }
0x2c2: {  	[tilespmem:s0], [sflag:$0x1] =	stream.indirect_vreg.gather [hbm4b:s1+s3], $0x80, v3, vm0, $0xb8;
	[tilespmem:$0x18180] =	vst v63  }
0x2c3: {  	s0 =	simm.s32 $0x4980  }
0x2c4: {  	[tilespmem:s0], [sflag:$0x1] =	stream.indirect_vreg.gather [hbm4b:s5+s3], $0x80, v3, vm0, $0xb8;
	[tilespmem:$0x18180] =	vst v63  }
0x2c5: {  	s0 =	simm.s32 $0x5180  }
0x2c6: {  	[tilespmem:s0], [sflag:$0x1] =	stream.indirect_vreg.gather [hbm4b:s6+s3], $0x80, v3, vm0, $0xb8;
	[tilespmem:$0x18180] =	vst v63  }
0x2c7: {  	s0 =	simm.s32 $0x5980  }
0x2c8: {  	[tilespmem:s0], [sflag:$0x1] =	stream.indirect_vreg.gather [hbm4b:s7+s3], $0x80, v3, vm0, $0xb8;
	[tilespmem:$0x18180] =	vst v63  }
0x2c9: {  	s0 =	simm.s32 $0x6180  }
0x2ca: {  	[tilespmem:s0], [sflag:$0x1] =	stream.indirect_vreg.gather [hbm4b:s8+s3], $0x80, v3, vm0, $0xb8;
	[tilespmem:$0x18180] =	vst v63  }
0x2cb: {  	s0 =	simm.s32 $0x6980  }
0x2cc: {  	[tilespmem:s0], [sflag:$0x1] =	stream.indirect_vreg.gather [hbm4b:s9+s3], $0x80, v3, vm0, $0xb8;
	[tilespmem:$0x18180] =	vst v63  }
0x2cd: {  	s0 =	simm.s32 $0x7180  }
0x2ce: {  	[tilespmem:s0], [sflag:$0x1] =	stream.indirect_vreg.gather [hbm4b:s10+s3], $0x80, v3, vm0, $0xb8;
	[tilespmem:$0x18180] =	vst v63  }
0x2cf: {  	s0 =	simm.s32 $0x7980  }
0x2d0: {  	[tilespmem:s0], [sflag:$0x1] =	stream.indirect_vreg.gather [hbm4b:s11+s3], $0x80, v3, vm0, $0xb8;
	[tilespmem:$0x18180] =	vst v63  }
0x2d1: {  	v3 =	vld.msk [tilespmem:$0x100], $0xff;
	_ =	sdelay $0x4  }
0x2d2: {  	v53 =	vshll.u32 v3, $0x4  }
0x2d3: {  	v3 =	vand.u32 $0x7, v3;
	v4 =	vand.u32 $0xFFFFFF80, v53  }
0x2d4: {  	v3 =	vor.u32 v3, v4  }
0x2d5: {  	v3 =	vperm.xlane v3, v0;
	_ =	sdelay $0x1  }
0x2d6: {  	v3 =	vadd.s32 v1, v3;
	_ =	sdelay $0x3  }
0x2d7: {  	s0 =	simm.s32 $0x8180  }
0x2d8: {  	[tilespmem:s0], [sflag:$0x1] =	stream.indirect_vreg.gather [hbm4b:s1+s3], $0x80, v3, vm0, $0xb8;
	[tilespmem:$0x18180] =	vst v63  }
0x2d9: {  	s0 =	simm.s32 $0x8980  }
0x2da: {  	[tilespmem:s0], [sflag:$0x1] =	stream.indirect_vreg.gather [hbm4b:s5+s3], $0x80, v3, vm0, $0xb8;
	[tilespmem:$0x18180] =	vst v63  }
0x2db: {  	s0 =	simm.s32 $0x9180  }
0x2dc: {  	[tilespmem:s0], [sflag:$0x1] =	stream.indirect_vreg.gather [hbm4b:s6+s3], $0x80, v3, vm0, $0xb8;
	[tilespmem:$0x18180] =	vst v63  }
0x2dd: {  	s0 =	simm.s32 $0x9980  }
0x2de: {  	[tilespmem:s0], [sflag:$0x1] =	stream.indirect_vreg.gather [hbm4b:s7+s3], $0x80, v3, vm0, $0xb8;
	[tilespmem:$0x18180] =	vst v63  }
0x2df: {  	s0 =	simm.s32 $0xA180  }
0x2e0: {  	[tilespmem:s0], [sflag:$0x1] =	stream.indirect_vreg.gather [hbm4b:s8+s3], $0x80, v3, vm0, $0xb8;
	[tilespmem:$0x18180] =	vst v63  }
0x2e1: {  	_ = 	snop  }
0x2e2: {  	[tilespmem:s12], [sflag:$0x1] =	stream.indirect_vreg.gather [hbm4b:s9+s3], $0x80, v3, vm0, $0xb8;
	[tilespmem:$0x18180] =	vst v63  }
0x2e3: {  	_ = 	snop  }
0x2e4: {  	[tilespmem:s13], [sflag:$0x1] =	stream.indirect_vreg.gather [hbm4b:s10+s3], $0x80, v3, vm0, $0xb8;
	[tilespmem:$0x18180] =	vst v63  }
0x2e5: {  	_ = 	snop  }
0x2e6: {  	[tilespmem:s14], [sflag:$0x1] =	stream.indirect_vreg.gather [hbm4b:s11+s3], $0x80, v3, vm0, $0xb8;
	[tilespmem:$0x18180] =	vst v63  }
0x2e7: {  	_ =	swait.ge [sflag:s25], $0xC000  }
0x2e8: {  	[sflag:s25] =	ssyncset.done $0x0  }
0x2e9: {  	s14 =	simm.s32 $0xC180;
	s12 =	rddreg [dreg:$0xd];
	[sflag:s25] =	ssyncadd.s32 $0xFFFF4000  }
0x2ea: {  	[hbm4b:s12+s3] =	stream.linear.scatter [tilespmem:s14], [sflag:$0x4], $0xC000, $0x38;
	[tilespmem:$0x18180] =	vst v63  }
0x2eb: {  	_ =	swait.ge [sflag:s26], $0xC000  }
0x2ec: {  	[sflag:s26] =	ssyncset.done $0x0  }
0x2ed: {  	[sflag:s26] =	ssyncadd.s32 $0xFFFF4000  }
0x2ee: {  	v3 =	vld [tilespmem:$0x108];
	_ =	sdelay $0x4  }
0x2ef: {  	v54 =	vshll.u32 v3, $0x4  }
0x2f0: {  	v3 =	vand.u32 $0x7, v3;
	v4 =	vand.u32 $0xFFFFFF80, v54  }
0x2f1: {  	v3 =	vor.u32 v3, v4  }
0x2f2: {  	v4 =	vperm.xlane v3, v0;
	_ =	sdelay $0x1  }
0x2f3: {  	v4 =	vadd.s32 v1, v4;
	_ =	sdelay $0x4  }
0x2f4: {  	[tilespmem:s14], [sflag:$0x2] =	stream.indirect_vreg.gather [hbm4b:s1+s3], $0x80, v4, vm0, $0xb8;
	[tilespmem:$0x18180] =	vst v63  }
0x2f5: {  	_ = 	snop  }
0x2f6: {  	[tilespmem:s15], [sflag:$0x2] =	stream.indirect_vreg.gather [hbm4b:s5+s3], $0x80, v4, vm0, $0xb8;
	[tilespmem:$0x18180] =	vst v63  }
0x2f7: {  	_ = 	snop  }
0x2f8: {  	[tilespmem:s16], [sflag:$0x2] =	stream.indirect_vreg.gather [hbm4b:s6+s3], $0x80, v4, vm0, $0xb8;
	[tilespmem:$0x18180] =	vst v63  }
0x2f9: {  	_ = 	snop  }
0x2fa: {  	[tilespmem:s17], [sflag:$0x2] =	stream.indirect_vreg.gather [hbm4b:s7+s3], $0x80, v4, vm0, $0xb8;
	[tilespmem:$0x18180] =	vst v63  }
0x2fb: {  	s12 =	simm.s32 $0xE180  }
0x2fc: {  	[tilespmem:s12], [sflag:$0x2] =	stream.indirect_vreg.gather [hbm4b:s8+s3], $0x80, v4, vm0, $0xb8;
	[tilespmem:$0x18180] =	vst v63  }
0x2fd: {  	v3 =	vperm.xlane v3, v2;
	s17 =	simm.s32 $0xE980  }
0x2fe: {  	[tilespmem:s17], [sflag:$0x2] =	stream.indirect_vreg.gather [hbm4b:s9+s3], $0x80, v4, vm0, $0xb8;
	[tilespmem:$0x18180] =	vst v63  }
0x2ff: {  	v3 =	vadd.s32 v1, v3  }
0x300: {  	[tilespmem:s18], [sflag:$0x2] =	stream.indirect_vreg.gather [hbm4b:s10+s3], $0x80, v4, vm0, $0xb8;
	[tilespmem:$0x18180] =	vst v63  }
0x301: {  	_ = 	snop  }
0x302: {  	[tilespmem:s19], [sflag:$0x2] =	stream.indirect_vreg.gather [hbm4b:s11+s3], $0x80, v4, vm0, $0xb8;
	[tilespmem:$0x18180] =	vst v63  }
0x303: {  	_ = 	snop  }
0x304: {  	[tilespmem:s20], [sflag:$0x2] =	stream.indirect_vreg.gather [hbm4b:s1+s3], $0x80, v3, vm0, $0xb8;
	[tilespmem:$0x18180] =	vst v63  }
0x305: {  	_ = 	snop  }
0x306: {  	[tilespmem:s21], [sflag:$0x2] =	stream.indirect_vreg.gather [hbm4b:s5+s3], $0x80, v3, vm0, $0xb8;
	[tilespmem:$0x18180] =	vst v63  }
0x307: {  	_ = 	snop  }
0x308: {  	[tilespmem:s22], [sflag:$0x2] =	stream.indirect_vreg.gather [hbm4b:s6+s3], $0x80, v3, vm0, $0xb8;
	[tilespmem:$0x18180] =	vst v63  }
0x309: {  	_ = 	snop  }
0x30a: {  	[tilespmem:s29], [sflag:$0x2] =	stream.indirect_vreg.gather [hbm4b:s7+s3], $0x80, v3, vm0, $0xb8;
	[tilespmem:$0x18180] =	vst v63  }
0x30b: {  	_ = 	snop  }
0x30c: {  	[tilespmem:s30], [sflag:$0x2] =	stream.indirect_vreg.gather [hbm4b:s8+s3], $0x80, v3, vm0, $0xb8;
	[tilespmem:$0x18180] =	vst v63  }
0x30d: {  	_ = 	snop  }
0x30e: {  	[tilespmem:s31], [sflag:$0x2] =	stream.indirect_vreg.gather [hbm4b:s9+s3], $0x80, v3, vm0, $0xb8;
	[tilespmem:$0x18180] =	vst v63  }
0x30f: {  	s22 =	simm.s32 $0x13180  }
0x310: {  	[tilespmem:s22], [sflag:$0x2] =	stream.indirect_vreg.gather [hbm4b:s10+s3], $0x80, v3, vm0, $0xb8;
	[tilespmem:$0x18180] =	vst v63  }
0x311: {  	s28 =	simm.s32 $0x13980  }
0x312: {  	[tilespmem:s28], [sflag:$0x2] =	stream.indirect_vreg.gather [hbm4b:s11+s3], $0x80, v3, vm0, $0xb8;
	[tilespmem:$0x18180] =	vst v63  }
0x313: {  	v3 =	vld.msk [tilespmem:$0x118], $0xff;
	_ =	sdelay $0x4  }
0x314: {  	v55 =	vshll.u32 v3, $0x4  }
0x315: {  	v3 =	vand.u32 $0x7, v3;
	v4 =	vand.u32 $0xFFFFFF80, v55  }
0x316: {  	v3 =	vor.u32 v3, v4  }
0x317: {  	v3 =	vperm.xlane v3, v0;
	_ =	sdelay $0x1  }
0x318: {  	v3 =	vadd.s32 v1, v3;
	_ =	sdelay $0x3  }
0x319: {  	s29 =	simm.s32 $0x14180  }
0x31a: {  	[tilespmem:s29], [sflag:$0x2] =	stream.indirect_vreg.gather [hbm4b:s1+s3], $0x80, v3, vm0, $0xb8;
	[tilespmem:$0x18180] =	vst v63  }
0x31b: {  	s30 =	simm.s32 $0x14980  }
0x31c: {  	[tilespmem:s30], [sflag:$0x2] =	stream.indirect_vreg.gather [hbm4b:s5+s3], $0x80, v3, vm0, $0xb8;
	[tilespmem:$0x18180] =	vst v63  }
0x31d: {  	s31 =	simm.s32 $0x15180  }
0x31e: {  	[tilespmem:s31], [sflag:$0x2] =	stream.indirect_vreg.gather [hbm4b:s6+s3], $0x80, v3, vm0, $0xb8;
	[tilespmem:$0x18180] =	vst v63  }
0x31f: {  	s15 =	simm.s32 $0x15980  }
0x320: {  	[tilespmem:s15], [sflag:$0x2] =	stream.indirect_vreg.gather [hbm4b:s7+s3], $0x80, v3, vm0, $0xb8;
	[tilespmem:$0x18180] =	vst v63  }
0x321: {  	s17 =	simm.s32 $0x16180  }
0x322: {  	[tilespmem:s17], [sflag:$0x2] =	stream.indirect_vreg.gather [hbm4b:s8+s3], $0x80, v3, vm0, $0xb8;
	[tilespmem:$0x18180] =	vst v63  }
0x323: {  	s19 =	simm.s32 $0x16980  }
0x324: {  	[tilespmem:s19], [sflag:$0x2] =	stream.indirect_vreg.gather [hbm4b:s9+s3], $0x80, v3, vm0, $0xb8;
	[tilespmem:$0x18180] =	vst v63  }
0x325: {  	s20 =	simm.s32 $0x17180  }
0x326: {  	[tilespmem:s20], [sflag:$0x2] =	stream.indirect_vreg.gather [hbm4b:s10+s3], $0x80, v3, vm0, $0xb8;
	[tilespmem:$0x18180] =	vst v63  }
0x327: {  	s21 =	simm.s32 $0x17980  }
0x328: {  	[tilespmem:s21], [sflag:$0x2] =	stream.indirect_vreg.gather [hbm4b:s11+s3], $0x80, v3, vm0, $0xb8;
	[tilespmem:$0x18180] =	vst v63  }
0x329: {  	_ =	swait.ge [sflag:s23], $0xC000  }
0x32a: {  	[sflag:s23] =	ssyncset.done $0x0  }
0x32b: {  	s2 =	simm.s32 $0x180;
	s22 =	rddreg [dreg:$0xe];
	[sflag:s23] =	ssyncadd.s32 $0xFFFF4000  }
0x32c: {  	[hbm4b:s22+s3] =	stream.linear.scatter [tilespmem:s2], [sflag:$0x3], $0xC000, $0x38;
	[tilespmem:$0x18180] =	vst v63  }
0x32d: {  	_ =	swait.ge [sflag:s24], $0xC000  }
0x32e: {  	[sflag:s24] =	ssyncset.done $0x0  }
0x32f: {  	[sflag:s24] =	ssyncadd.s32 $0xFFFF4000  }
0x330: {  	v3 =	vld [tilespmem:$0x120];
	_ =	sdelay $0x4  }
0x331: {  	v56 =	vshll.u32 v3, $0x4  }
0x332: {  	v3 =	vand.u32 $0x7, v3;
	v4 =	vand.u32 $0xFFFFFF80, v56  }
0x333: {  	v3 =	vor.u32 v3, v4  }
0x334: {  	v4 =	vperm.xlane v3, v0;
	_ =	sdelay $0x1  }
0x335: {  	v4 =	vadd.s32 v1, v4;
	_ =	sdelay $0x4  }
0x336: {  	[tilespmem:s2], [sflag:$0x1] =	stream.indirect_vreg.gather [hbm4b:s1+s3], $0x80, v4, vm0, $0xb8;
	[tilespmem:$0x18180] =	vst v63  }
0x337: {  	s15 =	simm.s32 $0x980  }
0x338: {  	[tilespmem:s15], [sflag:$0x1] =	stream.indirect_vreg.gather [hbm4b:s5+s3], $0x80, v4, vm0, $0xb8;
	[tilespmem:$0x18180] =	vst v63  }
0x339: {  	_ = 	snop  }
0x33a: {  	[tilespmem:s4], [sflag:$0x1] =	stream.indirect_vreg.gather [hbm4b:s6+s3], $0x80, v4, vm0, $0xb8;
	[tilespmem:$0x18180] =	vst v63  }
0x33b: {  	s28 =	simm.s32 $0x1980  }
0x33c: {  	[tilespmem:s28], [sflag:$0x1] =	stream.indirect_vreg.gather [hbm4b:s7+s3], $0x80, v4, vm0, $0xb8;
	[tilespmem:$0x18180] =	vst v63  }
0x33d: {  	s29 =	simm.s32 $0x2180  }
0x33e: {  	[tilespmem:s29], [sflag:$0x1] =	stream.indirect_vreg.gather [hbm4b:s8+s3], $0x80, v4, vm0, $0xb8;
	[tilespmem:$0x18180] =	vst v63  }
0x33f: {  	s30 =	simm.s32 $0x2980;
	v3 =	vperm.xlane v3, v2  }
0x340: {  	[tilespmem:s30], [sflag:$0x1] =	stream.indirect_vreg.gather [hbm4b:s9+s3], $0x80, v4, vm0, $0xb8;
	[tilespmem:$0x18180] =	vst v63  }
0x341: {  	s31 =	simm.s32 $0x3180;
	v3 =	vadd.s32 v1, v3  }
0x342: {  	[tilespmem:s31], [sflag:$0x1] =	stream.indirect_vreg.gather [hbm4b:s10+s3], $0x80, v4, vm0, $0xb8;
	[tilespmem:$0x18180] =	vst v63  }
0x343: {  	s4 =	simm.s32 $0x3980  }
0x344: {  	[tilespmem:s4], [sflag:$0x1] =	stream.indirect_vreg.gather [hbm4b:s11+s3], $0x80, v4, vm0, $0xb8;
	[tilespmem:$0x18180] =	vst v63  }
0x345: {  	s14 =	simm.s32 $0x4180  }
0x346: {  	[tilespmem:s14], [sflag:$0x1] =	stream.indirect_vreg.gather [hbm4b:s1+s3], $0x80, v3, vm0, $0xb8;
	[tilespmem:$0x18180] =	vst v63  }
0x347: {  	s17 =	simm.s32 $0x4980  }
0x348: {  	[tilespmem:s17], [sflag:$0x1] =	stream.indirect_vreg.gather [hbm4b:s5+s3], $0x80, v3, vm0, $0xb8;
	[tilespmem:$0x18180] =	vst v63  }
0x349: {  	s19 =	simm.s32 $0x5180  }
0x34a: {  	[tilespmem:s19], [sflag:$0x1] =	stream.indirect_vreg.gather [hbm4b:s6+s3], $0x80, v3, vm0, $0xb8;
	[tilespmem:$0x18180] =	vst v63  }
0x34b: {  	s20 =	simm.s32 $0x5980  }
0x34c: {  	[tilespmem:s20], [sflag:$0x1] =	stream.indirect_vreg.gather [hbm4b:s7+s3], $0x80, v3, vm0, $0xb8;
	[tilespmem:$0x18180] =	vst v63  }
0x34d: {  	s21 =	simm.s32 $0x6180  }
0x34e: {  	[tilespmem:s21], [sflag:$0x1] =	stream.indirect_vreg.gather [hbm4b:s8+s3], $0x80, v3, vm0, $0xb8;
	[tilespmem:$0x18180] =	vst v63  }
0x34f: {  	s22 =	simm.s32 $0x6980  }
0x350: {  	[tilespmem:s22], [sflag:$0x1] =	stream.indirect_vreg.gather [hbm4b:s9+s3], $0x80, v3, vm0, $0xb8;
	[tilespmem:$0x18180] =	vst v63  }
0x351: {  	s28 =	simm.s32 $0x7180  }
0x352: {  	[tilespmem:s28], [sflag:$0x1] =	stream.indirect_vreg.gather [hbm4b:s10+s3], $0x80, v3, vm0, $0xb8;
	[tilespmem:$0x18180] =	vst v63  }
0x353: {  	s29 =	simm.s32 $0x7980  }
0x354: {  	[tilespmem:s29], [sflag:$0x1] =	stream.indirect_vreg.gather [hbm4b:s11+s3], $0x80, v3, vm0, $0xb8;
	[tilespmem:$0x18180] =	vst v63  }
0x355: {  	v3 =	vld.msk [tilespmem:$0x130], $0xff;
	_ =	sdelay $0x4  }
0x356: {  	v57 =	vshll.u32 v3, $0x4  }
0x357: {  	v3 =	vand.u32 $0x7, v3;
	v4 =	vand.u32 $0xFFFFFF80, v57  }
0x358: {  	v3 =	vor.u32 v3, v4  }
0x359: {  	v3 =	vperm.xlane v3, v0;
	_ =	sdelay $0x1  }
0x35a: {  	v3 =	vadd.s32 v1, v3;
	_ =	sdelay $0x3  }
0x35b: {  	s30 =	simm.s32 $0x8180  }
0x35c: {  	[tilespmem:s30], [sflag:$0x1] =	stream.indirect_vreg.gather [hbm4b:s1+s3], $0x80, v3, vm0, $0xb8;
	[tilespmem:$0x18180] =	vst v63  }
0x35d: {  	s31 =	simm.s32 $0x8980  }
0x35e: {  	[tilespmem:s31], [sflag:$0x1] =	stream.indirect_vreg.gather [hbm4b:s5+s3], $0x80, v3, vm0, $0xb8;
	[tilespmem:$0x18180] =	vst v63  }
0x35f: {  	s2 =	simm.s32 $0x9180  }
0x360: {  	[tilespmem:s2], [sflag:$0x1] =	stream.indirect_vreg.gather [hbm4b:s6+s3], $0x80, v3, vm0, $0xb8;
	[tilespmem:$0x18180] =	vst v63  }
0x361: {  	s4 =	simm.s32 $0x9980  }
0x362: {  	[tilespmem:s4], [sflag:$0x1] =	stream.indirect_vreg.gather [hbm4b:s7+s3], $0x80, v3, vm0, $0xb8;
	[tilespmem:$0x18180] =	vst v63  }
0x363: {  	s14 =	simm.s32 $0xA180  }
0x364: {  	[tilespmem:s14], [sflag:$0x1] =	stream.indirect_vreg.gather [hbm4b:s8+s3], $0x80, v3, vm0, $0xb8;
	[tilespmem:$0x18180] =	vst v63  }
0x365: {  	s2 =	simm.s32 $0xA980  }
0x366: {  	[tilespmem:s2], [sflag:$0x1] =	stream.indirect_vreg.gather [hbm4b:s9+s3], $0x80, v3, vm0, $0xb8;
	[tilespmem:$0x18180] =	vst v63  }
0x367: {  	s14 =	simm.s32 $0xB180  }
0x368: {  	[tilespmem:s14], [sflag:$0x1] =	stream.indirect_vreg.gather [hbm4b:s10+s3], $0x80, v3, vm0, $0xb8;
	[tilespmem:$0x18180] =	vst v63  }
0x369: {  	s13 =	simm.s32 $0xB980  }
0x36a: {  	[tilespmem:s13], [sflag:$0x1] =	stream.indirect_vreg.gather [hbm4b:s11+s3], $0x80, v3, vm0, $0xb8;
	[tilespmem:$0x18180] =	vst v63  }
0x36b: {  	_ =	swait.ge [sflag:s25], $0xC000  }
0x36c: {  	[sflag:s25] =	ssyncset.done $0x0  }
0x36d: {  	s0 =	simm.s32 $0xC180;
	s17 =	rddreg [dreg:$0xf];
	[sflag:s25] =	ssyncadd.s32 $0xFFFF4000  }
0x36e: {  	[hbm4b:s17+s3] =	stream.linear.scatter [tilespmem:s0], [sflag:$0x4], $0xC000, $0x38;
	[tilespmem:$0x18180] =	vst v63  }
0x36f: {  	_ =	swait.ge [sflag:s26], $0xC000  }
0x370: {  	[sflag:s26] =	ssyncset.done $0x0  }
0x371: {  	[sflag:s26] =	ssyncadd.s32 $0xFFFF4000  }
0x372: {  	v3 =	vld [tilespmem:$0x138];
	_ =	sdelay $0x4  }
0x373: {  	v58 =	vshll.u32 v3, $0x4  }
0x374: {  	v3 =	vand.u32 $0x7, v3;
	v4 =	vand.u32 $0xFFFFFF80, v58  }
0x375: {  	v3 =	vor.u32 v3, v4  }
0x376: {  	v4 =	vperm.xlane v3, v0;
	_ =	sdelay $0x1  }
0x377: {  	v4 =	vadd.s32 v1, v4;
	_ =	sdelay $0x4  }
0x378: {  	[tilespmem:s0], [sflag:$0x2] =	stream.indirect_vreg.gather [hbm4b:s1+s3], $0x80, v4, vm0, $0xb8;
	[tilespmem:$0x18180] =	vst v63  }
0x379: {  	s17 =	simm.s32 $0xC980  }
0x37a: {  	[tilespmem:s17], [sflag:$0x2] =	stream.indirect_vreg.gather [hbm4b:s5+s3], $0x80, v4, vm0, $0xb8;
	[tilespmem:$0x18180] =	vst v63  }
0x37b: {  	s4 =	simm.s32 $0xD180  }
0x37c: {  	[tilespmem:s4], [sflag:$0x2] =	stream.indirect_vreg.gather [hbm4b:s6+s3], $0x80, v4, vm0, $0xb8;
	[tilespmem:$0x18180] =	vst v63  }
0x37d: {  	s4 =	simm.s32 $0xD980  }
0x37e: {  	[tilespmem:s4], [sflag:$0x2] =	stream.indirect_vreg.gather [hbm4b:s7+s3], $0x80, v4, vm0, $0xb8;
	[tilespmem:$0x18180] =	vst v63  }
0x37f: {  	_ = 	snop  }
0x380: {  	[tilespmem:s12], [sflag:$0x2] =	stream.indirect_vreg.gather [hbm4b:s8+s3], $0x80, v4, vm0, $0xb8;
	[tilespmem:$0x18180] =	vst v63  }
0x381: {  	s16 =	simm.s32 $0xE980;
	v3 =	vperm.xlane v3, v2  }
0x382: {  	[tilespmem:s16], [sflag:$0x2] =	stream.indirect_vreg.gather [hbm4b:s9+s3], $0x80, v4, vm0, $0xb8;
	[tilespmem:$0x18180] =	vst v63  }
0x383: {  	v3 =	vadd.s32 v1, v3;
	s16 =	simm.s32 $0xF180  }
0x384: {  	[tilespmem:s16], [sflag:$0x2] =	stream.indirect_vreg.gather [hbm4b:s10+s3], $0x80, v4, vm0, $0xb8;
	[tilespmem:$0x18180] =	vst v63  }
0x385: {  	s12 =	simm.s32 $0xF980  }
0x386: {  	[tilespmem:s12], [sflag:$0x2] =	stream.indirect_vreg.gather [hbm4b:s11+s3], $0x80, v4, vm0, $0xb8;
	[tilespmem:$0x18180] =	vst v63  }
0x387: {  	s12 =	simm.s32 $0x10180  }
0x388: {  	[tilespmem:s12], [sflag:$0x2] =	stream.indirect_vreg.gather [hbm4b:s1+s3], $0x80, v3, vm0, $0xb8;
	[tilespmem:$0x18180] =	vst v63  }
0x389: {  	s13 =	simm.s32 $0x10980  }
0x38a: {  	[tilespmem:s13], [sflag:$0x2] =	stream.indirect_vreg.gather [hbm4b:s5+s3], $0x80, v3, vm0, $0xb8;
	[tilespmem:$0x18180] =	vst v63  }
0x38b: {  	s13 =	simm.s32 $0x11180  }
0x38c: {  	[tilespmem:s13], [sflag:$0x2] =	stream.indirect_vreg.gather [hbm4b:s6+s3], $0x80, v3, vm0, $0xb8;
	[tilespmem:$0x18180] =	vst v63  }
0x38d: {  	s18 =	simm.s32 $0x11980  }
0x38e: {  	[tilespmem:s18], [sflag:$0x2] =	stream.indirect_vreg.gather [hbm4b:s7+s3], $0x80, v3, vm0, $0xb8;
	[tilespmem:$0x18180] =	vst v63  }
0x38f: {  	s18 =	simm.s32 $0x12180  }
0x390: {  	[tilespmem:s18], [sflag:$0x2] =	stream.indirect_vreg.gather [hbm4b:s8+s3], $0x80, v3, vm0, $0xb8;
	[tilespmem:$0x18180] =	vst v63  }
0x391: {  	s28 =	simm.s32 $0x12980  }
0x392: {  	[tilespmem:s28], [sflag:$0x2] =	stream.indirect_vreg.gather [hbm4b:s9+s3], $0x80, v3, vm0, $0xb8;
	[tilespmem:$0x18180] =	vst v63  }
0x393: {  	s18 =	simm.s32 $0x13180  }
0x394: {  	[tilespmem:s18], [sflag:$0x2] =	stream.indirect_vreg.gather [hbm4b:s10+s3], $0x80, v3, vm0, $0xb8;
	[tilespmem:$0x18180] =	vst v63  }
0x395: {  	s28 =	simm.s32 $0x13980  }
0x396: {  	[tilespmem:s28], [sflag:$0x2] =	stream.indirect_vreg.gather [hbm4b:s11+s3], $0x80, v3, vm0, $0xb8;
	[tilespmem:$0x18180] =	vst v63  }
0x397: {  	v3 =	vld.msk [tilespmem:$0x148], $0xff;
	_ =	sdelay $0x4  }
0x398: {  	v59 =	vshll.u32 v3, $0x4  }
0x399: {  	v3 =	vand.u32 $0x7, v3;
	v4 =	vand.u32 $0xFFFFFF80, v59  }
0x39a: {  	v3 =	vor.u32 v3, v4  }
0x39b: {  	v3 =	vperm.xlane v3, v0;
	_ =	sdelay $0x1  }
0x39c: {  	v3 =	vadd.s32 v1, v3;
	_ =	sdelay $0x3  }
0x39d: {  	s18 =	simm.s32 $0x14180  }
0x39e: {  	[tilespmem:s18], [sflag:$0x2] =	stream.indirect_vreg.gather [hbm4b:s1+s3], $0x80, v3, vm0, $0xb8;
	[tilespmem:$0x18180] =	vst v63  }
0x39f: {  	s28 =	simm.s32 $0x14980  }
0x3a0: {  	[tilespmem:s28], [sflag:$0x2] =	stream.indirect_vreg.gather [hbm4b:s5+s3], $0x80, v3, vm0, $0xb8;
	[tilespmem:$0x18180] =	vst v63  }
0x3a1: {  	s18 =	simm.s32 $0x15180  }
0x3a2: {  	[tilespmem:s18], [sflag:$0x2] =	stream.indirect_vreg.gather [hbm4b:s6+s3], $0x80, v3, vm0, $0xb8;
	[tilespmem:$0x18180] =	vst v63  }
0x3a3: {  	s28 =	simm.s32 $0x15980  }
0x3a4: {  	[tilespmem:s28], [sflag:$0x2] =	stream.indirect_vreg.gather [hbm4b:s7+s3], $0x80, v3, vm0, $0xb8;
	[tilespmem:$0x18180] =	vst v63  }
0x3a5: {  	s18 =	simm.s32 $0x16180  }
0x3a6: {  	[tilespmem:s18], [sflag:$0x2] =	stream.indirect_vreg.gather [hbm4b:s8+s3], $0x80, v3, vm0, $0xb8;
	[tilespmem:$0x18180] =	vst v63  }
0x3a7: {  	s28 =	simm.s32 $0x16980  }
0x3a8: {  	[tilespmem:s28], [sflag:$0x2] =	stream.indirect_vreg.gather [hbm4b:s9+s3], $0x80, v3, vm0, $0xb8;
	[tilespmem:$0x18180] =	vst v63  }
0x3a9: {  	s18 =	simm.s32 $0x17180  }
0x3aa: {  	[tilespmem:s18], [sflag:$0x2] =	stream.indirect_vreg.gather [hbm4b:s10+s3], $0x80, v3, vm0, $0xb8;
	[tilespmem:$0x18180] =	vst v63  }
0x3ab: {  	s28 =	simm.s32 $0x17980  }
0x3ac: {  	[tilespmem:s28], [sflag:$0x2] =	stream.indirect_vreg.gather [hbm4b:s11+s3], $0x80, v3, vm0, $0xb8;
	[tilespmem:$0x18180] =	vst v63  }
0x3ad: {  	_ =	swait.ge [sflag:s23], $0xC000  }
0x3ae: {  	[sflag:s23] =	ssyncset.done $0x0  }
0x3af: {  	s18 =	simm.s32 $0x180;
	s0 =	rddreg [dreg:$0x10];
	[sflag:s23] =	ssyncadd.s32 $0xFFFF4000  }
0x3b0: {  	[hbm4b:s0+s3] =	stream.linear.scatter [tilespmem:s18], [sflag:$0x3], $0xC000, $0x38;
	[tilespmem:$0x18180] =	vst v63  }
0x3b1: {  	_ =	swait.ge [sflag:s24], $0xC000  }
0x3b2: {  	[sflag:s24] =	ssyncset.done $0x0  }
0x3b3: {  	[sflag:s24] =	ssyncadd.s32 $0xFFFF4000  }
0x3b4: {  	v3 =	vld [tilespmem:$0x150];
	_ =	sdelay $0x4  }
0x3b5: {  	v60 =	vshll.u32 v3, $0x4  }
0x3b6: {  	v3 =	vand.u32 $0x7, v3;
	v4 =	vand.u32 $0xFFFFFF80, v60  }
0x3b7: {  	v3 =	vor.u32 v3, v4  }
0x3b8: {  	v4 =	vperm.xlane v3, v0;
	_ =	sdelay $0x1  }
0x3b9: {  	v4 =	vadd.s32 v1, v4;
	_ =	sdelay $0x4  }
0x3ba: {  	[tilespmem:s18], [sflag:$0x1] =	stream.indirect_vreg.gather [hbm4b:s1+s3], $0x80, v4, vm0, $0xb8;
	[tilespmem:$0x18180] =	vst v63  }
0x3bb: {  	_ = 	snop  }
0x3bc: {  	[tilespmem:s15], [sflag:$0x1] =	stream.indirect_vreg.gather [hbm4b:s5+s3], $0x80, v4, vm0, $0xb8;
	[tilespmem:$0x18180] =	vst v63  }
0x3bd: {  	s15 =	simm.s32 $0x1180  }
0x3be: {  	[tilespmem:s15], [sflag:$0x1] =	stream.indirect_vreg.gather [hbm4b:s6+s3], $0x80, v4, vm0, $0xb8;
	[tilespmem:$0x18180] =	vst v63  }
0x3bf: {  	s28 =	simm.s32 $0x1980  }
0x3c0: {  	[tilespmem:s28], [sflag:$0x1] =	stream.indirect_vreg.gather [hbm4b:s7+s3], $0x80, v4, vm0, $0xb8;
	[tilespmem:$0x18180] =	vst v63  }
0x3c1: {  	s15 =	simm.s32 $0x2180  }
0x3c2: {  	[tilespmem:s15], [sflag:$0x1] =	stream.indirect_vreg.gather [hbm4b:s8+s3], $0x80, v4, vm0, $0xb8;
	[tilespmem:$0x18180] =	vst v63  }
0x3c3: {  	v3 =	vperm.xlane v3, v2;
	s28 =	simm.s32 $0x2980  }
0x3c4: {  	[tilespmem:s28], [sflag:$0x1] =	stream.indirect_vreg.gather [hbm4b:s9+s3], $0x80, v4, vm0, $0xb8;
	[tilespmem:$0x18180] =	vst v63  }
0x3c5: {  	v3 =	vadd.s32 v1, v3;
	s15 =	simm.s32 $0x3180  }
0x3c6: {  	[tilespmem:s15], [sflag:$0x1] =	stream.indirect_vreg.gather [hbm4b:s10+s3], $0x80, v4, vm0, $0xb8;
	[tilespmem:$0x18180] =	vst v63  }
0x3c7: {  	s28 =	simm.s32 $0x3980  }
0x3c8: {  	[tilespmem:s28], [sflag:$0x1] =	stream.indirect_vreg.gather [hbm4b:s11+s3], $0x80, v4, vm0, $0xb8;
	[tilespmem:$0x18180] =	vst v63  }
0x3c9: {  	s15 =	simm.s32 $0x4180  }
0x3ca: {  	[tilespmem:s15], [sflag:$0x1] =	stream.indirect_vreg.gather [hbm4b:s1+s3], $0x80, v3, vm0, $0xb8;
	[tilespmem:$0x18180] =	vst v63  }
0x3cb: {  	s28 =	simm.s32 $0x4980  }
0x3cc: {  	[tilespmem:s28], [sflag:$0x1] =	stream.indirect_vreg.gather [hbm4b:s5+s3], $0x80, v3, vm0, $0xb8;
	[tilespmem:$0x18180] =	vst v63  }
0x3cd: {  	s15 =	simm.s32 $0x5180  }
0x3ce: {  	[tilespmem:s15], [sflag:$0x1] =	stream.indirect_vreg.gather [hbm4b:s6+s3], $0x80, v3, vm0, $0xb8;
	[tilespmem:$0x18180] =	vst v63  }
0x3cf: {  	s19 =	simm.s32 $0x5980  }
0x3d0: {  	[tilespmem:s19], [sflag:$0x1] =	stream.indirect_vreg.gather [hbm4b:s7+s3], $0x80, v3, vm0, $0xb8;
	[tilespmem:$0x18180] =	vst v63  }
0x3d1: {  	s20 =	simm.s32 $0x6180  }
0x3d2: {  	[tilespmem:s20], [sflag:$0x1] =	stream.indirect_vreg.gather [hbm4b:s8+s3], $0x80, v3, vm0, $0xb8;
	[tilespmem:$0x18180] =	vst v63  }
0x3d3: {  	s21 =	simm.s32 $0x6980  }
0x3d4: {  	[tilespmem:s21], [sflag:$0x1] =	stream.indirect_vreg.gather [hbm4b:s9+s3], $0x80, v3, vm0, $0xb8;
	[tilespmem:$0x18180] =	vst v63  }
0x3d5: {  	s21 =	simm.s32 $0x7180  }
0x3d6: {  	[tilespmem:s21], [sflag:$0x1] =	stream.indirect_vreg.gather [hbm4b:s10+s3], $0x80, v3, vm0, $0xb8;
	[tilespmem:$0x18180] =	vst v63  }
0x3d7: {  	s28 =	simm.s32 $0x7980  }
0x3d8: {  	[tilespmem:s28], [sflag:$0x1] =	stream.indirect_vreg.gather [hbm4b:s11+s3], $0x80, v3, vm0, $0xb8;
	[tilespmem:$0x18180] =	vst v63  }
0x3d9: {  	v3 =	vld.msk [tilespmem:$0x160], $0xff;
	_ =	sdelay $0x4  }
0x3da: {  	v61 =	vshll.u32 v3, $0x4  }
0x3db: {  	v3 =	vand.u32 $0x7, v3;
	v4 =	vand.u32 $0xFFFFFF80, v61  }
0x3dc: {  	v3 =	vor.u32 v3, v4  }
0x3dd: {  	v3 =	vperm.xlane v3, v0;
	_ =	sdelay $0x1  }
0x3de: {  	v3 =	vadd.s32 v1, v3;
	_ =	sdelay $0x3  }
0x3df: {  	s22 =	simm.s32 $0x8180  }
0x3e0: {  	[tilespmem:s22], [sflag:$0x1] =	stream.indirect_vreg.gather [hbm4b:s1+s3], $0x80, v3, vm0, $0xb8;
	[tilespmem:$0x18180] =	vst v63  }
0x3e1: {  	s29 =	simm.s32 $0x8980  }
0x3e2: {  	[tilespmem:s29], [sflag:$0x1] =	stream.indirect_vreg.gather [hbm4b:s5+s3], $0x80, v3, vm0, $0xb8;
	[tilespmem:$0x18180] =	vst v63  }
0x3e3: {  	s30 =	simm.s32 $0x9180  }
0x3e4: {  	[tilespmem:s30], [sflag:$0x1] =	stream.indirect_vreg.gather [hbm4b:s6+s3], $0x80, v3, vm0, $0xb8;
	[tilespmem:$0x18180] =	vst v63  }
0x3e5: {  	s31 =	simm.s32 $0x9980  }
0x3e6: {  	[tilespmem:s31], [sflag:$0x1] =	stream.indirect_vreg.gather [hbm4b:s7+s3], $0x80, v3, vm0, $0xb8;
	[tilespmem:$0x18180] =	vst v63  }
0x3e7: {  	s31 =	simm.s32 $0xA180  }
0x3e8: {  	[tilespmem:s31], [sflag:$0x1] =	stream.indirect_vreg.gather [hbm4b:s8+s3], $0x80, v3, vm0, $0xb8;
	[tilespmem:$0x18180] =	vst v63  }
0x3e9: {  	_ = 	snop  }
0x3ea: {  	[tilespmem:s2], [sflag:$0x1] =	stream.indirect_vreg.gather [hbm4b:s9+s3], $0x80, v3, vm0, $0xb8;
	[tilespmem:$0x18180] =	vst v63  }
0x3eb: {  	_ = 	snop  }
0x3ec: {  	[tilespmem:s14], [sflag:$0x1] =	stream.indirect_vreg.gather [hbm4b:s10+s3], $0x80, v3, vm0, $0xb8;
	[tilespmem:$0x18180] =	vst v63  }
0x3ed: {  	s15 =	simm.s32 $0xB980  }
0x3ee: {  	[tilespmem:s15], [sflag:$0x1] =	stream.indirect_vreg.gather [hbm4b:s11+s3], $0x80, v3, vm0, $0xb8;
	[tilespmem:$0x18180] =	vst v63  }
0x3ef: {  	_ =	swait.ge [sflag:s25], $0xC000  }
0x3f0: {  	[sflag:s25] =	ssyncset.done $0x0  }
0x3f1: {  	s20 =	simm.s32 $0xC180;
	s19 =	rddreg [dreg:$0x11];
	[sflag:s25] =	ssyncadd.s32 $0xFFFF4000  }
0x3f2: {  	[hbm4b:s19+s3] =	stream.linear.scatter [tilespmem:s20], [sflag:$0x4], $0xC000, $0x38;
	[tilespmem:$0x18180] =	vst v63  }
0x3f3: {  	_ =	swait.ge [sflag:s26], $0xC000  }
0x3f4: {  	[sflag:s26] =	ssyncset.done $0x0  }
0x3f5: {  	[sflag:s26] =	ssyncadd.s32 $0xFFFF4000  }
0x3f6: {  	v3 =	vld [tilespmem:$0x168];
	_ =	sdelay $0x4  }
0x3f7: {  	v62 =	vshll.u32 v3, $0x4  }
0x3f8: {  	v3 =	vand.u32 $0x7, v3;
	v4 =	vand.u32 $0xFFFFFF80, v62  }
0x3f9: {  	v3 =	vor.u32 v3, v4  }
0x3fa: {  	v4 =	vperm.xlane v3, v0;
	_ =	sdelay $0x1  }
0x3fb: {  	v4 =	vadd.s32 v1, v4;
	_ =	sdelay $0x4  }
0x3fc: {  	[tilespmem:s20], [sflag:$0x2] =	stream.indirect_vreg.gather [hbm4b:s1+s3], $0x80, v4, vm0, $0xb8;
	[tilespmem:$0x18180] =	vst v63  }
0x3fd: {  	_ = 	snop  }
0x3fe: {  	[tilespmem:s17], [sflag:$0x2] =	stream.indirect_vreg.gather [hbm4b:s5+s3], $0x80, v4, vm0, $0xb8;
	[tilespmem:$0x18180] =	vst v63  }
0x3ff: {  	s21 =	simm.s32 $0xD180  }
0x400: {  	[tilespmem:s21], [sflag:$0x2] =	stream.indirect_vreg.gather [hbm4b:s6+s3], $0x80, v4, vm0, $0xb8;
	[tilespmem:$0x18180] =	vst v63  }
0x401: {  	_ = 	snop  }
0x402: {  	[tilespmem:s4], [sflag:$0x2] =	stream.indirect_vreg.gather [hbm4b:s7+s3], $0x80, v4, vm0, $0xb8;
	[tilespmem:$0x18180] =	vst v63  }
0x403: {  	s22 =	simm.s32 $0xE180  }
0x404: {  	[tilespmem:s22], [sflag:$0x2] =	stream.indirect_vreg.gather [hbm4b:s8+s3], $0x80, v4, vm0, $0xb8;
	[tilespmem:$0x18180] =	vst v63  }
0x405: {  	s28 =	simm.s32 $0xE980;
	v3 =	vperm.xlane v3, v2  }
0x406: {  	[tilespmem:s28], [sflag:$0x2] =	stream.indirect_vreg.gather [hbm4b:s9+s3], $0x80, v4, vm0, $0xb8;
	[tilespmem:$0x18180] =	vst v63  }
0x407: {  	v3 =	vadd.s32 v1, v3  }
0x408: {  	[tilespmem:s16], [sflag:$0x2] =	stream.indirect_vreg.gather [hbm4b:s10+s3], $0x80, v4, vm0, $0xb8;
	[tilespmem:$0x18180] =	vst v63  }
0x409: {  	s29 =	simm.s32 $0xF980  }
0x40a: {  	[tilespmem:s29], [sflag:$0x2] =	stream.indirect_vreg.gather [hbm4b:s11+s3], $0x80, v4, vm0, $0xb8;
	[tilespmem:$0x18180] =	vst v63  }
0x40b: {  	_ = 	snop  }
0x40c: {  	[tilespmem:s12], [sflag:$0x2] =	stream.indirect_vreg.gather [hbm4b:s1+s3], $0x80, v3, vm0, $0xb8;
	[tilespmem:$0x18180] =	vst v63  }
0x40d: {  	s30 =	simm.s32 $0x10980  }
0x40e: {  	[tilespmem:s30], [sflag:$0x2] =	stream.indirect_vreg.gather [hbm4b:s5+s3], $0x80, v3, vm0, $0xb8;
	[tilespmem:$0x18180] =	vst v63  }
0x40f: {  	_ = 	snop  }
0x410: {  	[tilespmem:s13], [sflag:$0x2] =	stream.indirect_vreg.gather [hbm4b:s6+s3], $0x80, v3, vm0, $0xb8;
	[tilespmem:$0x18180] =	vst v63  }
0x411: {  	s31 =	simm.s32 $0x11980  }
0x412: {  	[tilespmem:s31], [sflag:$0x2] =	stream.indirect_vreg.gather [hbm4b:s7+s3], $0x80, v3, vm0, $0xb8;
	[tilespmem:$0x18180] =	vst v63  }
0x413: {  	s12 =	simm.s32 $0x12180  }
0x414: {  	[tilespmem:s12], [sflag:$0x2] =	stream.indirect_vreg.gather [hbm4b:s8+s3], $0x80, v3, vm0, $0xb8;
	[tilespmem:$0x18180] =	vst v63  }
0x415: {  	s13 =	simm.s32 $0x12980  }
0x416: {  	[tilespmem:s13], [sflag:$0x2] =	stream.indirect_vreg.gather [hbm4b:s9+s3], $0x80, v3, vm0, $0xb8;
	[tilespmem:$0x18180] =	vst v63  }
0x417: {  	s14 =	simm.s32 $0x13180  }
0x418: {  	[tilespmem:s14], [sflag:$0x2] =	stream.indirect_vreg.gather [hbm4b:s10+s3], $0x80, v3, vm0, $0xb8;
	[tilespmem:$0x18180] =	vst v63  }
0x419: {  	s15 =	simm.s32 $0x13980  }
0x41a: {  	[tilespmem:s15], [sflag:$0x2] =	stream.indirect_vreg.gather [hbm4b:s11+s3], $0x80, v3, vm0, $0xb8;
	[tilespmem:$0x18180] =	vst v63  }
0x41b: {  	v3 =	vld.msk [tilespmem:$0x178], $0xff;
	_ =	sdelay $0x4  }
0x41c: {  	v63 =	vshll.u32 v3, $0x4  }
0x41d: {  	v3 =	vand.u32 $0x7, v3;
	v4 =	vand.u32 $0xFFFFFF80, v63  }
0x41e: {  	v3 =	vor.u32 v3, v4  }
0x41f: {  	v3 =	vperm.xlane v3, v0;
	_ =	sdelay $0x1  }
0x420: {  	v3 =	vadd.s32 v1, v3;
	_ =	sdelay $0x3  }
0x421: {  	s16 =	simm.s32 $0x14180  }
0x422: {  	[tilespmem:s16], [sflag:$0x2] =	stream.indirect_vreg.gather [hbm4b:s1+s3], $0x80, v3, vm0, $0xb8;
	[tilespmem:$0x18180] =	vst v63  }
0x423: {  	s17 =	simm.s32 $0x14980  }
0x424: {  	[tilespmem:s17], [sflag:$0x2] =	stream.indirect_vreg.gather [hbm4b:s5+s3], $0x80, v3, vm0, $0xb8;
	[tilespmem:$0x18180] =	vst v63  }
0x425: {  	s19 =	simm.s32 $0x15180  }
0x426: {  	[tilespmem:s19], [sflag:$0x2] =	stream.indirect_vreg.gather [hbm4b:s6+s3], $0x80, v3, vm0, $0xb8;
	[tilespmem:$0x18180] =	vst v63  }
0x427: {  	s20 =	simm.s32 $0x15980  }
0x428: {  	[tilespmem:s20], [sflag:$0x2] =	stream.indirect_vreg.gather [hbm4b:s7+s3], $0x80, v3, vm0, $0xb8;
	[tilespmem:$0x18180] =	vst v63  }
0x429: {  	s21 =	simm.s32 $0x16180  }
0x42a: {  	[tilespmem:s21], [sflag:$0x2] =	stream.indirect_vreg.gather [hbm4b:s8+s3], $0x80, v3, vm0, $0xb8;
	[tilespmem:$0x18180] =	vst v63  }
0x42b: {  	s22 =	simm.s32 $0x16980  }
0x42c: {  	[tilespmem:s22], [sflag:$0x2] =	stream.indirect_vreg.gather [hbm4b:s9+s3], $0x80, v3, vm0, $0xb8;
	[tilespmem:$0x18180] =	vst v63  }
0x42d: {  	s28 =	simm.s32 $0x17180  }
0x42e: {  	[tilespmem:s28], [sflag:$0x2] =	stream.indirect_vreg.gather [hbm4b:s10+s3], $0x80, v3, vm0, $0xb8;
	[tilespmem:$0x18180] =	vst v63  }
0x42f: {  	s29 =	simm.s32 $0x17980  }
0x430: {  	[tilespmem:s29], [sflag:$0x2] =	stream.indirect_vreg.gather [hbm4b:s11+s3], $0x80, v3, vm0, $0xb8;
	[tilespmem:$0x18180] =	vst v63  }
0x431: {  	s0 =	rddreg [dreg:$0x15];
	_ =	swait.ge [sflag:s23], $0xC000  }
0x432: {  	[sflag:s23] =	ssyncset.done $0x0  }
0x433: {  	s18 =	simm.s32 $0x180;
	s30 =	rddreg [dreg:$0x12];
	[sflag:s23] =	ssyncadd.s32 $0xFFFF4000  }
0x434: {  	[hbm4b:s30+s3] =	stream.linear.scatter [tilespmem:s18], [sflag:$0x3], $0xC000, $0x38;
	[tilespmem:$0x18180] =	vst v63  }
0x435: {  	_ =	swait.ge [sflag:s25], $0xC000  }
0x436: {  	[sflag:s25] =	ssyncset.done $0x0  }
0x437: {  	s2 =	simm.s32 $0xC180;
	s31 =	rddreg [dreg:$0x13];
	[sflag:s25] =	ssyncadd.s32 $0xFFFF4000  }
0x438: {  	[hbm4b:s31+s3] =	stream.linear.scatter [tilespmem:s2], [sflag:$0x4], $0xC000, $0x38;
	[tilespmem:$0x18180] =	vst v63  }
0x439: {  	p0 =	sne.s32 s0, $0x1;
	_ =	swait.ge [sflag:s24], $0xC000  }
.Ltmp0:
0x43a: {  	[sflag:s24] =	ssyncset.done $0x0;
	(pc) =	sbr.rel @p0 .LBB2_1-.Ltmp0, $4  }
0x43b: {  	[sflag:s24] =	ssyncadd.s32 $0xFFFF4000  }
0x43c: {  	_ =	swait.ge [sflag:s26], $0xC000  }
0x43d: {  	[sflag:s26] =	ssyncset.done $0x0  }
0x43e: {  	s0 =	sadd.s32 $0xFFFFFFFF, s0;
	[sflag:s26] =	ssyncadd.s32 $0xFFFF4000  }
0x43f: {  	_ =	sfence.sel $0x180000  }
0x440: {  	[bflag:$0x0] =	sbarrier.arrive $0xFFFF  }
0x441: {  	_ =	strace $0x9000004A  }
0x442: {  	s0 =	stileid.u32;
	[bflag:$0x2] =	sbarrier.arrive $0xFFFF  }
0x443: {  	p0 =	sne.s32 s0, $0x0;
	s0 =	rddreg [dreg:$0x3]  }
0x444: {  	s0 =	sadd.s32 @!p0 $0x100000, s0  }
0x445: {  	[sflag:s0] =	ssyncadd.tile.s32 @!p0 $0x1;
	_ =	shalt  }
.Lfunc_end2:
_tile_overlayer_lowered:
.L_overlay_start_2:
0x446: {  	(tag) =	ssettag $0x2  }
0x447: {  	s0 =	rddreg [dreg:$0x0];
	s2 =	stileid.u32  }
0x448: {  	s1 =	rddreg [dreg:$0x1];
	p0 =	sne.s32 s2, $0x0  }
0x449: {  	s3 =	rddreg [dreg:$0x2];
	[bflag:$0x3] =	sbarrier.arrive $0xFFFF;
	s2 =	simm.s32 @!p0 $0x1C05  }
0x44a: {  	[timem:s3], [sflag:s2] =	dma.local @!p0 [hbm:s0], s1  }
0x44b: {  	s0 =	simm.s32 @!p0 $0x5  }
0x44c: {  	_ =	swait.ge @!p0 [sflag:s0], s1  }
0x44d: {  	s1 =	ssub.s32 @!p0 $0x0, s1;
	[sflag:s0] =	ssyncset.done @!p0 $0x0  }
0x44e: {  	[sflag:s0] =	ssyncadd.s32 @!p0 s1  }
0x44f: {  	[bflag:$0x3] =	sbarrier.arrive $0xFFFF  }
0x450: {  	_ =	shalt  }

</sc_bundles>
